<compile_context>
chip_gen: v7x
topology: tpu7x:2x2x1
jax: 0.10.2.dev20260603
libtpu: 0.0.44.dev20260713+nightly
codegen_flags: <defaults>
</compile_context>

<pallas_src>
import functools

import jax
import jax.numpy as jnp
from jax import lax
from jax.experimental import pallas as pl
from jax.experimental.pallas import tpu as pltpu
from jax.experimental.pallas import tpu_sc as plsc

D = 64
B = 4096
_STRIPE = 128
_NSB = 8

_info = plsc.get_sparse_core_info()
_NC = _info.num_cores
_NS = _info.num_subcores
_NW = _NC * _NS
_BPW = B // _NW

_mesh = plsc.VectorSubcoreMesh(core_axis_name="c", subcore_axis_name="s")


def _stage_idx(idx_hbm, iv, base):
    pltpu.sync_copy(idx_hbm.at[pl.ds(base, _BPW)], iv)


def _fire_rows(tab, iv, rv, sem):
    def body(g, carry):
        v = iv[pl.ds(g * 16, 16)]
        for j in range(16):
            row = v[j]
            pltpu.async_copy(tab.at[row], rv.at[g * 16 + j], sem)
        return carry

    lax.fori_loop(0, _BPW // 16, body, 0)


def _drain_rows(out_slice, rv, sem):
    pltpu.make_async_copy(out_slice, rv, sem).wait()
    pltpu.sync_copy(rv, out_slice)


@functools.partial(
    pl.kernel,
    mesh=_mesh,
    compiler_params=pltpu.CompilerParams(needs_layout_passes=False),
    out_type=jax.ShapeDtypeStruct((B, D), jnp.float32),
    scratch_types=(
        [pltpu.VMEM((_BPW,), jnp.int32),
         pltpu.VMEM((_BPW, D), jnp.float32)]
        + [pltpu.VMEM((D, _STRIPE), jnp.float32) for _ in range(_NSB)]
        + [pltpu.SemaphoreType.DMA for _ in range(_NSB)]
    ),
)
def _gather_a(i_o, t_ot, out_hbm, iv, rv, sb0, sb1, sb2, sb3, sb4, sb5, sb6,
              sb7, q0, q1, q2, q3, q4, q5, q6, q7):
    wid = lax.axis_index("s") * _NC + lax.axis_index("c")
    base = wid * _BPW
    sbufs = (sb0, sb1, sb2, sb3, sb4, sb5, sb6, sb7)
    qsems = (q0, q1, q2, q3, q4, q5, q6, q7)
    _stage_idx(i_o, iv, base)

    jvecs = [lax.iota(jnp.int32, 16) + 16 * k for k in range(4)]

    def _extract(lane, buf, i):
        lvec = jnp.full((16,), lane, dtype=jnp.int32)
        for k in range(4):
            col = plsc.load_gather(buf, [jvecs[k], lvec])
            rv[i, pl.ds(k * 16, 16)] = col

    def _stripe_body(g, carry):
        v = iv[pl.ds(g * 16, 16)]
        pend = []
        for j in range(16):
            row = v[j]
            base_lane = pl.multiple_of((row // _STRIPE) * _STRIPE, _STRIPE)
            lane = row - base_lane
            nb = j % _NSB
            if j >= _NSB:
                plane, pcopy = pend[j - _NSB]
                pcopy.wait()
                _extract(plane, sbufs[nb], g * 16 + (j - _NSB))
            cp = pltpu.async_copy(
                t_ot.at[:, pl.ds(base_lane, _STRIPE)], sbufs[nb], qsems[nb])
            pend.append((lane, cp))
        for j in range(16 - _NSB, 16):
            plane, pcopy = pend[j]
            pcopy.wait()
            _extract(plane, sbufs[j % _NSB], g * 16 + j)
        return carry

    lax.fori_loop(0, _BPW // 16, _stripe_body, 0)
    pltpu.sync_copy(rv, out_hbm.at[pl.ds(base, _BPW)])


@functools.partial(
    pl.kernel,
    mesh=_mesh,
    compiler_params=pltpu.CompilerParams(needs_layout_passes=False),
    out_type=jax.ShapeDtypeStruct((4, B, D), jnp.float32),
    scratch_types=(
        [pltpu.VMEM((_BPW,), jnp.int32) for _ in range(4)]
        + [pltpu.VMEM((_BPW, D), jnp.float32) for _ in range(4)]
        + [pltpu.SemaphoreType.DMA for _ in range(4)]
    ),
)
def _gather_b(i_c, i_cs, i_dp, i_bt, t_c, t_cs, t_dp, t_bt, order_token,
              out_hbm, x0, x1, x2, x3, r0, r1, r2, r3, s0, s1, s2, s3):
    del order_token
    wid = lax.axis_index("s") * _NC + lax.axis_index("c")
    base = wid * _BPW
    idxs = (i_c, i_cs, i_dp, i_bt)
    tabs = (t_c, t_cs, t_dp, t_bt)
    ivs = (x0, x1, x2, x3)
    rvs = (r0, r1, r2, r3)
    sems = (s0, s1, s2, s3)
    for f in range(4):
        _stage_idx(idxs[f], ivs[f], base)
    for f in range(4):
        _fire_rows(tabs[f], ivs[f], rvs[f], sems[f])
    for f in range(4):
        _drain_rows(out_hbm.at[f, pl.ds(base, _BPW)], rvs[f], sems[f])


_BLK = 2048


def _proj_body(emb_o_ref, emb_b_ref, w_ref, b_ref, out_ref):
    x_o = emb_o_ref[...]
    eb = emb_b_ref[...]
    x_c, x_cs, x_dp, x_bt = eb[0], eb[1], eb[2], eb[3]
    w = w_ref[...]
    bias = b_ref[...]
    x_cs_t = jnp.swapaxes(x_cs, 0, 1)
    x_dp_t = jnp.swapaxes(x_dp, 0, 1)
    x_bt_t = jnp.swapaxes(x_bt, 0, 1)
    cdims = (((1,), (1,)), ((), ()))
    y_c_t = (lax.dot_general(w[0], x_c, cdims,
                             preferred_element_type=jnp.float32)
             + bias[0][:, None] + x_cs_t)
    y_o_t = (lax.dot_general(w[1], x_o, cdims,
                             preferred_element_type=jnp.float32)
             + bias[1][:, None] + x_dp_t)
    y_dp_t = (lax.dot_general(w[2], x_dp, cdims,
                              preferred_element_type=jnp.float32)
              + bias[2][:, None] + x_bt_t)
    out_ref[...] = jnp.concatenate([y_c_t, x_cs_t, y_o_t, y_dp_t, x_bt_t],
                                   axis=0)


_proj = pl.pallas_call(
    _proj_body,
    grid=(B // _BLK,),
    in_specs=[
        pl.BlockSpec((_BLK, D), lambda i: (i, 0)),
        pl.BlockSpec((4, _BLK, D), lambda i: (0, i, 0)),
        pl.BlockSpec((3, D, D), lambda i: (0, 0, 0)),
        pl.BlockSpec((3, D), lambda i: (0, 0)),
    ],
    out_specs=pl.BlockSpec((5 * D, _BLK), lambda i: (0, i)),
    out_shape=jax.ShapeDtypeStruct((5 * D, B), jnp.float32),
)


def kernel(campaignid, campaignsetid, offerid, demand_pkgname, business_type,
           table_campaignid, table_campaignsetid, table_offerid,
           table_demand_pkgname, table_business_type,
           W_campaignid, b_campaignid, W_offerid, b_offerid,
           W_demand_pkgname, b_demand_pkgname):
    i_c = campaignid.astype(jnp.int32)
    i_cs = campaignsetid.astype(jnp.int32)
    i_o = offerid.astype(jnp.int32)
    i_dp = demand_pkgname.astype(jnp.int32)
    i_bt = business_type.astype(jnp.int32)
    emb_o = _gather_a(i_o, table_offerid.T)
    emb_b = _gather_b(i_c, i_cs, i_dp, i_bt,
                      table_campaignid, table_campaignsetid,
                      table_demand_pkgname, table_business_type, emb_o)
    w = jnp.stack([W_campaignid, W_offerid, W_demand_pkgname])
    bias = jnp.stack([b_campaignid, b_offerid, b_demand_pkgname])
    return _proj(emb_o, emb_b, w, bias).T

# --- scband reference (transcript-rebuilt; emitter-appended) ---
"""Pipeline reference for scband-contrastive-hierarchical-wide-deep-46703474377124 (READ-ONLY COPY).

The authoritative reference and input builder live on the scoring server;
editing this copy changes nothing except your own understanding.
"""

import jax, jax.numpy as jnp
import numpy as np

FEATURES = ["campaignid", "campaignsetid", "offerid", "demand_pkgname", "business_type"]
VOCABS = {"campaignid": 100000, "campaignsetid": 1000, "offerid": 1000000, "demand_pkgname": 100000, "business_type": 1000}
PAIRS = [("campaignid", "campaignsetid"), ("offerid", "demand_pkgname"), ("demand_pkgname", "business_type")]
D = 64
B = 4096


def setup_inputs(seed: int = 0) -> dict:
    key = jax.random.key(seed)
    inp = {}
    # index tensors (forward args); values in [0, vocab), table has vocab+1 rows (row 0 = padding)
    for i, name in enumerate(FEATURES):
        k = jax.random.fold_in(key, i)
        inp[name] = jax.random.randint(k, (B,), 0, VOCABS[name], dtype=jnp.int64)
    # embedding tables (learned params), padding row 0 zeroed like nn.Embedding(padding_idx=0)
    for i, name in enumerate(FEATURES):
        k = jax.random.fold_in(key, 100 + i)
        t = jax.random.normal(k, (VOCABS[name] + 1, D), dtype=jnp.float32) * 0.02
        inp[f"table_{name}"] = t.at[0].set(0.0)
    # per-child projection Linear(D, D): y = x @ W.T + b
    for i, (child, _) in enumerate(PAIRS):
        kw = jax.random.fold_in(key, 200 + i)
        kb = jax.random.fold_in(key, 300 + i)
        inp[f"W_{child}"] = jax.random.normal(kw, (D, D), dtype=jnp.float32) * (1.0 / np.sqrt(D))
        inp[f"b_{child}"] = jax.random.normal(kb, (D,), dtype=jnp.float32) * 0.01
    return inp


def reference(
    campaignid,
    campaignsetid,
    offerid,
    demand_pkgname,
    business_type,
    table_campaignid,
    table_campaignsetid,
    table_offerid,
    table_demand_pkgname,
    table_business_type,
    W_campaignid,
    b_campaignid,
    W_offerid,
    b_offerid,
    W_demand_pkgname,
    b_demand_pkgname,
):
    inp = dict(locals())
    # embedding lookups
    emb = {n: jnp.take(inp[f"table_{n}"], inp[n], axis=0) for n in FEATURES}
    # hierarchical projections in dict order (matches torch loop order; parents read pre-update)
    for child, parent in PAIRS:
        emb[child] = emb[child] @ inp[f"W_{child}"].T + inp[f"b_{child}"] + emb[parent]
    # concat in order of self.embeddings (insertion order of feature_vocab_sizes)
    return jnp.concatenate([emb[n] for n in FEATURES], axis=-1)

if __name__ == "__main__":
    import jax
    _d = setup_inputs()
    print(jax.jit(kernel)(*tuple(_d.values())))

</pallas_src>

<mosaic_0001>
#map = affine_map<(d0, d1) -> (0)>
#map1 = affine_map<(d0, d1) -> (0, 0)>
module attributes {stable_mosaic.version = 14 : i64} {
  func.func @_gather_a(%arg0: i32, %arg1: i32, %arg2: memref<4096xi32, #tpu.memory_space<hbm>>, %arg3: memref<64x1000001xf32, #tpu.memory_space<hbm>>, %arg4: memref<4096x64xf32, #tpu.memory_space<hbm>>, %arg5: memref<128xi32, #tpu.memory_space<vmem>>, %arg6: memref<128x64xf32, #tpu.memory_space<vmem>>, %arg7: memref<64x128xf32, #tpu.memory_space<vmem>>, %arg8: memref<64x128xf32, #tpu.memory_space<vmem>>, %arg9: memref<64x128xf32, #tpu.memory_space<vmem>>, %arg10: memref<64x128xf32, #tpu.memory_space<vmem>>, %arg11: memref<64x128xf32, #tpu.memory_space<vmem>>, %arg12: memref<64x128xf32, #tpu.memory_space<vmem>>, %arg13: memref<64x128xf32, #tpu.memory_space<vmem>>, %arg14: memref<64x128xf32, #tpu.memory_space<vmem>>, %arg15: memref<!tpu.dma_semaphore, #tpu.memory_space<semaphore_mem>>, %arg16: memref<!tpu.dma_semaphore, #tpu.memory_space<semaphore_mem>>, %arg17: memref<!tpu.dma_semaphore, #tpu.memory_space<semaphore_mem>>, %arg18: memref<!tpu.dma_semaphore, #tpu.memory_space<semaphore_mem>>, %arg19: memref<!tpu.dma_semaphore, #tpu.memory_space<semaphore_mem>>, %arg20: memref<!tpu.dma_semaphore, #tpu.memory_space<semaphore_mem>>, %arg21: memref<!tpu.dma_semaphore, #tpu.memory_space<semaphore_mem>>, %arg22: memref<!tpu.dma_semaphore, #tpu.memory_space<semaphore_mem>>) attributes {dimension_semantics = [#tpu.dimension_semantics<core_parallel>, #tpu.dimension_semantics<subcore_parallel>], iteration_bounds = array<i64: 2, 16>, scalar_prefetch = 0 : i64, scratch_operands = 18 : i64, tpu.core_type = #tpu.core_type<sc_vector_subcore>, window_params = [{transform_indices = #map}, {transform_indices = #map1}, {transform_indices = #map1}]} {
    %mul3A = arith.constant 2 : i32
    %mul3A_0 = arith.muli %arg1, %mul3A : i32
    %add3A = arith.addi %mul3A_0, %arg0 : i32
    %mul3A_1 = arith.constant 128 : i32
    %mul3A_2 = arith.muli %add3A, %mul3A_1 : i32
    "tpu.region"() ({
      %run_scoped3A = tpu.sem_alloc : memref<!tpu.dma_semaphore, #tpu.memory_space<semaphore_mem>>
      %dma_start3A = tpu.memref_slice %arg2[%mul3A_2] : memref<4096xi32, #tpu.memory_space<hbm>> -> memref<128xi32, #tpu.memory_space<hbm>>
      %dma_start3A_23 = tpu.memref_slice %arg2[%mul3A_2] : memref<4096xi32, #tpu.memory_space<hbm>> -> memref<128xi32, #tpu.memory_space<hbm>>
      tpu.enqueue_dma source(%dma_start3A_23 : memref<128xi32, #tpu.memory_space<hbm>>) target(%arg5 : memref<128xi32, #tpu.memory_space<vmem>>) target_semaphore(%run_scoped3A : memref<!tpu.dma_semaphore, #tpu.memory_space<semaphore_mem>>)
      %dma_wait3A = tpu.memref_slice %arg2[%mul3A_2] : memref<4096xi32, #tpu.memory_space<hbm>> -> memref<128xi32, #tpu.memory_space<hbm>>
      %dma_wait3A_24 = tpu.memref_slice %arg2[%mul3A_2] : memref<4096xi32, #tpu.memory_space<hbm>> -> memref<128xi32, #tpu.memory_space<hbm>>
      tpu.wait_dma2 semaphore(%run_scoped3A : memref<!tpu.dma_semaphore, #tpu.memory_space<semaphore_mem>>) src(%dma_wait3A_24 : memref<128xi32, #tpu.memory_space<hbm>>) dst(%arg5 : memref<128xi32, #tpu.memory_space<vmem>>)
      tpu.yield
    }) : () -> ()
    %iota3A = tpu.iota {dimensions = array<i32: 0>} : vector<16xi32>
    %add3A_3 = arith.constant 0 : i32
    %add3A_4 = vector.broadcast %add3A_3 : i32 to vector<16xi32>
    %add3A_5 = arith.addi %iota3A, %add3A_4 : vector<16xi32>
    %iota3A_6 = tpu.iota {dimensions = array<i32: 0>} : vector<16xi32>
    %add3A_7 = arith.constant 16 : i32
    %add3A_8 = vector.broadcast %add3A_7 : i32 to vector<16xi32>
    %add3A_9 = arith.addi %iota3A_6, %add3A_8 : vector<16xi32>
    %iota3A_10 = tpu.iota {dimensions = array<i32: 0>} : vector<16xi32>
    %add3A_11 = arith.constant 32 : i32
    %add3A_12 = vector.broadcast %add3A_11 : i32 to vector<16xi32>
    %add3A_13 = arith.addi %iota3A_10, %add3A_12 : vector<16xi32>
    %iota3A_14 = tpu.iota {dimensions = array<i32: 0>} : vector<16xi32>
    %add3A_15 = arith.constant 48 : i32
    %add3A_16 = vector.broadcast %add3A_15 : i32 to vector<16xi32>
    %add3A_17 = arith.addi %iota3A_14, %add3A_16 : vector<16xi32>
    %scan3A = arith.constant 0 : i32
    %scan3A_18 = arith.constant 0 : i32
    %scan3A_19 = arith.constant 8 : i32
    %scan3A_20 = arith.addi %scan3A_18, %scan3A_19 : i32
    %scan3A_21 = arith.constant 1 : i32
    scf.for %scan3A_23 = %scan3A_18 to %scan3A_20 step %scan3A_21  : i32 {
      %mul3A_24 = arith.constant 16 : i32
      %mul3A_25 = arith.muli %scan3A_23, %mul3A_24 : i32
      %get3A = arith.index_cast %mul3A_25 : i32 to index
      %get3A_26 = tpu.vector_load %arg5[%get3A] {strides = array<i32>} : memref<128xi32, #tpu.memory_space<vmem>>, vector<16xi32>,
      %slice3A = vector.extract_strided_slice %get3A_26 {offsets = [0], sizes = [1], strides = [1]} : vector<16xi32> to vector<1xi32>
      %squeeze3A = vector.extract %slice3A[0] : i32 from vector<1xi32>
      %jit3A = arith.constant 128 : i32
      %div3A = arith.divsi %squeeze3A, %jit3A : i32
      %sign3A = arith.constant 0 : i32
      %sign3A_27 = arith.cmpi sgt, %squeeze3A, %sign3A : i32
      %sign3A_28 = arith.extui %sign3A_27 : i1 to i32
      %sign3A_29 = arith.constant 0 : i32
      %sign3A_30 = arith.cmpi slt, %squeeze3A, %sign3A_29 : i32
      %sign3A_31 = arith.extui %sign3A_30 : i1 to i32
      %sign3A_32 = arith.subi %sign3A_28, %sign3A_31 : i32
      %sign3A_33 = arith.constant 0 : i32
      %sign3A_34 = arith.cmpi sgt, %jit3A, %sign3A_33 : i32
      %sign3A_35 = arith.extui %sign3A_34 : i1 to i32
      %sign3A_36 = arith.constant 0 : i32
      %sign3A_37 = arith.cmpi slt, %jit3A, %sign3A_36 : i32
      %sign3A_38 = arith.extui %sign3A_37 : i1 to i32
      %sign3A_39 = arith.subi %sign3A_35, %sign3A_38 : i32
      %ne3A = arith.cmpi ne, %sign3A_32, %sign3A_39 : i32
      %rem3A = arith.remsi %squeeze3A, %jit3A : i32
      %ne3A_40 = arith.constant 0 : i32
      %ne3A_41 = arith.cmpi ne, %rem3A, %ne3A_40 : i32
      %and3A = arith.andi %ne3A, %ne3A_41 : i1
      %sub3A = arith.constant 1 : i32
      %sub3A_42 = arith.subi %div3A, %sub3A : i32
      %select_n3A = arith.select %and3A, %sub3A_42, %div3A : i32
      %mul3A_43 = arith.constant 128 : i32
      %mul3A_44 = arith.muli %select_n3A, %mul3A_43 : i32
      %multiple_of3A = tpu.assume_multiple %mul3A_44, 128 : i32
      %sub3A_45 = arith.subi %squeeze3A, %multiple_of3A : i32
      %dma_start3A = arith.constant 0 : i32
      %dma_start3A_46 = tpu.memref_slice %arg3[%dma_start3A, %multiple_of3A] : memref<64x1000001xf32, #tpu.memory_space<hbm>> -> memref<64x128xf32, #tpu.memory_space<hbm>>
      %dma_start3A_47 = arith.constant 0 : i32
      %dma_start3A_48 = tpu.memref_slice %arg3[%dma_start3A_47, %multiple_of3A] : memref<64x1000001xf32, #tpu.memory_space<hbm>> -> memref<64x128xf32, #tpu.memory_space<hbm>>
      tpu.enqueue_dma source(%dma_start3A_48 : memref<64x128xf32, #tpu.memory_space<hbm>>) target(%arg7 : memref<64x128xf32, #tpu.memory_space<vmem>>) target_semaphore(%arg15 : memref<!tpu.dma_semaphore, #tpu.memory_space<semaphore_mem>>)
      %slice3A_49 = vector.extract_strided_slice %get3A_26 {offsets = [1], sizes = [1], strides = [1]} : vector<16xi32> to vector<1xi32>
      %squeeze3A_50 = vector.extract %slice3A_49[0] : i32 from vector<1xi32>
      %jit3A_51 = arith.constant 128 : i32
      %div3A_52 = arith.divsi %squeeze3A_50, %jit3A_51 : i32
      %sign3A_53 = arith.constant 0 : i32
      %sign3A_54 = arith.cmpi sgt, %squeeze3A_50, %sign3A_53 : i32
      %sign3A_55 = arith.extui %sign3A_54 : i1 to i32
      %sign3A_56 = arith.constant 0 : i32
      %sign3A_57 = arith.cmpi slt, %squeeze3A_50, %sign3A_56 : i32
      %sign3A_58 = arith.extui %sign3A_57 : i1 to i32
      %sign3A_59 = arith.subi %sign3A_55, %sign3A_58 : i32
      %sign3A_60 = arith.constant 0 : i32
      %sign3A_61 = arith.cmpi sgt, %jit3A_51, %sign3A_60 : i32
      %sign3A_62 = arith.extui %sign3A_61 : i1 to i32
      %sign3A_63 = arith.constant 0 : i32
      %sign3A_64 = arith.cmpi slt, %jit3A_51, %sign3A_63 : i32
      %sign3A_65 = arith.extui %sign3A_64 : i1 to i32
      %sign3A_66 = arith.subi %sign3A_62, %sign3A_65 : i32
      %ne3A_67 = arith.cmpi ne, %sign3A_59, %sign3A_66 : i32
      %rem3A_68 = arith.remsi %squeeze3A_50, %jit3A_51 : i32
      %ne3A_69 = arith.constant 0 : i32
      %ne3A_70 = arith.cmpi ne, %rem3A_68, %ne3A_69 : i32
      %and3A_71 = arith.andi %ne3A_67, %ne3A_70 : i1
      %sub3A_72 = arith.constant 1 : i32
      %sub3A_73 = arith.subi %div3A_52, %sub3A_72 : i32
      %select_n3A_74 = arith.select %and3A_71, %sub3A_73, %div3A_52 : i32
      %mul3A_75 = arith.constant 128 : i32
      %mul3A_76 = arith.muli %select_n3A_74, %mul3A_75 : i32
      %multiple_of3A_77 = tpu.assume_multiple %mul3A_76, 128 : i32
      %sub3A_78 = arith.subi %squeeze3A_50, %multiple_of3A_77 : i32
      %dma_start3A_79 = arith.constant 0 : i32
      %dma_start3A_80 = tpu.memref_slice %arg3[%dma_start3A_79, %multiple_of3A_77] : memref<64x1000001xf32, #tpu.memory_space<hbm>> -> memref<64x128xf32, #tpu.memory_space<hbm>>
      %dma_start3A_81 = arith.constant 0 : i32
      %dma_start3A_82 = tpu.memref_slice %arg3[%dma_start3A_81, %multiple_of3A_77] : memref<64x1000001xf32, #tpu.memory_space<hbm>> -> memref<64x128xf32, #tpu.memory_space<hbm>>
      tpu.enqueue_dma source(%dma_start3A_82 : memref<64x128xf32, #tpu.memory_space<hbm>>) target(%arg8 : memref<64x128xf32, #tpu.memory_space<vmem>>) target_semaphore(%arg16 : memref<!tpu.dma_semaphore, #tpu.memory_space<semaphore_mem>>)
      %slice3A_83 = vector.extract_strided_slice %get3A_26 {offsets = [2], sizes = [1], strides = [1]} : vector<16xi32> to vector<1xi32>
      %squeeze3A_84 = vector.extract %slice3A_83[0] : i32 from vector<1xi32>
      %jit3A_85 = arith.constant 128 : i32
      %div3A_86 = arith.divsi %squeeze3A_84, %jit3A_85 : i32
      %sign3A_87 = arith.constant 0 : i32
      %sign3A_88 = arith.cmpi sgt, %squeeze3A_84, %sign3A_87 : i32
      %sign3A_89 = arith.extui %sign3A_88 : i1 to i32
      %sign3A_90 = arith.constant 0 : i32
      %sign3A_91 = arith.cmpi slt, %squeeze3A_84, %sign3A_90 : i32
      %sign3A_92 = arith.extui %sign3A_91 : i1 to i32
      %sign3A_93 = arith.subi %sign3A_89, %sign3A_92 : i32
      %sign3A_94 = arith.constant 0 : i32
      %sign3A_95 = arith.cmpi sgt, %jit3A_85, %sign3A_94 : i32
      %sign3A_96 = arith.extui %sign3A_95 : i1 to i32
      %sign3A_97 = arith.constant 0 : i32
      %sign3A_98 = arith.cmpi slt, %jit3A_85, %sign3A_97 : i32
      %sign3A_99 = arith.extui %sign3A_98 : i1 to i32
      %sign3A_100 = arith.subi %sign3A_96, %sign3A_99 : i32
      %ne3A_101 = arith.cmpi ne, %sign3A_93, %sign3A_100 : i32
      %rem3A_102 = arith.remsi %squeeze3A_84, %jit3A_85 : i32
      %ne3A_103 = arith.constant 0 : i32
      %ne3A_104 = arith.cmpi ne, %rem3A_102, %ne3A_103 : i32
      %and3A_105 = arith.andi %ne3A_101, %ne3A_104 : i1
      %sub3A_106 = arith.constant 1 : i32
      %sub3A_107 = arith.subi %div3A_86, %sub3A_106 : i32
      %select_n3A_108 = arith.select %and3A_105, %sub3A_107, %div3A_86 : i32
      %mul3A_109 = arith.constant 128 : i32
      %mul3A_110 = arith.muli %select_n3A_108, %mul3A_109 : i32
      %multiple_of3A_111 = tpu.assume_multiple %mul3A_110, 128 : i32
      %sub3A_112 = arith.subi %squeeze3A_84, %multiple_of3A_111 : i32
      %dma_start3A_113 = arith.constant 0 : i32
      %dma_start3A_114 = tpu.memref_slice %arg3[%dma_start3A_113, %multiple_of3A_111] : memref<64x1000001xf32, #tpu.memory_space<hbm>> -> memref<64x128xf32, #tpu.memory_space<hbm>>
      %dma_start3A_115 = arith.constant 0 : i32
      %dma_start3A_116 = tpu.memref_slice %arg3[%dma_start3A_115, %multiple_of3A_111] : memref<64x1000001xf32, #tpu.memory_space<hbm>> -> memref<64x128xf32, #tpu.memory_space<hbm>>
      tpu.enqueue_dma source(%dma_start3A_116 : memref<64x128xf32, #tpu.memory_space<hbm>>) target(%arg9 : memref<64x128xf32, #tpu.memory_space<vmem>>) target_semaphore(%arg17 : memref<!tpu.dma_semaphore, #tpu.memory_space<semaphore_mem>>)
      %slice3A_117 = vector.extract_strided_slice %get3A_26 {offsets = [3], sizes = [1], strides = [1]} : vector<16xi32> to vector<1xi32>
      %squeeze3A_118 = vector.extract %slice3A_117[0] : i32 from vector<1xi32>
      %jit3A_119 = arith.constant 128 : i32
      %div3A_120 = arith.divsi %squeeze3A_118, %jit3A_119 : i32
      %sign3A_121 = arith.constant 0 : i32
      %sign3A_122 = arith.cmpi sgt, %squeeze3A_118, %sign3A_121 : i32
      %sign3A_123 = arith.extui %sign3A_122 : i1 to i32
      %sign3A_124 = arith.constant 0 : i32
      %sign3A_125 = arith.cmpi slt, %squeeze3A_118, %sign3A_124 : i32
      %sign3A_126 = arith.extui %sign3A_125 : i1 to i32
      %sign3A_127 = arith.subi %sign3A_123, %sign3A_126 : i32
      %sign3A_128 = arith.constant 0 : i32
      %sign3A_129 = arith.cmpi sgt, %jit3A_119, %sign3A_128 : i32
      %sign3A_130 = arith.extui %sign3A_129 : i1 to i32
      %sign3A_131 = arith.constant 0 : i32
      %sign3A_132 = arith.cmpi slt, %jit3A_119, %sign3A_131 : i32
      %sign3A_133 = arith.extui %sign3A_132 : i1 to i32
      %sign3A_134 = arith.subi %sign3A_130, %sign3A_133 : i32
      %ne3A_135 = arith.cmpi ne, %sign3A_127, %sign3A_134 : i32
      %rem3A_136 = arith.remsi %squeeze3A_118, %jit3A_119 : i32
      %ne3A_137 = arith.constant 0 : i32
      %ne3A_138 = arith.cmpi ne, %rem3A_136, %ne3A_137 : i32
      %and3A_139 = arith.andi %ne3A_135, %ne3A_138 : i1
      %sub3A_140 = arith.constant 1 : i32
      %sub3A_141 = arith.subi %div3A_120, %sub3A_140 : i32
      %select_n3A_142 = arith.select %and3A_139, %sub3A_141, %div3A_120 : i32
      %mul3A_143 = arith.constant 128 : i32
      %mul3A_144 = arith.muli %select_n3A_142, %mul3A_143 : i32
      %multiple_of3A_145 = tpu.assume_multiple %mul3A_144, 128 : i32
      %sub3A_146 = arith.subi %squeeze3A_118, %multiple_of3A_145 : i32
      %dma_start3A_147 = arith.constant 0 : i32
      %dma_start3A_148 = tpu.memref_slice %arg3[%dma_start3A_147, %multiple_of3A_145] : memref<64x1000001xf32, #tpu.memory_space<hbm>> -> memref<64x128xf32, #tpu.memory_space<hbm>>
      %dma_start3A_149 = arith.constant 0 : i32
      %dma_start3A_150 = tpu.memref_slice %arg3[%dma_start3A_149, %multiple_of3A_145] : memref<64x1000001xf32, #tpu.memory_space<hbm>> -> memref<64x128xf32, #tpu.memory_space<hbm>>
      tpu.enqueue_dma source(%dma_start3A_150 : memref<64x128xf32, #tpu.memory_space<hbm>>) target(%arg10 : memref<64x128xf32, #tpu.memory_space<vmem>>) target_semaphore(%arg18 : memref<!tpu.dma_semaphore, #tpu.memory_space<semaphore_mem>>)
      %slice3A_151 = vector.extract_strided_slice %get3A_26 {offsets = [4], sizes = [1], strides = [1]} : vector<16xi32> to vector<1xi32>
      %squeeze3A_152 = vector.extract %slice3A_151[0] : i32 from vector<1xi32>
      %jit3A_153 = arith.constant 128 : i32
      %div3A_154 = arith.divsi %squeeze3A_152, %jit3A_153 : i32
      %sign3A_155 = arith.constant 0 : i32
      %sign3A_156 = arith.cmpi sgt, %squeeze3A_152, %sign3A_155 : i32
      %sign3A_157 = arith.extui %sign3A_156 : i1 to i32
      %sign3A_158 = arith.constant 0 : i32
      %sign3A_159 = arith.cmpi slt, %squeeze3A_152, %sign3A_158 : i32
      %sign3A_160 = arith.extui %sign3A_159 : i1 to i32
      %sign3A_161 = arith.subi %sign3A_157, %sign3A_160 : i32
      %sign3A_162 = arith.constant 0 : i32
      %sign3A_163 = arith.cmpi sgt, %jit3A_153, %sign3A_162 : i32
      %sign3A_164 = arith.extui %sign3A_163 : i1 to i32
      %sign3A_165 = arith.constant 0 : i32
      %sign3A_166 = arith.cmpi slt, %jit3A_153, %sign3A_165 : i32
      %sign3A_167 = arith.extui %sign3A_166 : i1 to i32
      %sign3A_168 = arith.subi %sign3A_164, %sign3A_167 : i32
      %ne3A_169 = arith.cmpi ne, %sign3A_161, %sign3A_168 : i32
      %rem3A_170 = arith.remsi %squeeze3A_152, %jit3A_153 : i32
      %ne3A_171 = arith.constant 0 : i32
      %ne3A_172 = arith.cmpi ne, %rem3A_170, %ne3A_171 : i32
      %and3A_173 = arith.andi %ne3A_169, %ne3A_172 : i1
      %sub3A_174 = arith.constant 1 : i32
      %sub3A_175 = arith.subi %div3A_154, %sub3A_174 : i32
      %select_n3A_176 = arith.select %and3A_173, %sub3A_175, %div3A_154 : i32
      %mul3A_177 = arith.constant 128 : i32
      %mul3A_178 = arith.muli %select_n3A_176, %mul3A_177 : i32
      %multiple_of3A_179 = tpu.assume_multiple %mul3A_178, 128 : i32
      %sub3A_180 = arith.subi %squeeze3A_152, %multiple_of3A_179 : i32
      %dma_start3A_181 = arith.constant 0 : i32
      %dma_start3A_182 = tpu.memref_slice %arg3[%dma_start3A_181, %multiple_of3A_179] : memref<64x1000001xf32, #tpu.memory_space<hbm>> -> memref<64x128xf32, #tpu.memory_space<hbm>>
      %dma_start3A_183 = arith.constant 0 : i32
      %dma_start3A_184 = tpu.memref_slice %arg3[%dma_start3A_183, %multiple_of3A_179] : memref<64x1000001xf32, #tpu.memory_space<hbm>> -> memref<64x128xf32, #tpu.memory_space<hbm>>
      tpu.enqueue_dma source(%dma_start3A_184 : memref<64x128xf32, #tpu.memory_space<hbm>>) target(%arg11 : memref<64x128xf32, #tpu.memory_space<vmem>>) target_semaphore(%arg19 : memref<!tpu.dma_semaphore, #tpu.memory_space<semaphore_mem>>)
      %slice3A_185 = vector.extract_strided_slice %get3A_26 {offsets = [5], sizes = [1], strides = [1]} : vector<16xi32> to vector<1xi32>
      %squeeze3A_186 = vector.extract %slice3A_185[0] : i32 from vector<1xi32>
      %jit3A_187 = arith.constant 128 : i32
      %div3A_188 = arith.divsi %squeeze3A_186, %jit3A_187 : i32
      %sign3A_189 = arith.constant 0 : i32
      %sign3A_190 = arith.cmpi sgt, %squeeze3A_186, %sign3A_189 : i32
      %sign3A_191 = arith.extui %sign3A_190 : i1 to i32
      %sign3A_192 = arith.constant 0 : i32
      %sign3A_193 = arith.cmpi slt, %squeeze3A_186, %sign3A_192 : i32
      %sign3A_194 = arith.extui %sign3A_193 : i1 to i32
      %sign3A_195 = arith.subi %sign3A_191, %sign3A_194 : i32
      %sign3A_196 = arith.constant 0 : i32
      %sign3A_197 = arith.cmpi sgt, %jit3A_187, %sign3A_196 : i32
      %sign3A_198 = arith.extui %sign3A_197 : i1 to i32
      %sign3A_199 = arith.constant 0 : i32
      %sign3A_200 = arith.cmpi slt, %jit3A_187, %sign3A_199 : i32
      %sign3A_201 = arith.extui %sign3A_200 : i1 to i32
      %sign3A_202 = arith.subi %sign3A_198, %sign3A_201 : i32
      %ne3A_203 = arith.cmpi ne, %sign3A_195, %sign3A_202 : i32
      %rem3A_204 = arith.remsi %squeeze3A_186, %jit3A_187 : i32
      %ne3A_205 = arith.constant 0 : i32
      %ne3A_206 = arith.cmpi ne, %rem3A_204, %ne3A_205 : i32
      %and3A_207 = arith.andi %ne3A_203, %ne3A_206 : i1
      %sub3A_208 = arith.constant 1 : i32
      %sub3A_209 = arith.subi %div3A_188, %sub3A_208 : i32
      %select_n3A_210 = arith.select %and3A_207, %sub3A_209, %div3A_188 : i32
      %mul3A_211 = arith.constant 128 : i32
      %mul3A_212 = arith.muli %select_n3A_210, %mul3A_211 : i32
      %multiple_of3A_213 = tpu.assume_multiple %mul3A_212, 128 : i32
      %sub3A_214 = arith.subi %squeeze3A_186, %multiple_of3A_213 : i32
      %dma_start3A_215 = arith.constant 0 : i32
      %dma_start3A_216 = tpu.memref_slice %arg3[%dma_start3A_215, %multiple_of3A_213] : memref<64x1000001xf32, #tpu.memory_space<hbm>> -> memref<64x128xf32, #tpu.memory_space<hbm>>
      %dma_start3A_217 = arith.constant 0 : i32
      %dma_start3A_218 = tpu.memref_slice %arg3[%dma_start3A_217, %multiple_of3A_213] : memref<64x1000001xf32, #tpu.memory_space<hbm>> -> memref<64x128xf32, #tpu.memory_space<hbm>>
      tpu.enqueue_dma source(%dma_start3A_218 : memref<64x128xf32, #tpu.memory_space<hbm>>) target(%arg12 : memref<64x128xf32, #tpu.memory_space<vmem>>) target_semaphore(%arg20 : memref<!tpu.dma_semaphore, #tpu.memory_space<semaphore_mem>>)
      %slice3A_219 = vector.extract_strided_slice %get3A_26 {offsets = [6], sizes = [1], strides = [1]} : vector<16xi32> to vector<1xi32>
      %squeeze3A_220 = vector.extract %slice3A_219[0] : i32 from vector<1xi32>
      %jit3A_221 = arith.constant 128 : i32
      %div3A_222 = arith.divsi %squeeze3A_220, %jit3A_221 : i32
      %sign3A_223 = arith.constant 0 : i32
      %sign3A_224 = arith.cmpi sgt, %squeeze3A_220, %sign3A_223 : i32
      %sign3A_225 = arith.extui %sign3A_224 : i1 to i32
      %sign3A_226 = arith.constant 0 : i32
      %sign3A_227 = arith.cmpi slt, %squeeze3A_220, %sign3A_226 : i32
      %sign3A_228 = arith.extui %sign3A_227 : i1 to i32
      %sign3A_229 = arith.subi %sign3A_225, %sign3A_228 : i32
      %sign3A_230 = arith.constant 0 : i32
      %sign3A_231 = arith.cmpi sgt, %jit3A_221, %sign3A_230 : i32
      %sign3A_232 = arith.extui %sign3A_231 : i1 to i32
      %sign3A_233 = arith.constant 0 : i32
      %sign3A_234 = arith.cmpi slt, %jit3A_221, %sign3A_233 : i32
      %sign3A_235 = arith.extui %sign3A_234 : i1 to i32
      %sign3A_236 = arith.subi %sign3A_232, %sign3A_235 : i32
      %ne3A_237 = arith.cmpi ne, %sign3A_229, %sign3A_236 : i32
      %rem3A_238 = arith.remsi %squeeze3A_220, %jit3A_221 : i32
      %ne3A_239 = arith.constant 0 : i32
      %ne3A_240 = arith.cmpi ne, %rem3A_238, %ne3A_239 : i32
      %and3A_241 = arith.andi %ne3A_237, %ne3A_240 : i1
      %sub3A_242 = arith.constant 1 : i32
      %sub3A_243 = arith.subi %div3A_222, %sub3A_242 : i32
      %select_n3A_244 = arith.select %and3A_241, %sub3A_243, %div3A_222 : i32
      %mul3A_245 = arith.constant 128 : i32
      %mul3A_246 = arith.muli %select_n3A_244, %mul3A_245 : i32
      %multiple_of3A_247 = tpu.assume_multiple %mul3A_246, 128 : i32
      %sub3A_248 = arith.subi %squeeze3A_220, %multiple_of3A_247 : i32
      %dma_start3A_249 = arith.constant 0 : i32
      %dma_start3A_250 = tpu.memref_slice %arg3[%dma_start3A_249, %multiple_of3A_247] : memref<64x1000001xf32, #tpu.memory_space<hbm>> -> memref<64x128xf32, #tpu.memory_space<hbm>>
      %dma_start3A_251 = arith.constant 0 : i32
      %dma_start3A_252 = tpu.memref_slice %arg3[%dma_start3A_251, %multiple_of3A_247] : memref<64x1000001xf32, #tpu.memory_space<hbm>> -> memref<64x128xf32, #tpu.memory_space<hbm>>
      tpu.enqueue_dma source(%dma_start3A_252 : memref<64x128xf32, #tpu.memory_space<hbm>>) target(%arg13 : memref<64x128xf32, #tpu.memory_space<vmem>>) target_semaphore(%arg21 : memref<!tpu.dma_semaphore, #tpu.memory_space<semaphore_mem>>)
      %slice3A_253 = vector.extract_strided_slice %get3A_26 {offsets = [7], sizes = [1], strides = [1]} : vector<16xi32> to vector<1xi32>
      %squeeze3A_254 = vector.extract %slice3A_253[0] : i32 from vector<1xi32>
      %jit3A_255 = arith.constant 128 : i32
      %div3A_256 = arith.divsi %squeeze3A_254, %jit3A_255 : i32
      %sign3A_257 = arith.constant 0 : i32
      %sign3A_258 = arith.cmpi sgt, %squeeze3A_254, %sign3A_257 : i32
      %sign3A_259 = arith.extui %sign3A_258 : i1 to i32
      %sign3A_260 = arith.constant 0 : i32
      %sign3A_261 = arith.cmpi slt, %squeeze3A_254, %sign3A_260 : i32
      %sign3A_262 = arith.extui %sign3A_261 : i1 to i32
      %sign3A_263 = arith.subi %sign3A_259, %sign3A_262 : i32
      %sign3A_264 = arith.constant 0 : i32
      %sign3A_265 = arith.cmpi sgt, %jit3A_255, %sign3A_264 : i32
      %sign3A_266 = arith.extui %sign3A_265 : i1 to i32
      %sign3A_267 = arith.constant 0 : i32
      %sign3A_268 = arith.cmpi slt, %jit3A_255, %sign3A_267 : i32
      %sign3A_269 = arith.extui %sign3A_268 : i1 to i32
      %sign3A_270 = arith.subi %sign3A_266, %sign3A_269 : i32
      %ne3A_271 = arith.cmpi ne, %sign3A_263, %sign3A_270 : i32
      %rem3A_272 = arith.remsi %squeeze3A_254, %jit3A_255 : i32
      %ne3A_273 = arith.constant 0 : i32
      %ne3A_274 = arith.cmpi ne, %rem3A_272, %ne3A_273 : i32
      %and3A_275 = arith.andi %ne3A_271, %ne3A_274 : i1
      %sub3A_276 = arith.constant 1 : i32
      %sub3A_277 = arith.subi %div3A_256, %sub3A_276 : i32
      %select_n3A_278 = arith.select %and3A_275, %sub3A_277, %div3A_256 : i32
      %mul3A_279 = arith.constant 128 : i32
      %mul3A_280 = arith.muli %select_n3A_278, %mul3A_279 : i32
      %multiple_of3A_281 = tpu.assume_multiple %mul3A_280, 128 : i32
      %sub3A_282 = arith.subi %squeeze3A_254, %multiple_of3A_281 : i32
      %dma_start3A_283 = arith.constant 0 : i32
      %dma_start3A_284 = tpu.memref_slice %arg3[%dma_start3A_283, %multiple_of3A_281] : memref<64x1000001xf32, #tpu.memory_space<hbm>> -> memref<64x128xf32, #tpu.memory_space<hbm>>
      %dma_start3A_285 = arith.constant 0 : i32
      %dma_start3A_286 = tpu.memref_slice %arg3[%dma_start3A_285, %multiple_of3A_281] : memref<64x1000001xf32, #tpu.memory_space<hbm>> -> memref<64x128xf32, #tpu.memory_space<hbm>>
      tpu.enqueue_dma source(%dma_start3A_286 : memref<64x128xf32, #tpu.memory_space<hbm>>) target(%arg14 : memref<64x128xf32, #tpu.memory_space<vmem>>) target_semaphore(%arg22 : memref<!tpu.dma_semaphore, #tpu.memory_space<semaphore_mem>>)
      %slice3A_287 = vector.extract_strided_slice %get3A_26 {offsets = [8], sizes = [1], strides = [1]} : vector<16xi32> to vector<1xi32>
      %squeeze3A_288 = vector.extract %slice3A_287[0] : i32 from vector<1xi32>
      %jit3A_289 = arith.constant 128 : i32
      %div3A_290 = arith.divsi %squeeze3A_288, %jit3A_289 : i32
      %sign3A_291 = arith.constant 0 : i32
      %sign3A_292 = arith.cmpi sgt, %squeeze3A_288, %sign3A_291 : i32
      %sign3A_293 = arith.extui %sign3A_292 : i1 to i32
      %sign3A_294 = arith.constant 0 : i32
      %sign3A_295 = arith.cmpi slt, %squeeze3A_288, %sign3A_294 : i32
      %sign3A_296 = arith.extui %sign3A_295 : i1 to i32
      %sign3A_297 = arith.subi %sign3A_293, %sign3A_296 : i32
      %sign3A_298 = arith.constant 0 : i32
      %sign3A_299 = arith.cmpi sgt, %jit3A_289, %sign3A_298 : i32
      %sign3A_300 = arith.extui %sign3A_299 : i1 to i32
      %sign3A_301 = arith.constant 0 : i32
      %sign3A_302 = arith.cmpi slt, %jit3A_289, %sign3A_301 : i32
      %sign3A_303 = arith.extui %sign3A_302 : i1 to i32
      %sign3A_304 = arith.subi %sign3A_300, %sign3A_303 : i32
      %ne3A_305 = arith.cmpi ne, %sign3A_297, %sign3A_304 : i32
      %rem3A_306 = arith.remsi %squeeze3A_288, %jit3A_289 : i32
      %ne3A_307 = arith.constant 0 : i32
      %ne3A_308 = arith.cmpi ne, %rem3A_306, %ne3A_307 : i32
      %and3A_309 = arith.andi %ne3A_305, %ne3A_308 : i1
      %sub3A_310 = arith.constant 1 : i32
      %sub3A_311 = arith.subi %div3A_290, %sub3A_310 : i32
      %select_n3A_312 = arith.select %and3A_309, %sub3A_311, %div3A_290 : i32
      %mul3A_313 = arith.constant 128 : i32
      %mul3A_314 = arith.muli %select_n3A_312, %mul3A_313 : i32
      %multiple_of3A_315 = tpu.assume_multiple %mul3A_314, 128 : i32
      %sub3A_316 = arith.subi %squeeze3A_288, %multiple_of3A_315 : i32
      %dma_wait3A = arith.constant 0 : i32
      %dma_wait3A_317 = tpu.memref_slice %arg3[%dma_wait3A, %multiple_of3A] : memref<64x1000001xf32, #tpu.memory_space<hbm>> -> memref<64x128xf32, #tpu.memory_space<hbm>>
      %dma_wait3A_318 = arith.constant 0 : i32
      %dma_wait3A_319 = tpu.memref_slice %arg3[%dma_wait3A_318, %multiple_of3A] : memref<64x1000001xf32, #tpu.memory_space<hbm>> -> memref<64x128xf32, #tpu.memory_space<hbm>>
      tpu.wait_dma2 semaphore(%arg15 : memref<!tpu.dma_semaphore, #tpu.memory_space<semaphore_mem>>) src(%dma_wait3A_319 : memref<64x128xf32, #tpu.memory_space<hbm>>) dst(%arg7 : memref<64x128xf32, #tpu.memory_space<vmem>>)
      %mul3A_320 = arith.constant 16 : i32
      %mul3A_321 = arith.muli %scan3A_23, %mul3A_320 : i32
      %add3A_322 = arith.constant 0 : i32
      %add3A_323 = arith.addi %mul3A_321, %add3A_322 : i32
      %broadcast_in_dim3A = vector.broadcast %sub3A_45 : i32 to vector<16xi32>
      %gather3A = tpu.vector_load_idx %arg7[%add3A_5, %broadcast_in_dim3A] : memref<64x128xf32, #tpu.memory_space<vmem>>[vector<16xi32>, vector<16xi32>], vector<16xf32>,
      %swap3A = arith.index_cast %add3A_323 : i32 to index
      %swap3A_324 = arith.constant 0 : index
      %swap3A_325 = tpu.vector_load %arg6[%swap3A, %swap3A_324] {strides = array<i32>} : memref<128x64xf32, #tpu.memory_space<vmem>>, vector<16xf32>,
      tpu.vector_store %arg6[%swap3A, %swap3A_324], %gather3A {strides = array<i32>} : memref<128x64xf32, #tpu.memory_space<vmem>>, vector<16xf32>,
      %gather3A_326 = tpu.vector_load_idx %arg7[%add3A_9, %broadcast_in_dim3A] : memref<64x128xf32, #tpu.memory_space<vmem>>[vector<16xi32>, vector<16xi32>], vector<16xf32>,
      %swap3A_327 = arith.index_cast %add3A_323 : i32 to index
      %swap3A_328 = arith.constant 16 : index
      %swap3A_329 = tpu.vector_load %arg6[%swap3A_327, %swap3A_328] {strides = array<i32>} : memref<128x64xf32, #tpu.memory_space<vmem>>, vector<16xf32>,
      tpu.vector_store %arg6[%swap3A_327, %swap3A_328], %gather3A_326 {strides = array<i32>} : memref<128x64xf32, #tpu.memory_space<vmem>>, vector<16xf32>,
      %gather3A_330 = tpu.vector_load_idx %arg7[%add3A_13, %broadcast_in_dim3A] : memref<64x128xf32, #tpu.memory_space<vmem>>[vector<16xi32>, vector<16xi32>], vector<16xf32>,
      %swap3A_331 = arith.index_cast %add3A_323 : i32 to index
      %swap3A_332 = arith.constant 32 : index
      %swap3A_333 = tpu.vector_load %arg6[%swap3A_331, %swap3A_332] {strides = array<i32>} : memref<128x64xf32, #tpu.memory_space<vmem>>, vector<16xf32>,
      tpu.vector_store %arg6[%swap3A_331, %swap3A_332], %gather3A_330 {strides = array<i32>} : memref<128x64xf32, #tpu.memory_space<vmem>>, vector<16xf32>,
      %gather3A_334 = tpu.vector_load_idx %arg7[%add3A_17, %broadcast_in_dim3A] : memref<64x128xf32, #tpu.memory_space<vmem>>[vector<16xi32>, vector<16xi32>], vector<16xf32>,
      %swap3A_335 = arith.index_cast %add3A_323 : i32 to index
      %swap3A_336 = arith.constant 48 : index
      %swap3A_337 = tpu.vector_load %arg6[%swap3A_335, %swap3A_336] {strides = array<i32>} : memref<128x64xf32, #tpu.memory_space<vmem>>, vector<16xf32>,
      tpu.vector_store %arg6[%swap3A_335, %swap3A_336], %gather3A_334 {strides = array<i32>} : memref<128x64xf32, #tpu.memory_space<vmem>>, vector<16xf32>,
      %dma_start3A_338 = arith.constant 0 : i32
      %dma_start3A_339 = tpu.memref_slice %arg3[%dma_start3A_338, %multiple_of3A_315] : memref<64x1000001xf32, #tpu.memory_space<hbm>> -> memref<64x128xf32, #tpu.memory_space<hbm>>
      %dma_start3A_340 = arith.constant 0 : i32
      %dma_start3A_341 = tpu.memref_slice %arg3[%dma_start3A_340, %multiple_of3A_315] : memref<64x1000001xf32, #tpu.memory_space<hbm>> -> memref<64x128xf32, #tpu.memory_space<hbm>>
      tpu.enqueue_dma source(%dma_start3A_341 : memref<64x128xf32, #tpu.memory_space<hbm>>) target(%arg7 : memref<64x128xf32, #tpu.memory_space<vmem>>) target_semaphore(%arg15 : memref<!tpu.dma_semaphore, #tpu.memory_space<semaphore_mem>>)
      %slice3A_342 = vector.extract_strided_slice %get3A_26 {offsets = [9], sizes = [1], strides = [1]} : vector<16xi32> to vector<1xi32>
      %squeeze3A_343 = vector.extract %slice3A_342[0] : i32 from vector<1xi32>
      %jit3A_344 = arith.constant 128 : i32
      %div3A_345 = arith.divsi %squeeze3A_343, %jit3A_344 : i32
      %sign3A_346 = arith.constant 0 : i32
      %sign3A_347 = arith.cmpi sgt, %squeeze3A_343, %sign3A_346 : i32
      %sign3A_348 = arith.extui %sign3A_347 : i1 to i32
      %sign3A_349 = arith.constant 0 : i32
      %sign3A_350 = arith.cmpi slt, %squeeze3A_343, %sign3A_349 : i32
      %sign3A_351 = arith.extui %sign3A_350 : i1 to i32
      %sign3A_352 = arith.subi %sign3A_348, %sign3A_351 : i32
      %sign3A_353 = arith.constant 0 : i32
      %sign3A_354 = arith.cmpi sgt, %jit3A_344, %sign3A_353 : i32
      %sign3A_355 = arith.extui %sign3A_354 : i1 to i32
      %sign3A_356 = arith.constant 0 : i32
      %sign3A_357 = arith.cmpi slt, %jit3A_344, %sign3A_356 : i32
      %sign3A_358 = arith.extui %sign3A_357 : i1 to i32
      %sign3A_359 = arith.subi %sign3A_355, %sign3A_358 : i32
      %ne3A_360 = arith.cmpi ne, %sign3A_352, %sign3A_359 : i32
      %rem3A_361 = arith.remsi %squeeze3A_343, %jit3A_344 : i32
      %ne3A_362 = arith.constant 0 : i32
      %ne3A_363 = arith.cmpi ne, %rem3A_361, %ne3A_362 : i32
      %and3A_364 = arith.andi %ne3A_360, %ne3A_363 : i1
      %sub3A_365 = arith.constant 1 : i32
      %sub3A_366 = arith.subi %div3A_345, %sub3A_365 : i32
      %select_n3A_367 = arith.select %and3A_364, %sub3A_366, %div3A_345 : i32
      %mul3A_368 = arith.constant 128 : i32
      %mul3A_369 = arith.muli %select_n3A_367, %mul3A_368 : i32
      %multiple_of3A_370 = tpu.assume_multiple %mul3A_369, 128 : i32
      %sub3A_371 = arith.subi %squeeze3A_343, %multiple_of3A_370 : i32
      %dma_wait3A_372 = arith.constant 0 : i32
      %dma_wait3A_373 = tpu.memref_slice %arg3[%dma_wait3A_372, %multiple_of3A_77] : memref<64x1000001xf32, #tpu.memory_space<hbm>> -> memref<64x128xf32, #tpu.memory_space<hbm>>
      %dma_wait3A_374 = arith.constant 0 : i32
      %dma_wait3A_375 = tpu.memref_slice %arg3[%dma_wait3A_374, %multiple_of3A_77] : memref<64x1000001xf32, #tpu.memory_space<hbm>> -> memref<64x128xf32, #tpu.memory_space<hbm>>
      tpu.wait_dma2 semaphore(%arg16 : memref<!tpu.dma_semaphore, #tpu.memory_space<semaphore_mem>>) src(%dma_wait3A_375 : memref<64x128xf32, #tpu.memory_space<hbm>>) dst(%arg8 : memref<64x128xf32, #tpu.memory_space<vmem>>)
      %mul3A_376 = arith.constant 16 : i32
      %mul3A_377 = arith.muli %scan3A_23, %mul3A_376 : i32
      %add3A_378 = arith.constant 1 : i32
      %add3A_379 = arith.addi %mul3A_377, %add3A_378 : i32
      %broadcast_in_dim3A_380 = vector.broadcast %sub3A_78 : i32 to vector<16xi32>
      %gather3A_381 = tpu.vector_load_idx %arg8[%add3A_5, %broadcast_in_dim3A_380] : memref<64x128xf32, #tpu.memory_space<vmem>>[vector<16xi32>, vector<16xi32>], vector<16xf32>,
      %swap3A_382 = arith.index_cast %add3A_379 : i32 to index
      %swap3A_383 = arith.constant 0 : index
      %swap3A_384 = tpu.vector_load %arg6[%swap3A_382, %swap3A_383] {strides = array<i32>} : memref<128x64xf32, #tpu.memory_space<vmem>>, vector<16xf32>,
      tpu.vector_store %arg6[%swap3A_382, %swap3A_383], %gather3A_381 {strides = array<i32>} : memref<128x64xf32, #tpu.memory_space<vmem>>, vector<16xf32>,
      %gather3A_385 = tpu.vector_load_idx %arg8[%add3A_9, %broadcast_in_dim3A_380] : memref<64x128xf32, #tpu.memory_space<vmem>>[vector<16xi32>, vector<16xi32>], vector<16xf32>,
      %swap3A_386 = arith.index_cast %add3A_379 : i32 to index
      %swap3A_387 = arith.constant 16 : index
      %swap3A_388 = tpu.vector_load %arg6[%swap3A_386, %swap3A_387] {strides = array<i32>} : memref<128x64xf32, #tpu.memory_space<vmem>>, vector<16xf32>,
      tpu.vector_store %arg6[%swap3A_386, %swap3A_387], %gather3A_385 {strides = array<i32>} : memref<128x64xf32, #tpu.memory_space<vmem>>, vector<16xf32>,
      %gather3A_389 = tpu.vector_load_idx %arg8[%add3A_13, %broadcast_in_dim3A_380] : memref<64x128xf32, #tpu.memory_space<vmem>>[vector<16xi32>, vector<16xi32>], vector<16xf32>,
      %swap3A_390 = arith.index_cast %add3A_379 : i32 to index
      %swap3A_391 = arith.constant 32 : index
      %swap3A_392 = tpu.vector_load %arg6[%swap3A_390, %swap3A_391] {strides = array<i32>} : memref<128x64xf32, #tpu.memory_space<vmem>>, vector<16xf32>,
      tpu.vector_store %arg6[%swap3A_390, %swap3A_391], %gather3A_389 {strides = array<i32>} : memref<128x64xf32, #tpu.memory_space<vmem>>, vector<16xf32>,
      %gather3A_393 = tpu.vector_load_idx %arg8[%add3A_17, %broadcast_in_dim3A_380] : memref<64x128xf32, #tpu.memory_space<vmem>>[vector<16xi32>, vector<16xi32>], vector<16xf32>,
      %swap3A_394 = arith.index_cast %add3A_379 : i32 to index
      %swap3A_395 = arith.constant 48 : index
      %swap3A_396 = tpu.vector_load %arg6[%swap3A_394, %swap3A_395] {strides = array<i32>} : memref<128x64xf32, #tpu.memory_space<vmem>>, vector<16xf32>,
      tpu.vector_store %arg6[%swap3A_394, %swap3A_395], %gather3A_393 {strides = array<i32>} : memref<128x64xf32, #tpu.memory_space<vmem>>, vector<16xf32>,
      %dma_start3A_397 = arith.constant 0 : i32
      %dma_start3A_398 = tpu.memref_slice %arg3[%dma_start3A_397, %multiple_of3A_370] : memref<64x1000001xf32, #tpu.memory_space<hbm>> -> memref<64x128xf32, #tpu.memory_space<hbm>>
      %dma_start3A_399 = arith.constant 0 : i32
      %dma_start3A_400 = tpu.memref_slice %arg3[%dma_start3A_399, %multiple_of3A_370] : memref<64x1000001xf32, #tpu.memory_space<hbm>> -> memref<64x128xf32, #tpu.memory_space<hbm>>
      tpu.enqueue_dma source(%dma_start3A_400 : memref<64x128xf32, #tpu.memory_space<hbm>>) target(%arg8 : memref<64x128xf32, #tpu.memory_space<vmem>>) target_semaphore(%arg16 : memref<!tpu.dma_semaphore, #tpu.memory_space<semaphore_mem>>)
      %slice3A_401 = vector.extract_strided_slice %get3A_26 {offsets = [10], sizes = [1], strides = [1]} : vector<16xi32> to vector<1xi32>
      %squeeze3A_402 = vector.extract %slice3A_401[0] : i32 from vector<1xi32>
      %jit3A_403 = arith.constant 128 : i32
      %div3A_404 = arith.divsi %squeeze3A_402, %jit3A_403 : i32
      %sign3A_405 = arith.constant 0 : i32
      %sign3A_406 = arith.cmpi sgt, %squeeze3A_402, %sign3A_405 : i32
      %sign3A_407 = arith.extui %sign3A_406 : i1 to i32
      %sign3A_408 = arith.constant 0 : i32
      %sign3A_409 = arith.cmpi slt, %squeeze3A_402, %sign3A_408 : i32
      %sign3A_410 = arith.extui %sign3A_409 : i1 to i32
      %sign3A_411 = arith.subi %sign3A_407, %sign3A_410 : i32
      %sign3A_412 = arith.constant 0 : i32
      %sign3A_413 = arith.cmpi sgt, %jit3A_403, %sign3A_412 : i32
      %sign3A_414 = arith.extui %sign3A_413 : i1 to i32
      %sign3A_415 = arith.constant 0 : i32
      %sign3A_416 = arith.cmpi slt, %jit3A_403, %sign3A_415 : i32
      %sign3A_417 = arith.extui %sign3A_416 : i1 to i32
      %sign3A_418 = arith.subi %sign3A_414, %sign3A_417 : i32
      %ne3A_419 = arith.cmpi ne, %sign3A_411, %sign3A_418 : i32
      %rem3A_420 = arith.remsi %squeeze3A_402, %jit3A_403 : i32
      %ne3A_421 = arith.constant 0 : i32
      %ne3A_422 = arith.cmpi ne, %rem3A_420, %ne3A_421 : i32
      %and3A_423 = arith.andi %ne3A_419, %ne3A_422 : i1
      %sub3A_424 = arith.constant 1 : i32
      %sub3A_425 = arith.subi %div3A_404, %sub3A_424 : i32
      %select_n3A_426 = arith.select %and3A_423, %sub3A_425, %div3A_404 : i32
      %mul3A_427 = arith.constant 128 : i32
      %mul3A_428 = arith.muli %select_n3A_426, %mul3A_427 : i32
      %multiple_of3A_429 = tpu.assume_multiple %mul3A_428, 128 : i32
      %sub3A_430 = arith.subi %squeeze3A_402, %multiple_of3A_429 : i32
      %dma_wait3A_431 = arith.constant 0 : i32
      %dma_wait3A_432 = tpu.memref_slice %arg3[%dma_wait3A_431, %multiple_of3A_111] : memref<64x1000001xf32, #tpu.memory_space<hbm>> -> memref<64x128xf32, #tpu.memory_space<hbm>>
      %dma_wait3A_433 = arith.constant 0 : i32
      %dma_wait3A_434 = tpu.memref_slice %arg3[%dma_wait3A_433, %multiple_of3A_111] : memref<64x1000001xf32, #tpu.memory_space<hbm>> -> memref<64x128xf32, #tpu.memory_space<hbm>>
      tpu.wait_dma2 semaphore(%arg17 : memref<!tpu.dma_semaphore, #tpu.memory_space<semaphore_mem>>) src(%dma_wait3A_434 : memref<64x128xf32, #tpu.memory_space<hbm>>) dst(%arg9 : memref<64x128xf32, #tpu.memory_space<vmem>>)
      %mul3A_435 = arith.constant 16 : i32
      %mul3A_436 = arith.muli %scan3A_23, %mul3A_435 : i32
      %add3A_437 = arith.constant 2 : i32
      %add3A_438 = arith.addi %mul3A_436, %add3A_437 : i32
      %broadcast_in_dim3A_439 = vector.broadcast %sub3A_112 : i32 to vector<16xi32>
      %gather3A_440 = tpu.vector_load_idx %arg9[%add3A_5, %broadcast_in_dim3A_439] : memref<64x128xf32, #tpu.memory_space<vmem>>[vector<16xi32>, vector<16xi32>], vector<16xf32>,
      %swap3A_441 = arith.index_cast %add3A_438 : i32 to index
      %swap3A_442 = arith.constant 0 : index
      %swap3A_443 = tpu.vector_load %arg6[%swap3A_441, %swap3A_442] {strides = array<i32>} : memref<128x64xf32, #tpu.memory_space<vmem>>, vector<16xf32>,
      tpu.vector_store %arg6[%swap3A_441, %swap3A_442], %gather3A_440 {strides = array<i32>} : memref<128x64xf32, #tpu.memory_space<vmem>>, vector<16xf32>,
      %gather3A_444 = tpu.vector_load_idx %arg9[%add3A_9, %broadcast_in_dim3A_439] : memref<64x128xf32, #tpu.memory_space<vmem>>[vector<16xi32>, vector<16xi32>], vector<16xf32>,
      %swap3A_445 = arith.index_cast %add3A_438 : i32 to index
      %swap3A_446 = arith.constant 16 : index
      %swap3A_447 = tpu.vector_load %arg6[%swap3A_445, %swap3A_446] {strides = array<i32>} : memref<128x64xf32, #tpu.memory_space<vmem>>, vector<16xf32>,
      tpu.vector_store %arg6[%swap3A_445, %swap3A_446], %gather3A_444 {strides = array<i32>} : memref<128x64xf32, #tpu.memory_space<vmem>>, vector<16xf32>,
      %gather3A_448 = tpu.vector_load_idx %arg9[%add3A_13, %broadcast_in_dim3A_439] : memref<64x128xf32, #tpu.memory_space<vmem>>[vector<16xi32>, vector<16xi32>], vector<16xf32>,
      %swap3A_449 = arith.index_cast %add3A_438 : i32 to index
      %swap3A_450 = arith.constant 32 : index
      %swap3A_451 = tpu.vector_load %arg6[%swap3A_449, %swap3A_450] {strides = array<i32>} : memref<128x64xf32, #tpu.memory_space<vmem>>, vector<16xf32>,
      tpu.vector_store %arg6[%swap3A_449, %swap3A_450], %gather3A_448 {strides = array<i32>} : memref<128x64xf32, #tpu.memory_space<vmem>>, vector<16xf32>,
      %gather3A_452 = tpu.vector_load_idx %arg9[%add3A_17, %broadcast_in_dim3A_439] : memref<64x128xf32, #tpu.memory_space<vmem>>[vector<16xi32>, vector<16xi32>], vector<16xf32>,
      %swap3A_453 = arith.index_cast %add3A_438 : i32 to index
      %swap3A_454 = arith.constant 48 : index
      %swap3A_455 = tpu.vector_load %arg6[%swap3A_453, %swap3A_454] {strides = array<i32>} : memref<128x64xf32, #tpu.memory_space<vmem>>, vector<16xf32>,
      tpu.vector_store %arg6[%swap3A_453, %swap3A_454], %gather3A_452 {strides = array<i32>} : memref<128x64xf32, #tpu.memory_space<vmem>>, vector<16xf32>,
      %dma_start3A_456 = arith.constant 0 : i32
      %dma_start3A_457 = tpu.memref_slice %arg3[%dma_start3A_456, %multiple_of3A_429] : memref<64x1000001xf32, #tpu.memory_space<hbm>> -> memref<64x128xf32, #tpu.memory_space<hbm>>
      %dma_start3A_458 = arith.constant 0 : i32
      %dma_start3A_459 = tpu.memref_slice %arg3[%dma_start3A_458, %multiple_of3A_429] : memref<64x1000001xf32, #tpu.memory_space<hbm>> -> memref<64x128xf32, #tpu.memory_space<hbm>>
      tpu.enqueue_dma source(%dma_start3A_459 : memref<64x128xf32, #tpu.memory_space<hbm>>) target(%arg9 : memref<64x128xf32, #tpu.memory_space<vmem>>) target_semaphore(%arg17 : memref<!tpu.dma_semaphore, #tpu.memory_space<semaphore_mem>>)
      %slice3A_460 = vector.extract_strided_slice %get3A_26 {offsets = [11], sizes = [1], strides = [1]} : vector<16xi32> to vector<1xi32>
      %squeeze3A_461 = vector.extract %slice3A_460[0] : i32 from vector<1xi32>
      %jit3A_462 = arith.constant 128 : i32
      %div3A_463 = arith.divsi %squeeze3A_461, %jit3A_462 : i32
      %sign3A_464 = arith.constant 0 : i32
      %sign3A_465 = arith.cmpi sgt, %squeeze3A_461, %sign3A_464 : i32
      %sign3A_466 = arith.extui %sign3A_465 : i1 to i32
      %sign3A_467 = arith.constant 0 : i32
      %sign3A_468 = arith.cmpi slt, %squeeze3A_461, %sign3A_467 : i32
      %sign3A_469 = arith.extui %sign3A_468 : i1 to i32
      %sign3A_470 = arith.subi %sign3A_466, %sign3A_469 : i32
      %sign3A_471 = arith.constant 0 : i32
      %sign3A_472 = arith.cmpi sgt, %jit3A_462, %sign3A_471 : i32
      %sign3A_473 = arith.extui %sign3A_472 : i1 to i32
      %sign3A_474 = arith.constant 0 : i32
      %sign3A_475 = arith.cmpi slt, %jit3A_462, %sign3A_474 : i32
      %sign3A_476 = arith.extui %sign3A_475 : i1 to i32
      %sign3A_477 = arith.subi %sign3A_473, %sign3A_476 : i32
      %ne3A_478 = arith.cmpi ne, %sign3A_470, %sign3A_477 : i32
      %rem3A_479 = arith.remsi %squeeze3A_461, %jit3A_462 : i32
      %ne3A_480 = arith.constant 0 : i32
      %ne3A_481 = arith.cmpi ne, %rem3A_479, %ne3A_480 : i32
      %and3A_482 = arith.andi %ne3A_478, %ne3A_481 : i1
      %sub3A_483 = arith.constant 1 : i32
      %sub3A_484 = arith.subi %div3A_463, %sub3A_483 : i32
      %select_n3A_485 = arith.select %and3A_482, %sub3A_484, %div3A_463 : i32
      %mul3A_486 = arith.constant 128 : i32
      %mul3A_487 = arith.muli %select_n3A_485, %mul3A_486 : i32
      %multiple_of3A_488 = tpu.assume_multiple %mul3A_487, 128 : i32
      %sub3A_489 = arith.subi %squeeze3A_461, %multiple_of3A_488 : i32
      %dma_wait3A_490 = arith.constant 0 : i32
      %dma_wait3A_491 = tpu.memref_slice %arg3[%dma_wait3A_490, %multiple_of3A_145] : memref<64x1000001xf32, #tpu.memory_space<hbm>> -> memref<64x128xf32, #tpu.memory_space<hbm>>
      %dma_wait3A_492 = arith.constant 0 : i32
      %dma_wait3A_493 = tpu.memref_slice %arg3[%dma_wait3A_492, %multiple_of3A_145] : memref<64x1000001xf32, #tpu.memory_space<hbm>> -> memref<64x128xf32, #tpu.memory_space<hbm>>
      tpu.wait_dma2 semaphore(%arg18 : memref<!tpu.dma_semaphore, #tpu.memory_space<semaphore_mem>>) src(%dma_wait3A_493 : memref<64x128xf32, #tpu.memory_space<hbm>>) dst(%arg10 : memref<64x128xf32, #tpu.memory_space<vmem>>)
      %mul3A_494 = arith.constant 16 : i32
      %mul3A_495 = arith.muli %scan3A_23, %mul3A_494 : i32
      %add3A_496 = arith.constant 3 : i32
      %add3A_497 = arith.addi %mul3A_495, %add3A_496 : i32
      %broadcast_in_dim3A_498 = vector.broadcast %sub3A_146 : i32 to vector<16xi32>
      %gather3A_499 = tpu.vector_load_idx %arg10[%add3A_5, %broadcast_in_dim3A_498] : memref<64x128xf32, #tpu.memory_space<vmem>>[vector<16xi32>, vector<16xi32>], vector<16xf32>,
      %swap3A_500 = arith.index_cast %add3A_497 : i32 to index
      %swap3A_501 = arith.constant 0 : index
      %swap3A_502 = tpu.vector_load %arg6[%swap3A_500, %swap3A_501] {strides = array<i32>} : memref<128x64xf32, #tpu.memory_space<vmem>>, vector<16xf32>,
      tpu.vector_store %arg6[%swap3A_500, %swap3A_501], %gather3A_499 {strides = array<i32>} : memref<128x64xf32, #tpu.memory_space<vmem>>, vector<16xf32>,
      %gather3A_503 = tpu.vector_load_idx %arg10[%add3A_9, %broadcast_in_dim3A_498] : memref<64x128xf32, #tpu.memory_space<vmem>>[vector<16xi32>, vector<16xi32>], vector<16xf32>,
      %swap3A_504 = arith.index_cast %add3A_497 : i32 to index
      %swap3A_505 = arith.constant 16 : index
      %swap3A_506 = tpu.vector_load %arg6[%swap3A_504, %swap3A_505] {strides = array<i32>} : memref<128x64xf32, #tpu.memory_space<vmem>>, vector<16xf32>,
      tpu.vector_store %arg6[%swap3A_504, %swap3A_505], %gather3A_503 {strides = array<i32>} : memref<128x64xf32, #tpu.memory_space<vmem>>, vector<16xf32>,
      %gather3A_507 = tpu.vector_load_idx %arg10[%add3A_13, %broadcast_in_dim3A_498] : memref<64x128xf32, #tpu.memory_space<vmem>>[vector<16xi32>, vector<16xi32>], vector<16xf32>,
      %swap3A_508 = arith.index_cast %add3A_497 : i32 to index
      %swap3A_509 = arith.constant 32 : index
      %swap3A_510 = tpu.vector_load %arg6[%swap3A_508, %swap3A_509] {strides = array<i32>} : memref<128x64xf32, #tpu.memory_space<vmem>>, vector<16xf32>,
      tpu.vector_store %arg6[%swap3A_508, %swap3A_509], %gather3A_507 {strides = array<i32>} : memref<128x64xf32, #tpu.memory_space<vmem>>, vector<16xf32>,
      %gather3A_511 = tpu.vector_load_idx %arg10[%add3A_17, %broadcast_in_dim3A_498] : memref<64x128xf32, #tpu.memory_space<vmem>>[vector<16xi32>, vector<16xi32>], vector<16xf32>,
      %swap3A_512 = arith.index_cast %add3A_497 : i32 to index
      %swap3A_513 = arith.constant 48 : index
      %swap3A_514 = tpu.vector_load %arg6[%swap3A_512, %swap3A_513] {strides = array<i32>} : memref<128x64xf32, #tpu.memory_space<vmem>>, vector<16xf32>,
      tpu.vector_store %arg6[%swap3A_512, %swap3A_513], %gather3A_511 {strides = array<i32>} : memref<128x64xf32, #tpu.memory_space<vmem>>, vector<16xf32>,
      %dma_start3A_515 = arith.constant 0 : i32
      %dma_start3A_516 = tpu.memref_slice %arg3[%dma_start3A_515, %multiple_of3A_488] : memref<64x1000001xf32, #tpu.memory_space<hbm>> -> memref<64x128xf32, #tpu.memory_space<hbm>>
      %dma_start3A_517 = arith.constant 0 : i32
      %dma_start3A_518 = tpu.memref_slice %arg3[%dma_start3A_517, %multiple_of3A_488] : memref<64x1000001xf32, #tpu.memory_space<hbm>> -> memref<64x128xf32, #tpu.memory_space<hbm>>
      tpu.enqueue_dma source(%dma_start3A_518 : memref<64x128xf32, #tpu.memory_space<hbm>>) target(%arg10 : memref<64x128xf32, #tpu.memory_space<vmem>>) target_semaphore(%arg18 : memref<!tpu.dma_semaphore, #tpu.memory_space<semaphore_mem>>)
      %slice3A_519 = vector.extract_strided_slice %get3A_26 {offsets = [12], sizes = [1], strides = [1]} : vector<16xi32> to vector<1xi32>
      %squeeze3A_520 = vector.extract %slice3A_519[0] : i32 from vector<1xi32>
      %jit3A_521 = arith.constant 128 : i32
      %div3A_522 = arith.divsi %squeeze3A_520, %jit3A_521 : i32
      %sign3A_523 = arith.constant 0 : i32
      %sign3A_524 = arith.cmpi sgt, %squeeze3A_520, %sign3A_523 : i32
      %sign3A_525 = arith.extui %sign3A_524 : i1 to i32
      %sign3A_526 = arith.constant 0 : i32
      %sign3A_527 = arith.cmpi slt, %squeeze3A_520, %sign3A_526 : i32
      %sign3A_528 = arith.extui %sign3A_527 : i1 to i32
      %sign3A_529 = arith.subi %sign3A_525, %sign3A_528 : i32
      %sign3A_530 = arith.constant 0 : i32
      %sign3A_531 = arith.cmpi sgt, %jit3A_521, %sign3A_530 : i32
      %sign3A_532 = arith.extui %sign3A_531 : i1 to i32
      %sign3A_533 = arith.constant 0 : i32
      %sign3A_534 = arith.cmpi slt, %jit3A_521, %sign3A_533 : i32
      %sign3A_535 = arith.extui %sign3A_534 : i1 to i32
      %sign3A_536 = arith.subi %sign3A_532, %sign3A_535 : i32
      %ne3A_537 = arith.cmpi ne, %sign3A_529, %sign3A_536 : i32
      %rem3A_538 = arith.remsi %squeeze3A_520, %jit3A_521 : i32
      %ne3A_539 = arith.constant 0 : i32
      %ne3A_540 = arith.cmpi ne, %rem3A_538, %ne3A_539 : i32
      %and3A_541 = arith.andi %ne3A_537, %ne3A_540 : i1
      %sub3A_542 = arith.constant 1 : i32
      %sub3A_543 = arith.subi %div3A_522, %sub3A_542 : i32
      %select_n3A_544 = arith.select %and3A_541, %sub3A_543, %div3A_522 : i32
      %mul3A_545 = arith.constant 128 : i32
      %mul3A_546 = arith.muli %select_n3A_544, %mul3A_545 : i32
      %multiple_of3A_547 = tpu.assume_multiple %mul3A_546, 128 : i32
      %sub3A_548 = arith.subi %squeeze3A_520, %multiple_of3A_547 : i32
      %dma_wait3A_549 = arith.constant 0 : i32
      %dma_wait3A_550 = tpu.memref_slice %arg3[%dma_wait3A_549, %multiple_of3A_179] : memref<64x1000001xf32, #tpu.memory_space<hbm>> -> memref<64x128xf32, #tpu.memory_space<hbm>>
      %dma_wait3A_551 = arith.constant 0 : i32
      %dma_wait3A_552 = tpu.memref_slice %arg3[%dma_wait3A_551, %multiple_of3A_179] : memref<64x1000001xf32, #tpu.memory_space<hbm>> -> memref<64x128xf32, #tpu.memory_space<hbm>>
      tpu.wait_dma2 semaphore(%arg19 : memref<!tpu.dma_semaphore, #tpu.memory_space<semaphore_mem>>) src(%dma_wait3A_552 : memref<64x128xf32, #tpu.memory_space<hbm>>) dst(%arg11 : memref<64x128xf32, #tpu.memory_space<vmem>>)
      %mul3A_553 = arith.constant 16 : i32
      %mul3A_554 = arith.muli %scan3A_23, %mul3A_553 : i32
      %add3A_555 = arith.constant 4 : i32
      %add3A_556 = arith.addi %mul3A_554, %add3A_555 : i32
      %broadcast_in_dim3A_557 = vector.broadcast %sub3A_180 : i32 to vector<16xi32>
      %gather3A_558 = tpu.vector_load_idx %arg11[%add3A_5, %broadcast_in_dim3A_557] : memref<64x128xf32, #tpu.memory_space<vmem>>[vector<16xi32>, vector<16xi32>], vector<16xf32>,
      %swap3A_559 = arith.index_cast %add3A_556 : i32 to index
      %swap3A_560 = arith.constant 0 : index
      %swap3A_561 = tpu.vector_load %arg6[%swap3A_559, %swap3A_560] {strides = array<i32>} : memref<128x64xf32, #tpu.memory_space<vmem>>, vector<16xf32>,
      tpu.vector_store %arg6[%swap3A_559, %swap3A_560], %gather3A_558 {strides = array<i32>} : memref<128x64xf32, #tpu.memory_space<vmem>>, vector<16xf32>,
      %gather3A_562 = tpu.vector_load_idx %arg11[%add3A_9, %broadcast_in_dim3A_557] : memref<64x128xf32, #tpu.memory_space<vmem>>[vector<16xi32>, vector<16xi32>], vector<16xf32>,
      %swap3A_563 = arith.index_cast %add3A_556 : i32 to index
      %swap3A_564 = arith.constant 16 : index
      %swap3A_565 = tpu.vector_load %arg6[%swap3A_563, %swap3A_564] {strides = array<i32>} : memref<128x64xf32, #tpu.memory_space<vmem>>, vector<16xf32>,
      tpu.vector_store %arg6[%swap3A_563, %swap3A_564], %gather3A_562 {strides = array<i32>} : memref<128x64xf32, #tpu.memory_space<vmem>>, vector<16xf32>,
      %gather3A_566 = tpu.vector_load_idx %arg11[%add3A_13, %broadcast_in_dim3A_557] : memref<64x128xf32, #tpu.memory_space<vmem>>[vector<16xi32>, vector<16xi32>], vector<16xf32>,
      %swap3A_567 = arith.index_cast %add3A_556 : i32 to index
      %swap3A_568 = arith.constant 32 : index
      %swap3A_569 = tpu.vector_load %arg6[%swap3A_567, %swap3A_568] {strides = array<i32>} : memref<128x64xf32, #tpu.memory_space<vmem>>, vector<16xf32>,
      tpu.vector_store %arg6[%swap3A_567, %swap3A_568], %gather3A_566 {strides = array<i32>} : memref<128x64xf32, #tpu.memory_space<vmem>>, vector<16xf32>,
      %gather3A_570 = tpu.vector_load_idx %arg11[%add3A_17, %broadcast_in_dim3A_557] : memref<64x128xf32, #tpu.memory_space<vmem>>[vector<16xi32>, vector<16xi32>], vector<16xf32>,
      %swap3A_571 = arith.index_cast %add3A_556 : i32 to index
      %swap3A_572 = arith.constant 48 : index
      %swap3A_573 = tpu.vector_load %arg6[%swap3A_571, %swap3A_572] {strides = array<i32>} : memref<128x64xf32, #tpu.memory_space<vmem>>, vector<16xf32>,
      tpu.vector_store %arg6[%swap3A_571, %swap3A_572], %gather3A_570 {strides = array<i32>} : memref<128x64xf32, #tpu.memory_space<vmem>>, vector<16xf32>,
      %dma_start3A_574 = arith.constant 0 : i32
      %dma_start3A_575 = tpu.memref_slice %arg3[%dma_start3A_574, %multiple_of3A_547] : memref<64x1000001xf32, #tpu.memory_space<hbm>> -> memref<64x128xf32, #tpu.memory_space<hbm>>
      %dma_start3A_576 = arith.constant 0 : i32
      %dma_start3A_577 = tpu.memref_slice %arg3[%dma_start3A_576, %multiple_of3A_547] : memref<64x1000001xf32, #tpu.memory_space<hbm>> -> memref<64x128xf32, #tpu.memory_space<hbm>>
      tpu.enqueue_dma source(%dma_start3A_577 : memref<64x128xf32, #tpu.memory_space<hbm>>) target(%arg11 : memref<64x128xf32, #tpu.memory_space<vmem>>) target_semaphore(%arg19 : memref<!tpu.dma_semaphore, #tpu.memory_space<semaphore_mem>>)
      %slice3A_578 = vector.extract_strided_slice %get3A_26 {offsets = [13], sizes = [1], strides = [1]} : vector<16xi32> to vector<1xi32>
      %squeeze3A_579 = vector.extract %slice3A_578[0] : i32 from vector<1xi32>
      %jit3A_580 = arith.constant 128 : i32
      %div3A_581 = arith.divsi %squeeze3A_579, %jit3A_580 : i32
      %sign3A_582 = arith.constant 0 : i32
      %sign3A_583 = arith.cmpi sgt, %squeeze3A_579, %sign3A_582 : i32
      %sign3A_584 = arith.extui %sign3A_583 : i1 to i32
      %sign3A_585 = arith.constant 0 : i32
      %sign3A_586 = arith.cmpi slt, %squeeze3A_579, %sign3A_585 : i32
      %sign3A_587 = arith.extui %sign3A_586 : i1 to i32
      %sign3A_588 = arith.subi %sign3A_584, %sign3A_587 : i32
      %sign3A_589 = arith.constant 0 : i32
      %sign3A_590 = arith.cmpi sgt, %jit3A_580, %sign3A_589 : i32
      %sign3A_591 = arith.extui %sign3A_590 : i1 to i32
      %sign3A_592 = arith.constant 0 : i32
      %sign3A_593 = arith.cmpi slt, %jit3A_580, %sign3A_592 : i32
      %sign3A_594 = arith.extui %sign3A_593 : i1 to i32
      %sign3A_595 = arith.subi %sign3A_591, %sign3A_594 : i32
      %ne3A_596 = arith.cmpi ne, %sign3A_588, %sign3A_595 : i32
      %rem3A_597 = arith.remsi %squeeze3A_579, %jit3A_580 : i32
      %ne3A_598 = arith.constant 0 : i32
      %ne3A_599 = arith.cmpi ne, %rem3A_597, %ne3A_598 : i32
      %and3A_600 = arith.andi %ne3A_596, %ne3A_599 : i1
      %sub3A_601 = arith.constant 1 : i32
      %sub3A_602 = arith.subi %div3A_581, %sub3A_601 : i32
      %select_n3A_603 = arith.select %and3A_600, %sub3A_602, %div3A_581 : i32
      %mul3A_604 = arith.constant 128 : i32
      %mul3A_605 = arith.muli %select_n3A_603, %mul3A_604 : i32
      %multiple_of3A_606 = tpu.assume_multiple %mul3A_605, 128 : i32
      %sub3A_607 = arith.subi %squeeze3A_579, %multiple_of3A_606 : i32
      %dma_wait3A_608 = arith.constant 0 : i32
      %dma_wait3A_609 = tpu.memref_slice %arg3[%dma_wait3A_608, %multiple_of3A_213] : memref<64x1000001xf32, #tpu.memory_space<hbm>> -> memref<64x128xf32, #tpu.memory_space<hbm>>
      %dma_wait3A_610 = arith.constant 0 : i32
      %dma_wait3A_611 = tpu.memref_slice %arg3[%dma_wait3A_610, %multiple_of3A_213] : memref<64x1000001xf32, #tpu.memory_space<hbm>> -> memref<64x128xf32, #tpu.memory_space<hbm>>
      tpu.wait_dma2 semaphore(%arg20 : memref<!tpu.dma_semaphore, #tpu.memory_space<semaphore_mem>>) src(%dma_wait3A_611 : memref<64x128xf32, #tpu.memory_space<hbm>>) dst(%arg12 : memref<64x128xf32, #tpu.memory_space<vmem>>)
      %mul3A_612 = arith.constant 16 : i32
      %mul3A_613 = arith.muli %scan3A_23, %mul3A_612 : i32
      %add3A_614 = arith.constant 5 : i32
      %add3A_615 = arith.addi %mul3A_613, %add3A_614 : i32
      %broadcast_in_dim3A_616 = vector.broadcast %sub3A_214 : i32 to vector<16xi32>
      %gather3A_617 = tpu.vector_load_idx %arg12[%add3A_5, %broadcast_in_dim3A_616] : memref<64x128xf32, #tpu.memory_space<vmem>>[vector<16xi32>, vector<16xi32>], vector<16xf32>,
      %swap3A_618 = arith.index_cast %add3A_615 : i32 to index
      %swap3A_619 = arith.constant 0 : index
      %swap3A_620 = tpu.vector_load %arg6[%swap3A_618, %swap3A_619] {strides = array<i32>} : memref<128x64xf32, #tpu.memory_space<vmem>>, vector<16xf32>,
      tpu.vector_store %arg6[%swap3A_618, %swap3A_619], %gather3A_617 {strides = array<i32>} : memref<128x64xf32, #tpu.memory_space<vmem>>, vector<16xf32>,
      %gather3A_621 = tpu.vector_load_idx %arg12[%add3A_9, %broadcast_in_dim3A_616] : memref<64x128xf32, #tpu.memory_space<vmem>>[vector<16xi32>, vector<16xi32>], vector<16xf32>,
      %swap3A_622 = arith.index_cast %add3A_615 : i32 to index
      %swap3A_623 = arith.constant 16 : index
      %swap3A_624 = tpu.vector_load %arg6[%swap3A_622, %swap3A_623] {strides = array<i32>} : memref<128x64xf32, #tpu.memory_space<vmem>>, vector<16xf32>,
      tpu.vector_store %arg6[%swap3A_622, %swap3A_623], %gather3A_621 {strides = array<i32>} : memref<128x64xf32, #tpu.memory_space<vmem>>, vector<16xf32>,
      %gather3A_625 = tpu.vector_load_idx %arg12[%add3A_13, %broadcast_in_dim3A_616] : memref<64x128xf32, #tpu.memory_space<vmem>>[vector<16xi32>, vector<16xi32>], vector<16xf32>,
      %swap3A_626 = arith.index_cast %add3A_615 : i32 to index
      %swap3A_627 = arith.constant 32 : index
      %swap3A_628 = tpu.vector_load %arg6[%swap3A_626, %swap3A_627] {strides = array<i32>} : memref<128x64xf32, #tpu.memory_space<vmem>>, vector<16xf32>,
      tpu.vector_store %arg6[%swap3A_626, %swap3A_627], %gather3A_625 {strides = array<i32>} : memref<128x64xf32, #tpu.memory_space<vmem>>, vector<16xf32>,
      %gather3A_629 = tpu.vector_load_idx %arg12[%add3A_17, %broadcast_in_dim3A_616] : memref<64x128xf32, #tpu.memory_space<vmem>>[vector<16xi32>, vector<16xi32>], vector<16xf32>,
      %swap3A_630 = arith.index_cast %add3A_615 : i32 to index
      %swap3A_631 = arith.constant 48 : index
      %swap3A_632 = tpu.vector_load %arg6[%swap3A_630, %swap3A_631] {strides = array<i32>} : memref<128x64xf32, #tpu.memory_space<vmem>>, vector<16xf32>,
      tpu.vector_store %arg6[%swap3A_630, %swap3A_631], %gather3A_629 {strides = array<i32>} : memref<128x64xf32, #tpu.memory_space<vmem>>, vector<16xf32>,
      %dma_start3A_633 = arith.constant 0 : i32
      %dma_start3A_634 = tpu.memref_slice %arg3[%dma_start3A_633, %multiple_of3A_606] : memref<64x1000001xf32, #tpu.memory_space<hbm>> -> memref<64x128xf32, #tpu.memory_space<hbm>>
      %dma_start3A_635 = arith.constant 0 : i32
      %dma_start3A_636 = tpu.memref_slice %arg3[%dma_start3A_635, %multiple_of3A_606] : memref<64x1000001xf32, #tpu.memory_space<hbm>> -> memref<64x128xf32, #tpu.memory_space<hbm>>
      tpu.enqueue_dma source(%dma_start3A_636 : memref<64x128xf32, #tpu.memory_space<hbm>>) target(%arg12 : memref<64x128xf32, #tpu.memory_space<vmem>>) target_semaphore(%arg20 : memref<!tpu.dma_semaphore, #tpu.memory_space<semaphore_mem>>)
      %slice3A_637 = vector.extract_strided_slice %get3A_26 {offsets = [14], sizes = [1], strides = [1]} : vector<16xi32> to vector<1xi32>
      %squeeze3A_638 = vector.extract %slice3A_637[0] : i32 from vector<1xi32>
      %jit3A_639 = arith.constant 128 : i32
      %div3A_640 = arith.divsi %squeeze3A_638, %jit3A_639 : i32
      %sign3A_641 = arith.constant 0 : i32
      %sign3A_642 = arith.cmpi sgt, %squeeze3A_638, %sign3A_641 : i32
      %sign3A_643 = arith.extui %sign3A_642 : i1 to i32
      %sign3A_644 = arith.constant 0 : i32
      %sign3A_645 = arith.cmpi slt, %squeeze3A_638, %sign3A_644 : i32
      %sign3A_646 = arith.extui %sign3A_645 : i1 to i32
      %sign3A_647 = arith.subi %sign3A_643, %sign3A_646 : i32
      %sign3A_648 = arith.constant 0 : i32
      %sign3A_649 = arith.cmpi sgt, %jit3A_639, %sign3A_648 : i32
      %sign3A_650 = arith.extui %sign3A_649 : i1 to i32
      %sign3A_651 = arith.constant 0 : i32
      %sign3A_652 = arith.cmpi slt, %jit3A_639, %sign3A_651 : i32
      %sign3A_653 = arith.extui %sign3A_652 : i1 to i32
      %sign3A_654 = arith.subi %sign3A_650, %sign3A_653 : i32
      %ne3A_655 = arith.cmpi ne, %sign3A_647, %sign3A_654 : i32
      %rem3A_656 = arith.remsi %squeeze3A_638, %jit3A_639 : i32
      %ne3A_657 = arith.constant 0 : i32
      %ne3A_658 = arith.cmpi ne, %rem3A_656, %ne3A_657 : i32
      %and3A_659 = arith.andi %ne3A_655, %ne3A_658 : i1
      %sub3A_660 = arith.constant 1 : i32
      %sub3A_661 = arith.subi %div3A_640, %sub3A_660 : i32
      %select_n3A_662 = arith.select %and3A_659, %sub3A_661, %div3A_640 : i32
      %mul3A_663 = arith.constant 128 : i32
      %mul3A_664 = arith.muli %select_n3A_662, %mul3A_663 : i32
      %multiple_of3A_665 = tpu.assume_multiple %mul3A_664, 128 : i32
      %sub3A_666 = arith.subi %squeeze3A_638, %multiple_of3A_665 : i32
      %dma_wait3A_667 = arith.constant 0 : i32
      %dma_wait3A_668 = tpu.memref_slice %arg3[%dma_wait3A_667, %multiple_of3A_247] : memref<64x1000001xf32, #tpu.memory_space<hbm>> -> memref<64x128xf32, #tpu.memory_space<hbm>>
      %dma_wait3A_669 = arith.constant 0 : i32
      %dma_wait3A_670 = tpu.memref_slice %arg3[%dma_wait3A_669, %multiple_of3A_247] : memref<64x1000001xf32, #tpu.memory_space<hbm>> -> memref<64x128xf32, #tpu.memory_space<hbm>>
      tpu.wait_dma2 semaphore(%arg21 : memref<!tpu.dma_semaphore, #tpu.memory_space<semaphore_mem>>) src(%dma_wait3A_670 : memref<64x128xf32, #tpu.memory_space<hbm>>) dst(%arg13 : memref<64x128xf32, #tpu.memory_space<vmem>>)
      %mul3A_671 = arith.constant 16 : i32
      %mul3A_672 = arith.muli %scan3A_23, %mul3A_671 : i32
      %add3A_673 = arith.constant 6 : i32
      %add3A_674 = arith.addi %mul3A_672, %add3A_673 : i32
      %broadcast_in_dim3A_675 = vector.broadcast %sub3A_248 : i32 to vector<16xi32>
      %gather3A_676 = tpu.vector_load_idx %arg13[%add3A_5, %broadcast_in_dim3A_675] : memref<64x128xf32, #tpu.memory_space<vmem>>[vector<16xi32>, vector<16xi32>], vector<16xf32>,
      %swap3A_677 = arith.index_cast %add3A_674 : i32 to index
      %swap3A_678 = arith.constant 0 : index
      %swap3A_679 = tpu.vector_load %arg6[%swap3A_677, %swap3A_678] {strides = array<i32>} : memref<128x64xf32, #tpu.memory_space<vmem>>, vector<16xf32>,
      tpu.vector_store %arg6[%swap3A_677, %swap3A_678], %gather3A_676 {strides = array<i32>} : memref<128x64xf32, #tpu.memory_space<vmem>>, vector<16xf32>,
      %gather3A_680 = tpu.vector_load_idx %arg13[%add3A_9, %broadcast_in_dim3A_675] : memref<64x128xf32, #tpu.memory_space<vmem>>[vector<16xi32>, vector<16xi32>], vector<16xf32>,
      %swap3A_681 = arith.index_cast %add3A_674 : i32 to index
      %swap3A_682 = arith.constant 16 : index
      %swap3A_683 = tpu.vector_load %arg6[%swap3A_681, %swap3A_682] {strides = array<i32>} : memref<128x64xf32, #tpu.memory_space<vmem>>, vector<16xf32>,
      tpu.vector_store %arg6[%swap3A_681, %swap3A_682], %gather3A_680 {strides = array<i32>} : memref<128x64xf32, #tpu.memory_space<vmem>>, vector<16xf32>,
      %gather3A_684 = tpu.vector_load_idx %arg13[%add3A_13, %broadcast_in_dim3A_675] : memref<64x128xf32, #tpu.memory_space<vmem>>[vector<16xi32>, vector<16xi32>], vector<16xf32>,
      %swap3A_685 = arith.index_cast %add3A_674 : i32 to index
      %swap3A_686 = arith.constant 32 : index
      %swap3A_687 = tpu.vector_load %arg6[%swap3A_685, %swap3A_686] {strides = array<i32>} : memref<128x64xf32, #tpu.memory_space<vmem>>, vector<16xf32>,
      tpu.vector_store %arg6[%swap3A_685, %swap3A_686], %gather3A_684 {strides = array<i32>} : memref<128x64xf32, #tpu.memory_space<vmem>>, vector<16xf32>,
      %gather3A_688 = tpu.vector_load_idx %arg13[%add3A_17, %broadcast_in_dim3A_675] : memref<64x128xf32, #tpu.memory_space<vmem>>[vector<16xi32>, vector<16xi32>], vector<16xf32>,
      %swap3A_689 = arith.index_cast %add3A_674 : i32 to index
      %swap3A_690 = arith.constant 48 : index
      %swap3A_691 = tpu.vector_load %arg6[%swap3A_689, %swap3A_690] {strides = array<i32>} : memref<128x64xf32, #tpu.memory_space<vmem>>, vector<16xf32>,
      tpu.vector_store %arg6[%swap3A_689, %swap3A_690], %gather3A_688 {strides = array<i32>} : memref<128x64xf32, #tpu.memory_space<vmem>>, vector<16xf32>,
      %dma_start3A_692 = arith.constant 0 : i32
      %dma_start3A_693 = tpu.memref_slice %arg3[%dma_start3A_692, %multiple_of3A_665] : memref<64x1000001xf32, #tpu.memory_space<hbm>> -> memref<64x128xf32, #tpu.memory_space<hbm>>
      %dma_start3A_694 = arith.constant 0 : i32
      %dma_start3A_695 = tpu.memref_slice %arg3[%dma_start3A_694, %multiple_of3A_665] : memref<64x1000001xf32, #tpu.memory_space<hbm>> -> memref<64x128xf32, #tpu.memory_space<hbm>>
      tpu.enqueue_dma source(%dma_start3A_695 : memref<64x128xf32, #tpu.memory_space<hbm>>) target(%arg13 : memref<64x128xf32, #tpu.memory_space<vmem>>) target_semaphore(%arg21 : memref<!tpu.dma_semaphore, #tpu.memory_space<semaphore_mem>>)
      %slice3A_696 = vector.extract_strided_slice %get3A_26 {offsets = [15], sizes = [1], strides = [1]} : vector<16xi32> to vector<1xi32>
      %squeeze3A_697 = vector.extract %slice3A_696[0] : i32 from vector<1xi32>
      %jit3A_698 = arith.constant 128 : i32
      %div3A_699 = arith.divsi %squeeze3A_697, %jit3A_698 : i32
      %sign3A_700 = arith.constant 0 : i32
      %sign3A_701 = arith.cmpi sgt, %squeeze3A_697, %sign3A_700 : i32
      %sign3A_702 = arith.extui %sign3A_701 : i1 to i32
      %sign3A_703 = arith.constant 0 : i32
      %sign3A_704 = arith.cmpi slt, %squeeze3A_697, %sign3A_703 : i32
      %sign3A_705 = arith.extui %sign3A_704 : i1 to i32
      %sign3A_706 = arith.subi %sign3A_702, %sign3A_705 : i32
      %sign3A_707 = arith.constant 0 : i32
      %sign3A_708 = arith.cmpi sgt, %jit3A_698, %sign3A_707 : i32
      %sign3A_709 = arith.extui %sign3A_708 : i1 to i32
      %sign3A_710 = arith.constant 0 : i32
      %sign3A_711 = arith.cmpi slt, %jit3A_698, %sign3A_710 : i32
      %sign3A_712 = arith.extui %sign3A_711 : i1 to i32
      %sign3A_713 = arith.subi %sign3A_709, %sign3A_712 : i32
      %ne3A_714 = arith.cmpi ne, %sign3A_706, %sign3A_713 : i32
      %rem3A_715 = arith.remsi %squeeze3A_697, %jit3A_698 : i32
      %ne3A_716 = arith.constant 0 : i32
      %ne3A_717 = arith.cmpi ne, %rem3A_715, %ne3A_716 : i32
      %and3A_718 = arith.andi %ne3A_714, %ne3A_717 : i1
      %sub3A_719 = arith.constant 1 : i32
      %sub3A_720 = arith.subi %div3A_699, %sub3A_719 : i32
      %select_n3A_721 = arith.select %and3A_718, %sub3A_720, %div3A_699 : i32
      %mul3A_722 = arith.constant 128 : i32
      %mul3A_723 = arith.muli %select_n3A_721, %mul3A_722 : i32
      %multiple_of3A_724 = tpu.assume_multiple %mul3A_723, 128 : i32
      %sub3A_725 = arith.subi %squeeze3A_697, %multiple_of3A_724 : i32
      %dma_wait3A_726 = arith.constant 0 : i32
      %dma_wait3A_727 = tpu.memref_slice %arg3[%dma_wait3A_726, %multiple_of3A_281] : memref<64x1000001xf32, #tpu.memory_space<hbm>> -> memref<64x128xf32, #tpu.memory_space<hbm>>
      %dma_wait3A_728 = arith.constant 0 : i32
      %dma_wait3A_729 = tpu.memref_slice %arg3[%dma_wait3A_728, %multiple_of3A_281] : memref<64x1000001xf32, #tpu.memory_space<hbm>> -> memref<64x128xf32, #tpu.memory_space<hbm>>
      tpu.wait_dma2 semaphore(%arg22 : memref<!tpu.dma_semaphore, #tpu.memory_space<semaphore_mem>>) src(%dma_wait3A_729 : memref<64x128xf32, #tpu.memory_space<hbm>>) dst(%arg14 : memref<64x128xf32, #tpu.memory_space<vmem>>)
      %mul3A_730 = arith.constant 16 : i32
      %mul3A_731 = arith.muli %scan3A_23, %mul3A_730 : i32
      %add3A_732 = arith.constant 7 : i32
      %add3A_733 = arith.addi %mul3A_731, %add3A_732 : i32
      %broadcast_in_dim3A_734 = vector.broadcast %sub3A_282 : i32 to vector<16xi32>
      %gather3A_735 = tpu.vector_load_idx %arg14[%add3A_5, %broadcast_in_dim3A_734] : memref<64x128xf32, #tpu.memory_space<vmem>>[vector<16xi32>, vector<16xi32>], vector<16xf32>,
      %swap3A_736 = arith.index_cast %add3A_733 : i32 to index
      %swap3A_737 = arith.constant 0 : index
      %swap3A_738 = tpu.vector_load %arg6[%swap3A_736, %swap3A_737] {strides = array<i32>} : memref<128x64xf32, #tpu.memory_space<vmem>>, vector<16xf32>,
      tpu.vector_store %arg6[%swap3A_736, %swap3A_737], %gather3A_735 {strides = array<i32>} : memref<128x64xf32, #tpu.memory_space<vmem>>, vector<16xf32>,
      %gather3A_739 = tpu.vector_load_idx %arg14[%add3A_9, %broadcast_in_dim3A_734] : memref<64x128xf32, #tpu.memory_space<vmem>>[vector<16xi32>, vector<16xi32>], vector<16xf32>,
      %swap3A_740 = arith.index_cast %add3A_733 : i32 to index
      %swap3A_741 = arith.constant 16 : index
      %swap3A_742 = tpu.vector_load %arg6[%swap3A_740, %swap3A_741] {strides = array<i32>} : memref<128x64xf32, #tpu.memory_space<vmem>>, vector<16xf32>,
      tpu.vector_store %arg6[%swap3A_740, %swap3A_741], %gather3A_739 {strides = array<i32>} : memref<128x64xf32, #tpu.memory_space<vmem>>, vector<16xf32>,
      %gather3A_743 = tpu.vector_load_idx %arg14[%add3A_13, %broadcast_in_dim3A_734] : memref<64x128xf32, #tpu.memory_space<vmem>>[vector<16xi32>, vector<16xi32>], vector<16xf32>,
      %swap3A_744 = arith.index_cast %add3A_733 : i32 to index
      %swap3A_745 = arith.constant 32 : index
      %swap3A_746 = tpu.vector_load %arg6[%swap3A_744, %swap3A_745] {strides = array<i32>} : memref<128x64xf32, #tpu.memory_space<vmem>>, vector<16xf32>,
      tpu.vector_store %arg6[%swap3A_744, %swap3A_745], %gather3A_743 {strides = array<i32>} : memref<128x64xf32, #tpu.memory_space<vmem>>, vector<16xf32>,
      %gather3A_747 = tpu.vector_load_idx %arg14[%add3A_17, %broadcast_in_dim3A_734] : memref<64x128xf32, #tpu.memory_space<vmem>>[vector<16xi32>, vector<16xi32>], vector<16xf32>,
      %swap3A_748 = arith.index_cast %add3A_733 : i32 to index
      %swap3A_749 = arith.constant 48 : index
      %swap3A_750 = tpu.vector_load %arg6[%swap3A_748, %swap3A_749] {strides = array<i32>} : memref<128x64xf32, #tpu.memory_space<vmem>>, vector<16xf32>,
      tpu.vector_store %arg6[%swap3A_748, %swap3A_749], %gather3A_747 {strides = array<i32>} : memref<128x64xf32, #tpu.memory_space<vmem>>, vector<16xf32>,
      %dma_start3A_751 = arith.constant 0 : i32
      %dma_start3A_752 = tpu.memref_slice %arg3[%dma_start3A_751, %multiple_of3A_724] : memref<64x1000001xf32, #tpu.memory_space<hbm>> -> memref<64x128xf32, #tpu.memory_space<hbm>>
      %dma_start3A_753 = arith.constant 0 : i32
      %dma_start3A_754 = tpu.memref_slice %arg3[%dma_start3A_753, %multiple_of3A_724] : memref<64x1000001xf32, #tpu.memory_space<hbm>> -> memref<64x128xf32, #tpu.memory_space<hbm>>
      tpu.enqueue_dma source(%dma_start3A_754 : memref<64x128xf32, #tpu.memory_space<hbm>>) target(%arg14 : memref<64x128xf32, #tpu.memory_space<vmem>>) target_semaphore(%arg22 : memref<!tpu.dma_semaphore, #tpu.memory_space<semaphore_mem>>)
      %dma_wait3A_755 = arith.constant 0 : i32
      %dma_wait3A_756 = tpu.memref_slice %arg3[%dma_wait3A_755, %multiple_of3A_315] : memref<64x1000001xf32, #tpu.memory_space<hbm>> -> memref<64x128xf32, #tpu.memory_space<hbm>>
      %dma_wait3A_757 = arith.constant 0 : i32
      %dma_wait3A_758 = tpu.memref_slice %arg3[%dma_wait3A_757, %multiple_of3A_315] : memref<64x1000001xf32, #tpu.memory_space<hbm>> -> memref<64x128xf32, #tpu.memory_space<hbm>>
      tpu.wait_dma2 semaphore(%arg15 : memref<!tpu.dma_semaphore, #tpu.memory_space<semaphore_mem>>) src(%dma_wait3A_758 : memref<64x128xf32, #tpu.memory_space<hbm>>) dst(%arg7 : memref<64x128xf32, #tpu.memory_space<vmem>>)
      %mul3A_759 = arith.constant 16 : i32
      %mul3A_760 = arith.muli %scan3A_23, %mul3A_759 : i32
      %add3A_761 = arith.constant 8 : i32
      %add3A_762 = arith.addi %mul3A_760, %add3A_761 : i32
      %broadcast_in_dim3A_763 = vector.broadcast %sub3A_316 : i32 to vector<16xi32>
      %gather3A_764 = tpu.vector_load_idx %arg7[%add3A_5, %broadcast_in_dim3A_763] : memref<64x128xf32, #tpu.memory_space<vmem>>[vector<16xi32>, vector<16xi32>], vector<16xf32>,
      %swap3A_765 = arith.index_cast %add3A_762 : i32 to index
      %swap3A_766 = arith.constant 0 : index
      %swap3A_767 = tpu.vector_load %arg6[%swap3A_765, %swap3A_766] {strides = array<i32>} : memref<128x64xf32, #tpu.memory_space<vmem>>, vector<16xf32>,
      tpu.vector_store %arg6[%swap3A_765, %swap3A_766], %gather3A_764 {strides = array<i32>} : memref<128x64xf32, #tpu.memory_space<vmem>>, vector<16xf32>,
      %gather3A_768 = tpu.vector_load_idx %arg7[%add3A_9, %broadcast_in_dim3A_763] : memref<64x128xf32, #tpu.memory_space<vmem>>[vector<16xi32>, vector<16xi32>], vector<16xf32>,
      %swap3A_769 = arith.index_cast %add3A_762 : i32 to index
      %swap3A_770 = arith.constant 16 : index
      %swap3A_771 = tpu.vector_load %arg6[%swap3A_769, %swap3A_770] {strides = array<i32>} : memref<128x64xf32, #tpu.memory_space<vmem>>, vector<16xf32>,
      tpu.vector_store %arg6[%swap3A_769, %swap3A_770], %gather3A_768 {strides = array<i32>} : memref<128x64xf32, #tpu.memory_space<vmem>>, vector<16xf32>,
      %gather3A_772 = tpu.vector_load_idx %arg7[%add3A_13, %broadcast_in_dim3A_763] : memref<64x128xf32, #tpu.memory_space<vmem>>[vector<16xi32>, vector<16xi32>], vector<16xf32>,
      %swap3A_773 = arith.index_cast %add3A_762 : i32 to index
      %swap3A_774 = arith.constant 32 : index
      %swap3A_775 = tpu.vector_load %arg6[%swap3A_773, %swap3A_774] {strides = array<i32>} : memref<128x64xf32, #tpu.memory_space<vmem>>, vector<16xf32>,
      tpu.vector_store %arg6[%swap3A_773, %swap3A_774], %gather3A_772 {strides = array<i32>} : memref<128x64xf32, #tpu.memory_space<vmem>>, vector<16xf32>,
      %gather3A_776 = tpu.vector_load_idx %arg7[%add3A_17, %broadcast_in_dim3A_763] : memref<64x128xf32, #tpu.memory_space<vmem>>[vector<16xi32>, vector<16xi32>], vector<16xf32>,
      %swap3A_777 = arith.index_cast %add3A_762 : i32 to index
      %swap3A_778 = arith.constant 48 : index
      %swap3A_779 = tpu.vector_load %arg6[%swap3A_777, %swap3A_778] {strides = array<i32>} : memref<128x64xf32, #tpu.memory_space<vmem>>, vector<16xf32>,
      tpu.vector_store %arg6[%swap3A_777, %swap3A_778], %gather3A_776 {strides = array<i32>} : memref<128x64xf32, #tpu.memory_space<vmem>>, vector<16xf32>,
      %dma_wait3A_780 = arith.constant 0 : i32
      %dma_wait3A_781 = tpu.memref_slice %arg3[%dma_wait3A_780, %multiple_of3A_370] : memref<64x1000001xf32, #tpu.memory_space<hbm>> -> memref<64x128xf32, #tpu.memory_space<hbm>>
      %dma_wait3A_782 = arith.constant 0 : i32
      %dma_wait3A_783 = tpu.memref_slice %arg3[%dma_wait3A_782, %multiple_of3A_370] : memref<64x1000001xf32, #tpu.memory_space<hbm>> -> memref<64x128xf32, #tpu.memory_space<hbm>>
      tpu.wait_dma2 semaphore(%arg16 : memref<!tpu.dma_semaphore, #tpu.memory_space<semaphore_mem>>) src(%dma_wait3A_783 : memref<64x128xf32, #tpu.memory_space<hbm>>) dst(%arg8 : memref<64x128xf32, #tpu.memory_space<vmem>>)
      %mul3A_784 = arith.constant 16 : i32
      %mul3A_785 = arith.muli %scan3A_23, %mul3A_784 : i32
      %add3A_786 = arith.constant 9 : i32
      %add3A_787 = arith.addi %mul3A_785, %add3A_786 : i32
      %broadcast_in_dim3A_788 = vector.broadcast %sub3A_371 : i32 to vector<16xi32>
      %gather3A_789 = tpu.vector_load_idx %arg8[%add3A_5, %broadcast_in_dim3A_788] : memref<64x128xf32, #tpu.memory_space<vmem>>[vector<16xi32>, vector<16xi32>], vector<16xf32>,
      %swap3A_790 = arith.index_cast %add3A_787 : i32 to index
      %swap3A_791 = arith.constant 0 : index
      %swap3A_792 = tpu.vector_load %arg6[%swap3A_790, %swap3A_791] {strides = array<i32>} : memref<128x64xf32, #tpu.memory_space<vmem>>, vector<16xf32>,
      tpu.vector_store %arg6[%swap3A_790, %swap3A_791], %gather3A_789 {strides = array<i32>} : memref<128x64xf32, #tpu.memory_space<vmem>>, vector<16xf32>,
      %gather3A_793 = tpu.vector_load_idx %arg8[%add3A_9, %broadcast_in_dim3A_788] : memref<64x128xf32, #tpu.memory_space<vmem>>[vector<16xi32>, vector<16xi32>], vector<16xf32>,
      %swap3A_794 = arith.index_cast %add3A_787 : i32 to index
      %swap3A_795 = arith.constant 16 : index
      %swap3A_796 = tpu.vector_load %arg6[%swap3A_794, %swap3A_795] {strides = array<i32>} : memref<128x64xf32, #tpu.memory_space<vmem>>, vector<16xf32>,
      tpu.vector_store %arg6[%swap3A_794, %swap3A_795], %gather3A_793 {strides = array<i32>} : memref<128x64xf32, #tpu.memory_space<vmem>>, vector<16xf32>,
      %gather3A_797 = tpu.vector_load_idx %arg8[%add3A_13, %broadcast_in_dim3A_788] : memref<64x128xf32, #tpu.memory_space<vmem>>[vector<16xi32>, vector<16xi32>], vector<16xf32>,
      %swap3A_798 = arith.index_cast %add3A_787 : i32 to index
      %swap3A_799 = arith.constant 32 : index
      %swap3A_800 = tpu.vector_load %arg6[%swap3A_798, %swap3A_799] {strides = array<i32>} : memref<128x64xf32, #tpu.memory_space<vmem>>, vector<16xf32>,
      tpu.vector_store %arg6[%swap3A_798, %swap3A_799], %gather3A_797 {strides = array<i32>} : memref<128x64xf32, #tpu.memory_space<vmem>>, vector<16xf32>,
      %gather3A_801 = tpu.vector_load_idx %arg8[%add3A_17, %broadcast_in_dim3A_788] : memref<64x128xf32, #tpu.memory_space<vmem>>[vector<16xi32>, vector<16xi32>], vector<16xf32>,
      %swap3A_802 = arith.index_cast %add3A_787 : i32 to index
      %swap3A_803 = arith.constant 48 : index
      %swap3A_804 = tpu.vector_load %arg6[%swap3A_802, %swap3A_803] {strides = array<i32>} : memref<128x64xf32, #tpu.memory_space<vmem>>, vector<16xf32>,
      tpu.vector_store %arg6[%swap3A_802, %swap3A_803], %gather3A_801 {strides = array<i32>} : memref<128x64xf32, #tpu.memory_space<vmem>>, vector<16xf32>,
      %dma_wait3A_805 = arith.constant 0 : i32
      %dma_wait3A_806 = tpu.memref_slice %arg3[%dma_wait3A_805, %multiple_of3A_429] : memref<64x1000001xf32, #tpu.memory_space<hbm>> -> memref<64x128xf32, #tpu.memory_space<hbm>>
      %dma_wait3A_807 = arith.constant 0 : i32
      %dma_wait3A_808 = tpu.memref_slice %arg3[%dma_wait3A_807, %multiple_of3A_429] : memref<64x1000001xf32, #tpu.memory_space<hbm>> -> memref<64x128xf32, #tpu.memory_space<hbm>>
      tpu.wait_dma2 semaphore(%arg17 : memref<!tpu.dma_semaphore, #tpu.memory_space<semaphore_mem>>) src(%dma_wait3A_808 : memref<64x128xf32, #tpu.memory_space<hbm>>) dst(%arg9 : memref<64x128xf32, #tpu.memory_space<vmem>>)
      %mul3A_809 = arith.constant 16 : i32
      %mul3A_810 = arith.muli %scan3A_23, %mul3A_809 : i32
      %add3A_811 = arith.constant 10 : i32
      %add3A_812 = arith.addi %mul3A_810, %add3A_811 : i32
      %broadcast_in_dim3A_813 = vector.broadcast %sub3A_430 : i32 to vector<16xi32>
      %gather3A_814 = tpu.vector_load_idx %arg9[%add3A_5, %broadcast_in_dim3A_813] : memref<64x128xf32, #tpu.memory_space<vmem>>[vector<16xi32>, vector<16xi32>], vector<16xf32>,
      %swap3A_815 = arith.index_cast %add3A_812 : i32 to index
      %swap3A_816 = arith.constant 0 : index
      %swap3A_817 = tpu.vector_load %arg6[%swap3A_815, %swap3A_816] {strides = array<i32>} : memref<128x64xf32, #tpu.memory_space<vmem>>, vector<16xf32>,
      tpu.vector_store %arg6[%swap3A_815, %swap3A_816], %gather3A_814 {strides = array<i32>} : memref<128x64xf32, #tpu.memory_space<vmem>>, vector<16xf32>,
      %gather3A_818 = tpu.vector_load_idx %arg9[%add3A_9, %broadcast_in_dim3A_813] : memref<64x128xf32, #tpu.memory_space<vmem>>[vector<16xi32>, vector<16xi32>], vector<16xf32>,
      %swap3A_819 = arith.index_cast %add3A_812 : i32 to index
      %swap3A_820 = arith.constant 16 : index
      %swap3A_821 = tpu.vector_load %arg6[%swap3A_819, %swap3A_820] {strides = array<i32>} : memref<128x64xf32, #tpu.memory_space<vmem>>, vector<16xf32>,
      tpu.vector_store %arg6[%swap3A_819, %swap3A_820], %gather3A_818 {strides = array<i32>} : memref<128x64xf32, #tpu.memory_space<vmem>>, vector<16xf32>,
      %gather3A_822 = tpu.vector_load_idx %arg9[%add3A_13, %broadcast_in_dim3A_813] : memref<64x128xf32, #tpu.memory_space<vmem>>[vector<16xi32>, vector<16xi32>], vector<16xf32>,
      %swap3A_823 = arith.index_cast %add3A_812 : i32 to index
      %swap3A_824 = arith.constant 32 : index
      %swap3A_825 = tpu.vector_load %arg6[%swap3A_823, %swap3A_824] {strides = array<i32>} : memref<128x64xf32, #tpu.memory_space<vmem>>, vector<16xf32>,
      tpu.vector_store %arg6[%swap3A_823, %swap3A_824], %gather3A_822 {strides = array<i32>} : memref<128x64xf32, #tpu.memory_space<vmem>>, vector<16xf32>,
      %gather3A_826 = tpu.vector_load_idx %arg9[%add3A_17, %broadcast_in_dim3A_813] : memref<64x128xf32, #tpu.memory_space<vmem>>[vector<16xi32>, vector<16xi32>], vector<16xf32>,
      %swap3A_827 = arith.index_cast %add3A_812 : i32 to index
      %swap3A_828 = arith.constant 48 : index
      %swap3A_829 = tpu.vector_load %arg6[%swap3A_827, %swap3A_828] {strides = array<i32>} : memref<128x64xf32, #tpu.memory_space<vmem>>, vector<16xf32>,
      tpu.vector_store %arg6[%swap3A_827, %swap3A_828], %gather3A_826 {strides = array<i32>} : memref<128x64xf32, #tpu.memory_space<vmem>>, vector<16xf32>,
      %dma_wait3A_830 = arith.constant 0 : i32
      %dma_wait3A_831 = tpu.memref_slice %arg3[%dma_wait3A_830, %multiple_of3A_488] : memref<64x1000001xf32, #tpu.memory_space<hbm>> -> memref<64x128xf32, #tpu.memory_space<hbm>>
      %dma_wait3A_832 = arith.constant 0 : i32
      %dma_wait3A_833 = tpu.memref_slice %arg3[%dma_wait3A_832, %multiple_of3A_488] : memref<64x1000001xf32, #tpu.memory_space<hbm>> -> memref<64x128xf32, #tpu.memory_space<hbm>>
      tpu.wait_dma2 semaphore(%arg18 : memref<!tpu.dma_semaphore, #tpu.memory_space<semaphore_mem>>) src(%dma_wait3A_833 : memref<64x128xf32, #tpu.memory_space<hbm>>) dst(%arg10 : memref<64x128xf32, #tpu.memory_space<vmem>>)
      %mul3A_834 = arith.constant 16 : i32
      %mul3A_835 = arith.muli %scan3A_23, %mul3A_834 : i32
      %add3A_836 = arith.constant 11 : i32
      %add3A_837 = arith.addi %mul3A_835, %add3A_836 : i32
      %broadcast_in_dim3A_838 = vector.broadcast %sub3A_489 : i32 to vector<16xi32>
      %gather3A_839 = tpu.vector_load_idx %arg10[%add3A_5, %broadcast_in_dim3A_838] : memref<64x128xf32, #tpu.memory_space<vmem>>[vector<16xi32>, vector<16xi32>], vector<16xf32>,
      %swap3A_840 = arith.index_cast %add3A_837 : i32 to index
      %swap3A_841 = arith.constant 0 : index
      %swap3A_842 = tpu.vector_load %arg6[%swap3A_840, %swap3A_841] {strides = array<i32>} : memref<128x64xf32, #tpu.memory_space<vmem>>, vector<16xf32>,
      tpu.vector_store %arg6[%swap3A_840, %swap3A_841], %gather3A_839 {strides = array<i32>} : memref<128x64xf32, #tpu.memory_space<vmem>>, vector<16xf32>,
      %gather3A_843 = tpu.vector_load_idx %arg10[%add3A_9, %broadcast_in_dim3A_838] : memref<64x128xf32, #tpu.memory_space<vmem>>[vector<16xi32>, vector<16xi32>], vector<16xf32>,
      %swap3A_844 = arith.index_cast %add3A_837 : i32 to index
      %swap3A_845 = arith.constant 16 : index
      %swap3A_846 = tpu.vector_load %arg6[%swap3A_844, %swap3A_845] {strides = array<i32>} : memref<128x64xf32, #tpu.memory_space<vmem>>, vector<16xf32>,
      tpu.vector_store %arg6[%swap3A_844, %swap3A_845], %gather3A_843 {strides = array<i32>} : memref<128x64xf32, #tpu.memory_space<vmem>>, vector<16xf32>,
      %gather3A_847 = tpu.vector_load_idx %arg10[%add3A_13, %broadcast_in_dim3A_838] : memref<64x128xf32, #tpu.memory_space<vmem>>[vector<16xi32>, vector<16xi32>], vector<16xf32>,
      %swap3A_848 = arith.index_cast %add3A_837 : i32 to index
      %swap3A_849 = arith.constant 32 : index
      %swap3A_850 = tpu.vector_load %arg6[%swap3A_848, %swap3A_849] {strides = array<i32>} : memref<128x64xf32, #tpu.memory_space<vmem>>, vector<16xf32>,
      tpu.vector_store %arg6[%swap3A_848, %swap3A_849], %gather3A_847 {strides = array<i32>} : memref<128x64xf32, #tpu.memory_space<vmem>>, vector<16xf32>,
      %gather3A_851 = tpu.vector_load_idx %arg10[%add3A_17, %broadcast_in_dim3A_838] : memref<64x128xf32, #tpu.memory_space<vmem>>[vector<16xi32>, vector<16xi32>], vector<16xf32>,
      %swap3A_852 = arith.index_cast %add3A_837 : i32 to index
      %swap3A_853 = arith.constant 48 : index
      %swap3A_854 = tpu.vector_load %arg6[%swap3A_852, %swap3A_853] {strides = array<i32>} : memref<128x64xf32, #tpu.memory_space<vmem>>, vector<16xf32>,
      tpu.vector_store %arg6[%swap3A_852, %swap3A_853], %gather3A_851 {strides = array<i32>} : memref<128x64xf32, #tpu.memory_space<vmem>>, vector<16xf32>,
      %dma_wait3A_855 = arith.constant 0 : i32
      %dma_wait3A_856 = tpu.memref_slice %arg3[%dma_wait3A_855, %multiple_of3A_547] : memref<64x1000001xf32, #tpu.memory_space<hbm>> -> memref<64x128xf32, #tpu.memory_space<hbm>>
      %dma_wait3A_857 = arith.constant 0 : i32
      %dma_wait3A_858 = tpu.memref_slice %arg3[%dma_wait3A_857, %multiple_of3A_547] : memref<64x1000001xf32, #tpu.memory_space<hbm>> -> memref<64x128xf32, #tpu.memory_space<hbm>>
      tpu.wait_dma2 semaphore(%arg19 : memref<!tpu.dma_semaphore, #tpu.memory_space<semaphore_mem>>) src(%dma_wait3A_858 : memref<64x128xf32, #tpu.memory_space<hbm>>) dst(%arg11 : memref<64x128xf32, #tpu.memory_space<vmem>>)
      %mul3A_859 = arith.constant 16 : i32
      %mul3A_860 = arith.muli %scan3A_23, %mul3A_859 : i32
      %add3A_861 = arith.constant 12 : i32
      %add3A_862 = arith.addi %mul3A_860, %add3A_861 : i32
      %broadcast_in_dim3A_863 = vector.broadcast %sub3A_548 : i32 to vector<16xi32>
      %gather3A_864 = tpu.vector_load_idx %arg11[%add3A_5, %broadcast_in_dim3A_863] : memref<64x128xf32, #tpu.memory_space<vmem>>[vector<16xi32>, vector<16xi32>], vector<16xf32>,
      %swap3A_865 = arith.index_cast %add3A_862 : i32 to index
      %swap3A_866 = arith.constant 0 : index
      %swap3A_867 = tpu.vector_load %arg6[%swap3A_865, %swap3A_866] {strides = array<i32>} : memref<128x64xf32, #tpu.memory_space<vmem>>, vector<16xf32>,
      tpu.vector_store %arg6[%swap3A_865, %swap3A_866], %gather3A_864 {strides = array<i32>} : memref<128x64xf32, #tpu.memory_space<vmem>>, vector<16xf32>,
      %gather3A_868 = tpu.vector_load_idx %arg11[%add3A_9, %broadcast_in_dim3A_863] : memref<64x128xf32, #tpu.memory_space<vmem>>[vector<16xi32>, vector<16xi32>], vector<16xf32>,
      %swap3A_869 = arith.index_cast %add3A_862 : i32 to index
      %swap3A_870 = arith.constant 16 : index
      %swap3A_871 = tpu.vector_load %arg6[%swap3A_869, %swap3A_870] {strides = array<i32>} : memref<128x64xf32, #tpu.memory_space<vmem>>, vector<16xf32>,
      tpu.vector_store %arg6[%swap3A_869, %swap3A_870], %gather3A_868 {strides = array<i32>} : memref<128x64xf32, #tpu.memory_space<vmem>>, vector<16xf32>,
      %gather3A_872 = tpu.vector_load_idx %arg11[%add3A_13, %broadcast_in_dim3A_863] : memref<64x128xf32, #tpu.memory_space<vmem>>[vector<16xi32>, vector<16xi32>], vector<16xf32>,
      %swap3A_873 = arith.index_cast %add3A_862 : i32 to index
      %swap3A_874 = arith.constant 32 : index
      %swap3A_875 = tpu.vector_load %arg6[%swap3A_873, %swap3A_874] {strides = array<i32>} : memref<128x64xf32, #tpu.memory_space<vmem>>, vector<16xf32>,
      tpu.vector_store %arg6[%swap3A_873, %swap3A_874], %gather3A_872 {strides = array<i32>} : memref<128x64xf32, #tpu.memory_space<vmem>>, vector<16xf32>,
      %gather3A_876 = tpu.vector_load_idx %arg11[%add3A_17, %broadcast_in_dim3A_863] : memref<64x128xf32, #tpu.memory_space<vmem>>[vector<16xi32>, vector<16xi32>], vector<16xf32>,
      %swap3A_877 = arith.index_cast %add3A_862 : i32 to index
      %swap3A_878 = arith.constant 48 : index
      %swap3A_879 = tpu.vector_load %arg6[%swap3A_877, %swap3A_878] {strides = array<i32>} : memref<128x64xf32, #tpu.memory_space<vmem>>, vector<16xf32>,
      tpu.vector_store %arg6[%swap3A_877, %swap3A_878], %gather3A_876 {strides = array<i32>} : memref<128x64xf32, #tpu.memory_space<vmem>>, vector<16xf32>,
      %dma_wait3A_880 = arith.constant 0 : i32
      %dma_wait3A_881 = tpu.memref_slice %arg3[%dma_wait3A_880, %multiple_of3A_606] : memref<64x1000001xf32, #tpu.memory_space<hbm>> -> memref<64x128xf32, #tpu.memory_space<hbm>>
      %dma_wait3A_882 = arith.constant 0 : i32
      %dma_wait3A_883 = tpu.memref_slice %arg3[%dma_wait3A_882, %multiple_of3A_606] : memref<64x1000001xf32, #tpu.memory_space<hbm>> -> memref<64x128xf32, #tpu.memory_space<hbm>>
      tpu.wait_dma2 semaphore(%arg20 : memref<!tpu.dma_semaphore, #tpu.memory_space<semaphore_mem>>) src(%dma_wait3A_883 : memref<64x128xf32, #tpu.memory_space<hbm>>) dst(%arg12 : memref<64x128xf32, #tpu.memory_space<vmem>>)
      %mul3A_884 = arith.constant 16 : i32
      %mul3A_885 = arith.muli %scan3A_23, %mul3A_884 : i32
      %add3A_886 = arith.constant 13 : i32
      %add3A_887 = arith.addi %mul3A_885, %add3A_886 : i32
      %broadcast_in_dim3A_888 = vector.broadcast %sub3A_607 : i32 to vector<16xi32>
      %gather3A_889 = tpu.vector_load_idx %arg12[%add3A_5, %broadcast_in_dim3A_888] : memref<64x128xf32, #tpu.memory_space<vmem>>[vector<16xi32>, vector<16xi32>], vector<16xf32>,
      %swap3A_890 = arith.index_cast %add3A_887 : i32 to index
      %swap3A_891 = arith.constant 0 : index
      %swap3A_892 = tpu.vector_load %arg6[%swap3A_890, %swap3A_891] {strides = array<i32>} : memref<128x64xf32, #tpu.memory_space<vmem>>, vector<16xf32>,
      tpu.vector_store %arg6[%swap3A_890, %swap3A_891], %gather3A_889 {strides = array<i32>} : memref<128x64xf32, #tpu.memory_space<vmem>>, vector<16xf32>,
      %gather3A_893 = tpu.vector_load_idx %arg12[%add3A_9, %broadcast_in_dim3A_888] : memref<64x128xf32, #tpu.memory_space<vmem>>[vector<16xi32>, vector<16xi32>], vector<16xf32>,
      %swap3A_894 = arith.index_cast %add3A_887 : i32 to index
      %swap3A_895 = arith.constant 16 : index
      %swap3A_896 = tpu.vector_load %arg6[%swap3A_894, %swap3A_895] {strides = array<i32>} : memref<128x64xf32, #tpu.memory_space<vmem>>, vector<16xf32>,
      tpu.vector_store %arg6[%swap3A_894, %swap3A_895], %gather3A_893 {strides = array<i32>} : memref<128x64xf32, #tpu.memory_space<vmem>>, vector<16xf32>,
      %gather3A_897 = tpu.vector_load_idx %arg12[%add3A_13, %broadcast_in_dim3A_888] : memref<64x128xf32, #tpu.memory_space<vmem>>[vector<16xi32>, vector<16xi32>], vector<16xf32>,
      %swap3A_898 = arith.index_cast %add3A_887 : i32 to index
      %swap3A_899 = arith.constant 32 : index
      %swap3A_900 = tpu.vector_load %arg6[%swap3A_898, %swap3A_899] {strides = array<i32>} : memref<128x64xf32, #tpu.memory_space<vmem>>, vector<16xf32>,
      tpu.vector_store %arg6[%swap3A_898, %swap3A_899], %gather3A_897 {strides = array<i32>} : memref<128x64xf32, #tpu.memory_space<vmem>>, vector<16xf32>,
      %gather3A_901 = tpu.vector_load_idx %arg12[%add3A_17, %broadcast_in_dim3A_888] : memref<64x128xf32, #tpu.memory_space<vmem>>[vector<16xi32>, vector<16xi32>], vector<16xf32>,
      %swap3A_902 = arith.index_cast %add3A_887 : i32 to index
      %swap3A_903 = arith.constant 48 : index
      %swap3A_904 = tpu.vector_load %arg6[%swap3A_902, %swap3A_903] {strides = array<i32>} : memref<128x64xf32, #tpu.memory_space<vmem>>, vector<16xf32>,
      tpu.vector_store %arg6[%swap3A_902, %swap3A_903], %gather3A_901 {strides = array<i32>} : memref<128x64xf32, #tpu.memory_space<vmem>>, vector<16xf32>,
      %dma_wait3A_905 = arith.constant 0 : i32
      %dma_wait3A_906 = tpu.memref_slice %arg3[%dma_wait3A_905, %multiple_of3A_665] : memref<64x1000001xf32, #tpu.memory_space<hbm>> -> memref<64x128xf32, #tpu.memory_space<hbm>>
      %dma_wait3A_907 = arith.constant 0 : i32
      %dma_wait3A_908 = tpu.memref_slice %arg3[%dma_wait3A_907, %multiple_of3A_665] : memref<64x1000001xf32, #tpu.memory_space<hbm>> -> memref<64x128xf32, #tpu.memory_space<hbm>>
      tpu.wait_dma2 semaphore(%arg21 : memref<!tpu.dma_semaphore, #tpu.memory_space<semaphore_mem>>) src(%dma_wait3A_908 : memref<64x128xf32, #tpu.memory_space<hbm>>) dst(%arg13 : memref<64x128xf32, #tpu.memory_space<vmem>>)
      %mul3A_909 = arith.constant 16 : i32
      %mul3A_910 = arith.muli %scan3A_23, %mul3A_909 : i32
      %add3A_911 = arith.constant 14 : i32
      %add3A_912 = arith.addi %mul3A_910, %add3A_911 : i32
      %broadcast_in_dim3A_913 = vector.broadcast %sub3A_666 : i32 to vector<16xi32>
      %gather3A_914 = tpu.vector_load_idx %arg13[%add3A_5, %broadcast_in_dim3A_913] : memref<64x128xf32, #tpu.memory_space<vmem>>[vector<16xi32>, vector<16xi32>], vector<16xf32>,
      %swap3A_915 = arith.index_cast %add3A_912 : i32 to index
      %swap3A_916 = arith.constant 0 : index
      %swap3A_917 = tpu.vector_load %arg6[%swap3A_915, %swap3A_916] {strides = array<i32>} : memref<128x64xf32, #tpu.memory_space<vmem>>, vector<16xf32>,
      tpu.vector_store %arg6[%swap3A_915, %swap3A_916], %gather3A_914 {strides = array<i32>} : memref<128x64xf32, #tpu.memory_space<vmem>>, vector<16xf32>,
      %gather3A_918 = tpu.vector_load_idx %arg13[%add3A_9, %broadcast_in_dim3A_913] : memref<64x128xf32, #tpu.memory_space<vmem>>[vector<16xi32>, vector<16xi32>], vector<16xf32>,
      %swap3A_919 = arith.index_cast %add3A_912 : i32 to index
      %swap3A_920 = arith.constant 16 : index
      %swap3A_921 = tpu.vector_load %arg6[%swap3A_919, %swap3A_920] {strides = array<i32>} : memref<128x64xf32, #tpu.memory_space<vmem>>, vector<16xf32>,
      tpu.vector_store %arg6[%swap3A_919, %swap3A_920], %gather3A_918 {strides = array<i32>} : memref<128x64xf32, #tpu.memory_space<vmem>>, vector<16xf32>,
      %gather3A_922 = tpu.vector_load_idx %arg13[%add3A_13, %broadcast_in_dim3A_913] : memref<64x128xf32, #tpu.memory_space<vmem>>[vector<16xi32>, vector<16xi32>], vector<16xf32>,
      %swap3A_923 = arith.index_cast %add3A_912 : i32 to index
      %swap3A_924 = arith.constant 32 : index
      %swap3A_925 = tpu.vector_load %arg6[%swap3A_923, %swap3A_924] {strides = array<i32>} : memref<128x64xf32, #tpu.memory_space<vmem>>, vector<16xf32>,
      tpu.vector_store %arg6[%swap3A_923, %swap3A_924], %gather3A_922 {strides = array<i32>} : memref<128x64xf32, #tpu.memory_space<vmem>>, vector<16xf32>,
      %gather3A_926 = tpu.vector_load_idx %arg13[%add3A_17, %broadcast_in_dim3A_913] : memref<64x128xf32, #tpu.memory_space<vmem>>[vector<16xi32>, vector<16xi32>], vector<16xf32>,
      %swap3A_927 = arith.index_cast %add3A_912 : i32 to index
      %swap3A_928 = arith.constant 48 : index
      %swap3A_929 = tpu.vector_load %arg6[%swap3A_927, %swap3A_928] {strides = array<i32>} : memref<128x64xf32, #tpu.memory_space<vmem>>, vector<16xf32>,
      tpu.vector_store %arg6[%swap3A_927, %swap3A_928], %gather3A_926 {strides = array<i32>} : memref<128x64xf32, #tpu.memory_space<vmem>>, vector<16xf32>,
      %dma_wait3A_930 = arith.constant 0 : i32
      %dma_wait3A_931 = tpu.memref_slice %arg3[%dma_wait3A_930, %multiple_of3A_724] : memref<64x1000001xf32, #tpu.memory_space<hbm>> -> memref<64x128xf32, #tpu.memory_space<hbm>>
      %dma_wait3A_932 = arith.constant 0 : i32
      %dma_wait3A_933 = tpu.memref_slice %arg3[%dma_wait3A_932, %multiple_of3A_724] : memref<64x1000001xf32, #tpu.memory_space<hbm>> -> memref<64x128xf32, #tpu.memory_space<hbm>>
      tpu.wait_dma2 semaphore(%arg22 : memref<!tpu.dma_semaphore, #tpu.memory_space<semaphore_mem>>) src(%dma_wait3A_933 : memref<64x128xf32, #tpu.memory_space<hbm>>) dst(%arg14 : memref<64x128xf32, #tpu.memory_space<vmem>>)
      %mul3A_934 = arith.constant 16 : i32
      %mul3A_935 = arith.muli %scan3A_23, %mul3A_934 : i32
      %add3A_936 = arith.constant 15 : i32
      %add3A_937 = arith.addi %mul3A_935, %add3A_936 : i32
      %broadcast_in_dim3A_938 = vector.broadcast %sub3A_725 : i32 to vector<16xi32>
      %gather3A_939 = tpu.vector_load_idx %arg14[%add3A_5, %broadcast_in_dim3A_938] : memref<64x128xf32, #tpu.memory_space<vmem>>[vector<16xi32>, vector<16xi32>], vector<16xf32>,
      %swap3A_940 = arith.index_cast %add3A_937 : i32 to index
      %swap3A_941 = arith.constant 0 : index
      %swap3A_942 = tpu.vector_load %arg6[%swap3A_940, %swap3A_941] {strides = array<i32>} : memref<128x64xf32, #tpu.memory_space<vmem>>, vector<16xf32>,
      tpu.vector_store %arg6[%swap3A_940, %swap3A_941], %gather3A_939 {strides = array<i32>} : memref<128x64xf32, #tpu.memory_space<vmem>>, vector<16xf32>,
      %gather3A_943 = tpu.vector_load_idx %arg14[%add3A_9, %broadcast_in_dim3A_938] : memref<64x128xf32, #tpu.memory_space<vmem>>[vector<16xi32>, vector<16xi32>], vector<16xf32>,
      %swap3A_944 = arith.index_cast %add3A_937 : i32 to index
      %swap3A_945 = arith.constant 16 : index
      %swap3A_946 = tpu.vector_load %arg6[%swap3A_944, %swap3A_945] {strides = array<i32>} : memref<128x64xf32, #tpu.memory_space<vmem>>, vector<16xf32>,
      tpu.vector_store %arg6[%swap3A_944, %swap3A_945], %gather3A_943 {strides = array<i32>} : memref<128x64xf32, #tpu.memory_space<vmem>>, vector<16xf32>,
      %gather3A_947 = tpu.vector_load_idx %arg14[%add3A_13, %broadcast_in_dim3A_938] : memref<64x128xf32, #tpu.memory_space<vmem>>[vector<16xi32>, vector<16xi32>], vector<16xf32>,
      %swap3A_948 = arith.index_cast %add3A_937 : i32 to index
      %swap3A_949 = arith.constant 32 : index
      %swap3A_950 = tpu.vector_load %arg6[%swap3A_948, %swap3A_949] {strides = array<i32>} : memref<128x64xf32, #tpu.memory_space<vmem>>, vector<16xf32>,
      tpu.vector_store %arg6[%swap3A_948, %swap3A_949], %gather3A_947 {strides = array<i32>} : memref<128x64xf32, #tpu.memory_space<vmem>>, vector<16xf32>,
      %gather3A_951 = tpu.vector_load_idx %arg14[%add3A_17, %broadcast_in_dim3A_938] : memref<64x128xf32, #tpu.memory_space<vmem>>[vector<16xi32>, vector<16xi32>], vector<16xf32>,
      %swap3A_952 = arith.index_cast %add3A_937 : i32 to index
      %swap3A_953 = arith.constant 48 : index
      %swap3A_954 = tpu.vector_load %arg6[%swap3A_952, %swap3A_953] {strides = array<i32>} : memref<128x64xf32, #tpu.memory_space<vmem>>, vector<16xf32>,
      tpu.vector_store %arg6[%swap3A_952, %swap3A_953], %gather3A_951 {strides = array<i32>} : memref<128x64xf32, #tpu.memory_space<vmem>>, vector<16xf32>,
    }
    %scan3A_22 = arith.constant 8 : i32
    "tpu.region"() ({
      %run_scoped3A = tpu.sem_alloc : memref<!tpu.dma_semaphore, #tpu.memory_space<semaphore_mem>>
      %dma_start3A = arith.constant 0 : i32
      %dma_start3A_23 = tpu.memref_slice %arg4[%mul3A_2, %dma_start3A] : memref<4096x64xf32, #tpu.memory_space<hbm>> -> memref<128x64xf32, #tpu.memory_space<hbm>>
      %dma_start3A_24 = arith.constant 0 : i32
      %dma_start3A_25 = tpu.memref_slice %arg4[%mul3A_2, %dma_start3A_24] : memref<4096x64xf32, #tpu.memory_space<hbm>> -> memref<128x64xf32, #tpu.memory_space<hbm>>
      tpu.enqueue_dma source(%arg6 : memref<128x64xf32, #tpu.memory_space<vmem>>) target(%dma_start3A_25 : memref<128x64xf32, #tpu.memory_space<hbm>>) target_semaphore(%run_scoped3A : memref<!tpu.dma_semaphore, #tpu.memory_space<semaphore_mem>>)
      %dma_wait3A = arith.constant 0 : i32
      %dma_wait3A_26 = tpu.memref_slice %arg4[%mul3A_2, %dma_wait3A] : memref<4096x64xf32, #tpu.memory_space<hbm>> -> memref<128x64xf32, #tpu.memory_space<hbm>>
      %dma_wait3A_27 = arith.constant 0 : i32
      %dma_wait3A_28 = tpu.memref_slice %arg4[%mul3A_2, %dma_wait3A_27] : memref<4096x64xf32, #tpu.memory_space<hbm>> -> memref<128x64xf32, #tpu.memory_space<hbm>>
      tpu.wait_dma2 semaphore(%run_scoped3A : memref<!tpu.dma_semaphore, #tpu.memory_space<semaphore_mem>>) src(%arg6 : memref<128x64xf32, #tpu.memory_space<vmem>>) dst(%dma_wait3A_28 : memref<128x64xf32, #tpu.memory_space<hbm>>)
      tpu.yield
    }) : () -> ()
    return
  }
}

#map = affine_map<(d0, d1) -> (0)>
#map1 = affine_map<(d0, d1) -> (0, 0)>
#map2 = affine_map<(d0, d1) -> (0, 0, 0)>
module attributes {stable_mosaic.version = 14 : i64} {
  func.func @_gather_b(%arg0: i32, %arg1: i32, %arg2: memref<4096xi32, #tpu.memory_space<hbm>>, %arg3: memref<4096xi32, #tpu.memory_space<hbm>>, %arg4: memref<4096xi32, #tpu.memory_space<hbm>>, %arg5: memref<4096xi32, #tpu.memory_space<hbm>>, %arg6: memref<100001x64xf32, #tpu.memory_space<hbm>>, %arg7: memref<1001x64xf32, #tpu.memory_space<hbm>>, %arg8: memref<100001x64xf32, #tpu.memory_space<hbm>>, %arg9: memref<1001x64xf32, #tpu.memory_space<hbm>>, %arg10: memref<4096x64xf32, #tpu.memory_space<hbm>>, %arg11: memref<4x4096x64xf32, #tpu.memory_space<hbm>>, %arg12: memref<128xi32, #tpu.memory_space<vmem>>, %arg13: memref<128xi32, #tpu.memory_space<vmem>>, %arg14: memref<128xi32, #tpu.memory_space<vmem>>, %arg15: memref<128xi32, #tpu.memory_space<vmem>>, %arg16: memref<128x64xf32, #tpu.memory_space<vmem>>, %arg17: memref<128x64xf32, #tpu.memory_space<vmem>>, %arg18: memref<128x64xf32, #tpu.memory_space<vmem>>, %arg19: memref<128x64xf32, #tpu.memory_space<vmem>>, %arg20: memref<!tpu.dma_semaphore, #tpu.memory_space<semaphore_mem>>, %arg21: memref<!tpu.dma_semaphore, #tpu.memory_space<semaphore_mem>>, %arg22: memref<!tpu.dma_semaphore, #tpu.memory_space<semaphore_mem>>, %arg23: memref<!tpu.dma_semaphore, #tpu.memory_space<semaphore_mem>>) attributes {dimension_semantics = [#tpu.dimension_semantics<core_parallel>, #tpu.dimension_semantics<subcore_parallel>], iteration_bounds = array<i64: 2, 16>, scalar_prefetch = 0 : i64, scratch_operands = 12 : i64, tpu.core_type = #tpu.core_type<sc_vector_subcore>, window_params = [{transform_indices = #map}, {transform_indices = #map}, {transform_indices = #map}, {transform_indices = #map}, {transform_indices = #map1}, {transform_indices = #map1}, {transform_indices = #map1}, {transform_indices = #map1}, {transform_indices = #map1}, {transform_indices = #map2}]} {
    %mul3A = arith.constant 2 : i32
    %mul3A_0 = arith.muli %arg1, %mul3A : i32
    %add3A = arith.addi %mul3A_0, %arg0 : i32
    %mul3A_1 = arith.constant 128 : i32
    %mul3A_2 = arith.muli %add3A, %mul3A_1 : i32
    "tpu.region"() ({
      %run_scoped3A_56 = tpu.sem_alloc : memref<!tpu.dma_semaphore, #tpu.memory_space<semaphore_mem>>
      %dma_start3A = tpu.memref_slice %arg2[%mul3A_2] : memref<4096xi32, #tpu.memory_space<hbm>> -> memref<128xi32, #tpu.memory_space<hbm>>
      %dma_start3A_57 = tpu.memref_slice %arg2[%mul3A_2] : memref<4096xi32, #tpu.memory_space<hbm>> -> memref<128xi32, #tpu.memory_space<hbm>>
      tpu.enqueue_dma source(%dma_start3A_57 : memref<128xi32, #tpu.memory_space<hbm>>) target(%arg12 : memref<128xi32, #tpu.memory_space<vmem>>) target_semaphore(%run_scoped3A_56 : memref<!tpu.dma_semaphore, #tpu.memory_space<semaphore_mem>>)
      %dma_wait3A_58 = tpu.memref_slice %arg2[%mul3A_2] : memref<4096xi32, #tpu.memory_space<hbm>> -> memref<128xi32, #tpu.memory_space<hbm>>
      %dma_wait3A_59 = tpu.memref_slice %arg2[%mul3A_2] : memref<4096xi32, #tpu.memory_space<hbm>> -> memref<128xi32, #tpu.memory_space<hbm>>
      tpu.wait_dma2 semaphore(%run_scoped3A_56 : memref<!tpu.dma_semaphore, #tpu.memory_space<semaphore_mem>>) src(%dma_wait3A_59 : memref<128xi32, #tpu.memory_space<hbm>>) dst(%arg12 : memref<128xi32, #tpu.memory_space<vmem>>)
      tpu.yield
    }) : () -> ()
    "tpu.region"() ({
      %run_scoped3A_56 = tpu.sem_alloc : memref<!tpu.dma_semaphore, #tpu.memory_space<semaphore_mem>>
      %dma_start3A = tpu.memref_slice %arg3[%mul3A_2] : memref<4096xi32, #tpu.memory_space<hbm>> -> memref<128xi32, #tpu.memory_space<hbm>>
      %dma_start3A_57 = tpu.memref_slice %arg3[%mul3A_2] : memref<4096xi32, #tpu.memory_space<hbm>> -> memref<128xi32, #tpu.memory_space<hbm>>
      tpu.enqueue_dma source(%dma_start3A_57 : memref<128xi32, #tpu.memory_space<hbm>>) target(%arg13 : memref<128xi32, #tpu.memory_space<vmem>>) target_semaphore(%run_scoped3A_56 : memref<!tpu.dma_semaphore, #tpu.memory_space<semaphore_mem>>)
      %dma_wait3A_58 = tpu.memref_slice %arg3[%mul3A_2] : memref<4096xi32, #tpu.memory_space<hbm>> -> memref<128xi32, #tpu.memory_space<hbm>>
      %dma_wait3A_59 = tpu.memref_slice %arg3[%mul3A_2] : memref<4096xi32, #tpu.memory_space<hbm>> -> memref<128xi32, #tpu.memory_space<hbm>>
      tpu.wait_dma2 semaphore(%run_scoped3A_56 : memref<!tpu.dma_semaphore, #tpu.memory_space<semaphore_mem>>) src(%dma_wait3A_59 : memref<128xi32, #tpu.memory_space<hbm>>) dst(%arg13 : memref<128xi32, #tpu.memory_space<vmem>>)
      tpu.yield
    }) : () -> ()
    "tpu.region"() ({
      %run_scoped3A_56 = tpu.sem_alloc : memref<!tpu.dma_semaphore, #tpu.memory_space<semaphore_mem>>
      %dma_start3A = tpu.memref_slice %arg4[%mul3A_2] : memref<4096xi32, #tpu.memory_space<hbm>> -> memref<128xi32, #tpu.memory_space<hbm>>
      %dma_start3A_57 = tpu.memref_slice %arg4[%mul3A_2] : memref<4096xi32, #tpu.memory_space<hbm>> -> memref<128xi32, #tpu.memory_space<hbm>>
      tpu.enqueue_dma source(%dma_start3A_57 : memref<128xi32, #tpu.memory_space<hbm>>) target(%arg14 : memref<128xi32, #tpu.memory_space<vmem>>) target_semaphore(%run_scoped3A_56 : memref<!tpu.dma_semaphore, #tpu.memory_space<semaphore_mem>>)
      %dma_wait3A_58 = tpu.memref_slice %arg4[%mul3A_2] : memref<4096xi32, #tpu.memory_space<hbm>> -> memref<128xi32, #tpu.memory_space<hbm>>
      %dma_wait3A_59 = tpu.memref_slice %arg4[%mul3A_2] : memref<4096xi32, #tpu.memory_space<hbm>> -> memref<128xi32, #tpu.memory_space<hbm>>
      tpu.wait_dma2 semaphore(%run_scoped3A_56 : memref<!tpu.dma_semaphore, #tpu.memory_space<semaphore_mem>>) src(%dma_wait3A_59 : memref<128xi32, #tpu.memory_space<hbm>>) dst(%arg14 : memref<128xi32, #tpu.memory_space<vmem>>)
      tpu.yield
    }) : () -> ()
    "tpu.region"() ({
      %run_scoped3A_56 = tpu.sem_alloc : memref<!tpu.dma_semaphore, #tpu.memory_space<semaphore_mem>>
      %dma_start3A = tpu.memref_slice %arg5[%mul3A_2] : memref<4096xi32, #tpu.memory_space<hbm>> -> memref<128xi32, #tpu.memory_space<hbm>>
      %dma_start3A_57 = tpu.memref_slice %arg5[%mul3A_2] : memref<4096xi32, #tpu.memory_space<hbm>> -> memref<128xi32, #tpu.memory_space<hbm>>
      tpu.enqueue_dma source(%dma_start3A_57 : memref<128xi32, #tpu.memory_space<hbm>>) target(%arg15 : memref<128xi32, #tpu.memory_space<vmem>>) target_semaphore(%run_scoped3A_56 : memref<!tpu.dma_semaphore, #tpu.memory_space<semaphore_mem>>)
      %dma_wait3A_58 = tpu.memref_slice %arg5[%mul3A_2] : memref<4096xi32, #tpu.memory_space<hbm>> -> memref<128xi32, #tpu.memory_space<hbm>>
      %dma_wait3A_59 = tpu.memref_slice %arg5[%mul3A_2] : memref<4096xi32, #tpu.memory_space<hbm>> -> memref<128xi32, #tpu.memory_space<hbm>>
      tpu.wait_dma2 semaphore(%run_scoped3A_56 : memref<!tpu.dma_semaphore, #tpu.memory_space<semaphore_mem>>) src(%dma_wait3A_59 : memref<128xi32, #tpu.memory_space<hbm>>) dst(%arg15 : memref<128xi32, #tpu.memory_space<vmem>>)
      tpu.yield
    }) : () -> ()
    %scan3A = arith.constant 0 : i32
    %scan3A_3 = arith.constant 0 : i32
    %scan3A_4 = arith.constant 8 : i32
    %scan3A_5 = arith.addi %scan3A_3, %scan3A_4 : i32
    %scan3A_6 = arith.constant 1 : i32
    scf.for %scan3A_56 = %scan3A_3 to %scan3A_5 step %scan3A_6  : i32 {
      %mul3A_57 = arith.constant 16 : i32
      %mul3A_58 = arith.muli %scan3A_56, %mul3A_57 : i32
      %get3A = arith.index_cast %mul3A_58 : i32 to index
      %get3A_59 = tpu.vector_load %arg12[%get3A] {strides = array<i32>} : memref<128xi32, #tpu.memory_space<vmem>>, vector<16xi32>,
      %slice3A = vector.extract_strided_slice %get3A_59 {offsets = [0], sizes = [1], strides = [1]} : vector<16xi32> to vector<1xi32>
      %squeeze3A = vector.extract %slice3A[0] : i32 from vector<1xi32>
      %mul3A_60 = arith.constant 16 : i32
      %mul3A_61 = arith.muli %scan3A_56, %mul3A_60 : i32
      %add3A_62 = arith.constant 0 : i32
      %add3A_63 = arith.addi %mul3A_61, %add3A_62 : i32
      %dma_start3A = arith.constant 0 : i32
      %dma_start3A_64 = tpu.memref_slice %arg16[%add3A_63, %dma_start3A] : memref<128x64xf32, #tpu.memory_space<vmem>> -> memref<1x64xf32, #tpu.memory_space<vmem>>
      %dma_start3A_65 = tpu.memref_squeeze %dma_start3A_64 : memref<1x64xf32, #tpu.memory_space<vmem>> -> memref<64xf32, #tpu.memory_space<vmem>>
      %dma_start3A_66 = arith.constant 0 : i32
      %dma_start3A_67 = tpu.memref_slice %arg6[%squeeze3A, %dma_start3A_66] : memref<100001x64xf32, #tpu.memory_space<hbm>> -> memref<1x64xf32, #tpu.memory_space<hbm>>
      %dma_start3A_68 = tpu.memref_squeeze %dma_start3A_67 : memref<1x64xf32, #tpu.memory_space<hbm>> -> memref<64xf32, #tpu.memory_space<hbm>>
      %dma_start3A_69 = arith.constant 0 : i32
      %dma_start3A_70 = tpu.memref_slice %arg16[%add3A_63, %dma_start3A_69] : memref<128x64xf32, #tpu.memory_space<vmem>> -> memref<1x64xf32, #tpu.memory_space<vmem>>
      %dma_start3A_71 = tpu.memref_squeeze %dma_start3A_70 : memref<1x64xf32, #tpu.memory_space<vmem>> -> memref<64xf32, #tpu.memory_space<vmem>>
      %dma_start3A_72 = arith.constant 0 : i32
      %dma_start3A_73 = tpu.memref_slice %arg6[%squeeze3A, %dma_start3A_72] : memref<100001x64xf32, #tpu.memory_space<hbm>> -> memref<1x64xf32, #tpu.memory_space<hbm>>
      %dma_start3A_74 = tpu.memref_squeeze %dma_start3A_73 : memref<1x64xf32, #tpu.memory_space<hbm>> -> memref<64xf32, #tpu.memory_space<hbm>>
      tpu.enqueue_dma source(%dma_start3A_74 : memref<64xf32, #tpu.memory_space<hbm>>) target(%dma_start3A_71 : memref<64xf32, #tpu.memory_space<vmem>>) target_semaphore(%arg20 : memref<!tpu.dma_semaphore, #tpu.memory_space<semaphore_mem>>)
      %slice3A_75 = vector.extract_strided_slice %get3A_59 {offsets = [1], sizes = [1], strides = [1]} : vector<16xi32> to vector<1xi32>
      %squeeze3A_76 = vector.extract %slice3A_75[0] : i32 from vector<1xi32>
      %mul3A_77 = arith.constant 16 : i32
      %mul3A_78 = arith.muli %scan3A_56, %mul3A_77 : i32
      %add3A_79 = arith.constant 1 : i32
      %add3A_80 = arith.addi %mul3A_78, %add3A_79 : i32
      %dma_start3A_81 = arith.constant 0 : i32
      %dma_start3A_82 = tpu.memref_slice %arg16[%add3A_80, %dma_start3A_81] : memref<128x64xf32, #tpu.memory_space<vmem>> -> memref<1x64xf32, #tpu.memory_space<vmem>>
      %dma_start3A_83 = tpu.memref_squeeze %dma_start3A_82 : memref<1x64xf32, #tpu.memory_space<vmem>> -> memref<64xf32, #tpu.memory_space<vmem>>
      %dma_start3A_84 = arith.constant 0 : i32
      %dma_start3A_85 = tpu.memref_slice %arg6[%squeeze3A_76, %dma_start3A_84] : memref<100001x64xf32, #tpu.memory_space<hbm>> -> memref<1x64xf32, #tpu.memory_space<hbm>>
      %dma_start3A_86 = tpu.memref_squeeze %dma_start3A_85 : memref<1x64xf32, #tpu.memory_space<hbm>> -> memref<64xf32, #tpu.memory_space<hbm>>
      %dma_start3A_87 = arith.constant 0 : i32
      %dma_start3A_88 = tpu.memref_slice %arg16[%add3A_80, %dma_start3A_87] : memref<128x64xf32, #tpu.memory_space<vmem>> -> memref<1x64xf32, #tpu.memory_space<vmem>>
      %dma_start3A_89 = tpu.memref_squeeze %dma_start3A_88 : memref<1x64xf32, #tpu.memory_space<vmem>> -> memref<64xf32, #tpu.memory_space<vmem>>
      %dma_start3A_90 = arith.constant 0 : i32
      %dma_start3A_91 = tpu.memref_slice %arg6[%squeeze3A_76, %dma_start3A_90] : memref<100001x64xf32, #tpu.memory_space<hbm>> -> memref<1x64xf32, #tpu.memory_space<hbm>>
      %dma_start3A_92 = tpu.memref_squeeze %dma_start3A_91 : memref<1x64xf32, #tpu.memory_space<hbm>> -> memref<64xf32, #tpu.memory_space<hbm>>
      tpu.enqueue_dma source(%dma_start3A_92 : memref<64xf32, #tpu.memory_space<hbm>>) target(%dma_start3A_89 : memref<64xf32, #tpu.memory_space<vmem>>) target_semaphore(%arg20 : memref<!tpu.dma_semaphore, #tpu.memory_space<semaphore_mem>>)
      %slice3A_93 = vector.extract_strided_slice %get3A_59 {offsets = [2], sizes = [1], strides = [1]} : vector<16xi32> to vector<1xi32>
      %squeeze3A_94 = vector.extract %slice3A_93[0] : i32 from vector<1xi32>
      %mul3A_95 = arith.constant 16 : i32
      %mul3A_96 = arith.muli %scan3A_56, %mul3A_95 : i32
      %add3A_97 = arith.constant 2 : i32
      %add3A_98 = arith.addi %mul3A_96, %add3A_97 : i32
      %dma_start3A_99 = arith.constant 0 : i32
      %dma_start3A_100 = tpu.memref_slice %arg16[%add3A_98, %dma_start3A_99] : memref<128x64xf32, #tpu.memory_space<vmem>> -> memref<1x64xf32, #tpu.memory_space<vmem>>
      %dma_start3A_101 = tpu.memref_squeeze %dma_start3A_100 : memref<1x64xf32, #tpu.memory_space<vmem>> -> memref<64xf32, #tpu.memory_space<vmem>>
      %dma_start3A_102 = arith.constant 0 : i32
      %dma_start3A_103 = tpu.memref_slice %arg6[%squeeze3A_94, %dma_start3A_102] : memref<100001x64xf32, #tpu.memory_space<hbm>> -> memref<1x64xf32, #tpu.memory_space<hbm>>
      %dma_start3A_104 = tpu.memref_squeeze %dma_start3A_103 : memref<1x64xf32, #tpu.memory_space<hbm>> -> memref<64xf32, #tpu.memory_space<hbm>>
      %dma_start3A_105 = arith.constant 0 : i32
      %dma_start3A_106 = tpu.memref_slice %arg16[%add3A_98, %dma_start3A_105] : memref<128x64xf32, #tpu.memory_space<vmem>> -> memref<1x64xf32, #tpu.memory_space<vmem>>
      %dma_start3A_107 = tpu.memref_squeeze %dma_start3A_106 : memref<1x64xf32, #tpu.memory_space<vmem>> -> memref<64xf32, #tpu.memory_space<vmem>>
      %dma_start3A_108 = arith.constant 0 : i32
      %dma_start3A_109 = tpu.memref_slice %arg6[%squeeze3A_94, %dma_start3A_108] : memref<100001x64xf32, #tpu.memory_space<hbm>> -> memref<1x64xf32, #tpu.memory_space<hbm>>
      %dma_start3A_110 = tpu.memref_squeeze %dma_start3A_109 : memref<1x64xf32, #tpu.memory_space<hbm>> -> memref<64xf32, #tpu.memory_space<hbm>>
      tpu.enqueue_dma source(%dma_start3A_110 : memref<64xf32, #tpu.memory_space<hbm>>) target(%dma_start3A_107 : memref<64xf32, #tpu.memory_space<vmem>>) target_semaphore(%arg20 : memref<!tpu.dma_semaphore, #tpu.memory_space<semaphore_mem>>)
      %slice3A_111 = vector.extract_strided_slice %get3A_59 {offsets = [3], sizes = [1], strides = [1]} : vector<16xi32> to vector<1xi32>
      %squeeze3A_112 = vector.extract %slice3A_111[0] : i32 from vector<1xi32>
      %mul3A_113 = arith.constant 16 : i32
      %mul3A_114 = arith.muli %scan3A_56, %mul3A_113 : i32
      %add3A_115 = arith.constant 3 : i32
      %add3A_116 = arith.addi %mul3A_114, %add3A_115 : i32
      %dma_start3A_117 = arith.constant 0 : i32
      %dma_start3A_118 = tpu.memref_slice %arg16[%add3A_116, %dma_start3A_117] : memref<128x64xf32, #tpu.memory_space<vmem>> -> memref<1x64xf32, #tpu.memory_space<vmem>>
      %dma_start3A_119 = tpu.memref_squeeze %dma_start3A_118 : memref<1x64xf32, #tpu.memory_space<vmem>> -> memref<64xf32, #tpu.memory_space<vmem>>
      %dma_start3A_120 = arith.constant 0 : i32
      %dma_start3A_121 = tpu.memref_slice %arg6[%squeeze3A_112, %dma_start3A_120] : memref<100001x64xf32, #tpu.memory_space<hbm>> -> memref<1x64xf32, #tpu.memory_space<hbm>>
      %dma_start3A_122 = tpu.memref_squeeze %dma_start3A_121 : memref<1x64xf32, #tpu.memory_space<hbm>> -> memref<64xf32, #tpu.memory_space<hbm>>
      %dma_start3A_123 = arith.constant 0 : i32
      %dma_start3A_124 = tpu.memref_slice %arg16[%add3A_116, %dma_start3A_123] : memref<128x64xf32, #tpu.memory_space<vmem>> -> memref<1x64xf32, #tpu.memory_space<vmem>>
      %dma_start3A_125 = tpu.memref_squeeze %dma_start3A_124 : memref<1x64xf32, #tpu.memory_space<vmem>> -> memref<64xf32, #tpu.memory_space<vmem>>
      %dma_start3A_126 = arith.constant 0 : i32
      %dma_start3A_127 = tpu.memref_slice %arg6[%squeeze3A_112, %dma_start3A_126] : memref<100001x64xf32, #tpu.memory_space<hbm>> -> memref<1x64xf32, #tpu.memory_space<hbm>>
      %dma_start3A_128 = tpu.memref_squeeze %dma_start3A_127 : memref<1x64xf32, #tpu.memory_space<hbm>> -> memref<64xf32, #tpu.memory_space<hbm>>
      tpu.enqueue_dma source(%dma_start3A_128 : memref<64xf32, #tpu.memory_space<hbm>>) target(%dma_start3A_125 : memref<64xf32, #tpu.memory_space<vmem>>) target_semaphore(%arg20 : memref<!tpu.dma_semaphore, #tpu.memory_space<semaphore_mem>>)
      %slice3A_129 = vector.extract_strided_slice %get3A_59 {offsets = [4], sizes = [1], strides = [1]} : vector<16xi32> to vector<1xi32>
      %squeeze3A_130 = vector.extract %slice3A_129[0] : i32 from vector<1xi32>
      %mul3A_131 = arith.constant 16 : i32
      %mul3A_132 = arith.muli %scan3A_56, %mul3A_131 : i32
      %add3A_133 = arith.constant 4 : i32
      %add3A_134 = arith.addi %mul3A_132, %add3A_133 : i32
      %dma_start3A_135 = arith.constant 0 : i32
      %dma_start3A_136 = tpu.memref_slice %arg16[%add3A_134, %dma_start3A_135] : memref<128x64xf32, #tpu.memory_space<vmem>> -> memref<1x64xf32, #tpu.memory_space<vmem>>
      %dma_start3A_137 = tpu.memref_squeeze %dma_start3A_136 : memref<1x64xf32, #tpu.memory_space<vmem>> -> memref<64xf32, #tpu.memory_space<vmem>>
      %dma_start3A_138 = arith.constant 0 : i32
      %dma_start3A_139 = tpu.memref_slice %arg6[%squeeze3A_130, %dma_start3A_138] : memref<100001x64xf32, #tpu.memory_space<hbm>> -> memref<1x64xf32, #tpu.memory_space<hbm>>
      %dma_start3A_140 = tpu.memref_squeeze %dma_start3A_139 : memref<1x64xf32, #tpu.memory_space<hbm>> -> memref<64xf32, #tpu.memory_space<hbm>>
      %dma_start3A_141 = arith.constant 0 : i32
      %dma_start3A_142 = tpu.memref_slice %arg16[%add3A_134, %dma_start3A_141] : memref<128x64xf32, #tpu.memory_space<vmem>> -> memref<1x64xf32, #tpu.memory_space<vmem>>
      %dma_start3A_143 = tpu.memref_squeeze %dma_start3A_142 : memref<1x64xf32, #tpu.memory_space<vmem>> -> memref<64xf32, #tpu.memory_space<vmem>>
      %dma_start3A_144 = arith.constant 0 : i32
      %dma_start3A_145 = tpu.memref_slice %arg6[%squeeze3A_130, %dma_start3A_144] : memref<100001x64xf32, #tpu.memory_space<hbm>> -> memref<1x64xf32, #tpu.memory_space<hbm>>
      %dma_start3A_146 = tpu.memref_squeeze %dma_start3A_145 : memref<1x64xf32, #tpu.memory_space<hbm>> -> memref<64xf32, #tpu.memory_space<hbm>>
      tpu.enqueue_dma source(%dma_start3A_146 : memref<64xf32, #tpu.memory_space<hbm>>) target(%dma_start3A_143 : memref<64xf32, #tpu.memory_space<vmem>>) target_semaphore(%arg20 : memref<!tpu.dma_semaphore, #tpu.memory_space<semaphore_mem>>)
      %slice3A_147 = vector.extract_strided_slice %get3A_59 {offsets = [5], sizes = [1], strides = [1]} : vector<16xi32> to vector<1xi32>
      %squeeze3A_148 = vector.extract %slice3A_147[0] : i32 from vector<1xi32>
      %mul3A_149 = arith.constant 16 : i32
      %mul3A_150 = arith.muli %scan3A_56, %mul3A_149 : i32
      %add3A_151 = arith.constant 5 : i32
      %add3A_152 = arith.addi %mul3A_150, %add3A_151 : i32
      %dma_start3A_153 = arith.constant 0 : i32
      %dma_start3A_154 = tpu.memref_slice %arg16[%add3A_152, %dma_start3A_153] : memref<128x64xf32, #tpu.memory_space<vmem>> -> memref<1x64xf32, #tpu.memory_space<vmem>>
      %dma_start3A_155 = tpu.memref_squeeze %dma_start3A_154 : memref<1x64xf32, #tpu.memory_space<vmem>> -> memref<64xf32, #tpu.memory_space<vmem>>
      %dma_start3A_156 = arith.constant 0 : i32
      %dma_start3A_157 = tpu.memref_slice %arg6[%squeeze3A_148, %dma_start3A_156] : memref<100001x64xf32, #tpu.memory_space<hbm>> -> memref<1x64xf32, #tpu.memory_space<hbm>>
      %dma_start3A_158 = tpu.memref_squeeze %dma_start3A_157 : memref<1x64xf32, #tpu.memory_space<hbm>> -> memref<64xf32, #tpu.memory_space<hbm>>
      %dma_start3A_159 = arith.constant 0 : i32
      %dma_start3A_160 = tpu.memref_slice %arg16[%add3A_152, %dma_start3A_159] : memref<128x64xf32, #tpu.memory_space<vmem>> -> memref<1x64xf32, #tpu.memory_space<vmem>>
      %dma_start3A_161 = tpu.memref_squeeze %dma_start3A_160 : memref<1x64xf32, #tpu.memory_space<vmem>> -> memref<64xf32, #tpu.memory_space<vmem>>
      %dma_start3A_162 = arith.constant 0 : i32
      %dma_start3A_163 = tpu.memref_slice %arg6[%squeeze3A_148, %dma_start3A_162] : memref<100001x64xf32, #tpu.memory_space<hbm>> -> memref<1x64xf32, #tpu.memory_space<hbm>>
      %dma_start3A_164 = tpu.memref_squeeze %dma_start3A_163 : memref<1x64xf32, #tpu.memory_space<hbm>> -> memref<64xf32, #tpu.memory_space<hbm>>
      tpu.enqueue_dma source(%dma_start3A_164 : memref<64xf32, #tpu.memory_space<hbm>>) target(%dma_start3A_161 : memref<64xf32, #tpu.memory_space<vmem>>) target_semaphore(%arg20 : memref<!tpu.dma_semaphore, #tpu.memory_space<semaphore_mem>>)
      %slice3A_165 = vector.extract_strided_slice %get3A_59 {offsets = [6], sizes = [1], strides = [1]} : vector<16xi32> to vector<1xi32>
      %squeeze3A_166 = vector.extract %slice3A_165[0] : i32 from vector<1xi32>
      %mul3A_167 = arith.constant 16 : i32
      %mul3A_168 = arith.muli %scan3A_56, %mul3A_167 : i32
      %add3A_169 = arith.constant 6 : i32
      %add3A_170 = arith.addi %mul3A_168, %add3A_169 : i32
      %dma_start3A_171 = arith.constant 0 : i32
      %dma_start3A_172 = tpu.memref_slice %arg16[%add3A_170, %dma_start3A_171] : memref<128x64xf32, #tpu.memory_space<vmem>> -> memref<1x64xf32, #tpu.memory_space<vmem>>
      %dma_start3A_173 = tpu.memref_squeeze %dma_start3A_172 : memref<1x64xf32, #tpu.memory_space<vmem>> -> memref<64xf32, #tpu.memory_space<vmem>>
      %dma_start3A_174 = arith.constant 0 : i32
      %dma_start3A_175 = tpu.memref_slice %arg6[%squeeze3A_166, %dma_start3A_174] : memref<100001x64xf32, #tpu.memory_space<hbm>> -> memref<1x64xf32, #tpu.memory_space<hbm>>
      %dma_start3A_176 = tpu.memref_squeeze %dma_start3A_175 : memref<1x64xf32, #tpu.memory_space<hbm>> -> memref<64xf32, #tpu.memory_space<hbm>>
      %dma_start3A_177 = arith.constant 0 : i32
      %dma_start3A_178 = tpu.memref_slice %arg16[%add3A_170, %dma_start3A_177] : memref<128x64xf32, #tpu.memory_space<vmem>> -> memref<1x64xf32, #tpu.memory_space<vmem>>
      %dma_start3A_179 = tpu.memref_squeeze %dma_start3A_178 : memref<1x64xf32, #tpu.memory_space<vmem>> -> memref<64xf32, #tpu.memory_space<vmem>>
      %dma_start3A_180 = arith.constant 0 : i32
      %dma_start3A_181 = tpu.memref_slice %arg6[%squeeze3A_166, %dma_start3A_180] : memref<100001x64xf32, #tpu.memory_space<hbm>> -> memref<1x64xf32, #tpu.memory_space<hbm>>
      %dma_start3A_182 = tpu.memref_squeeze %dma_start3A_181 : memref<1x64xf32, #tpu.memory_space<hbm>> -> memref<64xf32, #tpu.memory_space<hbm>>
      tpu.enqueue_dma source(%dma_start3A_182 : memref<64xf32, #tpu.memory_space<hbm>>) target(%dma_start3A_179 : memref<64xf32, #tpu.memory_space<vmem>>) target_semaphore(%arg20 : memref<!tpu.dma_semaphore, #tpu.memory_space<semaphore_mem>>)
      %slice3A_183 = vector.extract_strided_slice %get3A_59 {offsets = [7], sizes = [1], strides = [1]} : vector<16xi32> to vector<1xi32>
      %squeeze3A_184 = vector.extract %slice3A_183[0] : i32 from vector<1xi32>
      %mul3A_185 = arith.constant 16 : i32
      %mul3A_186 = arith.muli %scan3A_56, %mul3A_185 : i32
      %add3A_187 = arith.constant 7 : i32
      %add3A_188 = arith.addi %mul3A_186, %add3A_187 : i32
      %dma_start3A_189 = arith.constant 0 : i32
      %dma_start3A_190 = tpu.memref_slice %arg16[%add3A_188, %dma_start3A_189] : memref<128x64xf32, #tpu.memory_space<vmem>> -> memref<1x64xf32, #tpu.memory_space<vmem>>
      %dma_start3A_191 = tpu.memref_squeeze %dma_start3A_190 : memref<1x64xf32, #tpu.memory_space<vmem>> -> memref<64xf32, #tpu.memory_space<vmem>>
      %dma_start3A_192 = arith.constant 0 : i32
      %dma_start3A_193 = tpu.memref_slice %arg6[%squeeze3A_184, %dma_start3A_192] : memref<100001x64xf32, #tpu.memory_space<hbm>> -> memref<1x64xf32, #tpu.memory_space<hbm>>
      %dma_start3A_194 = tpu.memref_squeeze %dma_start3A_193 : memref<1x64xf32, #tpu.memory_space<hbm>> -> memref<64xf32, #tpu.memory_space<hbm>>
      %dma_start3A_195 = arith.constant 0 : i32
      %dma_start3A_196 = tpu.memref_slice %arg16[%add3A_188, %dma_start3A_195] : memref<128x64xf32, #tpu.memory_space<vmem>> -> memref<1x64xf32, #tpu.memory_space<vmem>>
      %dma_start3A_197 = tpu.memref_squeeze %dma_start3A_196 : memref<1x64xf32, #tpu.memory_space<vmem>> -> memref<64xf32, #tpu.memory_space<vmem>>
      %dma_start3A_198 = arith.constant 0 : i32
      %dma_start3A_199 = tpu.memref_slice %arg6[%squeeze3A_184, %dma_start3A_198] : memref<100001x64xf32, #tpu.memory_space<hbm>> -> memref<1x64xf32, #tpu.memory_space<hbm>>
      %dma_start3A_200 = tpu.memref_squeeze %dma_start3A_199 : memref<1x64xf32, #tpu.memory_space<hbm>> -> memref<64xf32, #tpu.memory_space<hbm>>
      tpu.enqueue_dma source(%dma_start3A_200 : memref<64xf32, #tpu.memory_space<hbm>>) target(%dma_start3A_197 : memref<64xf32, #tpu.memory_space<vmem>>) target_semaphore(%arg20 : memref<!tpu.dma_semaphore, #tpu.memory_space<semaphore_mem>>)
      %slice3A_201 = vector.extract_strided_slice %get3A_59 {offsets = [8], sizes = [1], strides = [1]} : vector<16xi32> to vector<1xi32>
      %squeeze3A_202 = vector.extract %slice3A_201[0] : i32 from vector<1xi32>
      %mul3A_203 = arith.constant 16 : i32
      %mul3A_204 = arith.muli %scan3A_56, %mul3A_203 : i32
      %add3A_205 = arith.constant 8 : i32
      %add3A_206 = arith.addi %mul3A_204, %add3A_205 : i32
      %dma_start3A_207 = arith.constant 0 : i32
      %dma_start3A_208 = tpu.memref_slice %arg16[%add3A_206, %dma_start3A_207] : memref<128x64xf32, #tpu.memory_space<vmem>> -> memref<1x64xf32, #tpu.memory_space<vmem>>
      %dma_start3A_209 = tpu.memref_squeeze %dma_start3A_208 : memref<1x64xf32, #tpu.memory_space<vmem>> -> memref<64xf32, #tpu.memory_space<vmem>>
      %dma_start3A_210 = arith.constant 0 : i32
      %dma_start3A_211 = tpu.memref_slice %arg6[%squeeze3A_202, %dma_start3A_210] : memref<100001x64xf32, #tpu.memory_space<hbm>> -> memref<1x64xf32, #tpu.memory_space<hbm>>
      %dma_start3A_212 = tpu.memref_squeeze %dma_start3A_211 : memref<1x64xf32, #tpu.memory_space<hbm>> -> memref<64xf32, #tpu.memory_space<hbm>>
      %dma_start3A_213 = arith.constant 0 : i32
      %dma_start3A_214 = tpu.memref_slice %arg16[%add3A_206, %dma_start3A_213] : memref<128x64xf32, #tpu.memory_space<vmem>> -> memref<1x64xf32, #tpu.memory_space<vmem>>
      %dma_start3A_215 = tpu.memref_squeeze %dma_start3A_214 : memref<1x64xf32, #tpu.memory_space<vmem>> -> memref<64xf32, #tpu.memory_space<vmem>>
      %dma_start3A_216 = arith.constant 0 : i32
      %dma_start3A_217 = tpu.memref_slice %arg6[%squeeze3A_202, %dma_start3A_216] : memref<100001x64xf32, #tpu.memory_space<hbm>> -> memref<1x64xf32, #tpu.memory_space<hbm>>
      %dma_start3A_218 = tpu.memref_squeeze %dma_start3A_217 : memref<1x64xf32, #tpu.memory_space<hbm>> -> memref<64xf32, #tpu.memory_space<hbm>>
      tpu.enqueue_dma source(%dma_start3A_218 : memref<64xf32, #tpu.memory_space<hbm>>) target(%dma_start3A_215 : memref<64xf32, #tpu.memory_space<vmem>>) target_semaphore(%arg20 : memref<!tpu.dma_semaphore, #tpu.memory_space<semaphore_mem>>)
      %slice3A_219 = vector.extract_strided_slice %get3A_59 {offsets = [9], sizes = [1], strides = [1]} : vector<16xi32> to vector<1xi32>
      %squeeze3A_220 = vector.extract %slice3A_219[0] : i32 from vector<1xi32>
      %mul3A_221 = arith.constant 16 : i32
      %mul3A_222 = arith.muli %scan3A_56, %mul3A_221 : i32
      %add3A_223 = arith.constant 9 : i32
      %add3A_224 = arith.addi %mul3A_222, %add3A_223 : i32
      %dma_start3A_225 = arith.constant 0 : i32
      %dma_start3A_226 = tpu.memref_slice %arg16[%add3A_224, %dma_start3A_225] : memref<128x64xf32, #tpu.memory_space<vmem>> -> memref<1x64xf32, #tpu.memory_space<vmem>>
      %dma_start3A_227 = tpu.memref_squeeze %dma_start3A_226 : memref<1x64xf32, #tpu.memory_space<vmem>> -> memref<64xf32, #tpu.memory_space<vmem>>
      %dma_start3A_228 = arith.constant 0 : i32
      %dma_start3A_229 = tpu.memref_slice %arg6[%squeeze3A_220, %dma_start3A_228] : memref<100001x64xf32, #tpu.memory_space<hbm>> -> memref<1x64xf32, #tpu.memory_space<hbm>>
      %dma_start3A_230 = tpu.memref_squeeze %dma_start3A_229 : memref<1x64xf32, #tpu.memory_space<hbm>> -> memref<64xf32, #tpu.memory_space<hbm>>
      %dma_start3A_231 = arith.constant 0 : i32
      %dma_start3A_232 = tpu.memref_slice %arg16[%add3A_224, %dma_start3A_231] : memref<128x64xf32, #tpu.memory_space<vmem>> -> memref<1x64xf32, #tpu.memory_space<vmem>>
      %dma_start3A_233 = tpu.memref_squeeze %dma_start3A_232 : memref<1x64xf32, #tpu.memory_space<vmem>> -> memref<64xf32, #tpu.memory_space<vmem>>
      %dma_start3A_234 = arith.constant 0 : i32
      %dma_start3A_235 = tpu.memref_slice %arg6[%squeeze3A_220, %dma_start3A_234] : memref<100001x64xf32, #tpu.memory_space<hbm>> -> memref<1x64xf32, #tpu.memory_space<hbm>>
      %dma_start3A_236 = tpu.memref_squeeze %dma_start3A_235 : memref<1x64xf32, #tpu.memory_space<hbm>> -> memref<64xf32, #tpu.memory_space<hbm>>
      tpu.enqueue_dma source(%dma_start3A_236 : memref<64xf32, #tpu.memory_space<hbm>>) target(%dma_start3A_233 : memref<64xf32, #tpu.memory_space<vmem>>) target_semaphore(%arg20 : memref<!tpu.dma_semaphore, #tpu.memory_space<semaphore_mem>>)
      %slice3A_237 = vector.extract_strided_slice %get3A_59 {offsets = [10], sizes = [1], strides = [1]} : vector<16xi32> to vector<1xi32>
      %squeeze3A_238 = vector.extract %slice3A_237[0] : i32 from vector<1xi32>
      %mul3A_239 = arith.constant 16 : i32
      %mul3A_240 = arith.muli %scan3A_56, %mul3A_239 : i32
      %add3A_241 = arith.constant 10 : i32
      %add3A_242 = arith.addi %mul3A_240, %add3A_241 : i32
      %dma_start3A_243 = arith.constant 0 : i32
      %dma_start3A_244 = tpu.memref_slice %arg16[%add3A_242, %dma_start3A_243] : memref<128x64xf32, #tpu.memory_space<vmem>> -> memref<1x64xf32, #tpu.memory_space<vmem>>
      %dma_start3A_245 = tpu.memref_squeeze %dma_start3A_244 : memref<1x64xf32, #tpu.memory_space<vmem>> -> memref<64xf32, #tpu.memory_space<vmem>>
      %dma_start3A_246 = arith.constant 0 : i32
      %dma_start3A_247 = tpu.memref_slice %arg6[%squeeze3A_238, %dma_start3A_246] : memref<100001x64xf32, #tpu.memory_space<hbm>> -> memref<1x64xf32, #tpu.memory_space<hbm>>
      %dma_start3A_248 = tpu.memref_squeeze %dma_start3A_247 : memref<1x64xf32, #tpu.memory_space<hbm>> -> memref<64xf32, #tpu.memory_space<hbm>>
      %dma_start3A_249 = arith.constant 0 : i32
      %dma_start3A_250 = tpu.memref_slice %arg16[%add3A_242, %dma_start3A_249] : memref<128x64xf32, #tpu.memory_space<vmem>> -> memref<1x64xf32, #tpu.memory_space<vmem>>
      %dma_start3A_251 = tpu.memref_squeeze %dma_start3A_250 : memref<1x64xf32, #tpu.memory_space<vmem>> -> memref<64xf32, #tpu.memory_space<vmem>>
      %dma_start3A_252 = arith.constant 0 : i32
      %dma_start3A_253 = tpu.memref_slice %arg6[%squeeze3A_238, %dma_start3A_252] : memref<100001x64xf32, #tpu.memory_space<hbm>> -> memref<1x64xf32, #tpu.memory_space<hbm>>
      %dma_start3A_254 = tpu.memref_squeeze %dma_start3A_253 : memref<1x64xf32, #tpu.memory_space<hbm>> -> memref<64xf32, #tpu.memory_space<hbm>>
      tpu.enqueue_dma source(%dma_start3A_254 : memref<64xf32, #tpu.memory_space<hbm>>) target(%dma_start3A_251 : memref<64xf32, #tpu.memory_space<vmem>>) target_semaphore(%arg20 : memref<!tpu.dma_semaphore, #tpu.memory_space<semaphore_mem>>)
      %slice3A_255 = vector.extract_strided_slice %get3A_59 {offsets = [11], sizes = [1], strides = [1]} : vector<16xi32> to vector<1xi32>
      %squeeze3A_256 = vector.extract %slice3A_255[0] : i32 from vector<1xi32>
      %mul3A_257 = arith.constant 16 : i32
      %mul3A_258 = arith.muli %scan3A_56, %mul3A_257 : i32
      %add3A_259 = arith.constant 11 : i32
      %add3A_260 = arith.addi %mul3A_258, %add3A_259 : i32
      %dma_start3A_261 = arith.constant 0 : i32
      %dma_start3A_262 = tpu.memref_slice %arg16[%add3A_260, %dma_start3A_261] : memref<128x64xf32, #tpu.memory_space<vmem>> -> memref<1x64xf32, #tpu.memory_space<vmem>>
      %dma_start3A_263 = tpu.memref_squeeze %dma_start3A_262 : memref<1x64xf32, #tpu.memory_space<vmem>> -> memref<64xf32, #tpu.memory_space<vmem>>
      %dma_start3A_264 = arith.constant 0 : i32
      %dma_start3A_265 = tpu.memref_slice %arg6[%squeeze3A_256, %dma_start3A_264] : memref<100001x64xf32, #tpu.memory_space<hbm>> -> memref<1x64xf32, #tpu.memory_space<hbm>>
      %dma_start3A_266 = tpu.memref_squeeze %dma_start3A_265 : memref<1x64xf32, #tpu.memory_space<hbm>> -> memref<64xf32, #tpu.memory_space<hbm>>
      %dma_start3A_267 = arith.constant 0 : i32
      %dma_start3A_268 = tpu.memref_slice %arg16[%add3A_260, %dma_start3A_267] : memref<128x64xf32, #tpu.memory_space<vmem>> -> memref<1x64xf32, #tpu.memory_space<vmem>>
      %dma_start3A_269 = tpu.memref_squeeze %dma_start3A_268 : memref<1x64xf32, #tpu.memory_space<vmem>> -> memref<64xf32, #tpu.memory_space<vmem>>
      %dma_start3A_270 = arith.constant 0 : i32
      %dma_start3A_271 = tpu.memref_slice %arg6[%squeeze3A_256, %dma_start3A_270] : memref<100001x64xf32, #tpu.memory_space<hbm>> -> memref<1x64xf32, #tpu.memory_space<hbm>>
      %dma_start3A_272 = tpu.memref_squeeze %dma_start3A_271 : memref<1x64xf32, #tpu.memory_space<hbm>> -> memref<64xf32, #tpu.memory_space<hbm>>
      tpu.enqueue_dma source(%dma_start3A_272 : memref<64xf32, #tpu.memory_space<hbm>>) target(%dma_start3A_269 : memref<64xf32, #tpu.memory_space<vmem>>) target_semaphore(%arg20 : memref<!tpu.dma_semaphore, #tpu.memory_space<semaphore_mem>>)
      %slice3A_273 = vector.extract_strided_slice %get3A_59 {offsets = [12], sizes = [1], strides = [1]} : vector<16xi32> to vector<1xi32>
      %squeeze3A_274 = vector.extract %slice3A_273[0] : i32 from vector<1xi32>
      %mul3A_275 = arith.constant 16 : i32
      %mul3A_276 = arith.muli %scan3A_56, %mul3A_275 : i32
      %add3A_277 = arith.constant 12 : i32
      %add3A_278 = arith.addi %mul3A_276, %add3A_277 : i32
      %dma_start3A_279 = arith.constant 0 : i32
      %dma_start3A_280 = tpu.memref_slice %arg16[%add3A_278, %dma_start3A_279] : memref<128x64xf32, #tpu.memory_space<vmem>> -> memref<1x64xf32, #tpu.memory_space<vmem>>
      %dma_start3A_281 = tpu.memref_squeeze %dma_start3A_280 : memref<1x64xf32, #tpu.memory_space<vmem>> -> memref<64xf32, #tpu.memory_space<vmem>>
      %dma_start3A_282 = arith.constant 0 : i32
      %dma_start3A_283 = tpu.memref_slice %arg6[%squeeze3A_274, %dma_start3A_282] : memref<100001x64xf32, #tpu.memory_space<hbm>> -> memref<1x64xf32, #tpu.memory_space<hbm>>
      %dma_start3A_284 = tpu.memref_squeeze %dma_start3A_283 : memref<1x64xf32, #tpu.memory_space<hbm>> -> memref<64xf32, #tpu.memory_space<hbm>>
      %dma_start3A_285 = arith.constant 0 : i32
      %dma_start3A_286 = tpu.memref_slice %arg16[%add3A_278, %dma_start3A_285] : memref<128x64xf32, #tpu.memory_space<vmem>> -> memref<1x64xf32, #tpu.memory_space<vmem>>
      %dma_start3A_287 = tpu.memref_squeeze %dma_start3A_286 : memref<1x64xf32, #tpu.memory_space<vmem>> -> memref<64xf32, #tpu.memory_space<vmem>>
      %dma_start3A_288 = arith.constant 0 : i32
      %dma_start3A_289 = tpu.memref_slice %arg6[%squeeze3A_274, %dma_start3A_288] : memref<100001x64xf32, #tpu.memory_space<hbm>> -> memref<1x64xf32, #tpu.memory_space<hbm>>
      %dma_start3A_290 = tpu.memref_squeeze %dma_start3A_289 : memref<1x64xf32, #tpu.memory_space<hbm>> -> memref<64xf32, #tpu.memory_space<hbm>>
      tpu.enqueue_dma source(%dma_start3A_290 : memref<64xf32, #tpu.memory_space<hbm>>) target(%dma_start3A_287 : memref<64xf32, #tpu.memory_space<vmem>>) target_semaphore(%arg20 : memref<!tpu.dma_semaphore, #tpu.memory_space<semaphore_mem>>)
      %slice3A_291 = vector.extract_strided_slice %get3A_59 {offsets = [13], sizes = [1], strides = [1]} : vector<16xi32> to vector<1xi32>
      %squeeze3A_292 = vector.extract %slice3A_291[0] : i32 from vector<1xi32>
      %mul3A_293 = arith.constant 16 : i32
      %mul3A_294 = arith.muli %scan3A_56, %mul3A_293 : i32
      %add3A_295 = arith.constant 13 : i32
      %add3A_296 = arith.addi %mul3A_294, %add3A_295 : i32
      %dma_start3A_297 = arith.constant 0 : i32
      %dma_start3A_298 = tpu.memref_slice %arg16[%add3A_296, %dma_start3A_297] : memref<128x64xf32, #tpu.memory_space<vmem>> -> memref<1x64xf32, #tpu.memory_space<vmem>>
      %dma_start3A_299 = tpu.memref_squeeze %dma_start3A_298 : memref<1x64xf32, #tpu.memory_space<vmem>> -> memref<64xf32, #tpu.memory_space<vmem>>
      %dma_start3A_300 = arith.constant 0 : i32
      %dma_start3A_301 = tpu.memref_slice %arg6[%squeeze3A_292, %dma_start3A_300] : memref<100001x64xf32, #tpu.memory_space<hbm>> -> memref<1x64xf32, #tpu.memory_space<hbm>>
      %dma_start3A_302 = tpu.memref_squeeze %dma_start3A_301 : memref<1x64xf32, #tpu.memory_space<hbm>> -> memref<64xf32, #tpu.memory_space<hbm>>
      %dma_start3A_303 = arith.constant 0 : i32
      %dma_start3A_304 = tpu.memref_slice %arg16[%add3A_296, %dma_start3A_303] : memref<128x64xf32, #tpu.memory_space<vmem>> -> memref<1x64xf32, #tpu.memory_space<vmem>>
      %dma_start3A_305 = tpu.memref_squeeze %dma_start3A_304 : memref<1x64xf32, #tpu.memory_space<vmem>> -> memref<64xf32, #tpu.memory_space<vmem>>
      %dma_start3A_306 = arith.constant 0 : i32
      %dma_start3A_307 = tpu.memref_slice %arg6[%squeeze3A_292, %dma_start3A_306] : memref<100001x64xf32, #tpu.memory_space<hbm>> -> memref<1x64xf32, #tpu.memory_space<hbm>>
      %dma_start3A_308 = tpu.memref_squeeze %dma_start3A_307 : memref<1x64xf32, #tpu.memory_space<hbm>> -> memref<64xf32, #tpu.memory_space<hbm>>
      tpu.enqueue_dma source(%dma_start3A_308 : memref<64xf32, #tpu.memory_space<hbm>>) target(%dma_start3A_305 : memref<64xf32, #tpu.memory_space<vmem>>) target_semaphore(%arg20 : memref<!tpu.dma_semaphore, #tpu.memory_space<semaphore_mem>>)
      %slice3A_309 = vector.extract_strided_slice %get3A_59 {offsets = [14], sizes = [1], strides = [1]} : vector<16xi32> to vector<1xi32>
      %squeeze3A_310 = vector.extract %slice3A_309[0] : i32 from vector<1xi32>
      %mul3A_311 = arith.constant 16 : i32
      %mul3A_312 = arith.muli %scan3A_56, %mul3A_311 : i32
      %add3A_313 = arith.constant 14 : i32
      %add3A_314 = arith.addi %mul3A_312, %add3A_313 : i32
      %dma_start3A_315 = arith.constant 0 : i32
      %dma_start3A_316 = tpu.memref_slice %arg16[%add3A_314, %dma_start3A_315] : memref<128x64xf32, #tpu.memory_space<vmem>> -> memref<1x64xf32, #tpu.memory_space<vmem>>
      %dma_start3A_317 = tpu.memref_squeeze %dma_start3A_316 : memref<1x64xf32, #tpu.memory_space<vmem>> -> memref<64xf32, #tpu.memory_space<vmem>>
      %dma_start3A_318 = arith.constant 0 : i32
      %dma_start3A_319 = tpu.memref_slice %arg6[%squeeze3A_310, %dma_start3A_318] : memref<100001x64xf32, #tpu.memory_space<hbm>> -> memref<1x64xf32, #tpu.memory_space<hbm>>
      %dma_start3A_320 = tpu.memref_squeeze %dma_start3A_319 : memref<1x64xf32, #tpu.memory_space<hbm>> -> memref<64xf32, #tpu.memory_space<hbm>>
      %dma_start3A_321 = arith.constant 0 : i32
      %dma_start3A_322 = tpu.memref_slice %arg16[%add3A_314, %dma_start3A_321] : memref<128x64xf32, #tpu.memory_space<vmem>> -> memref<1x64xf32, #tpu.memory_space<vmem>>
      %dma_start3A_323 = tpu.memref_squeeze %dma_start3A_322 : memref<1x64xf32, #tpu.memory_space<vmem>> -> memref<64xf32, #tpu.memory_space<vmem>>
      %dma_start3A_324 = arith.constant 0 : i32
      %dma_start3A_325 = tpu.memref_slice %arg6[%squeeze3A_310, %dma_start3A_324] : memref<100001x64xf32, #tpu.memory_space<hbm>> -> memref<1x64xf32, #tpu.memory_space<hbm>>
      %dma_start3A_326 = tpu.memref_squeeze %dma_start3A_325 : memref<1x64xf32, #tpu.memory_space<hbm>> -> memref<64xf32, #tpu.memory_space<hbm>>
      tpu.enqueue_dma source(%dma_start3A_326 : memref<64xf32, #tpu.memory_space<hbm>>) target(%dma_start3A_323 : memref<64xf32, #tpu.memory_space<vmem>>) target_semaphore(%arg20 : memref<!tpu.dma_semaphore, #tpu.memory_space<semaphore_mem>>)
      %slice3A_327 = vector.extract_strided_slice %get3A_59 {offsets = [15], sizes = [1], strides = [1]} : vector<16xi32> to vector<1xi32>
      %squeeze3A_328 = vector.extract %slice3A_327[0] : i32 from vector<1xi32>
      %mul3A_329 = arith.constant 16 : i32
      %mul3A_330 = arith.muli %scan3A_56, %mul3A_329 : i32
      %add3A_331 = arith.constant 15 : i32
      %add3A_332 = arith.addi %mul3A_330, %add3A_331 : i32
      %dma_start3A_333 = arith.constant 0 : i32
      %dma_start3A_334 = tpu.memref_slice %arg16[%add3A_332, %dma_start3A_333] : memref<128x64xf32, #tpu.memory_space<vmem>> -> memref<1x64xf32, #tpu.memory_space<vmem>>
      %dma_start3A_335 = tpu.memref_squeeze %dma_start3A_334 : memref<1x64xf32, #tpu.memory_space<vmem>> -> memref<64xf32, #tpu.memory_space<vmem>>
      %dma_start3A_336 = arith.constant 0 : i32
      %dma_start3A_337 = tpu.memref_slice %arg6[%squeeze3A_328, %dma_start3A_336] : memref<100001x64xf32, #tpu.memory_space<hbm>> -> memref<1x64xf32, #tpu.memory_space<hbm>>
      %dma_start3A_338 = tpu.memref_squeeze %dma_start3A_337 : memref<1x64xf32, #tpu.memory_space<hbm>> -> memref<64xf32, #tpu.memory_space<hbm>>
      %dma_start3A_339 = arith.constant 0 : i32
      %dma_start3A_340 = tpu.memref_slice %arg16[%add3A_332, %dma_start3A_339] : memref<128x64xf32, #tpu.memory_space<vmem>> -> memref<1x64xf32, #tpu.memory_space<vmem>>
      %dma_start3A_341 = tpu.memref_squeeze %dma_start3A_340 : memref<1x64xf32, #tpu.memory_space<vmem>> -> memref<64xf32, #tpu.memory_space<vmem>>
      %dma_start3A_342 = arith.constant 0 : i32
      %dma_start3A_343 = tpu.memref_slice %arg6[%squeeze3A_328, %dma_start3A_342] : memref<100001x64xf32, #tpu.memory_space<hbm>> -> memref<1x64xf32, #tpu.memory_space<hbm>>
      %dma_start3A_344 = tpu.memref_squeeze %dma_start3A_343 : memref<1x64xf32, #tpu.memory_space<hbm>> -> memref<64xf32, #tpu.memory_space<hbm>>
      tpu.enqueue_dma source(%dma_start3A_344 : memref<64xf32, #tpu.memory_space<hbm>>) target(%dma_start3A_341 : memref<64xf32, #tpu.memory_space<vmem>>) target_semaphore(%arg20 : memref<!tpu.dma_semaphore, #tpu.memory_space<semaphore_mem>>)
    }
    %scan3A_7 = arith.constant 8 : i32
    %scan3A_8 = arith.constant 0 : i32
    %scan3A_9 = arith.constant 0 : i32
    %scan3A_10 = arith.constant 8 : i32
    %scan3A_11 = arith.addi %scan3A_9, %scan3A_10 : i32
    %scan3A_12 = arith.constant 1 : i32
    scf.for %scan3A_56 = %scan3A_9 to %scan3A_11 step %scan3A_12  : i32 {
      %mul3A_57 = arith.constant 16 : i32
      %mul3A_58 = arith.muli %scan3A_56, %mul3A_57 : i32
      %get3A = arith.index_cast %mul3A_58 : i32 to index
      %get3A_59 = tpu.vector_load %arg13[%get3A] {strides = array<i32>} : memref<128xi32, #tpu.memory_space<vmem>>, vector<16xi32>,
      %slice3A = vector.extract_strided_slice %get3A_59 {offsets = [0], sizes = [1], strides = [1]} : vector<16xi32> to vector<1xi32>
      %squeeze3A = vector.extract %slice3A[0] : i32 from vector<1xi32>
      %mul3A_60 = arith.constant 16 : i32
      %mul3A_61 = arith.muli %scan3A_56, %mul3A_60 : i32
      %add3A_62 = arith.constant 0 : i32
      %add3A_63 = arith.addi %mul3A_61, %add3A_62 : i32
      %dma_start3A = arith.constant 0 : i32
      %dma_start3A_64 = tpu.memref_slice %arg17[%add3A_63, %dma_start3A] : memref<128x64xf32, #tpu.memory_space<vmem>> -> memref<1x64xf32, #tpu.memory_space<vmem>>
      %dma_start3A_65 = tpu.memref_squeeze %dma_start3A_64 : memref<1x64xf32, #tpu.memory_space<vmem>> -> memref<64xf32, #tpu.memory_space<vmem>>
      %dma_start3A_66 = arith.constant 0 : i32
      %dma_start3A_67 = tpu.memref_slice %arg7[%squeeze3A, %dma_start3A_66] : memref<1001x64xf32, #tpu.memory_space<hbm>> -> memref<1x64xf32, #tpu.memory_space<hbm>>
      %dma_start3A_68 = tpu.memref_squeeze %dma_start3A_67 : memref<1x64xf32, #tpu.memory_space<hbm>> -> memref<64xf32, #tpu.memory_space<hbm>>
      %dma_start3A_69 = arith.constant 0 : i32
      %dma_start3A_70 = tpu.memref_slice %arg17[%add3A_63, %dma_start3A_69] : memref<128x64xf32, #tpu.memory_space<vmem>> -> memref<1x64xf32, #tpu.memory_space<vmem>>
      %dma_start3A_71 = tpu.memref_squeeze %dma_start3A_70 : memref<1x64xf32, #tpu.memory_space<vmem>> -> memref<64xf32, #tpu.memory_space<vmem>>
      %dma_start3A_72 = arith.constant 0 : i32
      %dma_start3A_73 = tpu.memref_slice %arg7[%squeeze3A, %dma_start3A_72] : memref<1001x64xf32, #tpu.memory_space<hbm>> -> memref<1x64xf32, #tpu.memory_space<hbm>>
      %dma_start3A_74 = tpu.memref_squeeze %dma_start3A_73 : memref<1x64xf32, #tpu.memory_space<hbm>> -> memref<64xf32, #tpu.memory_space<hbm>>
      tpu.enqueue_dma source(%dma_start3A_74 : memref<64xf32, #tpu.memory_space<hbm>>) target(%dma_start3A_71 : memref<64xf32, #tpu.memory_space<vmem>>) target_semaphore(%arg21 : memref<!tpu.dma_semaphore, #tpu.memory_space<semaphore_mem>>)
      %slice3A_75 = vector.extract_strided_slice %get3A_59 {offsets = [1], sizes = [1], strides = [1]} : vector<16xi32> to vector<1xi32>
      %squeeze3A_76 = vector.extract %slice3A_75[0] : i32 from vector<1xi32>
      %mul3A_77 = arith.constant 16 : i32
      %mul3A_78 = arith.muli %scan3A_56, %mul3A_77 : i32
      %add3A_79 = arith.constant 1 : i32
      %add3A_80 = arith.addi %mul3A_78, %add3A_79 : i32
      %dma_start3A_81 = arith.constant 0 : i32
      %dma_start3A_82 = tpu.memref_slice %arg17[%add3A_80, %dma_start3A_81] : memref<128x64xf32, #tpu.memory_space<vmem>> -> memref<1x64xf32, #tpu.memory_space<vmem>>
      %dma_start3A_83 = tpu.memref_squeeze %dma_start3A_82 : memref<1x64xf32, #tpu.memory_space<vmem>> -> memref<64xf32, #tpu.memory_space<vmem>>
      %dma_start3A_84 = arith.constant 0 : i32
      %dma_start3A_85 = tpu.memref_slice %arg7[%squeeze3A_76, %dma_start3A_84] : memref<1001x64xf32, #tpu.memory_space<hbm>> -> memref<1x64xf32, #tpu.memory_space<hbm>>
      %dma_start3A_86 = tpu.memref_squeeze %dma_start3A_85 : memref<1x64xf32, #tpu.memory_space<hbm>> -> memref<64xf32, #tpu.memory_space<hbm>>
      %dma_start3A_87 = arith.constant 0 : i32
      %dma_start3A_88 = tpu.memref_slice %arg17[%add3A_80, %dma_start3A_87] : memref<128x64xf32, #tpu.memory_space<vmem>> -> memref<1x64xf32, #tpu.memory_space<vmem>>
      %dma_start3A_89 = tpu.memref_squeeze %dma_start3A_88 : memref<1x64xf32, #tpu.memory_space<vmem>> -> memref<64xf32, #tpu.memory_space<vmem>>
      %dma_start3A_90 = arith.constant 0 : i32
      %dma_start3A_91 = tpu.memref_slice %arg7[%squeeze3A_76, %dma_start3A_90] : memref<1001x64xf32, #tpu.memory_space<hbm>> -> memref<1x64xf32, #tpu.memory_space<hbm>>
      %dma_start3A_92 = tpu.memref_squeeze %dma_start3A_91 : memref<1x64xf32, #tpu.memory_space<hbm>> -> memref<64xf32, #tpu.memory_space<hbm>>
      tpu.enqueue_dma source(%dma_start3A_92 : memref<64xf32, #tpu.memory_space<hbm>>) target(%dma_start3A_89 : memref<64xf32, #tpu.memory_space<vmem>>) target_semaphore(%arg21 : memref<!tpu.dma_semaphore, #tpu.memory_space<semaphore_mem>>)
      %slice3A_93 = vector.extract_strided_slice %get3A_59 {offsets = [2], sizes = [1], strides = [1]} : vector<16xi32> to vector<1xi32>
      %squeeze3A_94 = vector.extract %slice3A_93[0] : i32 from vector<1xi32>
      %mul3A_95 = arith.constant 16 : i32
      %mul3A_96 = arith.muli %scan3A_56, %mul3A_95 : i32
      %add3A_97 = arith.constant 2 : i32
      %add3A_98 = arith.addi %mul3A_96, %add3A_97 : i32
      %dma_start3A_99 = arith.constant 0 : i32
      %dma_start3A_100 = tpu.memref_slice %arg17[%add3A_98, %dma_start3A_99] : memref<128x64xf32, #tpu.memory_space<vmem>> -> memref<1x64xf32, #tpu.memory_space<vmem>>
      %dma_start3A_101 = tpu.memref_squeeze %dma_start3A_100 : memref<1x64xf32, #tpu.memory_space<vmem>> -> memref<64xf32, #tpu.memory_space<vmem>>
      %dma_start3A_102 = arith.constant 0 : i32
      %dma_start3A_103 = tpu.memref_slice %arg7[%squeeze3A_94, %dma_start3A_102] : memref<1001x64xf32, #tpu.memory_space<hbm>> -> memref<1x64xf32, #tpu.memory_space<hbm>>
      %dma_start3A_104 = tpu.memref_squeeze %dma_start3A_103 : memref<1x64xf32, #tpu.memory_space<hbm>> -> memref<64xf32, #tpu.memory_space<hbm>>
      %dma_start3A_105 = arith.constant 0 : i32
      %dma_start3A_106 = tpu.memref_slice %arg17[%add3A_98, %dma_start3A_105] : memref<128x64xf32, #tpu.memory_space<vmem>> -> memref<1x64xf32, #tpu.memory_space<vmem>>
      %dma_start3A_107 = tpu.memref_squeeze %dma_start3A_106 : memref<1x64xf32, #tpu.memory_space<vmem>> -> memref<64xf32, #tpu.memory_space<vmem>>
      %dma_start3A_108 = arith.constant 0 : i32
      %dma_start3A_109 = tpu.memref_slice %arg7[%squeeze3A_94, %dma_start3A_108] : memref<1001x64xf32, #tpu.memory_space<hbm>> -> memref<1x64xf32, #tpu.memory_space<hbm>>
      %dma_start3A_110 = tpu.memref_squeeze %dma_start3A_109 : memref<1x64xf32, #tpu.memory_space<hbm>> -> memref<64xf32, #tpu.memory_space<hbm>>
      tpu.enqueue_dma source(%dma_start3A_110 : memref<64xf32, #tpu.memory_space<hbm>>) target(%dma_start3A_107 : memref<64xf32, #tpu.memory_space<vmem>>) target_semaphore(%arg21 : memref<!tpu.dma_semaphore, #tpu.memory_space<semaphore_mem>>)
      %slice3A_111 = vector.extract_strided_slice %get3A_59 {offsets = [3], sizes = [1], strides = [1]} : vector<16xi32> to vector<1xi32>
      %squeeze3A_112 = vector.extract %slice3A_111[0] : i32 from vector<1xi32>
      %mul3A_113 = arith.constant 16 : i32
      %mul3A_114 = arith.muli %scan3A_56, %mul3A_113 : i32
      %add3A_115 = arith.constant 3 : i32
      %add3A_116 = arith.addi %mul3A_114, %add3A_115 : i32
      %dma_start3A_117 = arith.constant 0 : i32
      %dma_start3A_118 = tpu.memref_slice %arg17[%add3A_116, %dma_start3A_117] : memref<128x64xf32, #tpu.memory_space<vmem>> -> memref<1x64xf32, #tpu.memory_space<vmem>>
      %dma_start3A_119 = tpu.memref_squeeze %dma_start3A_118 : memref<1x64xf32, #tpu.memory_space<vmem>> -> memref<64xf32, #tpu.memory_space<vmem>>
      %dma_start3A_120 = arith.constant 0 : i32
      %dma_start3A_121 = tpu.memref_slice %arg7[%squeeze3A_112, %dma_start3A_120] : memref<1001x64xf32, #tpu.memory_space<hbm>> -> memref<1x64xf32, #tpu.memory_space<hbm>>
      %dma_start3A_122 = tpu.memref_squeeze %dma_start3A_121 : memref<1x64xf32, #tpu.memory_space<hbm>> -> memref<64xf32, #tpu.memory_space<hbm>>
      %dma_start3A_123 = arith.constant 0 : i32
      %dma_start3A_124 = tpu.memref_slice %arg17[%add3A_116, %dma_start3A_123] : memref<128x64xf32, #tpu.memory_space<vmem>> -> memref<1x64xf32, #tpu.memory_space<vmem>>
      %dma_start3A_125 = tpu.memref_squeeze %dma_start3A_124 : memref<1x64xf32, #tpu.memory_space<vmem>> -> memref<64xf32, #tpu.memory_space<vmem>>
      %dma_start3A_126 = arith.constant 0 : i32
      %dma_start3A_127 = tpu.memref_slice %arg7[%squeeze3A_112, %dma_start3A_126] : memref<1001x64xf32, #tpu.memory_space<hbm>> -> memref<1x64xf32, #tpu.memory_space<hbm>>
      %dma_start3A_128 = tpu.memref_squeeze %dma_start3A_127 : memref<1x64xf32, #tpu.memory_space<hbm>> -> memref<64xf32, #tpu.memory_space<hbm>>
      tpu.enqueue_dma source(%dma_start3A_128 : memref<64xf32, #tpu.memory_space<hbm>>) target(%dma_start3A_125 : memref<64xf32, #tpu.memory_space<vmem>>) target_semaphore(%arg21 : memref<!tpu.dma_semaphore, #tpu.memory_space<semaphore_mem>>)
      %slice3A_129 = vector.extract_strided_slice %get3A_59 {offsets = [4], sizes = [1], strides = [1]} : vector<16xi32> to vector<1xi32>
      %squeeze3A_130 = vector.extract %slice3A_129[0] : i32 from vector<1xi32>
      %mul3A_131 = arith.constant 16 : i32
      %mul3A_132 = arith.muli %scan3A_56, %mul3A_131 : i32
      %add3A_133 = arith.constant 4 : i32
      %add3A_134 = arith.addi %mul3A_132, %add3A_133 : i32
      %dma_start3A_135 = arith.constant 0 : i32
      %dma_start3A_136 = tpu.memref_slice %arg17[%add3A_134, %dma_start3A_135] : memref<128x64xf32, #tpu.memory_space<vmem>> -> memref<1x64xf32, #tpu.memory_space<vmem>>
      %dma_start3A_137 = tpu.memref_squeeze %dma_start3A_136 : memref<1x64xf32, #tpu.memory_space<vmem>> -> memref<64xf32, #tpu.memory_space<vmem>>
      %dma_start3A_138 = arith.constant 0 : i32
      %dma_start3A_139 = tpu.memref_slice %arg7[%squeeze3A_130, %dma_start3A_138] : memref<1001x64xf32, #tpu.memory_space<hbm>> -> memref<1x64xf32, #tpu.memory_space<hbm>>
      %dma_start3A_140 = tpu.memref_squeeze %dma_start3A_139 : memref<1x64xf32, #tpu.memory_space<hbm>> -> memref<64xf32, #tpu.memory_space<hbm>>
      %dma_start3A_141 = arith.constant 0 : i32
      %dma_start3A_142 = tpu.memref_slice %arg17[%add3A_134, %dma_start3A_141] : memref<128x64xf32, #tpu.memory_space<vmem>> -> memref<1x64xf32, #tpu.memory_space<vmem>>
      %dma_start3A_143 = tpu.memref_squeeze %dma_start3A_142 : memref<1x64xf32, #tpu.memory_space<vmem>> -> memref<64xf32, #tpu.memory_space<vmem>>
      %dma_start3A_144 = arith.constant 0 : i32
      %dma_start3A_145 = tpu.memref_slice %arg7[%squeeze3A_130, %dma_start3A_144] : memref<1001x64xf32, #tpu.memory_space<hbm>> -> memref<1x64xf32, #tpu.memory_space<hbm>>
      %dma_start3A_146 = tpu.memref_squeeze %dma_start3A_145 : memref<1x64xf32, #tpu.memory_space<hbm>> -> memref<64xf32, #tpu.memory_space<hbm>>
      tpu.enqueue_dma source(%dma_start3A_146 : memref<64xf32, #tpu.memory_space<hbm>>) target(%dma_start3A_143 : memref<64xf32, #tpu.memory_space<vmem>>) target_semaphore(%arg21 : memref<!tpu.dma_semaphore, #tpu.memory_space<semaphore_mem>>)
      %slice3A_147 = vector.extract_strided_slice %get3A_59 {offsets = [5], sizes = [1], strides = [1]} : vector<16xi32> to vector<1xi32>
      %squeeze3A_148 = vector.extract %slice3A_147[0] : i32 from vector<1xi32>
      %mul3A_149 = arith.constant 16 : i32
      %mul3A_150 = arith.muli %scan3A_56, %mul3A_149 : i32
      %add3A_151 = arith.constant 5 : i32
      %add3A_152 = arith.addi %mul3A_150, %add3A_151 : i32
      %dma_start3A_153 = arith.constant 0 : i32
      %dma_start3A_154 = tpu.memref_slice %arg17[%add3A_152, %dma_start3A_153] : memref<128x64xf32, #tpu.memory_space<vmem>> -> memref<1x64xf32, #tpu.memory_space<vmem>>
      %dma_start3A_155 = tpu.memref_squeeze %dma_start3A_154 : memref<1x64xf32, #tpu.memory_space<vmem>> -> memref<64xf32, #tpu.memory_space<vmem>>
      %dma_start3A_156 = arith.constant 0 : i32
      %dma_start3A_157 = tpu.memref_slice %arg7[%squeeze3A_148, %dma_start3A_156] : memref<1001x64xf32, #tpu.memory_space<hbm>> -> memref<1x64xf32, #tpu.memory_space<hbm>>
      %dma_start3A_158 = tpu.memref_squeeze %dma_start3A_157 : memref<1x64xf32, #tpu.memory_space<hbm>> -> memref<64xf32, #tpu.memory_space<hbm>>
      %dma_start3A_159 = arith.constant 0 : i32
      %dma_start3A_160 = tpu.memref_slice %arg17[%add3A_152, %dma_start3A_159] : memref<128x64xf32, #tpu.memory_space<vmem>> -> memref<1x64xf32, #tpu.memory_space<vmem>>
      %dma_start3A_161 = tpu.memref_squeeze %dma_start3A_160 : memref<1x64xf32, #tpu.memory_space<vmem>> -> memref<64xf32, #tpu.memory_space<vmem>>
      %dma_start3A_162 = arith.constant 0 : i32
      %dma_start3A_163 = tpu.memref_slice %arg7[%squeeze3A_148, %dma_start3A_162] : memref<1001x64xf32, #tpu.memory_space<hbm>> -> memref<1x64xf32, #tpu.memory_space<hbm>>
      %dma_start3A_164 = tpu.memref_squeeze %dma_start3A_163 : memref<1x64xf32, #tpu.memory_space<hbm>> -> memref<64xf32, #tpu.memory_space<hbm>>
      tpu.enqueue_dma source(%dma_start3A_164 : memref<64xf32, #tpu.memory_space<hbm>>) target(%dma_start3A_161 : memref<64xf32, #tpu.memory_space<vmem>>) target_semaphore(%arg21 : memref<!tpu.dma_semaphore, #tpu.memory_space<semaphore_mem>>)
      %slice3A_165 = vector.extract_strided_slice %get3A_59 {offsets = [6], sizes = [1], strides = [1]} : vector<16xi32> to vector<1xi32>
      %squeeze3A_166 = vector.extract %slice3A_165[0] : i32 from vector<1xi32>
      %mul3A_167 = arith.constant 16 : i32
      %mul3A_168 = arith.muli %scan3A_56, %mul3A_167 : i32
      %add3A_169 = arith.constant 6 : i32
      %add3A_170 = arith.addi %mul3A_168, %add3A_169 : i32
      %dma_start3A_171 = arith.constant 0 : i32
      %dma_start3A_172 = tpu.memref_slice %arg17[%add3A_170, %dma_start3A_171] : memref<128x64xf32, #tpu.memory_space<vmem>> -> memref<1x64xf32, #tpu.memory_space<vmem>>
      %dma_start3A_173 = tpu.memref_squeeze %dma_start3A_172 : memref<1x64xf32, #tpu.memory_space<vmem>> -> memref<64xf32, #tpu.memory_space<vmem>>
      %dma_start3A_174 = arith.constant 0 : i32
      %dma_start3A_175 = tpu.memref_slice %arg7[%squeeze3A_166, %dma_start3A_174] : memref<1001x64xf32, #tpu.memory_space<hbm>> -> memref<1x64xf32, #tpu.memory_space<hbm>>
      %dma_start3A_176 = tpu.memref_squeeze %dma_start3A_175 : memref<1x64xf32, #tpu.memory_space<hbm>> -> memref<64xf32, #tpu.memory_space<hbm>>
      %dma_start3A_177 = arith.constant 0 : i32
      %dma_start3A_178 = tpu.memref_slice %arg17[%add3A_170, %dma_start3A_177] : memref<128x64xf32, #tpu.memory_space<vmem>> -> memref<1x64xf32, #tpu.memory_space<vmem>>
      %dma_start3A_179 = tpu.memref_squeeze %dma_start3A_178 : memref<1x64xf32, #tpu.memory_space<vmem>> -> memref<64xf32, #tpu.memory_space<vmem>>
      %dma_start3A_180 = arith.constant 0 : i32
      %dma_start3A_181 = tpu.memref_slice %arg7[%squeeze3A_166, %dma_start3A_180] : memref<1001x64xf32, #tpu.memory_space<hbm>> -> memref<1x64xf32, #tpu.memory_space<hbm>>
      %dma_start3A_182 = tpu.memref_squeeze %dma_start3A_181 : memref<1x64xf32, #tpu.memory_space<hbm>> -> memref<64xf32, #tpu.memory_space<hbm>>
      tpu.enqueue_dma source(%dma_start3A_182 : memref<64xf32, #tpu.memory_space<hbm>>) target(%dma_start3A_179 : memref<64xf32, #tpu.memory_space<vmem>>) target_semaphore(%arg21 : memref<!tpu.dma_semaphore, #tpu.memory_space<semaphore_mem>>)
      %slice3A_183 = vector.extract_strided_slice %get3A_59 {offsets = [7], sizes = [1], strides = [1]} : vector<16xi32> to vector<1xi32>
      %squeeze3A_184 = vector.extract %slice3A_183[0] : i32 from vector<1xi32>
      %mul3A_185 = arith.constant 16 : i32
      %mul3A_186 = arith.muli %scan3A_56, %mul3A_185 : i32
      %add3A_187 = arith.constant 7 : i32
      %add3A_188 = arith.addi %mul3A_186, %add3A_187 : i32
      %dma_start3A_189 = arith.constant 0 : i32
      %dma_start3A_190 = tpu.memref_slice %arg17[%add3A_188, %dma_start3A_189] : memref<128x64xf32, #tpu.memory_space<vmem>> -> memref<1x64xf32, #tpu.memory_space<vmem>>
      %dma_start3A_191 = tpu.memref_squeeze %dma_start3A_190 : memref<1x64xf32, #tpu.memory_space<vmem>> -> memref<64xf32, #tpu.memory_space<vmem>>
      %dma_start3A_192 = arith.constant 0 : i32
      %dma_start3A_193 = tpu.memref_slice %arg7[%squeeze3A_184, %dma_start3A_192] : memref<1001x64xf32, #tpu.memory_space<hbm>> -> memref<1x64xf32, #tpu.memory_space<hbm>>
      %dma_start3A_194 = tpu.memref_squeeze %dma_start3A_193 : memref<1x64xf32, #tpu.memory_space<hbm>> -> memref<64xf32, #tpu.memory_space<hbm>>
      %dma_start3A_195 = arith.constant 0 : i32
      %dma_start3A_196 = tpu.memref_slice %arg17[%add3A_188, %dma_start3A_195] : memref<128x64xf32, #tpu.memory_space<vmem>> -> memref<1x64xf32, #tpu.memory_space<vmem>>
      %dma_start3A_197 = tpu.memref_squeeze %dma_start3A_196 : memref<1x64xf32, #tpu.memory_space<vmem>> -> memref<64xf32, #tpu.memory_space<vmem>>
      %dma_start3A_198 = arith.constant 0 : i32
      %dma_start3A_199 = tpu.memref_slice %arg7[%squeeze3A_184, %dma_start3A_198] : memref<1001x64xf32, #tpu.memory_space<hbm>> -> memref<1x64xf32, #tpu.memory_space<hbm>>
      %dma_start3A_200 = tpu.memref_squeeze %dma_start3A_199 : memref<1x64xf32, #tpu.memory_space<hbm>> -> memref<64xf32, #tpu.memory_space<hbm>>
      tpu.enqueue_dma source(%dma_start3A_200 : memref<64xf32, #tpu.memory_space<hbm>>) target(%dma_start3A_197 : memref<64xf32, #tpu.memory_space<vmem>>) target_semaphore(%arg21 : memref<!tpu.dma_semaphore, #tpu.memory_space<semaphore_mem>>)
      %slice3A_201 = vector.extract_strided_slice %get3A_59 {offsets = [8], sizes = [1], strides = [1]} : vector<16xi32> to vector<1xi32>
      %squeeze3A_202 = vector.extract %slice3A_201[0] : i32 from vector<1xi32>
      %mul3A_203 = arith.constant 16 : i32
      %mul3A_204 = arith.muli %scan3A_56, %mul3A_203 : i32
      %add3A_205 = arith.constant 8 : i32
      %add3A_206 = arith.addi %mul3A_204, %add3A_205 : i32
      %dma_start3A_207 = arith.constant 0 : i32
      %dma_start3A_208 = tpu.memref_slice %arg17[%add3A_206, %dma_start3A_207] : memref<128x64xf32, #tpu.memory_space<vmem>> -> memref<1x64xf32, #tpu.memory_space<vmem>>
      %dma_start3A_209 = tpu.memref_squeeze %dma_start3A_208 : memref<1x64xf32, #tpu.memory_space<vmem>> -> memref<64xf32, #tpu.memory_space<vmem>>
      %dma_start3A_210 = arith.constant 0 : i32
      %dma_start3A_211 = tpu.memref_slice %arg7[%squeeze3A_202, %dma_start3A_210] : memref<1001x64xf32, #tpu.memory_space<hbm>> -> memref<1x64xf32, #tpu.memory_space<hbm>>
      %dma_start3A_212 = tpu.memref_squeeze %dma_start3A_211 : memref<1x64xf32, #tpu.memory_space<hbm>> -> memref<64xf32, #tpu.memory_space<hbm>>
      %dma_start3A_213 = arith.constant 0 : i32
      %dma_start3A_214 = tpu.memref_slice %arg17[%add3A_206, %dma_start3A_213] : memref<128x64xf32, #tpu.memory_space<vmem>> -> memref<1x64xf32, #tpu.memory_space<vmem>>
      %dma_start3A_215 = tpu.memref_squeeze %dma_start3A_214 : memref<1x64xf32, #tpu.memory_space<vmem>> -> memref<64xf32, #tpu.memory_space<vmem>>
      %dma_start3A_216 = arith.constant 0 : i32
      %dma_start3A_217 = tpu.memref_slice %arg7[%squeeze3A_202, %dma_start3A_216] : memref<1001x64xf32, #tpu.memory_space<hbm>> -> memref<1x64xf32, #tpu.memory_space<hbm>>
      %dma_start3A_218 = tpu.memref_squeeze %dma_start3A_217 : memref<1x64xf32, #tpu.memory_space<hbm>> -> memref<64xf32, #tpu.memory_space<hbm>>
      tpu.enqueue_dma source(%dma_start3A_218 : memref<64xf32, #tpu.memory_space<hbm>>) target(%dma_start3A_215 : memref<64xf32, #tpu.memory_space<vmem>>) target_semaphore(%arg21 : memref<!tpu.dma_semaphore, #tpu.memory_space<semaphore_mem>>)
      %slice3A_219 = vector.extract_strided_slice %get3A_59 {offsets = [9], sizes = [1], strides = [1]} : vector<16xi32> to vector<1xi32>
      %squeeze3A_220 = vector.extract %slice3A_219[0] : i32 from vector<1xi32>
      %mul3A_221 = arith.constant 16 : i32
      %mul3A_222 = arith.muli %scan3A_56, %mul3A_221 : i32
      %add3A_223 = arith.constant 9 : i32
      %add3A_224 = arith.addi %mul3A_222, %add3A_223 : i32
      %dma_start3A_225 = arith.constant 0 : i32
      %dma_start3A_226 = tpu.memref_slice %arg17[%add3A_224, %dma_start3A_225] : memref<128x64xf32, #tpu.memory_space<vmem>> -> memref<1x64xf32, #tpu.memory_space<vmem>>
      %dma_start3A_227 = tpu.memref_squeeze %dma_start3A_226 : memref<1x64xf32, #tpu.memory_space<vmem>> -> memref<64xf32, #tpu.memory_space<vmem>>
      %dma_start3A_228 = arith.constant 0 : i32
      %dma_start3A_229 = tpu.memref_slice %arg7[%squeeze3A_220, %dma_start3A_228] : memref<1001x64xf32, #tpu.memory_space<hbm>> -> memref<1x64xf32, #tpu.memory_space<hbm>>
      %dma_start3A_230 = tpu.memref_squeeze %dma_start3A_229 : memref<1x64xf32, #tpu.memory_space<hbm>> -> memref<64xf32, #tpu.memory_space<hbm>>
      %dma_start3A_231 = arith.constant 0 : i32
      %dma_start3A_232 = tpu.memref_slice %arg17[%add3A_224, %dma_start3A_231] : memref<128x64xf32, #tpu.memory_space<vmem>> -> memref<1x64xf32, #tpu.memory_space<vmem>>
      %dma_start3A_233 = tpu.memref_squeeze %dma_start3A_232 : memref<1x64xf32, #tpu.memory_space<vmem>> -> memref<64xf32, #tpu.memory_space<vmem>>
      %dma_start3A_234 = arith.constant 0 : i32
      %dma_start3A_235 = tpu.memref_slice %arg7[%squeeze3A_220, %dma_start3A_234] : memref<1001x64xf32, #tpu.memory_space<hbm>> -> memref<1x64xf32, #tpu.memory_space<hbm>>
      %dma_start3A_236 = tpu.memref_squeeze %dma_start3A_235 : memref<1x64xf32, #tpu.memory_space<hbm>> -> memref<64xf32, #tpu.memory_space<hbm>>
      tpu.enqueue_dma source(%dma_start3A_236 : memref<64xf32, #tpu.memory_space<hbm>>) target(%dma_start3A_233 : memref<64xf32, #tpu.memory_space<vmem>>) target_semaphore(%arg21 : memref<!tpu.dma_semaphore, #tpu.memory_space<semaphore_mem>>)
      %slice3A_237 = vector.extract_strided_slice %get3A_59 {offsets = [10], sizes = [1], strides = [1]} : vector<16xi32> to vector<1xi32>
      %squeeze3A_238 = vector.extract %slice3A_237[0] : i32 from vector<1xi32>
      %mul3A_239 = arith.constant 16 : i32
      %mul3A_240 = arith.muli %scan3A_56, %mul3A_239 : i32
      %add3A_241 = arith.constant 10 : i32
      %add3A_242 = arith.addi %mul3A_240, %add3A_241 : i32
      %dma_start3A_243 = arith.constant 0 : i32
      %dma_start3A_244 = tpu.memref_slice %arg17[%add3A_242, %dma_start3A_243] : memref<128x64xf32, #tpu.memory_space<vmem>> -> memref<1x64xf32, #tpu.memory_space<vmem>>
      %dma_start3A_245 = tpu.memref_squeeze %dma_start3A_244 : memref<1x64xf32, #tpu.memory_space<vmem>> -> memref<64xf32, #tpu.memory_space<vmem>>
      %dma_start3A_246 = arith.constant 0 : i32
      %dma_start3A_247 = tpu.memref_slice %arg7[%squeeze3A_238, %dma_start3A_246] : memref<1001x64xf32, #tpu.memory_space<hbm>> -> memref<1x64xf32, #tpu.memory_space<hbm>>
      %dma_start3A_248 = tpu.memref_squeeze %dma_start3A_247 : memref<1x64xf32, #tpu.memory_space<hbm>> -> memref<64xf32, #tpu.memory_space<hbm>>
      %dma_start3A_249 = arith.constant 0 : i32
      %dma_start3A_250 = tpu.memref_slice %arg17[%add3A_242, %dma_start3A_249] : memref<128x64xf32, #tpu.memory_space<vmem>> -> memref<1x64xf32, #tpu.memory_space<vmem>>
      %dma_start3A_251 = tpu.memref_squeeze %dma_start3A_250 : memref<1x64xf32, #tpu.memory_space<vmem>> -> memref<64xf32, #tpu.memory_space<vmem>>
      %dma_start3A_252 = arith.constant 0 : i32
      %dma_start3A_253 = tpu.memref_slice %arg7[%squeeze3A_238, %dma_start3A_252] : memref<1001x64xf32, #tpu.memory_space<hbm>> -> memref<1x64xf32, #tpu.memory_space<hbm>>
      %dma_start3A_254 = tpu.memref_squeeze %dma_start3A_253 : memref<1x64xf32, #tpu.memory_space<hbm>> -> memref<64xf32, #tpu.memory_space<hbm>>
      tpu.enqueue_dma source(%dma_start3A_254 : memref<64xf32, #tpu.memory_space<hbm>>) target(%dma_start3A_251 : memref<64xf32, #tpu.memory_space<vmem>>) target_semaphore(%arg21 : memref<!tpu.dma_semaphore, #tpu.memory_space<semaphore_mem>>)
      %slice3A_255 = vector.extract_strided_slice %get3A_59 {offsets = [11], sizes = [1], strides = [1]} : vector<16xi32> to vector<1xi32>
      %squeeze3A_256 = vector.extract %slice3A_255[0] : i32 from vector<1xi32>
      %mul3A_257 = arith.constant 16 : i32
      %mul3A_258 = arith.muli %scan3A_56, %mul3A_257 : i32
      %add3A_259 = arith.constant 11 : i32
      %add3A_260 = arith.addi %mul3A_258, %add3A_259 : i32
      %dma_start3A_261 = arith.constant 0 : i32
      %dma_start3A_262 = tpu.memref_slice %arg17[%add3A_260, %dma_start3A_261] : memref<128x64xf32, #tpu.memory_space<vmem>> -> memref<1x64xf32, #tpu.memory_space<vmem>>
      %dma_start3A_263 = tpu.memref_squeeze %dma_start3A_262 : memref<1x64xf32, #tpu.memory_space<vmem>> -> memref<64xf32, #tpu.memory_space<vmem>>
      %dma_start3A_264 = arith.constant 0 : i32
      %dma_start3A_265 = tpu.memref_slice %arg7[%squeeze3A_256, %dma_start3A_264] : memref<1001x64xf32, #tpu.memory_space<hbm>> -> memref<1x64xf32, #tpu.memory_space<hbm>>
      %dma_start3A_266 = tpu.memref_squeeze %dma_start3A_265 : memref<1x64xf32, #tpu.memory_space<hbm>> -> memref<64xf32, #tpu.memory_space<hbm>>
      %dma_start3A_267 = arith.constant 0 : i32
      %dma_start3A_268 = tpu.memref_slice %arg17[%add3A_260, %dma_start3A_267] : memref<128x64xf32, #tpu.memory_space<vmem>> -> memref<1x64xf32, #tpu.memory_space<vmem>>
      %dma_start3A_269 = tpu.memref_squeeze %dma_start3A_268 : memref<1x64xf32, #tpu.memory_space<vmem>> -> memref<64xf32, #tpu.memory_space<vmem>>
      %dma_start3A_270 = arith.constant 0 : i32
      %dma_start3A_271 = tpu.memref_slice %arg7[%squeeze3A_256, %dma_start3A_270] : memref<1001x64xf32, #tpu.memory_space<hbm>> -> memref<1x64xf32, #tpu.memory_space<hbm>>
      %dma_start3A_272 = tpu.memref_squeeze %dma_start3A_271 : memref<1x64xf32, #tpu.memory_space<hbm>> -> memref<64xf32, #tpu.memory_space<hbm>>
      tpu.enqueue_dma source(%dma_start3A_272 : memref<64xf32, #tpu.memory_space<hbm>>) target(%dma_start3A_269 : memref<64xf32, #tpu.memory_space<vmem>>) target_semaphore(%arg21 : memref<!tpu.dma_semaphore, #tpu.memory_space<semaphore_mem>>)
      %slice3A_273 = vector.extract_strided_slice %get3A_59 {offsets = [12], sizes = [1], strides = [1]} : vector<16xi32> to vector<1xi32>
      %squeeze3A_274 = vector.extract %slice3A_273[0] : i32 from vector<1xi32>
      %mul3A_275 = arith.constant 16 : i32
      %mul3A_276 = arith.muli %scan3A_56, %mul3A_275 : i32
      %add3A_277 = arith.constant 12 : i32
      %add3A_278 = arith.addi %mul3A_276, %add3A_277 : i32
      %dma_start3A_279 = arith.constant 0 : i32
      %dma_start3A_280 = tpu.memref_slice %arg17[%add3A_278, %dma_start3A_279] : memref<128x64xf32, #tpu.memory_space<vmem>> -> memref<1x64xf32, #tpu.memory_space<vmem>>
      %dma_start3A_281 = tpu.memref_squeeze %dma_start3A_280 : memref<1x64xf32, #tpu.memory_space<vmem>> -> memref<64xf32, #tpu.memory_space<vmem>>
      %dma_start3A_282 = arith.constant 0 : i32
      %dma_start3A_283 = tpu.memref_slice %arg7[%squeeze3A_274, %dma_start3A_282] : memref<1001x64xf32, #tpu.memory_space<hbm>> -> memref<1x64xf32, #tpu.memory_space<hbm>>
      %dma_start3A_284 = tpu.memref_squeeze %dma_start3A_283 : memref<1x64xf32, #tpu.memory_space<hbm>> -> memref<64xf32, #tpu.memory_space<hbm>>
      %dma_start3A_285 = arith.constant 0 : i32
      %dma_start3A_286 = tpu.memref_slice %arg17[%add3A_278, %dma_start3A_285] : memref<128x64xf32, #tpu.memory_space<vmem>> -> memref<1x64xf32, #tpu.memory_space<vmem>>
      %dma_start3A_287 = tpu.memref_squeeze %dma_start3A_286 : memref<1x64xf32, #tpu.memory_space<vmem>> -> memref<64xf32, #tpu.memory_space<vmem>>
      %dma_start3A_288 = arith.constant 0 : i32
      %dma_start3A_289 = tpu.memref_slice %arg7[%squeeze3A_274, %dma_start3A_288] : memref<1001x64xf32, #tpu.memory_space<hbm>> -> memref<1x64xf32, #tpu.memory_space<hbm>>
      %dma_start3A_290 = tpu.memref_squeeze %dma_start3A_289 : memref<1x64xf32, #tpu.memory_space<hbm>> -> memref<64xf32, #tpu.memory_space<hbm>>
      tpu.enqueue_dma source(%dma_start3A_290 : memref<64xf32, #tpu.memory_space<hbm>>) target(%dma_start3A_287 : memref<64xf32, #tpu.memory_space<vmem>>) target_semaphore(%arg21 : memref<!tpu.dma_semaphore, #tpu.memory_space<semaphore_mem>>)
      %slice3A_291 = vector.extract_strided_slice %get3A_59 {offsets = [13], sizes = [1], strides = [1]} : vector<16xi32> to vector<1xi32>
      %squeeze3A_292 = vector.extract %slice3A_291[0] : i32 from vector<1xi32>
      %mul3A_293 = arith.constant 16 : i32
      %mul3A_294 = arith.muli %scan3A_56, %mul3A_293 : i32
      %add3A_295 = arith.constant 13 : i32
      %add3A_296 = arith.addi %mul3A_294, %add3A_295 : i32
      %dma_start3A_297 = arith.constant 0 : i32
      %dma_start3A_298 = tpu.memref_slice %arg17[%add3A_296, %dma_start3A_297] : memref<128x64xf32, #tpu.memory_space<vmem>> -> memref<1x64xf32, #tpu.memory_space<vmem>>
      %dma_start3A_299 = tpu.memref_squeeze %dma_start3A_298 : memref<1x64xf32, #tpu.memory_space<vmem>> -> memref<64xf32, #tpu.memory_space<vmem>>
      %dma_start3A_300 = arith.constant 0 : i32
      %dma_start3A_301 = tpu.memref_slice %arg7[%squeeze3A_292, %dma_start3A_300] : memref<1001x64xf32, #tpu.memory_space<hbm>> -> memref<1x64xf32, #tpu.memory_space<hbm>>
      %dma_start3A_302 = tpu.memref_squeeze %dma_start3A_301 : memref<1x64xf32, #tpu.memory_space<hbm>> -> memref<64xf32, #tpu.memory_space<hbm>>
      %dma_start3A_303 = arith.constant 0 : i32
      %dma_start3A_304 = tpu.memref_slice %arg17[%add3A_296, %dma_start3A_303] : memref<128x64xf32, #tpu.memory_space<vmem>> -> memref<1x64xf32, #tpu.memory_space<vmem>>
      %dma_start3A_305 = tpu.memref_squeeze %dma_start3A_304 : memref<1x64xf32, #tpu.memory_space<vmem>> -> memref<64xf32, #tpu.memory_space<vmem>>
      %dma_start3A_306 = arith.constant 0 : i32
      %dma_start3A_307 = tpu.memref_slice %arg7[%squeeze3A_292, %dma_start3A_306] : memref<1001x64xf32, #tpu.memory_space<hbm>> -> memref<1x64xf32, #tpu.memory_space<hbm>>
      %dma_start3A_308 = tpu.memref_squeeze %dma_start3A_307 : memref<1x64xf32, #tpu.memory_space<hbm>> -> memref<64xf32, #tpu.memory_space<hbm>>
      tpu.enqueue_dma source(%dma_start3A_308 : memref<64xf32, #tpu.memory_space<hbm>>) target(%dma_start3A_305 : memref<64xf32, #tpu.memory_space<vmem>>) target_semaphore(%arg21 : memref<!tpu.dma_semaphore, #tpu.memory_space<semaphore_mem>>)
      %slice3A_309 = vector.extract_strided_slice %get3A_59 {offsets = [14], sizes = [1], strides = [1]} : vector<16xi32> to vector<1xi32>
      %squeeze3A_310 = vector.extract %slice3A_309[0] : i32 from vector<1xi32>
      %mul3A_311 = arith.constant 16 : i32
      %mul3A_312 = arith.muli %scan3A_56, %mul3A_311 : i32
      %add3A_313 = arith.constant 14 : i32
      %add3A_314 = arith.addi %mul3A_312, %add3A_313 : i32
      %dma_start3A_315 = arith.constant 0 : i32
      %dma_start3A_316 = tpu.memref_slice %arg17[%add3A_314, %dma_start3A_315] : memref<128x64xf32, #tpu.memory_space<vmem>> -> memref<1x64xf32, #tpu.memory_space<vmem>>
      %dma_start3A_317 = tpu.memref_squeeze %dma_start3A_316 : memref<1x64xf32, #tpu.memory_space<vmem>> -> memref<64xf32, #tpu.memory_space<vmem>>
      %dma_start3A_318 = arith.constant 0 : i32
      %dma_start3A_319 = tpu.memref_slice %arg7[%squeeze3A_310, %dma_start3A_318] : memref<1001x64xf32, #tpu.memory_space<hbm>> -> memref<1x64xf32, #tpu.memory_space<hbm>>
      %dma_start3A_320 = tpu.memref_squeeze %dma_start3A_319 : memref<1x64xf32, #tpu.memory_space<hbm>> -> memref<64xf32, #tpu.memory_space<hbm>>
      %dma_start3A_321 = arith.constant 0 : i32
      %dma_start3A_322 = tpu.memref_slice %arg17[%add3A_314, %dma_start3A_321] : memref<128x64xf32, #tpu.memory_space<vmem>> -> memref<1x64xf32, #tpu.memory_space<vmem>>
      %dma_start3A_323 = tpu.memref_squeeze %dma_start3A_322 : memref<1x64xf32, #tpu.memory_space<vmem>> -> memref<64xf32, #tpu.memory_space<vmem>>
      %dma_start3A_324 = arith.constant 0 : i32
      %dma_start3A_325 = tpu.memref_slice %arg7[%squeeze3A_310, %dma_start3A_324] : memref<1001x64xf32, #tpu.memory_space<hbm>> -> memref<1x64xf32, #tpu.memory_space<hbm>>
      %dma_start3A_326 = tpu.memref_squeeze %dma_start3A_325 : memref<1x64xf32, #tpu.memory_space<hbm>> -> memref<64xf32, #tpu.memory_space<hbm>>
      tpu.enqueue_dma source(%dma_start3A_326 : memref<64xf32, #tpu.memory_space<hbm>>) target(%dma_start3A_323 : memref<64xf32, #tpu.memory_space<vmem>>) target_semaphore(%arg21 : memref<!tpu.dma_semaphore, #tpu.memory_space<semaphore_mem>>)
      %slice3A_327 = vector.extract_strided_slice %get3A_59 {offsets = [15], sizes = [1], strides = [1]} : vector<16xi32> to vector<1xi32>
      %squeeze3A_328 = vector.extract %slice3A_327[0] : i32 from vector<1xi32>
      %mul3A_329 = arith.constant 16 : i32
      %mul3A_330 = arith.muli %scan3A_56, %mul3A_329 : i32
      %add3A_331 = arith.constant 15 : i32
      %add3A_332 = arith.addi %mul3A_330, %add3A_331 : i32
      %dma_start3A_333 = arith.constant 0 : i32
      %dma_start3A_334 = tpu.memref_slice %arg17[%add3A_332, %dma_start3A_333] : memref<128x64xf32, #tpu.memory_space<vmem>> -> memref<1x64xf32, #tpu.memory_space<vmem>>
      %dma_start3A_335 = tpu.memref_squeeze %dma_start3A_334 : memref<1x64xf32, #tpu.memory_space<vmem>> -> memref<64xf32, #tpu.memory_space<vmem>>
      %dma_start3A_336 = arith.constant 0 : i32
      %dma_start3A_337 = tpu.memref_slice %arg7[%squeeze3A_328, %dma_start3A_336] : memref<1001x64xf32, #tpu.memory_space<hbm>> -> memref<1x64xf32, #tpu.memory_space<hbm>>
      %dma_start3A_338 = tpu.memref_squeeze %dma_start3A_337 : memref<1x64xf32, #tpu.memory_space<hbm>> -> memref<64xf32, #tpu.memory_space<hbm>>
      %dma_start3A_339 = arith.constant 0 : i32
      %dma_start3A_340 = tpu.memref_slice %arg17[%add3A_332, %dma_start3A_339] : memref<128x64xf32, #tpu.memory_space<vmem>> -> memref<1x64xf32, #tpu.memory_space<vmem>>
      %dma_start3A_341 = tpu.memref_squeeze %dma_start3A_340 : memref<1x64xf32, #tpu.memory_space<vmem>> -> memref<64xf32, #tpu.memory_space<vmem>>
      %dma_start3A_342 = arith.constant 0 : i32
      %dma_start3A_343 = tpu.memref_slice %arg7[%squeeze3A_328, %dma_start3A_342] : memref<1001x64xf32, #tpu.memory_space<hbm>> -> memref<1x64xf32, #tpu.memory_space<hbm>>
      %dma_start3A_344 = tpu.memref_squeeze %dma_start3A_343 : memref<1x64xf32, #tpu.memory_space<hbm>> -> memref<64xf32, #tpu.memory_space<hbm>>
      tpu.enqueue_dma source(%dma_start3A_344 : memref<64xf32, #tpu.memory_space<hbm>>) target(%dma_start3A_341 : memref<64xf32, #tpu.memory_space<vmem>>) target_semaphore(%arg21 : memref<!tpu.dma_semaphore, #tpu.memory_space<semaphore_mem>>)
    }
    %scan3A_13 = arith.constant 8 : i32
    %scan3A_14 = arith.constant 0 : i32
    %scan3A_15 = arith.constant 0 : i32
    %scan3A_16 = arith.constant 8 : i32
    %scan3A_17 = arith.addi %scan3A_15, %scan3A_16 : i32
    %scan3A_18 = arith.constant 1 : i32
    scf.for %scan3A_56 = %scan3A_15 to %scan3A_17 step %scan3A_18  : i32 {
      %mul3A_57 = arith.constant 16 : i32
      %mul3A_58 = arith.muli %scan3A_56, %mul3A_57 : i32
      %get3A = arith.index_cast %mul3A_58 : i32 to index
      %get3A_59 = tpu.vector_load %arg14[%get3A] {strides = array<i32>} : memref<128xi32, #tpu.memory_space<vmem>>, vector<16xi32>,
      %slice3A = vector.extract_strided_slice %get3A_59 {offsets = [0], sizes = [1], strides = [1]} : vector<16xi32> to vector<1xi32>
      %squeeze3A = vector.extract %slice3A[0] : i32 from vector<1xi32>
      %mul3A_60 = arith.constant 16 : i32
      %mul3A_61 = arith.muli %scan3A_56, %mul3A_60 : i32
      %add3A_62 = arith.constant 0 : i32
      %add3A_63 = arith.addi %mul3A_61, %add3A_62 : i32
      %dma_start3A = arith.constant 0 : i32
      %dma_start3A_64 = tpu.memref_slice %arg18[%add3A_63, %dma_start3A] : memref<128x64xf32, #tpu.memory_space<vmem>> -> memref<1x64xf32, #tpu.memory_space<vmem>>
      %dma_start3A_65 = tpu.memref_squeeze %dma_start3A_64 : memref<1x64xf32, #tpu.memory_space<vmem>> -> memref<64xf32, #tpu.memory_space<vmem>>
      %dma_start3A_66 = arith.constant 0 : i32
      %dma_start3A_67 = tpu.memref_slice %arg8[%squeeze3A, %dma_start3A_66] : memref<100001x64xf32, #tpu.memory_space<hbm>> -> memref<1x64xf32, #tpu.memory_space<hbm>>
      %dma_start3A_68 = tpu.memref_squeeze %dma_start3A_67 : memref<1x64xf32, #tpu.memory_space<hbm>> -> memref<64xf32, #tpu.memory_space<hbm>>
      %dma_start3A_69 = arith.constant 0 : i32
      %dma_start3A_70 = tpu.memref_slice %arg18[%add3A_63, %dma_start3A_69] : memref<128x64xf32, #tpu.memory_space<vmem>> -> memref<1x64xf32, #tpu.memory_space<vmem>>
      %dma_start3A_71 = tpu.memref_squeeze %dma_start3A_70 : memref<1x64xf32, #tpu.memory_space<vmem>> -> memref<64xf32, #tpu.memory_space<vmem>>
      %dma_start3A_72 = arith.constant 0 : i32
      %dma_start3A_73 = tpu.memref_slice %arg8[%squeeze3A, %dma_start3A_72] : memref<100001x64xf32, #tpu.memory_space<hbm>> -> memref<1x64xf32, #tpu.memory_space<hbm>>
      %dma_start3A_74 = tpu.memref_squeeze %dma_start3A_73 : memref<1x64xf32, #tpu.memory_space<hbm>> -> memref<64xf32, #tpu.memory_space<hbm>>
      tpu.enqueue_dma source(%dma_start3A_74 : memref<64xf32, #tpu.memory_space<hbm>>) target(%dma_start3A_71 : memref<64xf32, #tpu.memory_space<vmem>>) target_semaphore(%arg22 : memref<!tpu.dma_semaphore, #tpu.memory_space<semaphore_mem>>)
      %slice3A_75 = vector.extract_strided_slice %get3A_59 {offsets = [1], sizes = [1], strides = [1]} : vector<16xi32> to vector<1xi32>
      %squeeze3A_76 = vector.extract %slice3A_75[0] : i32 from vector<1xi32>
      %mul3A_77 = arith.constant 16 : i32
      %mul3A_78 = arith.muli %scan3A_56, %mul3A_77 : i32
      %add3A_79 = arith.constant 1 : i32
      %add3A_80 = arith.addi %mul3A_78, %add3A_79 : i32
      %dma_start3A_81 = arith.constant 0 : i32
      %dma_start3A_82 = tpu.memref_slice %arg18[%add3A_80, %dma_start3A_81] : memref<128x64xf32, #tpu.memory_space<vmem>> -> memref<1x64xf32, #tpu.memory_space<vmem>>
      %dma_start3A_83 = tpu.memref_squeeze %dma_start3A_82 : memref<1x64xf32, #tpu.memory_space<vmem>> -> memref<64xf32, #tpu.memory_space<vmem>>
      %dma_start3A_84 = arith.constant 0 : i32
      %dma_start3A_85 = tpu.memref_slice %arg8[%squeeze3A_76, %dma_start3A_84] : memref<100001x64xf32, #tpu.memory_space<hbm>> -> memref<1x64xf32, #tpu.memory_space<hbm>>
      %dma_start3A_86 = tpu.memref_squeeze %dma_start3A_85 : memref<1x64xf32, #tpu.memory_space<hbm>> -> memref<64xf32, #tpu.memory_space<hbm>>
      %dma_start3A_87 = arith.constant 0 : i32
      %dma_start3A_88 = tpu.memref_slice %arg18[%add3A_80, %dma_start3A_87] : memref<128x64xf32, #tpu.memory_space<vmem>> -> memref<1x64xf32, #tpu.memory_space<vmem>>
      %dma_start3A_89 = tpu.memref_squeeze %dma_start3A_88 : memref<1x64xf32, #tpu.memory_space<vmem>> -> memref<64xf32, #tpu.memory_space<vmem>>
      %dma_start3A_90 = arith.constant 0 : i32
      %dma_start3A_91 = tpu.memref_slice %arg8[%squeeze3A_76, %dma_start3A_90] : memref<100001x64xf32, #tpu.memory_space<hbm>> -> memref<1x64xf32, #tpu.memory_space<hbm>>
      %dma_start3A_92 = tpu.memref_squeeze %dma_start3A_91 : memref<1x64xf32, #tpu.memory_space<hbm>> -> memref<64xf32, #tpu.memory_space<hbm>>
      tpu.enqueue_dma source(%dma_start3A_92 : memref<64xf32, #tpu.memory_space<hbm>>) target(%dma_start3A_89 : memref<64xf32, #tpu.memory_space<vmem>>) target_semaphore(%arg22 : memref<!tpu.dma_semaphore, #tpu.memory_space<semaphore_mem>>)
      %slice3A_93 = vector.extract_strided_slice %get3A_59 {offsets = [2], sizes = [1], strides = [1]} : vector<16xi32> to vector<1xi32>
      %squeeze3A_94 = vector.extract %slice3A_93[0] : i32 from vector<1xi32>
      %mul3A_95 = arith.constant 16 : i32
      %mul3A_96 = arith.muli %scan3A_56, %mul3A_95 : i32
      %add3A_97 = arith.constant 2 : i32
      %add3A_98 = arith.addi %mul3A_96, %add3A_97 : i32
      %dma_start3A_99 = arith.constant 0 : i32
      %dma_start3A_100 = tpu.memref_slice %arg18[%add3A_98, %dma_start3A_99] : memref<128x64xf32, #tpu.memory_space<vmem>> -> memref<1x64xf32, #tpu.memory_space<vmem>>
      %dma_start3A_101 = tpu.memref_squeeze %dma_start3A_100 : memref<1x64xf32, #tpu.memory_space<vmem>> -> memref<64xf32, #tpu.memory_space<vmem>>
      %dma_start3A_102 = arith.constant 0 : i32
      %dma_start3A_103 = tpu.memref_slice %arg8[%squeeze3A_94, %dma_start3A_102] : memref<100001x64xf32, #tpu.memory_space<hbm>> -> memref<1x64xf32, #tpu.memory_space<hbm>>
      %dma_start3A_104 = tpu.memref_squeeze %dma_start3A_103 : memref<1x64xf32, #tpu.memory_space<hbm>> -> memref<64xf32, #tpu.memory_space<hbm>>
      %dma_start3A_105 = arith.constant 0 : i32
      %dma_start3A_106 = tpu.memref_slice %arg18[%add3A_98, %dma_start3A_105] : memref<128x64xf32, #tpu.memory_space<vmem>> -> memref<1x64xf32, #tpu.memory_space<vmem>>
      %dma_start3A_107 = tpu.memref_squeeze %dma_start3A_106 : memref<1x64xf32, #tpu.memory_space<vmem>> -> memref<64xf32, #tpu.memory_space<vmem>>
      %dma_start3A_108 = arith.constant 0 : i32
      %dma_start3A_109 = tpu.memref_slice %arg8[%squeeze3A_94, %dma_start3A_108] : memref<100001x64xf32, #tpu.memory_space<hbm>> -> memref<1x64xf32, #tpu.memory_space<hbm>>
      %dma_start3A_110 = tpu.memref_squeeze %dma_start3A_109 : memref<1x64xf32, #tpu.memory_space<hbm>> -> memref<64xf32, #tpu.memory_space<hbm>>
      tpu.enqueue_dma source(%dma_start3A_110 : memref<64xf32, #tpu.memory_space<hbm>>) target(%dma_start3A_107 : memref<64xf32, #tpu.memory_space<vmem>>) target_semaphore(%arg22 : memref<!tpu.dma_semaphore, #tpu.memory_space<semaphore_mem>>)
      %slice3A_111 = vector.extract_strided_slice %get3A_59 {offsets = [3], sizes = [1], strides = [1]} : vector<16xi32> to vector<1xi32>
      %squeeze3A_112 = vector.extract %slice3A_111[0] : i32 from vector<1xi32>
      %mul3A_113 = arith.constant 16 : i32
      %mul3A_114 = arith.muli %scan3A_56, %mul3A_113 : i32
      %add3A_115 = arith.constant 3 : i32
      %add3A_116 = arith.addi %mul3A_114, %add3A_115 : i32
      %dma_start3A_117 = arith.constant 0 : i32
      %dma_start3A_118 = tpu.memref_slice %arg18[%add3A_116, %dma_start3A_117] : memref<128x64xf32, #tpu.memory_space<vmem>> -> memref<1x64xf32, #tpu.memory_space<vmem>>
      %dma_start3A_119 = tpu.memref_squeeze %dma_start3A_118 : memref<1x64xf32, #tpu.memory_space<vmem>> -> memref<64xf32, #tpu.memory_space<vmem>>
      %dma_start3A_120 = arith.constant 0 : i32
      %dma_start3A_121 = tpu.memref_slice %arg8[%squeeze3A_112, %dma_start3A_120] : memref<100001x64xf32, #tpu.memory_space<hbm>> -> memref<1x64xf32, #tpu.memory_space<hbm>>
      %dma_start3A_122 = tpu.memref_squeeze %dma_start3A_121 : memref<1x64xf32, #tpu.memory_space<hbm>> -> memref<64xf32, #tpu.memory_space<hbm>>
      %dma_start3A_123 = arith.constant 0 : i32
      %dma_start3A_124 = tpu.memref_slice %arg18[%add3A_116, %dma_start3A_123] : memref<128x64xf32, #tpu.memory_space<vmem>> -> memref<1x64xf32, #tpu.memory_space<vmem>>
      %dma_start3A_125 = tpu.memref_squeeze %dma_start3A_124 : memref<1x64xf32, #tpu.memory_space<vmem>> -> memref<64xf32, #tpu.memory_space<vmem>>
      %dma_start3A_126 = arith.constant 0 : i32
      %dma_start3A_127 = tpu.memref_slice %arg8[%squeeze3A_112, %dma_start3A_126] : memref<100001x64xf32, #tpu.memory_space<hbm>> -> memref<1x64xf32, #tpu.memory_space<hbm>>
      %dma_start3A_128 = tpu.memref_squeeze %dma_start3A_127 : memref<1x64xf32, #tpu.memory_space<hbm>> -> memref<64xf32, #tpu.memory_space<hbm>>
      tpu.enqueue_dma source(%dma_start3A_128 : memref<64xf32, #tpu.memory_space<hbm>>) target(%dma_start3A_125 : memref<64xf32, #tpu.memory_space<vmem>>) target_semaphore(%arg22 : memref<!tpu.dma_semaphore, #tpu.memory_space<semaphore_mem>>)
      %slice3A_129 = vector.extract_strided_slice %get3A_59 {offsets = [4], sizes = [1], strides = [1]} : vector<16xi32> to vector<1xi32>
      %squeeze3A_130 = vector.extract %slice3A_129[0] : i32 from vector<1xi32>
      %mul3A_131 = arith.constant 16 : i32
      %mul3A_132 = arith.muli %scan3A_56, %mul3A_131 : i32
      %add3A_133 = arith.constant 4 : i32
      %add3A_134 = arith.addi %mul3A_132, %add3A_133 : i32
      %dma_start3A_135 = arith.constant 0 : i32
      %dma_start3A_136 = tpu.memref_slice %arg18[%add3A_134, %dma_start3A_135] : memref<128x64xf32, #tpu.memory_space<vmem>> -> memref<1x64xf32, #tpu.memory_space<vmem>>
      %dma_start3A_137 = tpu.memref_squeeze %dma_start3A_136 : memref<1x64xf32, #tpu.memory_space<vmem>> -> memref<64xf32, #tpu.memory_space<vmem>>
      %dma_start3A_138 = arith.constant 0 : i32
      %dma_start3A_139 = tpu.memref_slice %arg8[%squeeze3A_130, %dma_start3A_138] : memref<100001x64xf32, #tpu.memory_space<hbm>> -> memref<1x64xf32, #tpu.memory_space<hbm>>
      %dma_start3A_140 = tpu.memref_squeeze %dma_start3A_139 : memref<1x64xf32, #tpu.memory_space<hbm>> -> memref<64xf32, #tpu.memory_space<hbm>>
      %dma_start3A_141 = arith.constant 0 : i32
      %dma_start3A_142 = tpu.memref_slice %arg18[%add3A_134, %dma_start3A_141] : memref<128x64xf32, #tpu.memory_space<vmem>> -> memref<1x64xf32, #tpu.memory_space<vmem>>
      %dma_start3A_143 = tpu.memref_squeeze %dma_start3A_142 : memref<1x64xf32, #tpu.memory_space<vmem>> -> memref<64xf32, #tpu.memory_space<vmem>>
      %dma_start3A_144 = arith.constant 0 : i32
      %dma_start3A_145 = tpu.memref_slice %arg8[%squeeze3A_130, %dma_start3A_144] : memref<100001x64xf32, #tpu.memory_space<hbm>> -> memref<1x64xf32, #tpu.memory_space<hbm>>
      %dma_start3A_146 = tpu.memref_squeeze %dma_start3A_145 : memref<1x64xf32, #tpu.memory_space<hbm>> -> memref<64xf32, #tpu.memory_space<hbm>>
      tpu.enqueue_dma source(%dma_start3A_146 : memref<64xf32, #tpu.memory_space<hbm>>) target(%dma_start3A_143 : memref<64xf32, #tpu.memory_space<vmem>>) target_semaphore(%arg22 : memref<!tpu.dma_semaphore, #tpu.memory_space<semaphore_mem>>)
      %slice3A_147 = vector.extract_strided_slice %get3A_59 {offsets = [5], sizes = [1], strides = [1]} : vector<16xi32> to vector<1xi32>
      %squeeze3A_148 = vector.extract %slice3A_147[0] : i32 from vector<1xi32>
      %mul3A_149 = arith.constant 16 : i32
      %mul3A_150 = arith.muli %scan3A_56, %mul3A_149 : i32
      %add3A_151 = arith.constant 5 : i32
      %add3A_152 = arith.addi %mul3A_150, %add3A_151 : i32
      %dma_start3A_153 = arith.constant 0 : i32
      %dma_start3A_154 = tpu.memref_slice %arg18[%add3A_152, %dma_start3A_153] : memref<128x64xf32, #tpu.memory_space<vmem>> -> memref<1x64xf32, #tpu.memory_space<vmem>>
      %dma_start3A_155 = tpu.memref_squeeze %dma_start3A_154 : memref<1x64xf32, #tpu.memory_space<vmem>> -> memref<64xf32, #tpu.memory_space<vmem>>
      %dma_start3A_156 = arith.constant 0 : i32
      %dma_start3A_157 = tpu.memref_slice %arg8[%squeeze3A_148, %dma_start3A_156] : memref<100001x64xf32, #tpu.memory_space<hbm>> -> memref<1x64xf32, #tpu.memory_space<hbm>>
      %dma_start3A_158 = tpu.memref_squeeze %dma_start3A_157 : memref<1x64xf32, #tpu.memory_space<hbm>> -> memref<64xf32, #tpu.memory_space<hbm>>
      %dma_start3A_159 = arith.constant 0 : i32
      %dma_start3A_160 = tpu.memref_slice %arg18[%add3A_152, %dma_start3A_159] : memref<128x64xf32, #tpu.memory_space<vmem>> -> memref<1x64xf32, #tpu.memory_space<vmem>>
      %dma_start3A_161 = tpu.memref_squeeze %dma_start3A_160 : memref<1x64xf32, #tpu.memory_space<vmem>> -> memref<64xf32, #tpu.memory_space<vmem>>
      %dma_start3A_162 = arith.constant 0 : i32
      %dma_start3A_163 = tpu.memref_slice %arg8[%squeeze3A_148, %dma_start3A_162] : memref<100001x64xf32, #tpu.memory_space<hbm>> -> memref<1x64xf32, #tpu.memory_space<hbm>>
      %dma_start3A_164 = tpu.memref_squeeze %dma_start3A_163 : memref<1x64xf32, #tpu.memory_space<hbm>> -> memref<64xf32, #tpu.memory_space<hbm>>
      tpu.enqueue_dma source(%dma_start3A_164 : memref<64xf32, #tpu.memory_space<hbm>>) target(%dma_start3A_161 : memref<64xf32, #tpu.memory_space<vmem>>) target_semaphore(%arg22 : memref<!tpu.dma_semaphore, #tpu.memory_space<semaphore_mem>>)
      %slice3A_165 = vector.extract_strided_slice %get3A_59 {offsets = [6], sizes = [1], strides = [1]} : vector<16xi32> to vector<1xi32>
      %squeeze3A_166 = vector.extract %slice3A_165[0] : i32 from vector<1xi32>
      %mul3A_167 = arith.constant 16 : i32
      %mul3A_168 = arith.muli %scan3A_56, %mul3A_167 : i32
      %add3A_169 = arith.constant 6 : i32
      %add3A_170 = arith.addi %mul3A_168, %add3A_169 : i32
      %dma_start3A_171 = arith.constant 0 : i32
      %dma_start3A_172 = tpu.memref_slice %arg18[%add3A_170, %dma_start3A_171] : memref<128x64xf32, #tpu.memory_space<vmem>> -> memref<1x64xf32, #tpu.memory_space<vmem>>
      %dma_start3A_173 = tpu.memref_squeeze %dma_start3A_172 : memref<1x64xf32, #tpu.memory_space<vmem>> -> memref<64xf32, #tpu.memory_space<vmem>>
      %dma_start3A_174 = arith.constant 0 : i32
      %dma_start3A_175 = tpu.memref_slice %arg8[%squeeze3A_166, %dma_start3A_174] : memref<100001x64xf32, #tpu.memory_space<hbm>> -> memref<1x64xf32, #tpu.memory_space<hbm>>
      %dma_start3A_176 = tpu.memref_squeeze %dma_start3A_175 : memref<1x64xf32, #tpu.memory_space<hbm>> -> memref<64xf32, #tpu.memory_space<hbm>>
      %dma_start3A_177 = arith.constant 0 : i32
      %dma_start3A_178 = tpu.memref_slice %arg18[%add3A_170, %dma_start3A_177] : memref<128x64xf32, #tpu.memory_space<vmem>> -> memref<1x64xf32, #tpu.memory_space<vmem>>
      %dma_start3A_179 = tpu.memref_squeeze %dma_start3A_178 : memref<1x64xf32, #tpu.memory_space<vmem>> -> memref<64xf32, #tpu.memory_space<vmem>>
      %dma_start3A_180 = arith.constant 0 : i32
      %dma_start3A_181 = tpu.memref_slice %arg8[%squeeze3A_166, %dma_start3A_180] : memref<100001x64xf32, #tpu.memory_space<hbm>> -> memref<1x64xf32, #tpu.memory_space<hbm>>
      %dma_start3A_182 = tpu.memref_squeeze %dma_start3A_181 : memref<1x64xf32, #tpu.memory_space<hbm>> -> memref<64xf32, #tpu.memory_space<hbm>>
      tpu.enqueue_dma source(%dma_start3A_182 : memref<64xf32, #tpu.memory_space<hbm>>) target(%dma_start3A_179 : memref<64xf32, #tpu.memory_space<vmem>>) target_semaphore(%arg22 : memref<!tpu.dma_semaphore, #tpu.memory_space<semaphore_mem>>)
      %slice3A_183 = vector.extract_strided_slice %get3A_59 {offsets = [7], sizes = [1], strides = [1]} : vector<16xi32> to vector<1xi32>
      %squeeze3A_184 = vector.extract %slice3A_183[0] : i32 from vector<1xi32>
      %mul3A_185 = arith.constant 16 : i32
      %mul3A_186 = arith.muli %scan3A_56, %mul3A_185 : i32
      %add3A_187 = arith.constant 7 : i32
      %add3A_188 = arith.addi %mul3A_186, %add3A_187 : i32
      %dma_start3A_189 = arith.constant 0 : i32
      %dma_start3A_190 = tpu.memref_slice %arg18[%add3A_188, %dma_start3A_189] : memref<128x64xf32, #tpu.memory_space<vmem>> -> memref<1x64xf32, #tpu.memory_space<vmem>>
      %dma_start3A_191 = tpu.memref_squeeze %dma_start3A_190 : memref<1x64xf32, #tpu.memory_space<vmem>> -> memref<64xf32, #tpu.memory_space<vmem>>
      %dma_start3A_192 = arith.constant 0 : i32
      %dma_start3A_193 = tpu.memref_slice %arg8[%squeeze3A_184, %dma_start3A_192] : memref<100001x64xf32, #tpu.memory_space<hbm>> -> memref<1x64xf32, #tpu.memory_space<hbm>>
      %dma_start3A_194 = tpu.memref_squeeze %dma_start3A_193 : memref<1x64xf32, #tpu.memory_space<hbm>> -> memref<64xf32, #tpu.memory_space<hbm>>
      %dma_start3A_195 = arith.constant 0 : i32
      %dma_start3A_196 = tpu.memref_slice %arg18[%add3A_188, %dma_start3A_195] : memref<128x64xf32, #tpu.memory_space<vmem>> -> memref<1x64xf32, #tpu.memory_space<vmem>>
      %dma_start3A_197 = tpu.memref_squeeze %dma_start3A_196 : memref<1x64xf32, #tpu.memory_space<vmem>> -> memref<64xf32, #tpu.memory_space<vmem>>
      %dma_start3A_198 = arith.constant 0 : i32
      %dma_start3A_199 = tpu.memref_slice %arg8[%squeeze3A_184, %dma_start3A_198] : memref<100001x64xf32, #tpu.memory_space<hbm>> -> memref<1x64xf32, #tpu.memory_space<hbm>>
      %dma_start3A_200 = tpu.memref_squeeze %dma_start3A_199 : memref<1x64xf32, #tpu.memory_space<hbm>> -> memref<64xf32, #tpu.memory_space<hbm>>
      tpu.enqueue_dma source(%dma_start3A_200 : memref<64xf32, #tpu.memory_space<hbm>>) target(%dma_start3A_197 : memref<64xf32, #tpu.memory_space<vmem>>) target_semaphore(%arg22 : memref<!tpu.dma_semaphore, #tpu.memory_space<semaphore_mem>>)
      %slice3A_201 = vector.extract_strided_slice %get3A_59 {offsets = [8], sizes = [1], strides = [1]} : vector<16xi32> to vector<1xi32>
      %squeeze3A_202 = vector.extract %slice3A_201[0] : i32 from vector<1xi32>
      %mul3A_203 = arith.constant 16 : i32
      %mul3A_204 = arith.muli %scan3A_56, %mul3A_203 : i32
      %add3A_205 = arith.constant 8 : i32
      %add3A_206 = arith.addi %mul3A_204, %add3A_205 : i32
      %dma_start3A_207 = arith.constant 0 : i32
      %dma_start3A_208 = tpu.memref_slice %arg18[%add3A_206, %dma_start3A_207] : memref<128x64xf32, #tpu.memory_space<vmem>> -> memref<1x64xf32, #tpu.memory_space<vmem>>
      %dma_start3A_209 = tpu.memref_squeeze %dma_start3A_208 : memref<1x64xf32, #tpu.memory_space<vmem>> -> memref<64xf32, #tpu.memory_space<vmem>>
      %dma_start3A_210 = arith.constant 0 : i32
      %dma_start3A_211 = tpu.memref_slice %arg8[%squeeze3A_202, %dma_start3A_210] : memref<100001x64xf32, #tpu.memory_space<hbm>> -> memref<1x64xf32, #tpu.memory_space<hbm>>
      %dma_start3A_212 = tpu.memref_squeeze %dma_start3A_211 : memref<1x64xf32, #tpu.memory_space<hbm>> -> memref<64xf32, #tpu.memory_space<hbm>>
      %dma_start3A_213 = arith.constant 0 : i32
      %dma_start3A_214 = tpu.memref_slice %arg18[%add3A_206, %dma_start3A_213] : memref<128x64xf32, #tpu.memory_space<vmem>> -> memref<1x64xf32, #tpu.memory_space<vmem>>
      %dma_start3A_215 = tpu.memref_squeeze %dma_start3A_214 : memref<1x64xf32, #tpu.memory_space<vmem>> -> memref<64xf32, #tpu.memory_space<vmem>>
      %dma_start3A_216 = arith.constant 0 : i32
      %dma_start3A_217 = tpu.memref_slice %arg8[%squeeze3A_202, %dma_start3A_216] : memref<100001x64xf32, #tpu.memory_space<hbm>> -> memref<1x64xf32, #tpu.memory_space<hbm>>
      %dma_start3A_218 = tpu.memref_squeeze %dma_start3A_217 : memref<1x64xf32, #tpu.memory_space<hbm>> -> memref<64xf32, #tpu.memory_space<hbm>>
      tpu.enqueue_dma source(%dma_start3A_218 : memref<64xf32, #tpu.memory_space<hbm>>) target(%dma_start3A_215 : memref<64xf32, #tpu.memory_space<vmem>>) target_semaphore(%arg22 : memref<!tpu.dma_semaphore, #tpu.memory_space<semaphore_mem>>)
      %slice3A_219 = vector.extract_strided_slice %get3A_59 {offsets = [9], sizes = [1], strides = [1]} : vector<16xi32> to vector<1xi32>
      %squeeze3A_220 = vector.extract %slice3A_219[0] : i32 from vector<1xi32>
      %mul3A_221 = arith.constant 16 : i32
      %mul3A_222 = arith.muli %scan3A_56, %mul3A_221 : i32
      %add3A_223 = arith.constant 9 : i32
      %add3A_224 = arith.addi %mul3A_222, %add3A_223 : i32
      %dma_start3A_225 = arith.constant 0 : i32
      %dma_start3A_226 = tpu.memref_slice %arg18[%add3A_224, %dma_start3A_225] : memref<128x64xf32, #tpu.memory_space<vmem>> -> memref<1x64xf32, #tpu.memory_space<vmem>>
      %dma_start3A_227 = tpu.memref_squeeze %dma_start3A_226 : memref<1x64xf32, #tpu.memory_space<vmem>> -> memref<64xf32, #tpu.memory_space<vmem>>
      %dma_start3A_228 = arith.constant 0 : i32
      %dma_start3A_229 = tpu.memref_slice %arg8[%squeeze3A_220, %dma_start3A_228] : memref<100001x64xf32, #tpu.memory_space<hbm>> -> memref<1x64xf32, #tpu.memory_space<hbm>>
      %dma_start3A_230 = tpu.memref_squeeze %dma_start3A_229 : memref<1x64xf32, #tpu.memory_space<hbm>> -> memref<64xf32, #tpu.memory_space<hbm>>
      %dma_start3A_231 = arith.constant 0 : i32
      %dma_start3A_232 = tpu.memref_slice %arg18[%add3A_224, %dma_start3A_231] : memref<128x64xf32, #tpu.memory_space<vmem>> -> memref<1x64xf32, #tpu.memory_space<vmem>>
      %dma_start3A_233 = tpu.memref_squeeze %dma_start3A_232 : memref<1x64xf32, #tpu.memory_space<vmem>> -> memref<64xf32, #tpu.memory_space<vmem>>
      %dma_start3A_234 = arith.constant 0 : i32
      %dma_start3A_235 = tpu.memref_slice %arg8[%squeeze3A_220, %dma_start3A_234] : memref<100001x64xf32, #tpu.memory_space<hbm>> -> memref<1x64xf32, #tpu.memory_space<hbm>>
      %dma_start3A_236 = tpu.memref_squeeze %dma_start3A_235 : memref<1x64xf32, #tpu.memory_space<hbm>> -> memref<64xf32, #tpu.memory_space<hbm>>
      tpu.enqueue_dma source(%dma_start3A_236 : memref<64xf32, #tpu.memory_space<hbm>>) target(%dma_start3A_233 : memref<64xf32, #tpu.memory_space<vmem>>) target_semaphore(%arg22 : memref<!tpu.dma_semaphore, #tpu.memory_space<semaphore_mem>>)
      %slice3A_237 = vector.extract_strided_slice %get3A_59 {offsets = [10], sizes = [1], strides = [1]} : vector<16xi32> to vector<1xi32>
      %squeeze3A_238 = vector.extract %slice3A_237[0] : i32 from vector<1xi32>
      %mul3A_239 = arith.constant 16 : i32
      %mul3A_240 = arith.muli %scan3A_56, %mul3A_239 : i32
      %add3A_241 = arith.constant 10 : i32
      %add3A_242 = arith.addi %mul3A_240, %add3A_241 : i32
      %dma_start3A_243 = arith.constant 0 : i32
      %dma_start3A_244 = tpu.memref_slice %arg18[%add3A_242, %dma_start3A_243] : memref<128x64xf32, #tpu.memory_space<vmem>> -> memref<1x64xf32, #tpu.memory_space<vmem>>
      %dma_start3A_245 = tpu.memref_squeeze %dma_start3A_244 : memref<1x64xf32, #tpu.memory_space<vmem>> -> memref<64xf32, #tpu.memory_space<vmem>>
      %dma_start3A_246 = arith.constant 0 : i32
      %dma_start3A_247 = tpu.memref_slice %arg8[%squeeze3A_238, %dma_start3A_246] : memref<100001x64xf32, #tpu.memory_space<hbm>> -> memref<1x64xf32, #tpu.memory_space<hbm>>
      %dma_start3A_248 = tpu.memref_squeeze %dma_start3A_247 : memref<1x64xf32, #tpu.memory_space<hbm>> -> memref<64xf32, #tpu.memory_space<hbm>>
      %dma_start3A_249 = arith.constant 0 : i32
      %dma_start3A_250 = tpu.memref_slice %arg18[%add3A_242, %dma_start3A_249] : memref<128x64xf32, #tpu.memory_space<vmem>> -> memref<1x64xf32, #tpu.memory_space<vmem>>
      %dma_start3A_251 = tpu.memref_squeeze %dma_start3A_250 : memref<1x64xf32, #tpu.memory_space<vmem>> -> memref<64xf32, #tpu.memory_space<vmem>>
      %dma_start3A_252 = arith.constant 0 : i32
      %dma_start3A_253 = tpu.memref_slice %arg8[%squeeze3A_238, %dma_start3A_252] : memref<100001x64xf32, #tpu.memory_space<hbm>> -> memref<1x64xf32, #tpu.memory_space<hbm>>
      %dma_start3A_254 = tpu.memref_squeeze %dma_start3A_253 : memref<1x64xf32, #tpu.memory_space<hbm>> -> memref<64xf32, #tpu.memory_space<hbm>>
      tpu.enqueue_dma source(%dma_start3A_254 : memref<64xf32, #tpu.memory_space<hbm>>) target(%dma_start3A_251 : memref<64xf32, #tpu.memory_space<vmem>>) target_semaphore(%arg22 : memref<!tpu.dma_semaphore, #tpu.memory_space<semaphore_mem>>)
      %slice3A_255 = vector.extract_strided_slice %get3A_59 {offsets = [11], sizes = [1], strides = [1]} : vector<16xi32> to vector<1xi32>
      %squeeze3A_256 = vector.extract %slice3A_255[0] : i32 from vector<1xi32>
      %mul3A_257 = arith.constant 16 : i32
      %mul3A_258 = arith.muli %scan3A_56, %mul3A_257 : i32
      %add3A_259 = arith.constant 11 : i32
      %add3A_260 = arith.addi %mul3A_258, %add3A_259 : i32
      %dma_start3A_261 = arith.constant 0 : i32
      %dma_start3A_262 = tpu.memref_slice %arg18[%add3A_260, %dma_start3A_261] : memref<128x64xf32, #tpu.memory_space<vmem>> -> memref<1x64xf32, #tpu.memory_space<vmem>>
      %dma_start3A_263 = tpu.memref_squeeze %dma_start3A_262 : memref<1x64xf32, #tpu.memory_space<vmem>> -> memref<64xf32, #tpu.memory_space<vmem>>
      %dma_start3A_264 = arith.constant 0 : i32
      %dma_start3A_265 = tpu.memref_slice %arg8[%squeeze3A_256, %dma_start3A_264] : memref<100001x64xf32, #tpu.memory_space<hbm>> -> memref<1x64xf32, #tpu.memory_space<hbm>>
      %dma_start3A_266 = tpu.memref_squeeze %dma_start3A_265 : memref<1x64xf32, #tpu.memory_space<hbm>> -> memref<64xf32, #tpu.memory_space<hbm>>
      %dma_start3A_267 = arith.constant 0 : i32
      %dma_start3A_268 = tpu.memref_slice %arg18[%add3A_260, %dma_start3A_267] : memref<128x64xf32, #tpu.memory_space<vmem>> -> memref<1x64xf32, #tpu.memory_space<vmem>>
      %dma_start3A_269 = tpu.memref_squeeze %dma_start3A_268 : memref<1x64xf32, #tpu.memory_space<vmem>> -> memref<64xf32, #tpu.memory_space<vmem>>
      %dma_start3A_270 = arith.constant 0 : i32
      %dma_start3A_271 = tpu.memref_slice %arg8[%squeeze3A_256, %dma_start3A_270] : memref<100001x64xf32, #tpu.memory_space<hbm>> -> memref<1x64xf32, #tpu.memory_space<hbm>>
      %dma_start3A_272 = tpu.memref_squeeze %dma_start3A_271 : memref<1x64xf32, #tpu.memory_space<hbm>> -> memref<64xf32, #tpu.memory_space<hbm>>
      tpu.enqueue_dma source(%dma_start3A_272 : memref<64xf32, #tpu.memory_space<hbm>>) target(%dma_start3A_269 : memref<64xf32, #tpu.memory_space<vmem>>) target_semaphore(%arg22 : memref<!tpu.dma_semaphore, #tpu.memory_space<semaphore_mem>>)
      %slice3A_273 = vector.extract_strided_slice %get3A_59 {offsets = [12], sizes = [1], strides = [1]} : vector<16xi32> to vector<1xi32>
      %squeeze3A_274 = vector.extract %slice3A_273[0] : i32 from vector<1xi32>
      %mul3A_275 = arith.constant 16 : i32
      %mul3A_276 = arith.muli %scan3A_56, %mul3A_275 : i32
      %add3A_277 = arith.constant 12 : i32
      %add3A_278 = arith.addi %mul3A_276, %add3A_277 : i32
      %dma_start3A_279 = arith.constant 0 : i32
      %dma_start3A_280 = tpu.memref_slice %arg18[%add3A_278, %dma_start3A_279] : memref<128x64xf32, #tpu.memory_space<vmem>> -> memref<1x64xf32, #tpu.memory_space<vmem>>
      %dma_start3A_281 = tpu.memref_squeeze %dma_start3A_280 : memref<1x64xf32, #tpu.memory_space<vmem>> -> memref<64xf32, #tpu.memory_space<vmem>>
      %dma_start3A_282 = arith.constant 0 : i32
      %dma_start3A_283 = tpu.memref_slice %arg8[%squeeze3A_274, %dma_start3A_282] : memref<100001x64xf32, #tpu.memory_space<hbm>> -> memref<1x64xf32, #tpu.memory_space<hbm>>
      %dma_start3A_284 = tpu.memref_squeeze %dma_start3A_283 : memref<1x64xf32, #tpu.memory_space<hbm>> -> memref<64xf32, #tpu.memory_space<hbm>>
      %dma_start3A_285 = arith.constant 0 : i32
      %dma_start3A_286 = tpu.memref_slice %arg18[%add3A_278, %dma_start3A_285] : memref<128x64xf32, #tpu.memory_space<vmem>> -> memref<1x64xf32, #tpu.memory_space<vmem>>
      %dma_start3A_287 = tpu.memref_squeeze %dma_start3A_286 : memref<1x64xf32, #tpu.memory_space<vmem>> -> memref<64xf32, #tpu.memory_space<vmem>>
      %dma_start3A_288 = arith.constant 0 : i32
      %dma_start3A_289 = tpu.memref_slice %arg8[%squeeze3A_274, %dma_start3A_288] : memref<100001x64xf32, #tpu.memory_space<hbm>> -> memref<1x64xf32, #tpu.memory_space<hbm>>
      %dma_start3A_290 = tpu.memref_squeeze %dma_start3A_289 : memref<1x64xf32, #tpu.memory_space<hbm>> -> memref<64xf32, #tpu.memory_space<hbm>>
      tpu.enqueue_dma source(%dma_start3A_290 : memref<64xf32, #tpu.memory_space<hbm>>) target(%dma_start3A_287 : memref<64xf32, #tpu.memory_space<vmem>>) target_semaphore(%arg22 : memref<!tpu.dma_semaphore, #tpu.memory_space<semaphore_mem>>)
      %slice3A_291 = vector.extract_strided_slice %get3A_59 {offsets = [13], sizes = [1], strides = [1]} : vector<16xi32> to vector<1xi32>
      %squeeze3A_292 = vector.extract %slice3A_291[0] : i32 from vector<1xi32>
      %mul3A_293 = arith.constant 16 : i32
      %mul3A_294 = arith.muli %scan3A_56, %mul3A_293 : i32
      %add3A_295 = arith.constant 13 : i32
      %add3A_296 = arith.addi %mul3A_294, %add3A_295 : i32
      %dma_start3A_297 = arith.constant 0 : i32
      %dma_start3A_298 = tpu.memref_slice %arg18[%add3A_296, %dma_start3A_297] : memref<128x64xf32, #tpu.memory_space<vmem>> -> memref<1x64xf32, #tpu.memory_space<vmem>>
      %dma_start3A_299 = tpu.memref_squeeze %dma_start3A_298 : memref<1x64xf32, #tpu.memory_space<vmem>> -> memref<64xf32, #tpu.memory_space<vmem>>
      %dma_start3A_300 = arith.constant 0 : i32
      %dma_start3A_301 = tpu.memref_slice %arg8[%squeeze3A_292, %dma_start3A_300] : memref<100001x64xf32, #tpu.memory_space<hbm>> -> memref<1x64xf32, #tpu.memory_space<hbm>>
      %dma_start3A_302 = tpu.memref_squeeze %dma_start3A_301 : memref<1x64xf32, #tpu.memory_space<hbm>> -> memref<64xf32, #tpu.memory_space<hbm>>
      %dma_start3A_303 = arith.constant 0 : i32
      %dma_start3A_304 = tpu.memref_slice %arg18[%add3A_296, %dma_start3A_303] : memref<128x64xf32, #tpu.memory_space<vmem>> -> memref<1x64xf32, #tpu.memory_space<vmem>>
      %dma_start3A_305 = tpu.memref_squeeze %dma_start3A_304 : memref<1x64xf32, #tpu.memory_space<vmem>> -> memref<64xf32, #tpu.memory_space<vmem>>
      %dma_start3A_306 = arith.constant 0 : i32
      %dma_start3A_307 = tpu.memref_slice %arg8[%squeeze3A_292, %dma_start3A_306] : memref<100001x64xf32, #tpu.memory_space<hbm>> -> memref<1x64xf32, #tpu.memory_space<hbm>>
      %dma_start3A_308 = tpu.memref_squeeze %dma_start3A_307 : memref<1x64xf32, #tpu.memory_space<hbm>> -> memref<64xf32, #tpu.memory_space<hbm>>
      tpu.enqueue_dma source(%dma_start3A_308 : memref<64xf32, #tpu.memory_space<hbm>>) target(%dma_start3A_305 : memref<64xf32, #tpu.memory_space<vmem>>) target_semaphore(%arg22 : memref<!tpu.dma_semaphore, #tpu.memory_space<semaphore_mem>>)
      %slice3A_309 = vector.extract_strided_slice %get3A_59 {offsets = [14], sizes = [1], strides = [1]} : vector<16xi32> to vector<1xi32>
      %squeeze3A_310 = vector.extract %slice3A_309[0] : i32 from vector<1xi32>
      %mul3A_311 = arith.constant 16 : i32
      %mul3A_312 = arith.muli %scan3A_56, %mul3A_311 : i32
      %add3A_313 = arith.constant 14 : i32
      %add3A_314 = arith.addi %mul3A_312, %add3A_313 : i32
      %dma_start3A_315 = arith.constant 0 : i32
      %dma_start3A_316 = tpu.memref_slice %arg18[%add3A_314, %dma_start3A_315] : memref<128x64xf32, #tpu.memory_space<vmem>> -> memref<1x64xf32, #tpu.memory_space<vmem>>
      %dma_start3A_317 = tpu.memref_squeeze %dma_start3A_316 : memref<1x64xf32, #tpu.memory_space<vmem>> -> memref<64xf32, #tpu.memory_space<vmem>>
      %dma_start3A_318 = arith.constant 0 : i32
      %dma_start3A_319 = tpu.memref_slice %arg8[%squeeze3A_310, %dma_start3A_318] : memref<100001x64xf32, #tpu.memory_space<hbm>> -> memref<1x64xf32, #tpu.memory_space<hbm>>
      %dma_start3A_320 = tpu.memref_squeeze %dma_start3A_319 : memref<1x64xf32, #tpu.memory_space<hbm>> -> memref<64xf32, #tpu.memory_space<hbm>>
      %dma_start3A_321 = arith.constant 0 : i32
      %dma_start3A_322 = tpu.memref_slice %arg18[%add3A_314, %dma_start3A_321] : memref<128x64xf32, #tpu.memory_space<vmem>> -> memref<1x64xf32, #tpu.memory_space<vmem>>
      %dma_start3A_323 = tpu.memref_squeeze %dma_start3A_322 : memref<1x64xf32, #tpu.memory_space<vmem>> -> memref<64xf32, #tpu.memory_space<vmem>>
      %dma_start3A_324 = arith.constant 0 : i32
      %dma_start3A_325 = tpu.memref_slice %arg8[%squeeze3A_310, %dma_start3A_324] : memref<100001x64xf32, #tpu.memory_space<hbm>> -> memref<1x64xf32, #tpu.memory_space<hbm>>
      %dma_start3A_326 = tpu.memref_squeeze %dma_start3A_325 : memref<1x64xf32, #tpu.memory_space<hbm>> -> memref<64xf32, #tpu.memory_space<hbm>>
      tpu.enqueue_dma source(%dma_start3A_326 : memref<64xf32, #tpu.memory_space<hbm>>) target(%dma_start3A_323 : memref<64xf32, #tpu.memory_space<vmem>>) target_semaphore(%arg22 : memref<!tpu.dma_semaphore, #tpu.memory_space<semaphore_mem>>)
      %slice3A_327 = vector.extract_strided_slice %get3A_59 {offsets = [15], sizes = [1], strides = [1]} : vector<16xi32> to vector<1xi32>
      %squeeze3A_328 = vector.extract %slice3A_327[0] : i32 from vector<1xi32>
      %mul3A_329 = arith.constant 16 : i32
      %mul3A_330 = arith.muli %scan3A_56, %mul3A_329 : i32
      %add3A_331 = arith.constant 15 : i32
      %add3A_332 = arith.addi %mul3A_330, %add3A_331 : i32
      %dma_start3A_333 = arith.constant 0 : i32
      %dma_start3A_334 = tpu.memref_slice %arg18[%add3A_332, %dma_start3A_333] : memref<128x64xf32, #tpu.memory_space<vmem>> -> memref<1x64xf32, #tpu.memory_space<vmem>>
      %dma_start3A_335 = tpu.memref_squeeze %dma_start3A_334 : memref<1x64xf32, #tpu.memory_space<vmem>> -> memref<64xf32, #tpu.memory_space<vmem>>
      %dma_start3A_336 = arith.constant 0 : i32
      %dma_start3A_337 = tpu.memref_slice %arg8[%squeeze3A_328, %dma_start3A_336] : memref<100001x64xf32, #tpu.memory_space<hbm>> -> memref<1x64xf32, #tpu.memory_space<hbm>>
      %dma_start3A_338 = tpu.memref_squeeze %dma_start3A_337 : memref<1x64xf32, #tpu.memory_space<hbm>> -> memref<64xf32, #tpu.memory_space<hbm>>
      %dma_start3A_339 = arith.constant 0 : i32
      %dma_start3A_340 = tpu.memref_slice %arg18[%add3A_332, %dma_start3A_339] : memref<128x64xf32, #tpu.memory_space<vmem>> -> memref<1x64xf32, #tpu.memory_space<vmem>>
      %dma_start3A_341 = tpu.memref_squeeze %dma_start3A_340 : memref<1x64xf32, #tpu.memory_space<vmem>> -> memref<64xf32, #tpu.memory_space<vmem>>
      %dma_start3A_342 = arith.constant 0 : i32
      %dma_start3A_343 = tpu.memref_slice %arg8[%squeeze3A_328, %dma_start3A_342] : memref<100001x64xf32, #tpu.memory_space<hbm>> -> memref<1x64xf32, #tpu.memory_space<hbm>>
      %dma_start3A_344 = tpu.memref_squeeze %dma_start3A_343 : memref<1x64xf32, #tpu.memory_space<hbm>> -> memref<64xf32, #tpu.memory_space<hbm>>
      tpu.enqueue_dma source(%dma_start3A_344 : memref<64xf32, #tpu.memory_space<hbm>>) target(%dma_start3A_341 : memref<64xf32, #tpu.memory_space<vmem>>) target_semaphore(%arg22 : memref<!tpu.dma_semaphore, #tpu.memory_space<semaphore_mem>>)
    }
    %scan3A_19 = arith.constant 8 : i32
    %scan3A_20 = arith.constant 0 : i32
    %scan3A_21 = arith.constant 0 : i32
    %scan3A_22 = arith.constant 8 : i32
    %scan3A_23 = arith.addi %scan3A_21, %scan3A_22 : i32
    %scan3A_24 = arith.constant 1 : i32
    scf.for %scan3A_56 = %scan3A_21 to %scan3A_23 step %scan3A_24  : i32 {
      %mul3A_57 = arith.constant 16 : i32
      %mul3A_58 = arith.muli %scan3A_56, %mul3A_57 : i32
      %get3A = arith.index_cast %mul3A_58 : i32 to index
      %get3A_59 = tpu.vector_load %arg15[%get3A] {strides = array<i32>} : memref<128xi32, #tpu.memory_space<vmem>>, vector<16xi32>,
      %slice3A = vector.extract_strided_slice %get3A_59 {offsets = [0], sizes = [1], strides = [1]} : vector<16xi32> to vector<1xi32>
      %squeeze3A = vector.extract %slice3A[0] : i32 from vector<1xi32>
      %mul3A_60 = arith.constant 16 : i32
      %mul3A_61 = arith.muli %scan3A_56, %mul3A_60 : i32
      %add3A_62 = arith.constant 0 : i32
      %add3A_63 = arith.addi %mul3A_61, %add3A_62 : i32
      %dma_start3A = arith.constant 0 : i32
      %dma_start3A_64 = tpu.memref_slice %arg19[%add3A_63, %dma_start3A] : memref<128x64xf32, #tpu.memory_space<vmem>> -> memref<1x64xf32, #tpu.memory_space<vmem>>
      %dma_start3A_65 = tpu.memref_squeeze %dma_start3A_64 : memref<1x64xf32, #tpu.memory_space<vmem>> -> memref<64xf32, #tpu.memory_space<vmem>>
      %dma_start3A_66 = arith.constant 0 : i32
      %dma_start3A_67 = tpu.memref_slice %arg9[%squeeze3A, %dma_start3A_66] : memref<1001x64xf32, #tpu.memory_space<hbm>> -> memref<1x64xf32, #tpu.memory_space<hbm>>
      %dma_start3A_68 = tpu.memref_squeeze %dma_start3A_67 : memref<1x64xf32, #tpu.memory_space<hbm>> -> memref<64xf32, #tpu.memory_space<hbm>>
      %dma_start3A_69 = arith.constant 0 : i32
      %dma_start3A_70 = tpu.memref_slice %arg19[%add3A_63, %dma_start3A_69] : memref<128x64xf32, #tpu.memory_space<vmem>> -> memref<1x64xf32, #tpu.memory_space<vmem>>
      %dma_start3A_71 = tpu.memref_squeeze %dma_start3A_70 : memref<1x64xf32, #tpu.memory_space<vmem>> -> memref<64xf32, #tpu.memory_space<vmem>>
      %dma_start3A_72 = arith.constant 0 : i32
      %dma_start3A_73 = tpu.memref_slice %arg9[%squeeze3A, %dma_start3A_72] : memref<1001x64xf32, #tpu.memory_space<hbm>> -> memref<1x64xf32, #tpu.memory_space<hbm>>
      %dma_start3A_74 = tpu.memref_squeeze %dma_start3A_73 : memref<1x64xf32, #tpu.memory_space<hbm>> -> memref<64xf32, #tpu.memory_space<hbm>>
      tpu.enqueue_dma source(%dma_start3A_74 : memref<64xf32, #tpu.memory_space<hbm>>) target(%dma_start3A_71 : memref<64xf32, #tpu.memory_space<vmem>>) target_semaphore(%arg23 : memref<!tpu.dma_semaphore, #tpu.memory_space<semaphore_mem>>)
      %slice3A_75 = vector.extract_strided_slice %get3A_59 {offsets = [1], sizes = [1], strides = [1]} : vector<16xi32> to vector<1xi32>
      %squeeze3A_76 = vector.extract %slice3A_75[0] : i32 from vector<1xi32>
      %mul3A_77 = arith.constant 16 : i32
      %mul3A_78 = arith.muli %scan3A_56, %mul3A_77 : i32
      %add3A_79 = arith.constant 1 : i32
      %add3A_80 = arith.addi %mul3A_78, %add3A_79 : i32
      %dma_start3A_81 = arith.constant 0 : i32
      %dma_start3A_82 = tpu.memref_slice %arg19[%add3A_80, %dma_start3A_81] : memref<128x64xf32, #tpu.memory_space<vmem>> -> memref<1x64xf32, #tpu.memory_space<vmem>>
      %dma_start3A_83 = tpu.memref_squeeze %dma_start3A_82 : memref<1x64xf32, #tpu.memory_space<vmem>> -> memref<64xf32, #tpu.memory_space<vmem>>
      %dma_start3A_84 = arith.constant 0 : i32
      %dma_start3A_85 = tpu.memref_slice %arg9[%squeeze3A_76, %dma_start3A_84] : memref<1001x64xf32, #tpu.memory_space<hbm>> -> memref<1x64xf32, #tpu.memory_space<hbm>>
      %dma_start3A_86 = tpu.memref_squeeze %dma_start3A_85 : memref<1x64xf32, #tpu.memory_space<hbm>> -> memref<64xf32, #tpu.memory_space<hbm>>
      %dma_start3A_87 = arith.constant 0 : i32
      %dma_start3A_88 = tpu.memref_slice %arg19[%add3A_80, %dma_start3A_87] : memref<128x64xf32, #tpu.memory_space<vmem>> -> memref<1x64xf32, #tpu.memory_space<vmem>>
      %dma_start3A_89 = tpu.memref_squeeze %dma_start3A_88 : memref<1x64xf32, #tpu.memory_space<vmem>> -> memref<64xf32, #tpu.memory_space<vmem>>
      %dma_start3A_90 = arith.constant 0 : i32
      %dma_start3A_91 = tpu.memref_slice %arg9[%squeeze3A_76, %dma_start3A_90] : memref<1001x64xf32, #tpu.memory_space<hbm>> -> memref<1x64xf32, #tpu.memory_space<hbm>>
      %dma_start3A_92 = tpu.memref_squeeze %dma_start3A_91 : memref<1x64xf32, #tpu.memory_space<hbm>> -> memref<64xf32, #tpu.memory_space<hbm>>
      tpu.enqueue_dma source(%dma_start3A_92 : memref<64xf32, #tpu.memory_space<hbm>>) target(%dma_start3A_89 : memref<64xf32, #tpu.memory_space<vmem>>) target_semaphore(%arg23 : memref<!tpu.dma_semaphore, #tpu.memory_space<semaphore_mem>>)
      %slice3A_93 = vector.extract_strided_slice %get3A_59 {offsets = [2], sizes = [1], strides = [1]} : vector<16xi32> to vector<1xi32>
      %squeeze3A_94 = vector.extract %slice3A_93[0] : i32 from vector<1xi32>
      %mul3A_95 = arith.constant 16 : i32
      %mul3A_96 = arith.muli %scan3A_56, %mul3A_95 : i32
      %add3A_97 = arith.constant 2 : i32
      %add3A_98 = arith.addi %mul3A_96, %add3A_97 : i32
      %dma_start3A_99 = arith.constant 0 : i32
      %dma_start3A_100 = tpu.memref_slice %arg19[%add3A_98, %dma_start3A_99] : memref<128x64xf32, #tpu.memory_space<vmem>> -> memref<1x64xf32, #tpu.memory_space<vmem>>
      %dma_start3A_101 = tpu.memref_squeeze %dma_start3A_100 : memref<1x64xf32, #tpu.memory_space<vmem>> -> memref<64xf32, #tpu.memory_space<vmem>>
      %dma_start3A_102 = arith.constant 0 : i32
      %dma_start3A_103 = tpu.memref_slice %arg9[%squeeze3A_94, %dma_start3A_102] : memref<1001x64xf32, #tpu.memory_space<hbm>> -> memref<1x64xf32, #tpu.memory_space<hbm>>
      %dma_start3A_104 = tpu.memref_squeeze %dma_start3A_103 : memref<1x64xf32, #tpu.memory_space<hbm>> -> memref<64xf32, #tpu.memory_space<hbm>>
      %dma_start3A_105 = arith.constant 0 : i32
      %dma_start3A_106 = tpu.memref_slice %arg19[%add3A_98, %dma_start3A_105] : memref<128x64xf32, #tpu.memory_space<vmem>> -> memref<1x64xf32, #tpu.memory_space<vmem>>
      %dma_start3A_107 = tpu.memref_squeeze %dma_start3A_106 : memref<1x64xf32, #tpu.memory_space<vmem>> -> memref<64xf32, #tpu.memory_space<vmem>>
      %dma_start3A_108 = arith.constant 0 : i32
      %dma_start3A_109 = tpu.memref_slice %arg9[%squeeze3A_94, %dma_start3A_108] : memref<1001x64xf32, #tpu.memory_space<hbm>> -> memref<1x64xf32, #tpu.memory_space<hbm>>
      %dma_start3A_110 = tpu.memref_squeeze %dma_start3A_109 : memref<1x64xf32, #tpu.memory_space<hbm>> -> memref<64xf32, #tpu.memory_space<hbm>>
      tpu.enqueue_dma source(%dma_start3A_110 : memref<64xf32, #tpu.memory_space<hbm>>) target(%dma_start3A_107 : memref<64xf32, #tpu.memory_space<vmem>>) target_semaphore(%arg23 : memref<!tpu.dma_semaphore, #tpu.memory_space<semaphore_mem>>)
      %slice3A_111 = vector.extract_strided_slice %get3A_59 {offsets = [3], sizes = [1], strides = [1]} : vector<16xi32> to vector<1xi32>
      %squeeze3A_112 = vector.extract %slice3A_111[0] : i32 from vector<1xi32>
      %mul3A_113 = arith.constant 16 : i32
      %mul3A_114 = arith.muli %scan3A_56, %mul3A_113 : i32
      %add3A_115 = arith.constant 3 : i32
      %add3A_116 = arith.addi %mul3A_114, %add3A_115 : i32
      %dma_start3A_117 = arith.constant 0 : i32
      %dma_start3A_118 = tpu.memref_slice %arg19[%add3A_116, %dma_start3A_117] : memref<128x64xf32, #tpu.memory_space<vmem>> -> memref<1x64xf32, #tpu.memory_space<vmem>>
      %dma_start3A_119 = tpu.memref_squeeze %dma_start3A_118 : memref<1x64xf32, #tpu.memory_space<vmem>> -> memref<64xf32, #tpu.memory_space<vmem>>
      %dma_start3A_120 = arith.constant 0 : i32
      %dma_start3A_121 = tpu.memref_slice %arg9[%squeeze3A_112, %dma_start3A_120] : memref<1001x64xf32, #tpu.memory_space<hbm>> -> memref<1x64xf32, #tpu.memory_space<hbm>>
      %dma_start3A_122 = tpu.memref_squeeze %dma_start3A_121 : memref<1x64xf32, #tpu.memory_space<hbm>> -> memref<64xf32, #tpu.memory_space<hbm>>
      %dma_start3A_123 = arith.constant 0 : i32
      %dma_start3A_124 = tpu.memref_slice %arg19[%add3A_116, %dma_start3A_123] : memref<128x64xf32, #tpu.memory_space<vmem>> -> memref<1x64xf32, #tpu.memory_space<vmem>>
      %dma_start3A_125 = tpu.memref_squeeze %dma_start3A_124 : memref<1x64xf32, #tpu.memory_space<vmem>> -> memref<64xf32, #tpu.memory_space<vmem>>
      %dma_start3A_126 = arith.constant 0 : i32
      %dma_start3A_127 = tpu.memref_slice %arg9[%squeeze3A_112, %dma_start3A_126] : memref<1001x64xf32, #tpu.memory_space<hbm>> -> memref<1x64xf32, #tpu.memory_space<hbm>>
      %dma_start3A_128 = tpu.memref_squeeze %dma_start3A_127 : memref<1x64xf32, #tpu.memory_space<hbm>> -> memref<64xf32, #tpu.memory_space<hbm>>
      tpu.enqueue_dma source(%dma_start3A_128 : memref<64xf32, #tpu.memory_space<hbm>>) target(%dma_start3A_125 : memref<64xf32, #tpu.memory_space<vmem>>) target_semaphore(%arg23 : memref<!tpu.dma_semaphore, #tpu.memory_space<semaphore_mem>>)
      %slice3A_129 = vector.extract_strided_slice %get3A_59 {offsets = [4], sizes = [1], strides = [1]} : vector<16xi32> to vector<1xi32>
      %squeeze3A_130 = vector.extract %slice3A_129[0] : i32 from vector<1xi32>
      %mul3A_131 = arith.constant 16 : i32
      %mul3A_132 = arith.muli %scan3A_56, %mul3A_131 : i32
      %add3A_133 = arith.constant 4 : i32
      %add3A_134 = arith.addi %mul3A_132, %add3A_133 : i32
      %dma_start3A_135 = arith.constant 0 : i32
      %dma_start3A_136 = tpu.memref_slice %arg19[%add3A_134, %dma_start3A_135] : memref<128x64xf32, #tpu.memory_space<vmem>> -> memref<1x64xf32, #tpu.memory_space<vmem>>
      %dma_start3A_137 = tpu.memref_squeeze %dma_start3A_136 : memref<1x64xf32, #tpu.memory_space<vmem>> -> memref<64xf32, #tpu.memory_space<vmem>>
      %dma_start3A_138 = arith.constant 0 : i32
      %dma_start3A_139 = tpu.memref_slice %arg9[%squeeze3A_130, %dma_start3A_138] : memref<1001x64xf32, #tpu.memory_space<hbm>> -> memref<1x64xf32, #tpu.memory_space<hbm>>
      %dma_start3A_140 = tpu.memref_squeeze %dma_start3A_139 : memref<1x64xf32, #tpu.memory_space<hbm>> -> memref<64xf32, #tpu.memory_space<hbm>>
      %dma_start3A_141 = arith.constant 0 : i32
      %dma_start3A_142 = tpu.memref_slice %arg19[%add3A_134, %dma_start3A_141] : memref<128x64xf32, #tpu.memory_space<vmem>> -> memref<1x64xf32, #tpu.memory_space<vmem>>
      %dma_start3A_143 = tpu.memref_squeeze %dma_start3A_142 : memref<1x64xf32, #tpu.memory_space<vmem>> -> memref<64xf32, #tpu.memory_space<vmem>>
      %dma_start3A_144 = arith.constant 0 : i32
      %dma_start3A_145 = tpu.memref_slice %arg9[%squeeze3A_130, %dma_start3A_144] : memref<1001x64xf32, #tpu.memory_space<hbm>> -> memref<1x64xf32, #tpu.memory_space<hbm>>
      %dma_start3A_146 = tpu.memref_squeeze %dma_start3A_145 : memref<1x64xf32, #tpu.memory_space<hbm>> -> memref<64xf32, #tpu.memory_space<hbm>>
      tpu.enqueue_dma source(%dma_start3A_146 : memref<64xf32, #tpu.memory_space<hbm>>) target(%dma_start3A_143 : memref<64xf32, #tpu.memory_space<vmem>>) target_semaphore(%arg23 : memref<!tpu.dma_semaphore, #tpu.memory_space<semaphore_mem>>)
      %slice3A_147 = vector.extract_strided_slice %get3A_59 {offsets = [5], sizes = [1], strides = [1]} : vector<16xi32> to vector<1xi32>
      %squeeze3A_148 = vector.extract %slice3A_147[0] : i32 from vector<1xi32>
      %mul3A_149 = arith.constant 16 : i32
      %mul3A_150 = arith.muli %scan3A_56, %mul3A_149 : i32
      %add3A_151 = arith.constant 5 : i32
      %add3A_152 = arith.addi %mul3A_150, %add3A_151 : i32
      %dma_start3A_153 = arith.constant 0 : i32
      %dma_start3A_154 = tpu.memref_slice %arg19[%add3A_152, %dma_start3A_153] : memref<128x64xf32, #tpu.memory_space<vmem>> -> memref<1x64xf32, #tpu.memory_space<vmem>>
      %dma_start3A_155 = tpu.memref_squeeze %dma_start3A_154 : memref<1x64xf32, #tpu.memory_space<vmem>> -> memref<64xf32, #tpu.memory_space<vmem>>
      %dma_start3A_156 = arith.constant 0 : i32
      %dma_start3A_157 = tpu.memref_slice %arg9[%squeeze3A_148, %dma_start3A_156] : memref<1001x64xf32, #tpu.memory_space<hbm>> -> memref<1x64xf32, #tpu.memory_space<hbm>>
      %dma_start3A_158 = tpu.memref_squeeze %dma_start3A_157 : memref<1x64xf32, #tpu.memory_space<hbm>> -> memref<64xf32, #tpu.memory_space<hbm>>
      %dma_start3A_159 = arith.constant 0 : i32
      %dma_start3A_160 = tpu.memref_slice %arg19[%add3A_152, %dma_start3A_159] : memref<128x64xf32, #tpu.memory_space<vmem>> -> memref<1x64xf32, #tpu.memory_space<vmem>>
      %dma_start3A_161 = tpu.memref_squeeze %dma_start3A_160 : memref<1x64xf32, #tpu.memory_space<vmem>> -> memref<64xf32, #tpu.memory_space<vmem>>
      %dma_start3A_162 = arith.constant 0 : i32
      %dma_start3A_163 = tpu.memref_slice %arg9[%squeeze3A_148, %dma_start3A_162] : memref<1001x64xf32, #tpu.memory_space<hbm>> -> memref<1x64xf32, #tpu.memory_space<hbm>>
      %dma_start3A_164 = tpu.memref_squeeze %dma_start3A_163 : memref<1x64xf32, #tpu.memory_space<hbm>> -> memref<64xf32, #tpu.memory_space<hbm>>
      tpu.enqueue_dma source(%dma_start3A_164 : memref<64xf32, #tpu.memory_space<hbm>>) target(%dma_start3A_161 : memref<64xf32, #tpu.memory_space<vmem>>) target_semaphore(%arg23 : memref<!tpu.dma_semaphore, #tpu.memory_space<semaphore_mem>>)
      %slice3A_165 = vector.extract_strided_slice %get3A_59 {offsets = [6], sizes = [1], strides = [1]} : vector<16xi32> to vector<1xi32>
      %squeeze3A_166 = vector.extract %slice3A_165[0] : i32 from vector<1xi32>
      %mul3A_167 = arith.constant 16 : i32
      %mul3A_168 = arith.muli %scan3A_56, %mul3A_167 : i32
      %add3A_169 = arith.constant 6 : i32
      %add3A_170 = arith.addi %mul3A_168, %add3A_169 : i32
      %dma_start3A_171 = arith.constant 0 : i32
      %dma_start3A_172 = tpu.memref_slice %arg19[%add3A_170, %dma_start3A_171] : memref<128x64xf32, #tpu.memory_space<vmem>> -> memref<1x64xf32, #tpu.memory_space<vmem>>
      %dma_start3A_173 = tpu.memref_squeeze %dma_start3A_172 : memref<1x64xf32, #tpu.memory_space<vmem>> -> memref<64xf32, #tpu.memory_space<vmem>>
      %dma_start3A_174 = arith.constant 0 : i32
      %dma_start3A_175 = tpu.memref_slice %arg9[%squeeze3A_166, %dma_start3A_174] : memref<1001x64xf32, #tpu.memory_space<hbm>> -> memref<1x64xf32, #tpu.memory_space<hbm>>
      %dma_start3A_176 = tpu.memref_squeeze %dma_start3A_175 : memref<1x64xf32, #tpu.memory_space<hbm>> -> memref<64xf32, #tpu.memory_space<hbm>>
      %dma_start3A_177 = arith.constant 0 : i32
      %dma_start3A_178 = tpu.memref_slice %arg19[%add3A_170, %dma_start3A_177] : memref<128x64xf32, #tpu.memory_space<vmem>> -> memref<1x64xf32, #tpu.memory_space<vmem>>
      %dma_start3A_179 = tpu.memref_squeeze %dma_start3A_178 : memref<1x64xf32, #tpu.memory_space<vmem>> -> memref<64xf32, #tpu.memory_space<vmem>>
      %dma_start3A_180 = arith.constant 0 : i32
      %dma_start3A_181 = tpu.memref_slice %arg9[%squeeze3A_166, %dma_start3A_180] : memref<1001x64xf32, #tpu.memory_space<hbm>> -> memref<1x64xf32, #tpu.memory_space<hbm>>
      %dma_start3A_182 = tpu.memref_squeeze %dma_start3A_181 : memref<1x64xf32, #tpu.memory_space<hbm>> -> memref<64xf32, #tpu.memory_space<hbm>>
      tpu.enqueue_dma source(%dma_start3A_182 : memref<64xf32, #tpu.memory_space<hbm>>) target(%dma_start3A_179 : memref<64xf32, #tpu.memory_space<vmem>>) target_semaphore(%arg23 : memref<!tpu.dma_semaphore, #tpu.memory_space<semaphore_mem>>)
      %slice3A_183 = vector.extract_strided_slice %get3A_59 {offsets = [7], sizes = [1], strides = [1]} : vector<16xi32> to vector<1xi32>
      %squeeze3A_184 = vector.extract %slice3A_183[0] : i32 from vector<1xi32>
      %mul3A_185 = arith.constant 16 : i32
      %mul3A_186 = arith.muli %scan3A_56, %mul3A_185 : i32
      %add3A_187 = arith.constant 7 : i32
      %add3A_188 = arith.addi %mul3A_186, %add3A_187 : i32
      %dma_start3A_189 = arith.constant 0 : i32
      %dma_start3A_190 = tpu.memref_slice %arg19[%add3A_188, %dma_start3A_189] : memref<128x64xf32, #tpu.memory_space<vmem>> -> memref<1x64xf32, #tpu.memory_space<vmem>>
      %dma_start3A_191 = tpu.memref_squeeze %dma_start3A_190 : memref<1x64xf32, #tpu.memory_space<vmem>> -> memref<64xf32, #tpu.memory_space<vmem>>
      %dma_start3A_192 = arith.constant 0 : i32
      %dma_start3A_193 = tpu.memref_slice %arg9[%squeeze3A_184, %dma_start3A_192] : memref<1001x64xf32, #tpu.memory_space<hbm>> -> memref<1x64xf32, #tpu.memory_space<hbm>>
      %dma_start3A_194 = tpu.memref_squeeze %dma_start3A_193 : memref<1x64xf32, #tpu.memory_space<hbm>> -> memref<64xf32, #tpu.memory_space<hbm>>
      %dma_start3A_195 = arith.constant 0 : i32
      %dma_start3A_196 = tpu.memref_slice %arg19[%add3A_188, %dma_start3A_195] : memref<128x64xf32, #tpu.memory_space<vmem>> -> memref<1x64xf32, #tpu.memory_space<vmem>>
      %dma_start3A_197 = tpu.memref_squeeze %dma_start3A_196 : memref<1x64xf32, #tpu.memory_space<vmem>> -> memref<64xf32, #tpu.memory_space<vmem>>
      %dma_start3A_198 = arith.constant 0 : i32
      %dma_start3A_199 = tpu.memref_slice %arg9[%squeeze3A_184, %dma_start3A_198] : memref<1001x64xf32, #tpu.memory_space<hbm>> -> memref<1x64xf32, #tpu.memory_space<hbm>>
      %dma_start3A_200 = tpu.memref_squeeze %dma_start3A_199 : memref<1x64xf32, #tpu.memory_space<hbm>> -> memref<64xf32, #tpu.memory_space<hbm>>
      tpu.enqueue_dma source(%dma_start3A_200 : memref<64xf32, #tpu.memory_space<hbm>>) target(%dma_start3A_197 : memref<64xf32, #tpu.memory_space<vmem>>) target_semaphore(%arg23 : memref<!tpu.dma_semaphore, #tpu.memory_space<semaphore_mem>>)
      %slice3A_201 = vector.extract_strided_slice %get3A_59 {offsets = [8], sizes = [1], strides = [1]} : vector<16xi32> to vector<1xi32>
      %squeeze3A_202 = vector.extract %slice3A_201[0] : i32 from vector<1xi32>
      %mul3A_203 = arith.constant 16 : i32
      %mul3A_204 = arith.muli %scan3A_56, %mul3A_203 : i32
      %add3A_205 = arith.constant 8 : i32
      %add3A_206 = arith.addi %mul3A_204, %add3A_205 : i32
      %dma_start3A_207 = arith.constant 0 : i32
      %dma_start3A_208 = tpu.memref_slice %arg19[%add3A_206, %dma_start3A_207] : memref<128x64xf32, #tpu.memory_space<vmem>> -> memref<1x64xf32, #tpu.memory_space<vmem>>
      %dma_start3A_209 = tpu.memref_squeeze %dma_start3A_208 : memref<1x64xf32, #tpu.memory_space<vmem>> -> memref<64xf32, #tpu.memory_space<vmem>>
      %dma_start3A_210 = arith.constant 0 : i32
      %dma_start3A_211 = tpu.memref_slice %arg9[%squeeze3A_202, %dma_start3A_210] : memref<1001x64xf32, #tpu.memory_space<hbm>> -> memref<1x64xf32, #tpu.memory_space<hbm>>
      %dma_start3A_212 = tpu.memref_squeeze %dma_start3A_211 : memref<1x64xf32, #tpu.memory_space<hbm>> -> memref<64xf32, #tpu.memory_space<hbm>>
      %dma_start3A_213 = arith.constant 0 : i32
      %dma_start3A_214 = tpu.memref_slice %arg19[%add3A_206, %dma_start3A_213] : memref<128x64xf32, #tpu.memory_space<vmem>> -> memref<1x64xf32, #tpu.memory_space<vmem>>
      %dma_start3A_215 = tpu.memref_squeeze %dma_start3A_214 : memref<1x64xf32, #tpu.memory_space<vmem>> -> memref<64xf32, #tpu.memory_space<vmem>>
      %dma_start3A_216 = arith.constant 0 : i32
      %dma_start3A_217 = tpu.memref_slice %arg9[%squeeze3A_202, %dma_start3A_216] : memref<1001x64xf32, #tpu.memory_space<hbm>> -> memref<1x64xf32, #tpu.memory_space<hbm>>
      %dma_start3A_218 = tpu.memref_squeeze %dma_start3A_217 : memref<1x64xf32, #tpu.memory_space<hbm>> -> memref<64xf32, #tpu.memory_space<hbm>>
      tpu.enqueue_dma source(%dma_start3A_218 : memref<64xf32, #tpu.memory_space<hbm>>) target(%dma_start3A_215 : memref<64xf32, #tpu.memory_space<vmem>>) target_semaphore(%arg23 : memref<!tpu.dma_semaphore, #tpu.memory_space<semaphore_mem>>)
      %slice3A_219 = vector.extract_strided_slice %get3A_59 {offsets = [9], sizes = [1], strides = [1]} : vector<16xi32> to vector<1xi32>
      %squeeze3A_220 = vector.extract %slice3A_219[0] : i32 from vector<1xi32>
      %mul3A_221 = arith.constant 16 : i32
      %mul3A_222 = arith.muli %scan3A_56, %mul3A_221 : i32
      %add3A_223 = arith.constant 9 : i32
      %add3A_224 = arith.addi %mul3A_222, %add3A_223 : i32
      %dma_start3A_225 = arith.constant 0 : i32
      %dma_start3A_226 = tpu.memref_slice %arg19[%add3A_224, %dma_start3A_225] : memref<128x64xf32, #tpu.memory_space<vmem>> -> memref<1x64xf32, #tpu.memory_space<vmem>>
      %dma_start3A_227 = tpu.memref_squeeze %dma_start3A_226 : memref<1x64xf32, #tpu.memory_space<vmem>> -> memref<64xf32, #tpu.memory_space<vmem>>
      %dma_start3A_228 = arith.constant 0 : i32
      %dma_start3A_229 = tpu.memref_slice %arg9[%squeeze3A_220, %dma_start3A_228] : memref<1001x64xf32, #tpu.memory_space<hbm>> -> memref<1x64xf32, #tpu.memory_space<hbm>>
      %dma_start3A_230 = tpu.memref_squeeze %dma_start3A_229 : memref<1x64xf32, #tpu.memory_space<hbm>> -> memref<64xf32, #tpu.memory_space<hbm>>
      %dma_start3A_231 = arith.constant 0 : i32
      %dma_start3A_232 = tpu.memref_slice %arg19[%add3A_224, %dma_start3A_231] : memref<128x64xf32, #tpu.memory_space<vmem>> -> memref<1x64xf32, #tpu.memory_space<vmem>>
      %dma_start3A_233 = tpu.memref_squeeze %dma_start3A_232 : memref<1x64xf32, #tpu.memory_space<vmem>> -> memref<64xf32, #tpu.memory_space<vmem>>
      %dma_start3A_234 = arith.constant 0 : i32
      %dma_start3A_235 = tpu.memref_slice %arg9[%squeeze3A_220, %dma_start3A_234] : memref<1001x64xf32, #tpu.memory_space<hbm>> -> memref<1x64xf32, #tpu.memory_space<hbm>>
      %dma_start3A_236 = tpu.memref_squeeze %dma_start3A_235 : memref<1x64xf32, #tpu.memory_space<hbm>> -> memref<64xf32, #tpu.memory_space<hbm>>
      tpu.enqueue_dma source(%dma_start3A_236 : memref<64xf32, #tpu.memory_space<hbm>>) target(%dma_start3A_233 : memref<64xf32, #tpu.memory_space<vmem>>) target_semaphore(%arg23 : memref<!tpu.dma_semaphore, #tpu.memory_space<semaphore_mem>>)
      %slice3A_237 = vector.extract_strided_slice %get3A_59 {offsets = [10], sizes = [1], strides = [1]} : vector<16xi32> to vector<1xi32>
      %squeeze3A_238 = vector.extract %slice3A_237[0] : i32 from vector<1xi32>
      %mul3A_239 = arith.constant 16 : i32
      %mul3A_240 = arith.muli %scan3A_56, %mul3A_239 : i32
      %add3A_241 = arith.constant 10 : i32
      %add3A_242 = arith.addi %mul3A_240, %add3A_241 : i32
      %dma_start3A_243 = arith.constant 0 : i32
      %dma_start3A_244 = tpu.memref_slice %arg19[%add3A_242, %dma_start3A_243] : memref<128x64xf32, #tpu.memory_space<vmem>> -> memref<1x64xf32, #tpu.memory_space<vmem>>
      %dma_start3A_245 = tpu.memref_squeeze %dma_start3A_244 : memref<1x64xf32, #tpu.memory_space<vmem>> -> memref<64xf32, #tpu.memory_space<vmem>>
      %dma_start3A_246 = arith.constant 0 : i32
      %dma_start3A_247 = tpu.memref_slice %arg9[%squeeze3A_238, %dma_start3A_246] : memref<1001x64xf32, #tpu.memory_space<hbm>> -> memref<1x64xf32, #tpu.memory_space<hbm>>
      %dma_start3A_248 = tpu.memref_squeeze %dma_start3A_247 : memref<1x64xf32, #tpu.memory_space<hbm>> -> memref<64xf32, #tpu.memory_space<hbm>>
      %dma_start3A_249 = arith.constant 0 : i32
      %dma_start3A_250 = tpu.memref_slice %arg19[%add3A_242, %dma_start3A_249] : memref<128x64xf32, #tpu.memory_space<vmem>> -> memref<1x64xf32, #tpu.memory_space<vmem>>
      %dma_start3A_251 = tpu.memref_squeeze %dma_start3A_250 : memref<1x64xf32, #tpu.memory_space<vmem>> -> memref<64xf32, #tpu.memory_space<vmem>>
      %dma_start3A_252 = arith.constant 0 : i32
      %dma_start3A_253 = tpu.memref_slice %arg9[%squeeze3A_238, %dma_start3A_252] : memref<1001x64xf32, #tpu.memory_space<hbm>> -> memref<1x64xf32, #tpu.memory_space<hbm>>
      %dma_start3A_254 = tpu.memref_squeeze %dma_start3A_253 : memref<1x64xf32, #tpu.memory_space<hbm>> -> memref<64xf32, #tpu.memory_space<hbm>>
      tpu.enqueue_dma source(%dma_start3A_254 : memref<64xf32, #tpu.memory_space<hbm>>) target(%dma_start3A_251 : memref<64xf32, #tpu.memory_space<vmem>>) target_semaphore(%arg23 : memref<!tpu.dma_semaphore, #tpu.memory_space<semaphore_mem>>)
      %slice3A_255 = vector.extract_strided_slice %get3A_59 {offsets = [11], sizes = [1], strides = [1]} : vector<16xi32> to vector<1xi32>
      %squeeze3A_256 = vector.extract %slice3A_255[0] : i32 from vector<1xi32>
      %mul3A_257 = arith.constant 16 : i32
      %mul3A_258 = arith.muli %scan3A_56, %mul3A_257 : i32
      %add3A_259 = arith.constant 11 : i32
      %add3A_260 = arith.addi %mul3A_258, %add3A_259 : i32
      %dma_start3A_261 = arith.constant 0 : i32
      %dma_start3A_262 = tpu.memref_slice %arg19[%add3A_260, %dma_start3A_261] : memref<128x64xf32, #tpu.memory_space<vmem>> -> memref<1x64xf32, #tpu.memory_space<vmem>>
      %dma_start3A_263 = tpu.memref_squeeze %dma_start3A_262 : memref<1x64xf32, #tpu.memory_space<vmem>> -> memref<64xf32, #tpu.memory_space<vmem>>
      %dma_start3A_264 = arith.constant 0 : i32
      %dma_start3A_265 = tpu.memref_slice %arg9[%squeeze3A_256, %dma_start3A_264] : memref<1001x64xf32, #tpu.memory_space<hbm>> -> memref<1x64xf32, #tpu.memory_space<hbm>>
      %dma_start3A_266 = tpu.memref_squeeze %dma_start3A_265 : memref<1x64xf32, #tpu.memory_space<hbm>> -> memref<64xf32, #tpu.memory_space<hbm>>
      %dma_start3A_267 = arith.constant 0 : i32
      %dma_start3A_268 = tpu.memref_slice %arg19[%add3A_260, %dma_start3A_267] : memref<128x64xf32, #tpu.memory_space<vmem>> -> memref<1x64xf32, #tpu.memory_space<vmem>>
      %dma_start3A_269 = tpu.memref_squeeze %dma_start3A_268 : memref<1x64xf32, #tpu.memory_space<vmem>> -> memref<64xf32, #tpu.memory_space<vmem>>
      %dma_start3A_270 = arith.constant 0 : i32
      %dma_start3A_271 = tpu.memref_slice %arg9[%squeeze3A_256, %dma_start3A_270] : memref<1001x64xf32, #tpu.memory_space<hbm>> -> memref<1x64xf32, #tpu.memory_space<hbm>>
      %dma_start3A_272 = tpu.memref_squeeze %dma_start3A_271 : memref<1x64xf32, #tpu.memory_space<hbm>> -> memref<64xf32, #tpu.memory_space<hbm>>
      tpu.enqueue_dma source(%dma_start3A_272 : memref<64xf32, #tpu.memory_space<hbm>>) target(%dma_start3A_269 : memref<64xf32, #tpu.memory_space<vmem>>) target_semaphore(%arg23 : memref<!tpu.dma_semaphore, #tpu.memory_space<semaphore_mem>>)
      %slice3A_273 = vector.extract_strided_slice %get3A_59 {offsets = [12], sizes = [1], strides = [1]} : vector<16xi32> to vector<1xi32>
      %squeeze3A_274 = vector.extract %slice3A_273[0] : i32 from vector<1xi32>
      %mul3A_275 = arith.constant 16 : i32
      %mul3A_276 = arith.muli %scan3A_56, %mul3A_275 : i32
      %add3A_277 = arith.constant 12 : i32
      %add3A_278 = arith.addi %mul3A_276, %add3A_277 : i32
      %dma_start3A_279 = arith.constant 0 : i32
      %dma_start3A_280 = tpu.memref_slice %arg19[%add3A_278, %dma_start3A_279] : memref<128x64xf32, #tpu.memory_space<vmem>> -> memref<1x64xf32, #tpu.memory_space<vmem>>
      %dma_start3A_281 = tpu.memref_squeeze %dma_start3A_280 : memref<1x64xf32, #tpu.memory_space<vmem>> -> memref<64xf32, #tpu.memory_space<vmem>>
      %dma_start3A_282 = arith.constant 0 : i32
      %dma_start3A_283 = tpu.memref_slice %arg9[%squeeze3A_274, %dma_start3A_282] : memref<1001x64xf32, #tpu.memory_space<hbm>> -> memref<1x64xf32, #tpu.memory_space<hbm>>
      %dma_start3A_284 = tpu.memref_squeeze %dma_start3A_283 : memref<1x64xf32, #tpu.memory_space<hbm>> -> memref<64xf32, #tpu.memory_space<hbm>>
      %dma_start3A_285 = arith.constant 0 : i32
      %dma_start3A_286 = tpu.memref_slice %arg19[%add3A_278, %dma_start3A_285] : memref<128x64xf32, #tpu.memory_space<vmem>> -> memref<1x64xf32, #tpu.memory_space<vmem>>
      %dma_start3A_287 = tpu.memref_squeeze %dma_start3A_286 : memref<1x64xf32, #tpu.memory_space<vmem>> -> memref<64xf32, #tpu.memory_space<vmem>>
      %dma_start3A_288 = arith.constant 0 : i32
      %dma_start3A_289 = tpu.memref_slice %arg9[%squeeze3A_274, %dma_start3A_288] : memref<1001x64xf32, #tpu.memory_space<hbm>> -> memref<1x64xf32, #tpu.memory_space<hbm>>
      %dma_start3A_290 = tpu.memref_squeeze %dma_start3A_289 : memref<1x64xf32, #tpu.memory_space<hbm>> -> memref<64xf32, #tpu.memory_space<hbm>>
      tpu.enqueue_dma source(%dma_start3A_290 : memref<64xf32, #tpu.memory_space<hbm>>) target(%dma_start3A_287 : memref<64xf32, #tpu.memory_space<vmem>>) target_semaphore(%arg23 : memref<!tpu.dma_semaphore, #tpu.memory_space<semaphore_mem>>)
      %slice3A_291 = vector.extract_strided_slice %get3A_59 {offsets = [13], sizes = [1], strides = [1]} : vector<16xi32> to vector<1xi32>
      %squeeze3A_292 = vector.extract %slice3A_291[0] : i32 from vector<1xi32>
      %mul3A_293 = arith.constant 16 : i32
      %mul3A_294 = arith.muli %scan3A_56, %mul3A_293 : i32
      %add3A_295 = arith.constant 13 : i32
      %add3A_296 = arith.addi %mul3A_294, %add3A_295 : i32
      %dma_start3A_297 = arith.constant 0 : i32
      %dma_start3A_298 = tpu.memref_slice %arg19[%add3A_296, %dma_start3A_297] : memref<128x64xf32, #tpu.memory_space<vmem>> -> memref<1x64xf32, #tpu.memory_space<vmem>>
      %dma_start3A_299 = tpu.memref_squeeze %dma_start3A_298 : memref<1x64xf32, #tpu.memory_space<vmem>> -> memref<64xf32, #tpu.memory_space<vmem>>
      %dma_start3A_300 = arith.constant 0 : i32
      %dma_start3A_301 = tpu.memref_slice %arg9[%squeeze3A_292, %dma_start3A_300] : memref<1001x64xf32, #tpu.memory_space<hbm>> -> memref<1x64xf32, #tpu.memory_space<hbm>>
      %dma_start3A_302 = tpu.memref_squeeze %dma_start3A_301 : memref<1x64xf32, #tpu.memory_space<hbm>> -> memref<64xf32, #tpu.memory_space<hbm>>
      %dma_start3A_303 = arith.constant 0 : i32
      %dma_start3A_304 = tpu.memref_slice %arg19[%add3A_296, %dma_start3A_303] : memref<128x64xf32, #tpu.memory_space<vmem>> -> memref<1x64xf32, #tpu.memory_space<vmem>>
      %dma_start3A_305 = tpu.memref_squeeze %dma_start3A_304 : memref<1x64xf32, #tpu.memory_space<vmem>> -> memref<64xf32, #tpu.memory_space<vmem>>
      %dma_start3A_306 = arith.constant 0 : i32
      %dma_start3A_307 = tpu.memref_slice %arg9[%squeeze3A_292, %dma_start3A_306] : memref<1001x64xf32, #tpu.memory_space<hbm>> -> memref<1x64xf32, #tpu.memory_space<hbm>>
      %dma_start3A_308 = tpu.memref_squeeze %dma_start3A_307 : memref<1x64xf32, #tpu.memory_space<hbm>> -> memref<64xf32, #tpu.memory_space<hbm>>
      tpu.enqueue_dma source(%dma_start3A_308 : memref<64xf32, #tpu.memory_space<hbm>>) target(%dma_start3A_305 : memref<64xf32, #tpu.memory_space<vmem>>) target_semaphore(%arg23 : memref<!tpu.dma_semaphore, #tpu.memory_space<semaphore_mem>>)
      %slice3A_309 = vector.extract_strided_slice %get3A_59 {offsets = [14], sizes = [1], strides = [1]} : vector<16xi32> to vector<1xi32>
      %squeeze3A_310 = vector.extract %slice3A_309[0] : i32 from vector<1xi32>
      %mul3A_311 = arith.constant 16 : i32
      %mul3A_312 = arith.muli %scan3A_56, %mul3A_311 : i32
      %add3A_313 = arith.constant 14 : i32
      %add3A_314 = arith.addi %mul3A_312, %add3A_313 : i32
      %dma_start3A_315 = arith.constant 0 : i32
      %dma_start3A_316 = tpu.memref_slice %arg19[%add3A_314, %dma_start3A_315] : memref<128x64xf32, #tpu.memory_space<vmem>> -> memref<1x64xf32, #tpu.memory_space<vmem>>
      %dma_start3A_317 = tpu.memref_squeeze %dma_start3A_316 : memref<1x64xf32, #tpu.memory_space<vmem>> -> memref<64xf32, #tpu.memory_space<vmem>>
      %dma_start3A_318 = arith.constant 0 : i32
      %dma_start3A_319 = tpu.memref_slice %arg9[%squeeze3A_310, %dma_start3A_318] : memref<1001x64xf32, #tpu.memory_space<hbm>> -> memref<1x64xf32, #tpu.memory_space<hbm>>
      %dma_start3A_320 = tpu.memref_squeeze %dma_start3A_319 : memref<1x64xf32, #tpu.memory_space<hbm>> -> memref<64xf32, #tpu.memory_space<hbm>>
      %dma_start3A_321 = arith.constant 0 : i32
      %dma_start3A_322 = tpu.memref_slice %arg19[%add3A_314, %dma_start3A_321] : memref<128x64xf32, #tpu.memory_space<vmem>> -> memref<1x64xf32, #tpu.memory_space<vmem>>
      %dma_start3A_323 = tpu.memref_squeeze %dma_start3A_322 : memref<1x64xf32, #tpu.memory_space<vmem>> -> memref<64xf32, #tpu.memory_space<vmem>>
      %dma_start3A_324 = arith.constant 0 : i32
      %dma_start3A_325 = tpu.memref_slice %arg9[%squeeze3A_310, %dma_start3A_324] : memref<1001x64xf32, #tpu.memory_space<hbm>> -> memref<1x64xf32, #tpu.memory_space<hbm>>
      %dma_start3A_326 = tpu.memref_squeeze %dma_start3A_325 : memref<1x64xf32, #tpu.memory_space<hbm>> -> memref<64xf32, #tpu.memory_space<hbm>>
      tpu.enqueue_dma source(%dma_start3A_326 : memref<64xf32, #tpu.memory_space<hbm>>) target(%dma_start3A_323 : memref<64xf32, #tpu.memory_space<vmem>>) target_semaphore(%arg23 : memref<!tpu.dma_semaphore, #tpu.memory_space<semaphore_mem>>)
      %slice3A_327 = vector.extract_strided_slice %get3A_59 {offsets = [15], sizes = [1], strides = [1]} : vector<16xi32> to vector<1xi32>
      %squeeze3A_328 = vector.extract %slice3A_327[0] : i32 from vector<1xi32>
      %mul3A_329 = arith.constant 16 : i32
      %mul3A_330 = arith.muli %scan3A_56, %mul3A_329 : i32
      %add3A_331 = arith.constant 15 : i32
      %add3A_332 = arith.addi %mul3A_330, %add3A_331 : i32
      %dma_start3A_333 = arith.constant 0 : i32
      %dma_start3A_334 = tpu.memref_slice %arg19[%add3A_332, %dma_start3A_333] : memref<128x64xf32, #tpu.memory_space<vmem>> -> memref<1x64xf32, #tpu.memory_space<vmem>>
      %dma_start3A_335 = tpu.memref_squeeze %dma_start3A_334 : memref<1x64xf32, #tpu.memory_space<vmem>> -> memref<64xf32, #tpu.memory_space<vmem>>
      %dma_start3A_336 = arith.constant 0 : i32
      %dma_start3A_337 = tpu.memref_slice %arg9[%squeeze3A_328, %dma_start3A_336] : memref<1001x64xf32, #tpu.memory_space<hbm>> -> memref<1x64xf32, #tpu.memory_space<hbm>>
      %dma_start3A_338 = tpu.memref_squeeze %dma_start3A_337 : memref<1x64xf32, #tpu.memory_space<hbm>> -> memref<64xf32, #tpu.memory_space<hbm>>
      %dma_start3A_339 = arith.constant 0 : i32
      %dma_start3A_340 = tpu.memref_slice %arg19[%add3A_332, %dma_start3A_339] : memref<128x64xf32, #tpu.memory_space<vmem>> -> memref<1x64xf32, #tpu.memory_space<vmem>>
      %dma_start3A_341 = tpu.memref_squeeze %dma_start3A_340 : memref<1x64xf32, #tpu.memory_space<vmem>> -> memref<64xf32, #tpu.memory_space<vmem>>
      %dma_start3A_342 = arith.constant 0 : i32
      %dma_start3A_343 = tpu.memref_slice %arg9[%squeeze3A_328, %dma_start3A_342] : memref<1001x64xf32, #tpu.memory_space<hbm>> -> memref<1x64xf32, #tpu.memory_space<hbm>>
      %dma_start3A_344 = tpu.memref_squeeze %dma_start3A_343 : memref<1x64xf32, #tpu.memory_space<hbm>> -> memref<64xf32, #tpu.memory_space<hbm>>
      tpu.enqueue_dma source(%dma_start3A_344 : memref<64xf32, #tpu.memory_space<hbm>>) target(%dma_start3A_341 : memref<64xf32, #tpu.memory_space<vmem>>) target_semaphore(%arg23 : memref<!tpu.dma_semaphore, #tpu.memory_space<semaphore_mem>>)
    }
    %scan3A_25 = arith.constant 8 : i32
    %dma_wait3A = arith.constant 0 : i32
    %dma_wait3A_26 = arith.constant 0 : i32
    %dma_wait3A_27 = tpu.memref_slice %arg11[%dma_wait3A, %mul3A_2, %dma_wait3A_26] : memref<4x4096x64xf32, #tpu.memory_space<hbm>> -> memref<1x128x64xf32, #tpu.memory_space<hbm>>
    %dma_wait3A_28 = tpu.memref_squeeze %dma_wait3A_27 : memref<1x128x64xf32, #tpu.memory_space<hbm>> -> memref<128x64xf32, #tpu.memory_space<hbm>>
    %dma_wait3A_29 = arith.constant 0 : i32
    %dma_wait3A_30 = tpu.memref_slice %arg11[%dma_wait3A, %mul3A_2, %dma_wait3A_29] : memref<4x4096x64xf32, #tpu.memory_space<hbm>> -> memref<1x128x64xf32, #tpu.memory_space<hbm>>
    %dma_wait3A_31 = tpu.memref_squeeze %dma_wait3A_30 : memref<1x128x64xf32, #tpu.memory_space<hbm>> -> memref<128x64xf32, #tpu.memory_space<hbm>>
    tpu.wait_dma2 semaphore(%arg20 : memref<!tpu.dma_semaphore, #tpu.memory_space<semaphore_mem>>) src(%dma_wait3A_31 : memref<128x64xf32, #tpu.memory_space<hbm>>) dst(%arg16 : memref<128x64xf32, #tpu.memory_space<vmem>>)
    %run_scoped3A = arith.constant 0 : i32
    "tpu.region"() ({
      %run_scoped3A_56 = tpu.sem_alloc : memref<!tpu.dma_semaphore, #tpu.memory_space<semaphore_mem>>
      %dma_start3A = arith.constant 0 : i32
      %dma_start3A_57 = tpu.memref_slice %arg11[%run_scoped3A, %mul3A_2, %dma_start3A] : memref<4x4096x64xf32, #tpu.memory_space<hbm>> -> memref<1x128x64xf32, #tpu.memory_space<hbm>>
      %dma_start3A_58 = tpu.memref_squeeze %dma_start3A_57 : memref<1x128x64xf32, #tpu.memory_space<hbm>> -> memref<128x64xf32, #tpu.memory_space<hbm>>
      %dma_start3A_59 = arith.constant 0 : i32
      %dma_start3A_60 = tpu.memref_slice %arg11[%run_scoped3A, %mul3A_2, %dma_start3A_59] : memref<4x4096x64xf32, #tpu.memory_space<hbm>> -> memref<1x128x64xf32, #tpu.memory_space<hbm>>
      %dma_start3A_61 = tpu.memref_squeeze %dma_start3A_60 : memref<1x128x64xf32, #tpu.memory_space<hbm>> -> memref<128x64xf32, #tpu.memory_space<hbm>>
      tpu.enqueue_dma source(%arg16 : memref<128x64xf32, #tpu.memory_space<vmem>>) target(%dma_start3A_61 : memref<128x64xf32, #tpu.memory_space<hbm>>) target_semaphore(%run_scoped3A_56 : memref<!tpu.dma_semaphore, #tpu.memory_space<semaphore_mem>>)
      %dma_wait3A_62 = arith.constant 0 : i32
      %dma_wait3A_63 = tpu.memref_slice %arg11[%run_scoped3A, %mul3A_2, %dma_wait3A_62] : memref<4x4096x64xf32, #tpu.memory_space<hbm>> -> memref<1x128x64xf32, #tpu.memory_space<hbm>>
      %dma_wait3A_64 = tpu.memref_squeeze %dma_wait3A_63 : memref<1x128x64xf32, #tpu.memory_space<hbm>> -> memref<128x64xf32, #tpu.memory_space<hbm>>
      %dma_wait3A_65 = arith.constant 0 : i32
      %dma_wait3A_66 = tpu.memref_slice %arg11[%run_scoped3A, %mul3A_2, %dma_wait3A_65] : memref<4x4096x64xf32, #tpu.memory_space<hbm>> -> memref<1x128x64xf32, #tpu.memory_space<hbm>>
      %dma_wait3A_67 = tpu.memref_squeeze %dma_wait3A_66 : memref<1x128x64xf32, #tpu.memory_space<hbm>> -> memref<128x64xf32, #tpu.memory_space<hbm>>
      tpu.wait_dma2 semaphore(%run_scoped3A_56 : memref<!tpu.dma_semaphore, #tpu.memory_space<semaphore_mem>>) src(%arg16 : memref<128x64xf32, #tpu.memory_space<vmem>>) dst(%dma_wait3A_67 : memref<128x64xf32, #tpu.memory_space<hbm>>)
      tpu.yield
    }) : () -> ()
    %dma_wait3A_32 = arith.constant 1 : i32
    %dma_wait3A_33 = arith.constant 0 : i32
    %dma_wait3A_34 = tpu.memref_slice %arg11[%dma_wait3A_32, %mul3A_2, %dma_wait3A_33] : memref<4x4096x64xf32, #tpu.memory_space<hbm>> -> memref<1x128x64xf32, #tpu.memory_space<hbm>>
    %dma_wait3A_35 = tpu.memref_squeeze %dma_wait3A_34 : memref<1x128x64xf32, #tpu.memory_space<hbm>> -> memref<128x64xf32, #tpu.memory_space<hbm>>
    %dma_wait3A_36 = arith.constant 0 : i32
    %dma_wait3A_37 = tpu.memref_slice %arg11[%dma_wait3A_32, %mul3A_2, %dma_wait3A_36] : memref<4x4096x64xf32, #tpu.memory_space<hbm>> -> memref<1x128x64xf32, #tpu.memory_space<hbm>>
    %dma_wait3A_38 = tpu.memref_squeeze %dma_wait3A_37 : memref<1x128x64xf32, #tpu.memory_space<hbm>> -> memref<128x64xf32, #tpu.memory_space<hbm>>
    tpu.wait_dma2 semaphore(%arg21 : memref<!tpu.dma_semaphore, #tpu.memory_space<semaphore_mem>>) src(%dma_wait3A_38 : memref<128x64xf32, #tpu.memory_space<hbm>>) dst(%arg17 : memref<128x64xf32, #tpu.memory_space<vmem>>)
    %run_scoped3A_39 = arith.constant 1 : i32
    "tpu.region"() ({
      %run_scoped3A_56 = tpu.sem_alloc : memref<!tpu.dma_semaphore, #tpu.memory_space<semaphore_mem>>
      %dma_start3A = arith.constant 0 : i32
      %dma_start3A_57 = tpu.memref_slice %arg11[%run_scoped3A_39, %mul3A_2, %dma_start3A] : memref<4x4096x64xf32, #tpu.memory_space<hbm>> -> memref<1x128x64xf32, #tpu.memory_space<hbm>>
      %dma_start3A_58 = tpu.memref_squeeze %dma_start3A_57 : memref<1x128x64xf32, #tpu.memory_space<hbm>> -> memref<128x64xf32, #tpu.memory_space<hbm>>
      %dma_start3A_59 = arith.constant 0 : i32
      %dma_start3A_60 = tpu.memref_slice %arg11[%run_scoped3A_39, %mul3A_2, %dma_start3A_59] : memref<4x4096x64xf32, #tpu.memory_space<hbm>> -> memref<1x128x64xf32, #tpu.memory_space<hbm>>
      %dma_start3A_61 = tpu.memref_squeeze %dma_start3A_60 : memref<1x128x64xf32, #tpu.memory_space<hbm>> -> memref<128x64xf32, #tpu.memory_space<hbm>>
      tpu.enqueue_dma source(%arg17 : memref<128x64xf32, #tpu.memory_space<vmem>>) target(%dma_start3A_61 : memref<128x64xf32, #tpu.memory_space<hbm>>) target_semaphore(%run_scoped3A_56 : memref<!tpu.dma_semaphore, #tpu.memory_space<semaphore_mem>>)
      %dma_wait3A_62 = arith.constant 0 : i32
      %dma_wait3A_63 = tpu.memref_slice %arg11[%run_scoped3A_39, %mul3A_2, %dma_wait3A_62] : memref<4x4096x64xf32, #tpu.memory_space<hbm>> -> memref<1x128x64xf32, #tpu.memory_space<hbm>>
      %dma_wait3A_64 = tpu.memref_squeeze %dma_wait3A_63 : memref<1x128x64xf32, #tpu.memory_space<hbm>> -> memref<128x64xf32, #tpu.memory_space<hbm>>
      %dma_wait3A_65 = arith.constant 0 : i32
      %dma_wait3A_66 = tpu.memref_slice %arg11[%run_scoped3A_39, %mul3A_2, %dma_wait3A_65] : memref<4x4096x64xf32, #tpu.memory_space<hbm>> -> memref<1x128x64xf32, #tpu.memory_space<hbm>>
      %dma_wait3A_67 = tpu.memref_squeeze %dma_wait3A_66 : memref<1x128x64xf32, #tpu.memory_space<hbm>> -> memref<128x64xf32, #tpu.memory_space<hbm>>
      tpu.wait_dma2 semaphore(%run_scoped3A_56 : memref<!tpu.dma_semaphore, #tpu.memory_space<semaphore_mem>>) src(%arg17 : memref<128x64xf32, #tpu.memory_space<vmem>>) dst(%dma_wait3A_67 : memref<128x64xf32, #tpu.memory_space<hbm>>)
      tpu.yield
    }) : () -> ()
    %dma_wait3A_40 = arith.constant 2 : i32
    %dma_wait3A_41 = arith.constant 0 : i32
    %dma_wait3A_42 = tpu.memref_slice %arg11[%dma_wait3A_40, %mul3A_2, %dma_wait3A_41] : memref<4x4096x64xf32, #tpu.memory_space<hbm>> -> memref<1x128x64xf32, #tpu.memory_space<hbm>>
    %dma_wait3A_43 = tpu.memref_squeeze %dma_wait3A_42 : memref<1x128x64xf32, #tpu.memory_space<hbm>> -> memref<128x64xf32, #tpu.memory_space<hbm>>
    %dma_wait3A_44 = arith.constant 0 : i32
    %dma_wait3A_45 = tpu.memref_slice %arg11[%dma_wait3A_40, %mul3A_2, %dma_wait3A_44] : memref<4x4096x64xf32, #tpu.memory_space<hbm>> -> memref<1x128x64xf32, #tpu.memory_space<hbm>>
    %dma_wait3A_46 = tpu.memref_squeeze %dma_wait3A_45 : memref<1x128x64xf32, #tpu.memory_space<hbm>> -> memref<128x64xf32, #tpu.memory_space<hbm>>
    tpu.wait_dma2 semaphore(%arg22 : memref<!tpu.dma_semaphore, #tpu.memory_space<semaphore_mem>>) src(%dma_wait3A_46 : memref<128x64xf32, #tpu.memory_space<hbm>>) dst(%arg18 : memref<128x64xf32, #tpu.memory_space<vmem>>)
    %run_scoped3A_47 = arith.constant 2 : i32
    "tpu.region"() ({
      %run_scoped3A_56 = tpu.sem_alloc : memref<!tpu.dma_semaphore, #tpu.memory_space<semaphore_mem>>
      %dma_start3A = arith.constant 0 : i32
      %dma_start3A_57 = tpu.memref_slice %arg11[%run_scoped3A_47, %mul3A_2, %dma_start3A] : memref<4x4096x64xf32, #tpu.memory_space<hbm>> -> memref<1x128x64xf32, #tpu.memory_space<hbm>>
      %dma_start3A_58 = tpu.memref_squeeze %dma_start3A_57 : memref<1x128x64xf32, #tpu.memory_space<hbm>> -> memref<128x64xf32, #tpu.memory_space<hbm>>
      %dma_start3A_59 = arith.constant 0 : i32
      %dma_start3A_60 = tpu.memref_slice %arg11[%run_scoped3A_47, %mul3A_2, %dma_start3A_59] : memref<4x4096x64xf32, #tpu.memory_space<hbm>> -> memref<1x128x64xf32, #tpu.memory_space<hbm>>
      %dma_start3A_61 = tpu.memref_squeeze %dma_start3A_60 : memref<1x128x64xf32, #tpu.memory_space<hbm>> -> memref<128x64xf32, #tpu.memory_space<hbm>>
      tpu.enqueue_dma source(%arg18 : memref<128x64xf32, #tpu.memory_space<vmem>>) target(%dma_start3A_61 : memref<128x64xf32, #tpu.memory_space<hbm>>) target_semaphore(%run_scoped3A_56 : memref<!tpu.dma_semaphore, #tpu.memory_space<semaphore_mem>>)
      %dma_wait3A_62 = arith.constant 0 : i32
      %dma_wait3A_63 = tpu.memref_slice %arg11[%run_scoped3A_47, %mul3A_2, %dma_wait3A_62] : memref<4x4096x64xf32, #tpu.memory_space<hbm>> -> memref<1x128x64xf32, #tpu.memory_space<hbm>>
      %dma_wait3A_64 = tpu.memref_squeeze %dma_wait3A_63 : memref<1x128x64xf32, #tpu.memory_space<hbm>> -> memref<128x64xf32, #tpu.memory_space<hbm>>
      %dma_wait3A_65 = arith.constant 0 : i32
      %dma_wait3A_66 = tpu.memref_slice %arg11[%run_scoped3A_47, %mul3A_2, %dma_wait3A_65] : memref<4x4096x64xf32, #tpu.memory_space<hbm>> -> memref<1x128x64xf32, #tpu.memory_space<hbm>>
      %dma_wait3A_67 = tpu.memref_squeeze %dma_wait3A_66 : memref<1x128x64xf32, #tpu.memory_space<hbm>> -> memref<128x64xf32, #tpu.memory_space<hbm>>
      tpu.wait_dma2 semaphore(%run_scoped3A_56 : memref<!tpu.dma_semaphore, #tpu.memory_space<semaphore_mem>>) src(%arg18 : memref<128x64xf32, #tpu.memory_space<vmem>>) dst(%dma_wait3A_67 : memref<128x64xf32, #tpu.memory_space<hbm>>)
      tpu.yield
    }) : () -> ()
    %dma_wait3A_48 = arith.constant 3 : i32
    %dma_wait3A_49 = arith.constant 0 : i32
    %dma_wait3A_50 = tpu.memref_slice %arg11[%dma_wait3A_48, %mul3A_2, %dma_wait3A_49] : memref<4x4096x64xf32, #tpu.memory_space<hbm>> -> memref<1x128x64xf32, #tpu.memory_space<hbm>>
    %dma_wait3A_51 = tpu.memref_squeeze %dma_wait3A_50 : memref<1x128x64xf32, #tpu.memory_space<hbm>> -> memref<128x64xf32, #tpu.memory_space<hbm>>
    %dma_wait3A_52 = arith.constant 0 : i32
    %dma_wait3A_53 = tpu.memref_slice %arg11[%dma_wait3A_48, %mul3A_2, %dma_wait3A_52] : memref<4x4096x64xf32, #tpu.memory_space<hbm>> -> memref<1x128x64xf32, #tpu.memory_space<hbm>>
    %dma_wait3A_54 = tpu.memref_squeeze %dma_wait3A_53 : memref<1x128x64xf32, #tpu.memory_space<hbm>> -> memref<128x64xf32, #tpu.memory_space<hbm>>
    tpu.wait_dma2 semaphore(%arg23 : memref<!tpu.dma_semaphore, #tpu.memory_space<semaphore_mem>>) src(%dma_wait3A_54 : memref<128x64xf32, #tpu.memory_space<hbm>>) dst(%arg19 : memref<128x64xf32, #tpu.memory_space<vmem>>)
    %run_scoped3A_55 = arith.constant 3 : i32
    "tpu.region"() ({
      %run_scoped3A_56 = tpu.sem_alloc : memref<!tpu.dma_semaphore, #tpu.memory_space<semaphore_mem>>
      %dma_start3A = arith.constant 0 : i32
      %dma_start3A_57 = tpu.memref_slice %arg11[%run_scoped3A_55, %mul3A_2, %dma_start3A] : memref<4x4096x64xf32, #tpu.memory_space<hbm>> -> memref<1x128x64xf32, #tpu.memory_space<hbm>>
      %dma_start3A_58 = tpu.memref_squeeze %dma_start3A_57 : memref<1x128x64xf32, #tpu.memory_space<hbm>> -> memref<128x64xf32, #tpu.memory_space<hbm>>
      %dma_start3A_59 = arith.constant 0 : i32
      %dma_start3A_60 = tpu.memref_slice %arg11[%run_scoped3A_55, %mul3A_2, %dma_start3A_59] : memref<4x4096x64xf32, #tpu.memory_space<hbm>> -> memref<1x128x64xf32, #tpu.memory_space<hbm>>
      %dma_start3A_61 = tpu.memref_squeeze %dma_start3A_60 : memref<1x128x64xf32, #tpu.memory_space<hbm>> -> memref<128x64xf32, #tpu.memory_space<hbm>>
      tpu.enqueue_dma source(%arg19 : memref<128x64xf32, #tpu.memory_space<vmem>>) target(%dma_start3A_61 : memref<128x64xf32, #tpu.memory_space<hbm>>) target_semaphore(%run_scoped3A_56 : memref<!tpu.dma_semaphore, #tpu.memory_space<semaphore_mem>>)
      %dma_wait3A_62 = arith.constant 0 : i32
      %dma_wait3A_63 = tpu.memref_slice %arg11[%run_scoped3A_55, %mul3A_2, %dma_wait3A_62] : memref<4x4096x64xf32, #tpu.memory_space<hbm>> -> memref<1x128x64xf32, #tpu.memory_space<hbm>>
      %dma_wait3A_64 = tpu.memref_squeeze %dma_wait3A_63 : memref<1x128x64xf32, #tpu.memory_space<hbm>> -> memref<128x64xf32, #tpu.memory_space<hbm>>
      %dma_wait3A_65 = arith.constant 0 : i32
      %dma_wait3A_66 = tpu.memref_slice %arg11[%run_scoped3A_55, %mul3A_2, %dma_wait3A_65] : memref<4x4096x64xf32, #tpu.memory_space<hbm>> -> memref<1x128x64xf32, #tpu.memory_space<hbm>>
      %dma_wait3A_67 = tpu.memref_squeeze %dma_wait3A_66 : memref<1x128x64xf32, #tpu.memory_space<hbm>> -> memref<128x64xf32, #tpu.memory_space<hbm>>
      tpu.wait_dma2 semaphore(%run_scoped3A_56 : memref<!tpu.dma_semaphore, #tpu.memory_space<semaphore_mem>>) src(%arg19 : memref<128x64xf32, #tpu.memory_space<vmem>>) dst(%dma_wait3A_67 : memref<128x64xf32, #tpu.memory_space<hbm>>)
      tpu.yield
    }) : () -> ()
    return
  }
}

module attributes {stable_mosaic.version = 14 : i64} {
  func.func @_proj_body(%arg0: i32, %arg1: memref<2048x64xf32, #tpu.memory_space<vmem>>, %arg2: memref<4x2048x64xf32, #tpu.memory_space<vmem>>, %arg3: memref<3x64x64xf32, #tpu.memory_space<vmem>>, %arg4: memref<3x64xf32, #tpu.memory_space<vmem>>, %arg5: memref<320x2048xf32, #tpu.memory_space<vmem>>) attributes {dimension_semantics = [#tpu.dimension_semantics<arbitrary>], iteration_bounds = array<i64: 2>, scalar_prefetch = 0 : i64, scratch_operands = 0 : i64, tpu.core_type = #tpu.core_type<tc>, window_params = [{transform_indices = @transform_0, window_bounds = array<i64: 2048, 64>}, {transform_indices = @transform_1, window_bounds = array<i64: 4, 2048, 64>}, {pipeline_mode = #tpu.pipeline_mode<synchronous>, transform_indices = @transform_2, window_bounds = array<i64: 3, 64, 64>}, {pipeline_mode = #tpu.pipeline_mode<synchronous>, transform_indices = @transform_3, window_bounds = array<i64: 3, 64>}, {transform_indices = @transform_4, window_bounds = array<i64: 320, 2048>}]} {
    %get3A = arith.constant 0 : index
    %get3A_0 = arith.constant 0 : index
    %get3A_1 = vector.load %arg1[%get3A, %get3A_0] : memref<2048x64xf32, #tpu.memory_space<vmem>>, vector<2048x64xf32>
    %get3A_2 = arith.constant 0 : index
    %get3A_3 = arith.constant 0 : index
    %get3A_4 = arith.constant 0 : index
    %get3A_5 = vector.load %arg2[%get3A_2, %get3A_3, %get3A_4] : memref<4x2048x64xf32, #tpu.memory_space<vmem>>, vector<4x2048x64xf32>
    %slice3A = vector.extract_strided_slice %get3A_5 {offsets = [0, 0, 0], sizes = [1, 2048, 64], strides = [1, 1, 1]} : vector<4x2048x64xf32> to vector<1x2048x64xf32>
    %squeeze3A = vector.shape_cast %slice3A : vector<1x2048x64xf32> to vector<2048x64xf32>
    %slice3A_6 = vector.extract_strided_slice %get3A_5 {offsets = [1, 0, 0], sizes = [1, 2048, 64], strides = [1, 1, 1]} : vector<4x2048x64xf32> to vector<1x2048x64xf32>
    %squeeze3A_7 = vector.shape_cast %slice3A_6 : vector<1x2048x64xf32> to vector<2048x64xf32>
    %slice3A_8 = vector.extract_strided_slice %get3A_5 {offsets = [2, 0, 0], sizes = [1, 2048, 64], strides = [1, 1, 1]} : vector<4x2048x64xf32> to vector<1x2048x64xf32>
    %squeeze3A_9 = vector.shape_cast %slice3A_8 : vector<1x2048x64xf32> to vector<2048x64xf32>
    %slice3A_10 = vector.extract_strided_slice %get3A_5 {offsets = [3, 0, 0], sizes = [1, 2048, 64], strides = [1, 1, 1]} : vector<4x2048x64xf32> to vector<1x2048x64xf32>
    %squeeze3A_11 = vector.shape_cast %slice3A_10 : vector<1x2048x64xf32> to vector<2048x64xf32>
    %get3A_12 = arith.constant 0 : index
    %get3A_13 = arith.constant 0 : index
    %get3A_14 = arith.constant 0 : index
    %get3A_15 = vector.load %arg3[%get3A_12, %get3A_13, %get3A_14] : memref<3x64x64xf32, #tpu.memory_space<vmem>>, vector<3x64x64xf32>
    %get3A_16 = arith.constant 0 : index
    %get3A_17 = arith.constant 0 : index
    %get3A_18 = vector.load %arg4[%get3A_16, %get3A_17] : memref<3x64xf32, #tpu.memory_space<vmem>>, vector<3x64xf32>
    %transpose3A = tpu.transpose %squeeze3A_7, [1, 0] : vector<2048x64xf32> -> vector<64x2048xf32>
    %transpose3A_19 = tpu.transpose %squeeze3A_9, [1, 0] : vector<2048x64xf32> -> vector<64x2048xf32>
    %transpose3A_20 = tpu.transpose %squeeze3A_11, [1, 0] : vector<2048x64xf32> -> vector<64x2048xf32>
    %slice3A_21 = vector.extract_strided_slice %get3A_15 {offsets = [0, 0, 0], sizes = [1, 64, 64], strides = [1, 1, 1]} : vector<3x64x64xf32> to vector<1x64x64xf32>
    %squeeze3A_22 = vector.shape_cast %slice3A_21 : vector<1x64x64xf32> to vector<64x64xf32>
    %dot_general3A = arith.constant dense<0.000000e+00> : vector<64x2048xf32>
    %dot_general3A_23 = tpu.matmul %squeeze3A_22, %squeeze3A, %dot_general3A {dimension_numbers = #tpu.dot_dimension_numbers<[1], [1], [0], [0], [0, 0, 1, 0], [], []>, transpose_lhs_hint = false} : vector<64x64xf32>, vector<2048x64xf32>, vector<64x2048xf32> -> vector<64x2048xf32>
    %slice3A_24 = vector.extract_strided_slice %get3A_18 {offsets = [0, 0], sizes = [1, 64], strides = [1, 1]} : vector<3x64xf32> to vector<1x64xf32>
    %squeeze3A_25 = vector.shape_cast %slice3A_24 : vector<1x64xf32> to vector<64xf32>
    %broadcast_in_dim3A = vector.shape_cast %squeeze3A_25 : vector<64xf32> to vector<64x1xf32>
    %add3A = vector.broadcast %broadcast_in_dim3A : vector<64x1xf32> to vector<64x2048xf32>
    %add3A_26 = arith.addf %dot_general3A_23, %add3A : vector<64x2048xf32>
    %add3A_27 = arith.addf %add3A_26, %transpose3A : vector<64x2048xf32>
    %slice3A_28 = vector.extract_strided_slice %get3A_15 {offsets = [1, 0, 0], sizes = [1, 64, 64], strides = [1, 1, 1]} : vector<3x64x64xf32> to vector<1x64x64xf32>
    %squeeze3A_29 = vector.shape_cast %slice3A_28 : vector<1x64x64xf32> to vector<64x64xf32>
    %dot_general3A_30 = arith.constant dense<0.000000e+00> : vector<64x2048xf32>
    %dot_general3A_31 = tpu.matmul %squeeze3A_29, %get3A_1, %dot_general3A_30 {dimension_numbers = #tpu.dot_dimension_numbers<[1], [1], [0], [0], [0, 0, 1, 0], [], []>, transpose_lhs_hint = false} : vector<64x64xf32>, vector<2048x64xf32>, vector<64x2048xf32> -> vector<64x2048xf32>
    %slice3A_32 = vector.extract_strided_slice %get3A_18 {offsets = [1, 0], sizes = [1, 64], strides = [1, 1]} : vector<3x64xf32> to vector<1x64xf32>
    %squeeze3A_33 = vector.shape_cast %slice3A_32 : vector<1x64xf32> to vector<64xf32>
    %broadcast_in_dim3A_34 = vector.shape_cast %squeeze3A_33 : vector<64xf32> to vector<64x1xf32>
    %add3A_35 = vector.broadcast %broadcast_in_dim3A_34 : vector<64x1xf32> to vector<64x2048xf32>
    %add3A_36 = arith.addf %dot_general3A_31, %add3A_35 : vector<64x2048xf32>
    %add3A_37 = arith.addf %add3A_36, %transpose3A_19 : vector<64x2048xf32>
    %slice3A_38 = vector.extract_strided_slice %get3A_15 {offsets = [2, 0, 0], sizes = [1, 64, 64], strides = [1, 1, 1]} : vector<3x64x64xf32> to vector<1x64x64xf32>
    %squeeze3A_39 = vector.shape_cast %slice3A_38 : vector<1x64x64xf32> to vector<64x64xf32>
    %dot_general3A_40 = arith.constant dense<0.000000e+00> : vector<64x2048xf32>
    %dot_general3A_41 = tpu.matmul %squeeze3A_39, %squeeze3A_9, %dot_general3A_40 {dimension_numbers = #tpu.dot_dimension_numbers<[1], [1], [0], [0], [0, 0, 1, 0], [], []>, transpose_lhs_hint = false} : vector<64x64xf32>, vector<2048x64xf32>, vector<64x2048xf32> -> vector<64x2048xf32>
    %slice3A_42 = vector.extract_strided_slice %get3A_18 {offsets = [2, 0], sizes = [1, 64], strides = [1, 1]} : vector<3x64xf32> to vector<1x64xf32>
    %squeeze3A_43 = vector.shape_cast %slice3A_42 : vector<1x64xf32> to vector<64xf32>
    %broadcast_in_dim3A_44 = vector.shape_cast %squeeze3A_43 : vector<64xf32> to vector<64x1xf32>
    %add3A_45 = vector.broadcast %broadcast_in_dim3A_44 : vector<64x1xf32> to vector<64x2048xf32>
    %add3A_46 = arith.addf %dot_general3A_41, %add3A_45 : vector<64x2048xf32>
    %add3A_47 = arith.addf %add3A_46, %transpose3A_20 : vector<64x2048xf32>
    %concatenate3A = tpu.concatenate %add3A_27, %transpose3A, %add3A_37, %add3A_47, %transpose3A_20 in 0 : vector<64x2048xf32>, vector<64x2048xf32>, vector<64x2048xf32>, vector<64x2048xf32>, vector<64x2048xf32> -> vector<320x2048xf32>
    %swap3A = arith.constant 0 : index
    %swap3A_48 = arith.constant 0 : index
    %swap3A_49 = vector.load %arg5[%swap3A, %swap3A_48] : memref<320x2048xf32, #tpu.memory_space<vmem>>, vector<320x2048xf32>
    tpu.vector_store %arg5[%swap3A, %swap3A_48], %concatenate3A {strides = array<i32>} : memref<320x2048xf32, #tpu.memory_space<vmem>>, vector<320x2048xf32>,
    return
  }
  func.func @transform_0(%arg0: i32) -> (i32, i32) {
    %c0_i32 = arith.constant 0 : i32
    %c0_i32_0 = arith.constant 0 : i32
    return %arg0, %c0_i32 : i32, i32
  }
  func.func @transform_1(%arg0: i32) -> (i32, i32, i32) {
    %c0_i32 = arith.constant 0 : i32
    %c0_i32_0 = arith.constant 0 : i32
    %c0_i32_1 = arith.constant 0 : i32
    return %c0_i32, %arg0, %c0_i32_0 : i32, i32, i32
  }
  func.func @transform_2(%arg0: i32) -> (i32, i32, i32) {
    %c0_i32 = arith.constant 0 : i32
    %c0_i32_0 = arith.constant 0 : i32
    %c0_i32_1 = arith.constant 0 : i32
    %c0_i32_2 = arith.constant 0 : i32
    return %c0_i32, %c0_i32_0, %c0_i32_1 : i32, i32, i32
  }
  func.func @transform_3(%arg0: i32) -> (i32, i32) {
    %c0_i32 = arith.constant 0 : i32
    %c0_i32_0 = arith.constant 0 : i32
    %c0_i32_1 = arith.constant 0 : i32
    return %c0_i32, %c0_i32_0 : i32, i32
  }
  func.func @transform_4(%arg0: i32) -> (i32, i32) {
    %c0_i32 = arith.constant 0 : i32
    %c0_i32_0 = arith.constant 0 : i32
    return %c0_i32, %arg0 : i32, i32
  }
}

</mosaic_0001>

<sc_bundles>
// kernel: kernel.5.cloned.1.call-start
scs
__scs_entry_jumppad:
0x0: {  	(pc) =	sbr.rel $0x88, $3  }
0x1: {  	(tag) =	ssettag $0x0;
	lr =	simm.s32 $0x1  }
0x2: {  	[smem:$0x3F91] =	sst lr;
	_ =	strace $0xD0000000  }
0x3: {  	_ = 	snop  }
0x4: {  	_ = 	snop  }
0x5: {  	_ = 	snop  }
0x6: {  	_ = 	snop  }
0x7: {  	_ = 	snop  }
__scs_overlays_trampoline_lowered:
0x8: {  	[smem:$0x3FA0] =	sst s0  }
0x9: {  	[smem:$0x3FA1] =	sst s1  }
0xa: {  	[smem:$0x3FA2] =	sst s2  }
0xb: {  	[smem:$0x3FA3] =	sst s3  }
0xc: {  	[smem:$0x3FA4] =	sst s4  }
0xd: {  	[smem:$0x3FA5] =	sst s5  }
0xe: {  	[smem:$0x3FA6] =	sst s6  }
0xf: {  	[smem:$0x3FA7] =	sst s7  }
0x10: {  	[smem:$0x3FA8] =	sst s8  }
0x11: {  	[smem:$0x3FA9] =	sst s9;
	s0 =	simm.s32 @!p0 $0x0  }
0x12: {  	s1 =	sld [smem:$0x3F8F];
	s0 =	simm.s32 @p0 $0x1  }
0x13: {  	[smem:$0x3FAA] =	sst s0;
	s0 =	simm.s32 @!p1 $0x0  }
0x14: {  	s2 =	sld [smem:$0x3F8E];
	s0 =	simm.s32 @p1 $0x1  }
0x15: {  	[smem:$0x3FAB] =	sst s0;
	s0 =	simm.s32 @!p2 $0x0  }
0x16: {  	s3 =	sld [smem:$0x3FDB];
	s0 =	simm.s32 @p2 $0x1  }
0x17: {  	s4 =	simm.s32 $0x1BF5;
	[smem:$0x3FAD] =	sst s0  }
0x18: {  	s0 =	sld [smem:$0x3F90];
	_ =	swait.ge [sflag:s4], $0x0  }
0x19: {  	s7 =	sld [smem:$0x3F91]  }
0x1a: {  	s8 =	sadd.s32 $0xFFFFE003, lr  }
0x1b: {  	s9 =	sadd.s32 $0xFFFFFEF7, lr;
	s5 =	simm.s32 $0xFFFFFFFF;
	p2 =	slt.u32 s8, $0xFFFFF086  }
0x1c: {  	p1 =	slt.u32 s9, $0xF7A;
	s5 =	simm.s32 @!p2 $0x0  }
0x1d: {  	s5 =	simm.s32 @p1 $0x1;
	p0 =	seq.s32 s7, s2  }
0x1e: {  	s7 =	smul.u32 @!p0 $0xF7A, s2;
	p2 =	seq.s32 @!p0 s5, $0x0  }
0x1f: {  	s9 =	smul.u32 $0xF7A, s1;
	s8 =	simm.s32 @!p0 $0x1BF5;
	p2 =	por !p2, p0  }
0x20: {  	[sflag:s8] =	ssyncset.s32 @!p0 $0xFFFFF086;
	s6 =	sadd.s32 @!p0 s3, s7;
	s7 =	simm.s32 @!p0 $0x108  }
0x21: {  	s3 =	sadd.s32 s3, s9;
	s6 =	sadd.s32 @!p0 $0x88, s6;
	s7 =	simm.s32 @p2 $0x1082  }
0x22: {  	[simem:s7], [sflag:s8] =	dma.local @!p0 [hbm:s6], $0xF7A  }
0x23: {  	s9 =	sor.u32 $0xD0000000, s2;
	s6 =	simm.s32 $0x108;
	_ =	swait.ge @!p0 [sflag:s8], $0x0  }
0x24: {  	s3 =	sadd.s32 $0x88, s3;
	s6 =	simm.s32 @!p1 $0x1082;
	[sflag:s4] =	ssyncset.s32 $0xFFFFF086  }
0x25: {  	[simem:s6], [sflag:s4] =	dma.local [hbm:s3], $0xF7A  }
0x26: {  	[smem:$0x3F91] =	sst s1;
	(tag) =	ssettag s2;
	_ =	strace s9  }
0x27: {  	s1 =	sld [smem:$0x3FA1]  }
0x28: {  	s2 =	sld [smem:$0x3FA2]  }
0x29: {  	s4 =	sld [smem:$0x3FA4]  }
0x2a: {  	p0 =	seq.s32 s5, $0x0;
	s5 =	sld [smem:$0x3FA5]  }
0x2b: {  	s6 =	sld [smem:$0x3FA6]  }
0x2c: {  	s7 =	sld [smem:$0x3FA7]  }
0x2d: {  	s3 =	simm.s32 $0x108;
	s8 =	sld [smem:$0x3FA8]  }
0x2e: {  	s3 =	simm.s32 @!p0 $0x1082;
	s9 =	sld [smem:$0x3FA9]  }
0x2f: {  	lr =	sadd.s32 s0, s3;
	s0 =	sld [smem:$0x3FA0]  }
0x30: {  	s3 =	sld [smem:$0x3FA3]  }
0x31: {  	[smem:$0x3FAC] =	sst s10  }
0x32: {  	s10 =	sld [smem:$0x3FAA];
	_ =	sdelay $0x3  }
0x33: {  	p0 =	seq.s32 s10, $0x1;
	s10 =	sld [smem:$0x3FAC];
	_ =	sdelay $0x3  }
0x34: {  	[smem:$0x3FAC] =	sst s10  }
0x35: {  	s10 =	sld [smem:$0x3FAB];
	_ =	sdelay $0x3  }
0x36: {  	p1 =	seq.s32 s10, $0x1;
	s10 =	sld [smem:$0x3FAC];
	_ =	sdelay $0x3  }
0x37: {  	[smem:$0x3FAC] =	sst s10  }
0x38: {  	s10 =	sld [smem:$0x3FAD]  }
0x39: {  	_ = 	snop;
	(pc) =	sbr.ind lr, $3  }
0x3a: {  	_ = 	snop  }
0x3b: {  	_ = 	snop  }
0x3c: {  	p2 =	seq.s32 s10, $0x1;
	s10 =	sld [smem:$0x3FAC]  }
0x3d: {  	_ =	shalt  }
0x3e: {  	_ =	shalt  }
0x3f: {  	_ =	shalt  }
0x40: {  	_ =	shalt  }
0x41: {  	_ =	shalt  }
0x42: {  	_ =	shalt  }
0x43: {  	_ =	shalt  }
0x44: {  	_ =	shalt  }
0x45: {  	_ =	shalt  }
0x46: {  	_ =	shalt  }
0x47: {  	_ =	shalt  }
0x48: {  	_ =	shalt  }
0x49: {  	_ =	shalt  }
0x4a: {  	_ =	shalt  }
0x4b: {  	_ =	shalt  }
0x4c: {  	_ =	shalt  }
0x4d: {  	_ =	shalt  }
0x4e: {  	_ =	shalt  }
0x4f: {  	_ =	shalt  }
0x50: {  	_ =	shalt  }
0x51: {  	_ =	shalt  }
0x52: {  	_ =	shalt  }
0x53: {  	_ =	shalt  }
0x54: {  	_ =	shalt  }
0x55: {  	_ =	shalt  }
0x56: {  	_ =	shalt  }
0x57: {  	_ =	shalt  }
0x58: {  	_ =	shalt  }
0x59: {  	_ =	shalt  }
0x5a: {  	_ =	shalt  }
0x5b: {  	_ =	shalt  }
0x5c: {  	_ =	shalt  }
0x5d: {  	_ =	shalt  }
0x5e: {  	_ =	shalt  }
0x5f: {  	_ =	shalt  }
0x60: {  	_ =	shalt  }
0x61: {  	_ =	shalt  }
0x62: {  	_ =	shalt  }
0x63: {  	_ =	shalt  }
0x64: {  	_ =	shalt  }
0x65: {  	_ =	shalt  }
0x66: {  	_ =	shalt  }
0x67: {  	_ =	shalt  }
0x68: {  	_ =	shalt  }
0x69: {  	_ =	shalt  }
0x6a: {  	_ =	shalt  }
0x6b: {  	_ =	shalt  }
0x6c: {  	_ =	shalt  }
0x6d: {  	_ =	shalt  }
0x6e: {  	_ =	shalt  }
0x6f: {  	_ =	shalt  }
0x70: {  	_ =	shalt  }
0x71: {  	_ =	shalt  }
0x72: {  	_ =	shalt  }
0x73: {  	_ =	shalt  }
0x74: {  	_ =	shalt  }
0x75: {  	_ =	shalt  }
0x76: {  	_ =	shalt  }
0x77: {  	_ =	shalt  }
0x78: {  	_ =	shalt  }
0x79: {  	_ =	shalt  }
0x7a: {  	_ =	shalt  }
0x7b: {  	_ =	shalt  }
0x7c: {  	_ =	shalt  }
0x7d: {  	_ =	shalt  }
0x7e: {  	_ =	shalt  }
0x7f: {  	_ =	shalt  }
0x80: {  	_ =	shalt  }
0x81: {  	_ =	shalt  }
0x82: {  	_ =	shalt  }
0x83: {  	_ =	shalt  }
0x84: {  	_ =	shalt  }
0x85: {  	_ =	shalt  }
0x86: {  	_ =	shalt  }
0x87: {  	_ =	shalt  }
.Lfunc_end0:
.L_simem_size_0:
called_computation_lowered:
.L_overlay_start_0:
0x88: {  	s2 =	sld [smem:$0x3FD9]  }
0x89: {  	s3 =	sld [smem:$0x3FFE];
	_ =	sdelay $0x1  }
0x8a: {  	s1 =	srdreg.scid  }
0x8b: {  	s0 =	sand.u32 $0x1, s1  }
0x8c: {  	s18 =	sshll.u32 s0, $0xA;
	s2 =	sadd.s32 s3, s2  }
0x8d: {  	s2 =	sadd.s32 s2, s18  }
0x8e: {  	[smem:$0x3FB8] =	sst s2  }
0x8f: {  	_ = 	snop  }
0x90: {  	s2 =	sld [smem:$0x3FC7]  }
0x91: {  	s19 =	sld [smem:$0x3FC2]  }
0x92: {  	s4 =	sld [smem:$0x3FD0];
	(tm) =	ssettm $0x1  }
0x93: {  	s5 =	sld [smem:$0x3FFB];
	_ =	sdelay $0x3  }
0x94: {  	_ =	strace s5  }
0x95: {  	s5 =	sld [smem:$0x3FFC];
	_ =	sdelay $0x3  }
0x96: {  	_ =	strace s5  }
0x97: {  	s5 =	sld [smem:$0x3FFD];
	_ =	sdelay $0x3  }
0x98: {  	_ =	strace s5  }
0x99: {  	_ =	strace $0x8FFFFFFF  }
0x9a: {  	s20 =	sld [smem:$0x3FDB];
	_ =	sdelay $0x1  }
0x9b: {  	s6 =	simm.s32 $_scs_section_size  }
0x9c: {  	s7 =	simm.s32 $_size__tile_overlayer_lowered;
	s8 =	simm.s32 $_tile_overlayer_lowered  }
0x9d: {  	s23 =	simm.s32 $0x1BFF;
	s22 =	sshll.u32 s8, $0x1;
	s5 =	sadd.s32 s6, s20  }
0x9e: {  	s9 =	simm.s32 $0x0;
	s21 =	sshll.u32 s7, $0x1;
	s7 =	sadd.s32 s22, s5  }
0x9f: {  	[timem:s9], [sflag:s23] =	dma.local [hbm:s7], s21  }
0xa0: {  	_ =	swait.ge [sflag:s23], s21  }
0xa1: {  	s6 =	ssub.s32 $0x0, s21;
	[sflag:s23] =	ssyncset.done $0x0  }
0xa2: {  	[sflag:s23] =	ssyncadd.s32 s6;
	_ =	sdelay $0x1  }
0xa3: {  	s24 =	simm.s32 $0x1B8B  }
0xa4: {  	_ =	swait.ge [sflag:s24], $0x1  }
0xa5: {  	[sflag:s24] =	ssyncset.done $0x0  }
0xa6: {  	s25 =	simm.s32 $0x1B8E;
	[sflag:s24] =	ssyncadd.s32 $0xFFFFFFFF  }
0xa7: {  	s26 =	simm.s32 $execute0_lowered;
	[smem:$0x3FD2] =	sst s25  }
0xa8: {  	s6 =	sshll.u32 s26, $0x1;
	_ =	strace $0x80000046;
	[dreg:$0x1] =	wrdreg $0xFFFFFFFF  }
0xa9: {  	s28 =	simm.s32 $_size_execute0_lowered;
	s5 =	sadd.s32 s5, s6;
	[dreg:$0x0] =	wrdreg $0x0  }
0xaa: {  	s6 =	sshll.u32 s28, $0x1;
	[dreg:$0x2] =	wrdreg s5  }
0xab: {  	[dreg:$0x3] =	wrdreg s6  }
0xac: {  	[dreg:$0x4] =	wrdreg $0xC0  }
0xad: {  	_ =	task [dreg:s9], $0x5FFFF  }
0xae: {  	[dreg:$0x1] =	wrdreg $0xFFFFFFFF  }
0xaf: {  	[dreg:$0x0] =	wrdreg $0x60  }
0xb0: {  	[dreg:$0x2] =	wrdreg s2  }
0xb1: {  	[dreg:$0x3] =	wrdreg s19  }
0xb2: {  	[dreg:$0x4] =	wrdreg s4  }
0xb3: {  	[dreg:$0x5] =	wrdreg $0x9  }
0xb4: {  	_ =	task.clear_ibuf [dreg:s9], $0x6FFFF;
	_ =	strace $0x90000046  }
0xb5: {  	s29 =	simm.s32 $0x9;
	_ =	strace $0x80000048  }
0xb6: {  	_ =	swait.ge [sflag:s29], $0x1  }
0xb7: {  	[sflag:s29] =	ssyncadd.s32 $0xFFFFFFFF  }
0xb8: {  	_ =	strace $0x90000048  }
0xb9: {  	_ =	sfence  }
0xba: {  	s30 =	sld [smem:$0x0];
	_ =	sdelay $0x2  }
0xbb: {  	s31 =	sshll.u32 s1, $0xD;
	s1 =	sshrl.u32 s1, $0x2  }
0xbc: {  	s3 =	sand.u32 $0x4000, s31;
	s1 =	sadd.s32 s1, s30  }
0xbd: {  	s0 =	sor.u32 s3, s0;
	s1 =	sshll.u32 s1, $0x11  }
0xbe: {  	s0 =	sor.u32 s1, s0  }
0xbf: {  	s0 =	sadd.s32 $0x8F2B, s0  }
0xc0: {  	[sflag:s0] =	ssyncadd.remote.s32 $0x1  }
0xc1: {  	_ =	sfence.sel $0xFFFF  }
0xc2: {  	[dreg:$0x0] =	wrdreg $0xFFFFFFFF;
	(pc) =	sbr.abs _section_cstart, $3  }
0xc3: {  	[dreg:$0x1] =	wrdreg $0xFFFFFFFF  }
0xc4: {  	_ =	task.clear_ibuf [dreg:s9], $0x2FFFF;
	_ =	strace $0x9FFFFFFF  }
0xc5: {  	(tm) =	ssettm $0x7FFFFFFF  }
tec
execute0_lowered:
.L_overlay_start_1:
0x0: {  	(tag) =	ssettag $0x1  }
0x1: {  	s0 =	rddreg [dreg:$0x0]  }
0x2: {  	s1 =	rddreg [dreg:$0x1]  }
0x3: {  	s2 =	rddreg [dreg:$0x2];
	s7 =	simm.s32 $0x0;
	s3 =	srdreg.scid  }
0x4: {  	s5 =	stileid.u32;
	s9 =	simm.s32 $0x400;
	s10 =	simm.s32 $0x7A1400  }
0x5: {  	s11 =	simm.s32 $0x4080;
	s24 =	simm.s32 $0x6080;
	s13 =	simm.s32 $0x8080  }
0x6: {  	s15 =	simm.s32 $0xC080;
	s16 =	simm.s32 $0xE080;
	s3 =	sand.u32 $0x1, s3  }
0x7: {  	s5 =	sshll.u32 s5, $0x8;
	s4 =	ssub.s32 $0x2, s3;
	s3 =	sshll.u32 s3, $0x7  }
0x8: {  	s17 =	simm.s32 $0x10080;
	[smem:$0x7FF] =	sst s7;
	s3 =	sor.u32 s3, s5  }
0x9: {  	s18 =	simm.s32 $0x12080;
	_ =	strace $0x80000047;
	s5 =	sshrl.u32 s3, $0x3  }
0xa: {  	v0 =	vlaneseq.u32;
	s6 =	sshrl.u32 s4, $0x1;
	s3 =	sshll.u32 s3, $0x4;
	s0 =	sadd.s32 s0, s5  }
0xb: {  	v0 =	vmul.u32 $0x80, v0;
	s4 =	ssub.s32 s4, s6;
	s30 =	sadd.s32 s2, s3;
	[dreg:$0x4] =	wrdreg s0  }
0xc: {  	s31 =	smax.u32 s4, $0x1;
	s2 =	simm.s32 $0x9;
	[dreg:$0x5] =	wrdreg s30  }
0xd: {  	v1 =	vor.u32 $0x800, v0;
	v2 =	vor.u32 $0x1000, v0;
	v3 =	vor.u32 $0x1800, v0;
	s4 =	simm.s32 $0xA080;
	s3 =	simm.s32 $0x0;
	[dreg:$0x6] =	wrdreg s31  }
.LBB2_1:
0xe: {  	[dreg:$0x7] =	wrdreg s3  }
0xf: {  	s0 =	rddreg [dreg:$0x4]  }
0x10: {  	[tilespmem:s7], [sflag:$0x9] =	stream.linear.gather [hbm4b:s0+s7], $0x80, $0x38;
	[tilespmem:$0x14080] =	vst v63  }
0x11: {  	_ =	swait.ge [sflag:s2], $0x80  }
0x12: {  	[sflag:s2] =	ssyncset.done $0x0  }
0x13: {  	s29 =	simm.s32 $0x480;
	s30 =	simm.s32 $0x0;
	[sflag:s2] =	ssyncadd.s32 $0xFFFFFF80  }
.LBB2_2:
0x14: {  	s0 =	sshra.s32 s30, $0x2  }
0x15: {  	v4 =	vld [tilespmem:s0+$0x0];
	_ =	sdelay $0x4  }
0x16: {  	(v2sf) =	vpush v4, $0x0;
	_ =	sdelay $0x5  }
0x17: {  	(v2sf) =	vpush v4, $0x1;
	_ =	sdelay $0x8  }
0x18: {  	s26 =	spop (v2sf)  }
0x19: {  	(v2sf) =	vpush v4, $0x2;
	s21 =	sand.u32 $0x7F, s26  }
0x1a: {  	s2 =	sshra.s32 s26, $0x1F;
	p0 =	slt.s32 s26, $0x1;
	p1 =	sne.s32 s21, $0x0  }
0x1b: {  	s22 =	sshrl.u32 s2, $0x19;
	p0 =	por !p0, !p1  }
0x1c: {  	s2 =	simm.s32 $0x1;
	s0 =	sadd.s32 s22, s26;
	p0 =	por !p0, !p0  }
0x1d: {  	s0 =	sshrl.u32 s0, $0x7;
	s2 =	simm.s32 @!p0 $0x0  }
0x1e: {  	s0 =	ssub.s32 s0, s2;
	s2 =	spop (v2sf)  }
0x1f: {  	s31 =	sshll.u32 s0, $0x7;
	s23 =	sand.u32 $0x7F, s2;
	s3 =	sshra.s32 s2, $0x1F  }
0x20: {  	p1 =	slt.s32 s2, $0x1;
	s0 =	sand.u32 $0x1FFFFF80, s31;
	p2 =	sne.s32 s23, $0x0  }
0x21: {  	s28 =	sshrl.u32 s3, $0x19;
	s0 =	sadd.s32 s1, s0;
	p0 =	por !p1, !p2  }
0x22: {  	(v2sf) =	vpush v4, $0x3;
	[tilespmem:s11], [sflag:$0x1] =	stream.strided.gather [hbm4b:s0+s9], $0x2000, s10, s9, $0x38;
	[tilespmem:$0x14080] =	vst v63  }
0x23: {  	s3 =	simm.s32 $0x1;
	s0 =	sadd.s32 s28, s2;
	p0 =	por !p0, !p0  }
0x24: {  	s0 =	sshrl.u32 s0, $0x7;
	s3 =	simm.s32 @!p0 $0x0  }
0x25: {  	s0 =	ssub.s32 s0, s3  }
0x26: {  	s6 =	sshll.u32 s0, $0x7  }
0x27: {  	s0 =	sand.u32 $0x1FFFFF80, s6  }
0x28: {  	s0 =	sadd.s32 s1, s0;
	s5 =	spop (v2sf)  }
0x29: {  	[tilespmem:s24], [sflag:$0x2] =	stream.strided.gather [hbm4b:s0+s9], $0x2000, s10, s9, $0x38;
	[tilespmem:$0x14080] =	vst v63  }
0x2a: {  	(v2sf) =	vpush v4, $0x4;
	s3 =	sand.u32 $0x7F, s5  }
0x2b: {  	s7 =	sshra.s32 s5, $0x1F;
	p3 =	slt.s32 s5, $0x1;
	p4 =	sne.s32 s3, $0x0  }
0x2c: {  	s8 =	sshrl.u32 s7, $0x19;
	p0 =	por !p3, !p4  }
0x2d: {  	s3 =	simm.s32 $0x1;
	s0 =	sadd.s32 s8, s5;
	p0 =	por !p0, !p0  }
0x2e: {  	s0 =	sshrl.u32 s0, $0x7;
	s3 =	simm.s32 @!p0 $0x0  }
0x2f: {  	s0 =	ssub.s32 s0, s3  }
0x30: {  	s20 =	sshll.u32 s0, $0x7  }
0x31: {  	s8 =	spop (v2sf);
	(v2sf) =	vpush v4, $0x5;
	s0 =	sand.u32 $0x1FFFFF80, s20  }
0x32: {  	s0 =	sadd.s32 s1, s0  }
0x33: {  	[tilespmem:s13], [sflag:$0x3] =	stream.strided.gather [hbm4b:s0+s9], $0x2000, s10, s9, $0x38;
	[tilespmem:$0x14080] =	vst v63  }
0x34: {  	s13 =	sand.u32 $0x7F, s8  }
0x35: {  	s19 =	sshra.s32 s8, $0x1F;
	p5 =	slt.s32 s8, $0x1;
	p6 =	sne.s32 s13, $0x0  }
0x36: {  	s21 =	sshrl.u32 s19, $0x19;
	p0 =	por !p5, !p6  }
0x37: {  	s3 =	simm.s32 $0x1;
	s0 =	sadd.s32 s21, s8;
	p0 =	por !p0, !p0  }
0x38: {  	s0 =	sshrl.u32 s0, $0x7;
	s3 =	simm.s32 @!p0 $0x0  }
0x39: {  	s0 =	ssub.s32 s0, s3;
	s21 =	spop (v2sf)  }
0x3a: {  	s23 =	sshll.u32 s0, $0x7;
	s22 =	sand.u32 $0x7F, s21;
	s24 =	sshra.s32 s21, $0x1F  }
0x3b: {  	(v2sf) =	vpush v4, $0x6;
	p1 =	slt.s32 s21, $0x1;
	s0 =	sand.u32 $0x1FFFFF80, s23;
	p2 =	sne.s32 s22, $0x0  }
0x3c: {  	s28 =	sshrl.u32 s24, $0x19;
	s0 =	sadd.s32 s1, s0;
	p0 =	por !p1, !p2  }
0x3d: {  	[tilespmem:s4], [sflag:$0x4] =	stream.strided.gather [hbm4b:s0+s9], $0x2000, s10, s9, $0x38;
	[tilespmem:$0x14080] =	vst v63  }
0x3e: {  	s3 =	simm.s32 $0x1;
	s0 =	sadd.s32 s28, s21;
	p0 =	por !p0, !p0  }
0x3f: {  	s0 =	sshrl.u32 s0, $0x7;
	s3 =	simm.s32 @!p0 $0x0  }
0x40: {  	s0 =	ssub.s32 s0, s3;
	s28 =	spop (v2sf)  }
0x41: {  	s22 =	sshll.u32 s0, $0x7;
	s3 =	sand.u32 $0x7F, s28;
	s4 =	sshra.s32 s28, $0x1F  }
0x42: {  	p3 =	slt.s32 s28, $0x1;
	s0 =	sand.u32 $0x1FFFFF80, s22;
	p4 =	sne.s32 s3, $0x0  }
0x43: {  	s7 =	sshrl.u32 s4, $0x19;
	s0 =	sadd.s32 s1, s0;
	p0 =	por !p3, !p4  }
0x44: {  	[tilespmem:s15], [sflag:$0x5] =	stream.strided.gather [hbm4b:s0+s9], $0x2000, s10, s9, $0x38;
	[tilespmem:$0x14080] =	vst v63  }
0x45: {  	(v2sf) =	vpush v4, $0x7;
	s3 =	simm.s32 $0x1;
	s0 =	sadd.s32 s7, s28;
	p0 =	por !p0, !p0  }
0x46: {  	s0 =	sshrl.u32 s0, $0x7;
	s3 =	simm.s32 @!p0 $0x0  }
0x47: {  	s0 =	ssub.s32 s0, s3  }
0x48: {  	s19 =	sshll.u32 s0, $0x7  }
0x49: {  	s0 =	sand.u32 $0x1FFFFF80, s19  }
0x4a: {  	s0 =	sadd.s32 s1, s0;
	s4 =	spop (v2sf)  }
0x4b: {  	[tilespmem:s16], [sflag:$0x6] =	stream.strided.gather [hbm4b:s0+s9], $0x2000, s10, s9, $0x38;
	[tilespmem:$0x14080] =	vst v63  }
0x4c: {  	s13 =	sand.u32 $0x7F, s4  }
0x4d: {  	s24 =	sshra.s32 s4, $0x1F;
	p5 =	slt.s32 s4, $0x1;
	p6 =	sne.s32 s13, $0x0  }
0x4e: {  	s7 =	sshrl.u32 s24, $0x19;
	p0 =	por !p5, !p6  }
0x4f: {  	s3 =	simm.s32 $0x1;
	(v2sf) =	vpush v4, $0x8;
	s0 =	sadd.s32 s7, s4;
	p0 =	por !p0, !p0  }
0x50: {  	s0 =	sshrl.u32 s0, $0x7;
	s3 =	simm.s32 @!p0 $0x0  }
0x51: {  	s0 =	ssub.s32 s0, s3  }
0x52: {  	s7 =	sshll.u32 s0, $0x7  }
0x53: {  	s13 =	sand.u32 $0x1FFFFF80, s7  }
0x54: {  	s0 =	spop (v2sf);
	s3 =	sadd.s32 s1, s13  }
0x55: {  	[tilespmem:s17], [sflag:$0x7] =	stream.strided.gather [hbm4b:s3+s9], $0x2000, s10, s9, $0x38;
	[tilespmem:$0x14080] =	vst v63  }
0x56: {  	s3 =	sand.u32 $0x7F, s0  }
0x57: {  	s24 =	sshra.s32 s0, $0x1F;
	p1 =	slt.s32 s0, $0x1;
	p2 =	sne.s32 s3, $0x0  }
0x58: {  	s24 =	sshrl.u32 s24, $0x19;
	p0 =	por !p1, !p2  }
0x59: {  	s3 =	sadd.s32 s24, s0;
	s24 =	simm.s32 $0x1;
	p0 =	por !p0, !p0  }
0x5a: {  	s3 =	sshrl.u32 s3, $0x7;
	s24 =	simm.s32 @!p0 $0x0  }
0x5b: {  	s3 =	ssub.s32 s3, s24  }
0x5c: {  	s3 =	sshll.u32 s3, $0x7  }
0x5d: {  	s26 =	ssub.s32 s26, s31;
	s24 =	sand.u32 $0x1FFFFF80, s3  }
0x5e: {  	s25 =	simm.s32 $0x1;
	v5 =	vadd.s32 s26, v0;
	s31 =	spop (v2sf);
	s24 =	sadd.s32 s1, s24  }
0x5f: {  	[tilespmem:s18], [sflag:$0x8] =	stream.strided.gather [hbm4b:s24+s9], $0x2000, s10, s9, $0x38;
	[tilespmem:$0x14080] =	vst v63  }
0x60: {  	_ =	swait.ge [sflag:s25], $0x2000  }
0x61: {  	[sflag:s25] =	ssyncset.done $0x0  }
0x62: {  	s12 =	simm.s32 $0x4080;
	[sflag:s25] =	ssyncadd.s32 $0xFFFFE000  }
0x63: {  	v5 =	vld.idx.msk [tilespmem:v5+s12+$0x0], $0xffff  }
0x64: {  	v6 =	vadd.s32 s26, v1;
	_ =	sdelay $0x3  }
0x65: {  	[tilespmem:s29+$0xFFFFFC00] =	vst v5  }
0x66: {  	v5 =	vld.idx.msk [tilespmem:v6+s12+$0x0], $0xffff  }
0x67: {  	v44 =	vadd.s32 s26, v2  }
0x68: {  	(v2sf) =	vpush v4, $0x9;
	_ =	sdelay $0x2  }
0x69: {  	[tilespmem:s29+$0xFFFFFC10] =	vst v5  }
0x6a: {  	v5 =	vld.idx.msk [tilespmem:v44+s12+$0x0], $0xffff  }
0x6b: {  	v45 =	vadd.s32 s26, v3;
	_ =	sdelay $0x1  }
0x6c: {  	s26 =	sand.u32 $0x7F, s31  }
0x6d: {  	p3 =	slt.s32 s31, $0x1;
	p4 =	sne.s32 s26, $0x0;
	s25 =	sshra.s32 s31, $0x1F  }
0x6e: {  	p0 =	por !p3, !p4;
	s26 =	sshrl.u32 s25, $0x19;
	[tilespmem:s29+$0xFFFFFC20] =	vst v5  }
0x6f: {  	p0 =	por !p0, !p0;
	s24 =	sadd.s32 s26, s31;
	s26 =	simm.s32 $0x1;
	v5 =	vld.idx.msk [tilespmem:v45+s12+$0x0], $0xffff  }
0x70: {  	s24 =	sshrl.u32 s24, $0x7;
	s26 =	simm.s32 @!p0 $0x0  }
0x71: {  	s24 =	ssub.s32 s24, s26  }
0x72: {  	s26 =	sshll.u32 s24, $0x7  }
0x73: {  	s6 =	ssub.s32 s2, s6;
	s24 =	sand.u32 $0x1FFFFF80, s26  }
0x74: {  	s11 =	simm.s32 $0x2;
	s25 =	sadd.s32 s1, s24;
	s2 =	spop (v2sf);
	[tilespmem:s29+$0xFFFFFC30] =	vst v5;
	v5 =	vadd.s32 s6, v0  }
0x75: {  	[tilespmem:s12], [sflag:$0x1] =	stream.strided.gather [hbm4b:s25+s9], $0x2000, s10, s9, $0x38;
	[tilespmem:$0x14080] =	vst v63  }
0x76: {  	_ =	swait.ge [sflag:s11], $0x2000  }
0x77: {  	[sflag:s11] =	ssyncset.done $0x0  }
0x78: {  	s13 =	simm.s32 $0x6080;
	[sflag:s11] =	ssyncadd.s32 $0xFFFFE000  }
0x79: {  	v5 =	vld.idx.msk [tilespmem:v5+s13+$0x0], $0xffff  }
0x7a: {  	v46 =	vadd.s32 s6, v1;
	_ =	sdelay $0x3  }
0x7b: {  	[tilespmem:s29+$0xFFFFFC80] =	vst v5  }
0x7c: {  	v5 =	vld.idx.msk [tilespmem:v46+s13+$0x0], $0xffff  }
0x7d: {  	v47 =	vadd.s32 s6, v2  }
0x7e: {  	(v2sf) =	vpush v4, $0xA;
	_ =	sdelay $0x2  }
0x7f: {  	[tilespmem:s29+$0xFFFFFC90] =	vst v5  }
0x80: {  	v5 =	vld.idx.msk [tilespmem:v47+s13+$0x0], $0xffff  }
0x81: {  	v48 =	vadd.s32 s6, v3;
	_ =	sdelay $0x1  }
0x82: {  	s24 =	sand.u32 $0x7F, s2  }
0x83: {  	p5 =	slt.s32 s2, $0x1;
	p6 =	sne.s32 s24, $0x0;
	s25 =	sshra.s32 s2, $0x1F  }
0x84: {  	p0 =	por !p5, !p6;
	s24 =	sshrl.u32 s25, $0x19;
	[tilespmem:s29+$0xFFFFFCA0] =	vst v5  }
0x85: {  	p0 =	por !p0, !p0;
	s6 =	sadd.s32 s24, s2;
	s24 =	simm.s32 $0x1;
	v5 =	vld.idx.msk [tilespmem:v48+s13+$0x0], $0xffff  }
0x86: {  	s6 =	sshrl.u32 s6, $0x7;
	s24 =	simm.s32 @!p0 $0x0  }
0x87: {  	s6 =	ssub.s32 s6, s24  }
0x88: {  	s6 =	sshll.u32 s6, $0x7  }
0x89: {  	s20 =	ssub.s32 s5, s20;
	s25 =	sand.u32 $0x1FFFFF80, s6  }
0x8a: {  	s12 =	simm.s32 $0x3;
	s25 =	sadd.s32 s1, s25;
	s5 =	spop (v2sf);
	[tilespmem:s29+$0xFFFFFCB0] =	vst v5;
	v5 =	vadd.s32 s20, v0  }
0x8b: {  	[tilespmem:s13], [sflag:$0x2] =	stream.strided.gather [hbm4b:s25+s9], $0x2000, s10, s9, $0x38;
	[tilespmem:$0x14080] =	vst v63  }
0x8c: {  	_ =	swait.ge [sflag:s12], $0x2000  }
0x8d: {  	[sflag:s12] =	ssyncset.done $0x0  }
0x8e: {  	s13 =	simm.s32 $0x8080;
	[sflag:s12] =	ssyncadd.s32 $0xFFFFE000  }
0x8f: {  	v5 =	vld.idx.msk [tilespmem:v5+s13+$0x0], $0xffff  }
0x90: {  	v49 =	vadd.s32 s20, v1;
	_ =	sdelay $0x3  }
0x91: {  	[tilespmem:s29+$0xFFFFFD00] =	vst v5  }
0x92: {  	v5 =	vld.idx.msk [tilespmem:v49+s13+$0x0], $0xffff  }
0x93: {  	v50 =	vadd.s32 s20, v2  }
0x94: {  	(v2sf) =	vpush v4, $0xB;
	_ =	sdelay $0x2  }
0x95: {  	[tilespmem:s29+$0xFFFFFD10] =	vst v5  }
0x96: {  	v5 =	vld.idx.msk [tilespmem:v50+s13+$0x0], $0xffff  }
0x97: {  	v51 =	vadd.s32 s20, v3;
	_ =	sdelay $0x1  }
0x98: {  	s24 =	sand.u32 $0x7F, s5  }
0x99: {  	p1 =	slt.s32 s5, $0x1;
	p2 =	sne.s32 s24, $0x0;
	s25 =	sshra.s32 s5, $0x1F  }
0x9a: {  	p0 =	por !p1, !p2;
	s24 =	sshrl.u32 s25, $0x19;
	[tilespmem:s29+$0xFFFFFD20] =	vst v5  }
0x9b: {  	p0 =	por !p0, !p0;
	s20 =	sadd.s32 s24, s5;
	s24 =	simm.s32 $0x1;
	v5 =	vld.idx.msk [tilespmem:v51+s13+$0x0], $0xffff  }
0x9c: {  	s20 =	sshrl.u32 s20, $0x7;
	s24 =	simm.s32 @!p0 $0x0  }
0x9d: {  	s20 =	ssub.s32 s20, s24  }
0x9e: {  	s20 =	sshll.u32 s20, $0x7  }
0x9f: {  	s23 =	ssub.s32 s8, s23;
	s25 =	sand.u32 $0x1FFFFF80, s20  }
0xa0: {  	s14 =	simm.s32 $0x4;
	s25 =	sadd.s32 s1, s25;
	s8 =	spop (v2sf);
	[tilespmem:s29+$0xFFFFFD30] =	vst v5;
	v5 =	vadd.s32 s23, v0  }
0xa1: {  	[tilespmem:s13], [sflag:$0x3] =	stream.strided.gather [hbm4b:s25+s9], $0x2000, s10, s9, $0x38;
	[tilespmem:$0x14080] =	vst v63  }
0xa2: {  	_ =	swait.ge [sflag:s14], $0x2000  }
0xa3: {  	[sflag:s14] =	ssyncset.done $0x0  }
0xa4: {  	s15 =	simm.s32 $0xA080;
	[sflag:s14] =	ssyncadd.s32 $0xFFFFE000  }
0xa5: {  	v5 =	vld.idx.msk [tilespmem:v5+s15+$0x0], $0xffff  }
0xa6: {  	v52 =	vadd.s32 s23, v1;
	_ =	sdelay $0x3  }
0xa7: {  	[tilespmem:s29+$0xFFFFFD80] =	vst v5  }
0xa8: {  	v5 =	vld.idx.msk [tilespmem:v52+s15+$0x0], $0xffff  }
0xa9: {  	v53 =	vadd.s32 s23, v2  }
0xaa: {  	(v2sf) =	vpush v4, $0xC;
	_ =	sdelay $0x2  }
0xab: {  	[tilespmem:s29+$0xFFFFFD90] =	vst v5  }
0xac: {  	v5 =	vld.idx.msk [tilespmem:v53+s15+$0x0], $0xffff  }
0xad: {  	v54 =	vadd.s32 s23, v3;
	_ =	sdelay $0x1  }
0xae: {  	s24 =	sand.u32 $0x7F, s8  }
0xaf: {  	p3 =	slt.s32 s8, $0x1;
	p4 =	sne.s32 s24, $0x0;
	s25 =	sshra.s32 s8, $0x1F  }
0xb0: {  	p0 =	por !p3, !p4;
	s24 =	sshrl.u32 s25, $0x19;
	[tilespmem:s29+$0xFFFFFDA0] =	vst v5  }
0xb1: {  	p0 =	por !p0, !p0;
	s23 =	sadd.s32 s24, s8;
	s24 =	simm.s32 $0x1;
	v5 =	vld.idx.msk [tilespmem:v54+s15+$0x0], $0xffff  }
0xb2: {  	s23 =	sshrl.u32 s23, $0x7;
	s24 =	simm.s32 @!p0 $0x0  }
0xb3: {  	s23 =	ssub.s32 s23, s24  }
0xb4: {  	s23 =	sshll.u32 s23, $0x7  }
0xb5: {  	s22 =	ssub.s32 s21, s22;
	s25 =	sand.u32 $0x1FFFFF80, s23  }
0xb6: {  	s14 =	simm.s32 $0x5;
	s25 =	sadd.s32 s1, s25;
	s21 =	spop (v2sf);
	[tilespmem:s29+$0xFFFFFDB0] =	vst v5;
	v5 =	vadd.s32 s22, v0  }
0xb7: {  	[tilespmem:s15], [sflag:$0x4] =	stream.strided.gather [hbm4b:s25+s9], $0x2000, s10, s9, $0x38;
	[tilespmem:$0x14080] =	vst v63  }
0xb8: {  	_ =	swait.ge [sflag:s14], $0x2000  }
0xb9: {  	[sflag:s14] =	ssyncset.done $0x0  }
0xba: {  	s16 =	simm.s32 $0xC080;
	[sflag:s14] =	ssyncadd.s32 $0xFFFFE000  }
0xbb: {  	v5 =	vld.idx.msk [tilespmem:v5+s16+$0x0], $0xffff  }
0xbc: {  	v55 =	vadd.s32 s22, v1;
	_ =	sdelay $0x3  }
0xbd: {  	[tilespmem:s29+$0xFFFFFE00] =	vst v5  }
0xbe: {  	v5 =	vld.idx.msk [tilespmem:v55+s16+$0x0], $0xffff  }
0xbf: {  	v56 =	vadd.s32 s22, v2  }
0xc0: {  	(v2sf) =	vpush v4, $0xD;
	_ =	sdelay $0x2  }
0xc1: {  	[tilespmem:s29+$0xFFFFFE10] =	vst v5  }
0xc2: {  	v5 =	vld.idx.msk [tilespmem:v56+s16+$0x0], $0xffff  }
0xc3: {  	v57 =	vadd.s32 s22, v3;
	_ =	sdelay $0x1  }
0xc4: {  	s24 =	sand.u32 $0x7F, s21  }
0xc5: {  	p5 =	slt.s32 s21, $0x1;
	p6 =	sne.s32 s24, $0x0;
	s25 =	sshra.s32 s21, $0x1F  }
0xc6: {  	p0 =	por !p5, !p6;
	s24 =	sshrl.u32 s25, $0x19;
	[tilespmem:s29+$0xFFFFFE20] =	vst v5  }
0xc7: {  	p0 =	por !p0, !p0;
	s22 =	sadd.s32 s24, s21;
	s24 =	simm.s32 $0x1;
	v5 =	vld.idx.msk [tilespmem:v57+s16+$0x0], $0xffff  }
0xc8: {  	s22 =	sshrl.u32 s22, $0x7;
	s24 =	simm.s32 @!p0 $0x0  }
0xc9: {  	s22 =	ssub.s32 s22, s24  }
0xca: {  	s22 =	sshll.u32 s22, $0x7  }
0xcb: {  	s28 =	ssub.s32 s28, s19;
	s25 =	sand.u32 $0x1FFFFF80, s22  }
0xcc: {  	s24 =	sadd.s32 s1, s25;
	s25 =	simm.s32 $0x6;
	s19 =	spop (v2sf);
	[tilespmem:s29+$0xFFFFFE30] =	vst v5;
	v5 =	vadd.s32 s28, v0  }
0xcd: {  	[tilespmem:s16], [sflag:$0x5] =	stream.strided.gather [hbm4b:s24+s9], $0x2000, s10, s9, $0x38;
	[tilespmem:$0x14080] =	vst v63  }
0xce: {  	_ =	swait.ge [sflag:s25], $0x2000;
	s25 =	simm.s32 $0x6  }
0xcf: {  	[sflag:s25] =	ssyncset.done $0x0;
	s25 =	simm.s32 $0x6  }
0xd0: {  	s16 =	simm.s32 $0xE080;
	[sflag:s25] =	ssyncadd.s32 $0xFFFFE000  }
0xd1: {  	v5 =	vld.idx.msk [tilespmem:v5+s16+$0x0], $0xffff  }
0xd2: {  	v58 =	vadd.s32 s28, v1;
	_ =	sdelay $0x3  }
0xd3: {  	[tilespmem:s29+$0xFFFFFE80] =	vst v5  }
0xd4: {  	v5 =	vld.idx.msk [tilespmem:v58+s16+$0x0], $0xffff  }
0xd5: {  	v59 =	vadd.s32 s28, v2  }
0xd6: {  	(v2sf) =	vpush v4, $0xE;
	_ =	sdelay $0x2  }
0xd7: {  	[tilespmem:s29+$0xFFFFFE90] =	vst v5  }
0xd8: {  	v5 =	vld.idx.msk [tilespmem:v59+s16+$0x0], $0xffff  }
0xd9: {  	v60 =	vadd.s32 s28, v3;
	_ =	sdelay $0x1  }
0xda: {  	s24 =	sand.u32 $0x7F, s19  }
0xdb: {  	p1 =	slt.s32 s19, $0x1;
	p2 =	sne.s32 s24, $0x0;
	s25 =	sshra.s32 s19, $0x1F  }
0xdc: {  	p0 =	por !p1, !p2;
	s28 =	sshrl.u32 s25, $0x19;
	[tilespmem:s29+$0xFFFFFEA0] =	vst v5  }
0xdd: {  	p0 =	por !p0, !p0;
	s24 =	sadd.s32 s28, s19;
	s28 =	simm.s32 $0x1;
	v5 =	vld.idx.msk [tilespmem:v60+s16+$0x0], $0xffff  }
0xde: {  	s24 =	sshrl.u32 s24, $0x7;
	s28 =	simm.s32 @!p0 $0x0  }
0xdf: {  	s24 =	ssub.s32 s24, s28  }
0xe0: {  	s28 =	sshll.u32 s24, $0x7  }
0xe1: {  	s7 =	ssub.s32 s4, s7;
	s24 =	sand.u32 $0x1FFFFF80, s28  }
0xe2: {  	s25 =	simm.s32 $0x7;
	s24 =	sadd.s32 s1, s24;
	s4 =	spop (v2sf);
	[tilespmem:s29+$0xFFFFFEB0] =	vst v5;
	v5 =	vadd.s32 s7, v0  }
0xe3: {  	[tilespmem:s16], [sflag:$0x6] =	stream.strided.gather [hbm4b:s24+s9], $0x2000, s10, s9, $0x38;
	[tilespmem:$0x14080] =	vst v63  }
0xe4: {  	_ =	swait.ge [sflag:s25], $0x2000;
	s25 =	simm.s32 $0x7  }
0xe5: {  	[sflag:s25] =	ssyncset.done $0x0;
	s25 =	simm.s32 $0x7  }
0xe6: {  	[sflag:s25] =	ssyncadd.s32 $0xFFFFE000  }
0xe7: {  	v5 =	vld.idx.msk [tilespmem:v5+s17+$0x0], $0xffff  }
0xe8: {  	v61 =	vadd.s32 s7, v1;
	_ =	sdelay $0x3  }
0xe9: {  	[tilespmem:s29+$0xFFFFFF00] =	vst v5  }
0xea: {  	v5 =	vld.idx.msk [tilespmem:v61+s17+$0x0], $0xffff  }
0xeb: {  	v62 =	vadd.s32 s7, v2;
	_ =	sdelay $0x3  }
0xec: {  	[tilespmem:s29+$0xFFFFFF10] =	vst v5  }
0xed: {  	v5 =	vld.idx.msk [tilespmem:v62+s17+$0x0], $0xffff  }
0xee: {  	v63 =	vadd.s32 s7, v3;
	_ =	sdelay $0x1  }
0xef: {  	s24 =	sand.u32 $0x7F, s4  }
0xf0: {  	p3 =	slt.s32 s4, $0x1;
	p4 =	sne.s32 s24, $0x0;
	s25 =	sshra.s32 s4, $0x1F  }
0xf1: {  	p0 =	por !p3, !p4;
	s25 =	sshrl.u32 s25, $0x19;
	[tilespmem:s29+$0xFFFFFF20] =	vst v5  }
0xf2: {  	s24 =	simm.s32 $0x1;
	p0 =	por !p0, !p0;
	s7 =	sadd.s32 s25, s4;
	v5 =	vld.idx.msk [tilespmem:v63+s17+$0x0], $0xffff  }
0xf3: {  	s24 =	simm.s32 @!p0 $0x0;
	s7 =	sshrl.u32 s7, $0x7  }
0xf4: {  	s7 =	ssub.s32 s7, s24  }
0xf5: {  	s7 =	sshll.u32 s7, $0x7  }
0xf6: {  	s0 =	ssub.s32 s0, s3;
	s24 =	sand.u32 $0x1FFFFF80, s7  }
0xf7: {  	s25 =	simm.s32 $0x8;
	s3 =	sadd.s32 s1, s24;
	[tilespmem:s29+$0xFFFFFF30] =	vst v5;
	v5 =	vadd.s32 s0, v0  }
0xf8: {  	[tilespmem:s17], [sflag:$0x7] =	stream.strided.gather [hbm4b:s3+s9], $0x2000, s10, s9, $0x38;
	[tilespmem:$0x14080] =	vst v63  }
0xf9: {  	s24 =	simm.s32 $0x8;
	_ =	swait.ge [sflag:s25], $0x2000  }
0xfa: {  	s25 =	simm.s32 $0x8;
	[sflag:s24] =	ssyncset.done $0x0  }
0xfb: {  	(v2sf) =	vpush v4, $0xF;
	[sflag:s25] =	ssyncadd.s32 $0xFFFFE000  }
0xfc: {  	v4 =	vld.idx.msk [tilespmem:v5+s18+$0x0], $0xffff  }
0xfd: {  	v5 =	vadd.s32 s0, v1;
	_ =	sdelay $0x3  }
0xfe: {  	[tilespmem:s29+$0xFFFFFF80] =	vst v4  }
0xff: {  	v4 =	vld.idx.msk [tilespmem:v5+s18+$0x0], $0xffff  }
0x100: {  	v5 =	vadd.s32 s0, v2;
	_ =	sdelay $0x3  }
0x101: {  	[tilespmem:s29+$0xFFFFFF90] =	vst v4  }
0x102: {  	v4 =	vld.idx.msk [tilespmem:v5+s18+$0x0], $0xffff  }
0x103: {  	v5 =	vadd.s32 s0, v3  }
0x104: {  	s0 =	spop (v2sf)  }
0x105: {  	s24 =	sand.u32 $0x7F, s0  }
0x106: {  	s25 =	sshra.s32 s0, $0x1F;
	p5 =	slt.s32 s0, $0x1;
	p6 =	sne.s32 s24, $0x0  }
0x107: {  	s25 =	sshrl.u32 s25, $0x19;
	p0 =	por !p5, !p6;
	[tilespmem:s29+$0xFFFFFFA0] =	vst v4  }
0x108: {  	s24 =	simm.s32 $0x1;
	s3 =	sadd.s32 s25, s0;
	p0 =	por !p0, !p0;
	v4 =	vld.idx.msk [tilespmem:v5+s18+$0x0], $0xffff  }
0x109: {  	s3 =	sshrl.u32 s3, $0x7;
	s24 =	simm.s32 @!p0 $0x0  }
0x10a: {  	s3 =	ssub.s32 s3, s24  }
0x10b: {  	s3 =	sshll.u32 s3, $0x7  }
0x10c: {  	s25 =	sand.u32 $0x1FFFFF80, s3  }
0x10d: {  	s31 =	ssub.s32 s31, s26;
	s26 =	sadd.s32 s1, s25;
	[tilespmem:s29+$0xFFFFFFB0] =	vst v4  }
0x10e: {  	v4 =	vadd.s32 s31, v0;
	[tilespmem:s18], [sflag:$0x8] =	stream.strided.gather [hbm4b:s26+s9], $0x2000, s10, s9, $0x38;
	[tilespmem:$0x14080] =	vst v63  }
0x10f: {  	s26 =	simm.s32 $0x1  }
0x110: {  	_ =	swait.ge [sflag:s26], $0x2000  }
0x111: {  	[sflag:s26] =	ssyncset.done $0x0  }
0x112: {  	s11 =	simm.s32 $0x4080;
	[sflag:s26] =	ssyncadd.s32 $0xFFFFE000  }
0x113: {  	v4 =	vld.idx.msk [tilespmem:v4+s11+$0x0], $0xffff  }
0x114: {  	v5 =	vadd.s32 s31, v1;
	_ =	sdelay $0x3  }
0x115: {  	[tilespmem:s29+$0x0] =	vst v4  }
0x116: {  	v4 =	vld.idx.msk [tilespmem:v5+s11+$0x0], $0xffff  }
0x117: {  	v5 =	vadd.s32 s31, v2;
	_ =	sdelay $0x3  }
0x118: {  	[tilespmem:s29+$0x10] =	vst v4  }
0x119: {  	v4 =	vld.idx.msk [tilespmem:v5+s11+$0x0], $0xffff  }
0x11a: {  	v5 =	vadd.s32 s31, v3;
	_ =	sdelay $0x3  }
0x11b: {  	[tilespmem:s29+$0x20] =	vst v4  }
0x11c: {  	v4 =	vld.idx.msk [tilespmem:v5+s11+$0x0], $0xffff;
	_ =	sdelay $0x2  }
0x11d: {  	s2 =	ssub.s32 s2, s6  }
0x11e: {  	v5 =	vadd.s32 s2, v0  }
0x11f: {  	s31 =	simm.s32 $0x2;
	[tilespmem:s29+$0x30] =	vst v4  }
0x120: {  	_ =	swait.ge [sflag:s31], $0x2000  }
0x121: {  	[sflag:s31] =	ssyncset.done $0x0  }
0x122: {  	s24 =	simm.s32 $0x6080;
	[sflag:s31] =	ssyncadd.s32 $0xFFFFE000  }
0x123: {  	v4 =	vld.idx.msk [tilespmem:v5+s24+$0x0], $0xffff  }
0x124: {  	v5 =	vadd.s32 s2, v1;
	_ =	sdelay $0x3  }
0x125: {  	[tilespmem:s29+$0x80] =	vst v4  }
0x126: {  	v4 =	vld.idx.msk [tilespmem:v5+s24+$0x0], $0xffff  }
0x127: {  	v5 =	vadd.s32 s2, v2;
	_ =	sdelay $0x3  }
0x128: {  	[tilespmem:s29+$0x90] =	vst v4  }
0x129: {  	v4 =	vld.idx.msk [tilespmem:v5+s24+$0x0], $0xffff  }
0x12a: {  	v5 =	vadd.s32 s2, v3;
	_ =	sdelay $0x3  }
0x12b: {  	[tilespmem:s29+$0xA0] =	vst v4  }
0x12c: {  	v4 =	vld.idx.msk [tilespmem:v5+s24+$0x0], $0xffff;
	_ =	sdelay $0x2  }
0x12d: {  	s5 =	ssub.s32 s5, s20  }
0x12e: {  	v5 =	vadd.s32 s5, v0  }
0x12f: {  	[tilespmem:s29+$0xB0] =	vst v4  }
0x130: {  	_ =	swait.ge [sflag:s12], $0x2000  }
0x131: {  	[sflag:s12] =	ssyncset.done $0x0  }
0x132: {  	[sflag:s12] =	ssyncadd.s32 $0xFFFFE000  }
0x133: {  	v4 =	vld.idx.msk [tilespmem:v5+s13+$0x0], $0xffff  }
0x134: {  	v5 =	vadd.s32 s5, v1;
	_ =	sdelay $0x3  }
0x135: {  	[tilespmem:s29+$0x100] =	vst v4  }
0x136: {  	v4 =	vld.idx.msk [tilespmem:v5+s13+$0x0], $0xffff  }
0x137: {  	v5 =	vadd.s32 s5, v2;
	_ =	sdelay $0x3  }
0x138: {  	[tilespmem:s29+$0x110] =	vst v4  }
0x139: {  	v4 =	vld.idx.msk [tilespmem:v5+s13+$0x0], $0xffff  }
0x13a: {  	v5 =	vadd.s32 s5, v3;
	_ =	sdelay $0x3  }
0x13b: {  	[tilespmem:s29+$0x120] =	vst v4  }
0x13c: {  	v4 =	vld.idx.msk [tilespmem:v5+s13+$0x0], $0xffff;
	_ =	sdelay $0x2  }
0x13d: {  	s12 =	ssub.s32 s8, s23  }
0x13e: {  	v5 =	vadd.s32 s12, v0  }
0x13f: {  	s6 =	simm.s32 $0x4;
	[tilespmem:s29+$0x130] =	vst v4  }
0x140: {  	_ =	swait.ge [sflag:s6], $0x2000  }
0x141: {  	[sflag:s6] =	ssyncset.done $0x0  }
0x142: {  	[sflag:s6] =	ssyncadd.s32 $0xFFFFE000  }
0x143: {  	v4 =	vld.idx.msk [tilespmem:v5+s15+$0x0], $0xffff  }
0x144: {  	v5 =	vadd.s32 s12, v1;
	_ =	sdelay $0x3  }
0x145: {  	[tilespmem:s29+$0x180] =	vst v4  }
0x146: {  	v4 =	vld.idx.msk [tilespmem:v5+s15+$0x0], $0xffff  }
0x147: {  	v5 =	vadd.s32 s12, v2;
	_ =	sdelay $0x3  }
0x148: {  	[tilespmem:s29+$0x190] =	vst v4  }
0x149: {  	v4 =	vld.idx.msk [tilespmem:v5+s15+$0x0], $0xffff  }
0x14a: {  	v5 =	vadd.s32 s12, v3;
	_ =	sdelay $0x3  }
0x14b: {  	[tilespmem:s29+$0x1A0] =	vst v4  }
0x14c: {  	v4 =	vld.idx.msk [tilespmem:v5+s15+$0x0], $0xffff;
	_ =	sdelay $0x2  }
0x14d: {  	s23 =	ssub.s32 s21, s22  }
0x14e: {  	v5 =	vadd.s32 s23, v0  }
0x14f: {  	[tilespmem:s29+$0x1B0] =	vst v4  }
0x150: {  	_ =	swait.ge [sflag:s14], $0x2000  }
0x151: {  	[sflag:s14] =	ssyncset.done $0x0  }
0x152: {  	s15 =	simm.s32 $0xC080;
	[sflag:s14] =	ssyncadd.s32 $0xFFFFE000  }
0x153: {  	v4 =	vld.idx.msk [tilespmem:v5+s15+$0x0], $0xffff  }
0x154: {  	v5 =	vadd.s32 s23, v1;
	_ =	sdelay $0x3  }
0x155: {  	[tilespmem:s29+$0x200] =	vst v4  }
0x156: {  	v4 =	vld.idx.msk [tilespmem:v5+s15+$0x0], $0xffff  }
0x157: {  	v5 =	vadd.s32 s23, v2;
	_ =	sdelay $0x3  }
0x158: {  	[tilespmem:s29+$0x210] =	vst v4  }
0x159: {  	v4 =	vld.idx.msk [tilespmem:v5+s15+$0x0], $0xffff  }
0x15a: {  	v5 =	vadd.s32 s23, v3;
	_ =	sdelay $0x3  }
0x15b: {  	[tilespmem:s29+$0x220] =	vst v4  }
0x15c: {  	v4 =	vld.idx.msk [tilespmem:v5+s15+$0x0], $0xffff;
	_ =	sdelay $0x2  }
0x15d: {  	s25 =	ssub.s32 s19, s28  }
0x15e: {  	v5 =	vadd.s32 s25, v0  }
0x15f: {  	s20 =	simm.s32 $0x6;
	[tilespmem:s29+$0x230] =	vst v4  }
0x160: {  	_ =	swait.ge [sflag:s20], $0x2000  }
0x161: {  	[sflag:s20] =	ssyncset.done $0x0  }
0x162: {  	[sflag:s20] =	ssyncadd.s32 $0xFFFFE000  }
0x163: {  	v4 =	vld.idx.msk [tilespmem:v5+s16+$0x0], $0xffff  }
0x164: {  	v5 =	vadd.s32 s25, v1;
	_ =	sdelay $0x3  }
0x165: {  	[tilespmem:s29+$0x280] =	vst v4  }
0x166: {  	v4 =	vld.idx.msk [tilespmem:v5+s16+$0x0], $0xffff  }
0x167: {  	v5 =	vadd.s32 s25, v2;
	_ =	sdelay $0x3  }
0x168: {  	[tilespmem:s29+$0x290] =	vst v4  }
0x169: {  	v4 =	vld.idx.msk [tilespmem:v5+s16+$0x0], $0xffff  }
0x16a: {  	v5 =	vadd.s32 s25, v3;
	_ =	sdelay $0x3  }
0x16b: {  	[tilespmem:s29+$0x2A0] =	vst v4  }
0x16c: {  	v4 =	vld.idx.msk [tilespmem:v5+s16+$0x0], $0xffff;
	_ =	sdelay $0x2  }
0x16d: {  	s28 =	ssub.s32 s4, s7  }
0x16e: {  	v5 =	vadd.s32 s28, v0  }
0x16f: {  	s26 =	simm.s32 $0x7;
	[tilespmem:s29+$0x2B0] =	vst v4  }
0x170: {  	_ =	swait.ge [sflag:s26], $0x2000  }
0x171: {  	[sflag:s26] =	ssyncset.done $0x0  }
0x172: {  	[sflag:s26] =	ssyncadd.s32 $0xFFFFE000  }
0x173: {  	v4 =	vld.idx.msk [tilespmem:v5+s17+$0x0], $0xffff  }
0x174: {  	v5 =	vadd.s32 s28, v1;
	_ =	sdelay $0x3  }
0x175: {  	[tilespmem:s29+$0x300] =	vst v4  }
0x176: {  	v4 =	vld.idx.msk [tilespmem:v5+s17+$0x0], $0xffff  }
0x177: {  	v5 =	vadd.s32 s28, v2;
	_ =	sdelay $0x3  }
0x178: {  	[tilespmem:s29+$0x310] =	vst v4  }
0x179: {  	v4 =	vld.idx.msk [tilespmem:v5+s17+$0x0], $0xffff  }
0x17a: {  	v5 =	vadd.s32 s28, v3;
	_ =	sdelay $0x3  }
0x17b: {  	[tilespmem:s29+$0x320] =	vst v4  }
0x17c: {  	v4 =	vld.idx.msk [tilespmem:v5+s17+$0x0], $0xffff;
	_ =	sdelay $0x2  }
0x17d: {  	s0 =	ssub.s32 s0, s3  }
0x17e: {  	v5 =	vadd.s32 s0, v0  }
0x17f: {  	s31 =	simm.s32 $0x8;
	[tilespmem:s29+$0x330] =	vst v4  }
0x180: {  	_ =	swait.ge [sflag:s31], $0x2000  }
0x181: {  	[sflag:s31] =	ssyncset.done $0x0  }
0x182: {  	[sflag:s31] =	ssyncadd.s32 $0xFFFFE000  }
0x183: {  	v4 =	vld.idx.msk [tilespmem:v5+s18+$0x0], $0xffff  }
0x184: {  	v5 =	vadd.s32 s0, v1;
	_ =	sdelay $0x3  }
0x185: {  	[tilespmem:s29+$0x380] =	vst v4  }
0x186: {  	v4 =	vld.idx.msk [tilespmem:v5+s18+$0x0], $0xffff  }
0x187: {  	v5 =	vadd.s32 s0, v2;
	_ =	sdelay $0x3  }
0x188: {  	[tilespmem:s29+$0x390] =	vst v4  }
0x189: {  	v4 =	vld.idx.msk [tilespmem:v5+s18+$0x0], $0xffff  }
0x18a: {  	v5 =	vadd.s32 s0, v3;
	_ =	sdelay $0x3  }
0x18b: {  	[tilespmem:s29+$0x3A0] =	vst v4  }
0x18c: {  	p0 =	sne.s32 s30, $0x1C0;
	v4 =	vld.idx.msk [tilespmem:v5+s18+$0x0], $0xffff  }
.Ltmp0:
0x18d: {  	_ = 	snop;
	(pc) =	sbr.rel @p0 .LBB2_2-.Ltmp0, $2  }
0x18e: {  	_ =	sdelay $0x2  }
0x18f: {  	s30 =	sadd.s32 $0x40, s30;
	s4 =	simm.s32 $0xA080;
	[tilespmem:s29+$0x3B0] =	vst v4;
	s29 =	sadd.s32 $0x800, s29  }
0x190: {  	s7 =	simm.s32 $0x0;
	s0 =	rddreg [dreg:$0x5];
	s2 =	simm.s32 $0x80  }
0x191: {  	[hbm4b:s0+s7] =	stream.linear.scatter [tilespmem:s2], [sflag:$0x9], $0x4000, $0x38;
	[tilespmem:$0x14080] =	vst v63  }
0x192: {  	s2 =	simm.s32 $0x9  }
0x193: {  	_ =	swait.ge [sflag:s2], $0x4000  }
0x194: {  	s3 =	rddreg [dreg:$0x7]  }
0x195: {  	s31 =	rddreg [dreg:$0x6];
	s3 =	sadd.s32 $0x1, s3  }
0x196: {  	p0 =	sne.s32 s3, s31  }
.Ltmp1:
0x197: {  	_ = 	snop;
	(pc) =	sbr.rel @p0 .LBB2_1-.Ltmp1, $3  }
0x198: {  	_ =	sdelay $0x1  }
0x199: {  	[sflag:s2] =	ssyncset.done $0x0  }
0x19a: {  	[sflag:s2] =	ssyncadd.s32 $0xFFFFC000  }
0x19b: {  	_ =	sfence.sel $0x180000  }
0x19c: {  	[bflag:$0x0] =	sbarrier.arrive $0xFFFF  }
0x19d: {  	_ =	strace $0x90000047  }
0x19e: {  	s0 =	stileid.u32;
	[bflag:$0x2] =	sbarrier.arrive $0xFFFF  }
0x19f: {  	p0 =	sne.s32 s0, $0x0;
	s0 =	rddreg [dreg:$0x3]  }
0x1a0: {  	s0 =	sadd.s32 @!p0 $0x100000, s0  }
0x1a1: {  	[sflag:s0] =	ssyncadd.tile.s32 @!p0 $0x1;
	_ =	shalt  }
.Lfunc_end2:
_tile_overlayer_lowered:
.L_overlay_start_2:
0x1a2: {  	(tag) =	ssettag $0x2  }
0x1a3: {  	s0 =	rddreg [dreg:$0x0];
	s2 =	stileid.u32  }
0x1a4: {  	s1 =	rddreg [dreg:$0x1];
	p0 =	sne.s32 s2, $0x0  }
0x1a5: {  	s3 =	rddreg [dreg:$0x2];
	[bflag:$0x3] =	sbarrier.arrive $0xFFFF;
	s2 =	simm.s32 @!p0 $0x1C09  }
0x1a6: {  	[timem:s3], [sflag:s2] =	dma.local @!p0 [hbm:s0], s1  }
0x1a7: {  	s0 =	simm.s32 @!p0 $0x9  }
0x1a8: {  	_ =	swait.ge @!p0 [sflag:s0], s1  }
0x1a9: {  	s1 =	ssub.s32 @!p0 $0x0, s1;
	[sflag:s0] =	ssyncset.done @!p0 $0x0  }
0x1aa: {  	[sflag:s0] =	ssyncadd.s32 @!p0 s1  }
0x1ab: {  	[bflag:$0x3] =	sbarrier.arrive $0xFFFF  }
0x1ac: {  	_ =	shalt  }

// kernel: kernel.8.cloned.1.call-start
scs
__scs_entry_jumppad:
0x0: {  	(pc) =	sbr.rel $0x88, $3  }
0x1: {  	(tag) =	ssettag $0x0;
	lr =	simm.s32 $0x1  }
0x2: {  	[smem:$0x3F91] =	sst lr;
	_ =	strace $0xD0000000  }
0x3: {  	_ = 	snop  }
0x4: {  	_ = 	snop  }
0x5: {  	_ = 	snop  }
0x6: {  	_ = 	snop  }
0x7: {  	_ = 	snop  }
__scs_overlays_trampoline_lowered:
0x8: {  	[smem:$0x3FA0] =	sst s0  }
0x9: {  	[smem:$0x3FA1] =	sst s1  }
0xa: {  	[smem:$0x3FA2] =	sst s2  }
0xb: {  	[smem:$0x3FA3] =	sst s3  }
0xc: {  	[smem:$0x3FA4] =	sst s4  }
0xd: {  	[smem:$0x3FA5] =	sst s5  }
0xe: {  	[smem:$0x3FA6] =	sst s6  }
0xf: {  	[smem:$0x3FA7] =	sst s7  }
0x10: {  	[smem:$0x3FA8] =	sst s8  }
0x11: {  	[smem:$0x3FA9] =	sst s9;
	s0 =	simm.s32 @!p0 $0x0  }
0x12: {  	s1 =	sld [smem:$0x3F8F];
	s0 =	simm.s32 @p0 $0x1  }
0x13: {  	[smem:$0x3FAA] =	sst s0;
	s0 =	simm.s32 @!p1 $0x0  }
0x14: {  	s2 =	sld [smem:$0x3F8E];
	s0 =	simm.s32 @p1 $0x1  }
0x15: {  	[smem:$0x3FAB] =	sst s0;
	s0 =	simm.s32 @!p2 $0x0  }
0x16: {  	s3 =	sld [smem:$0x3FDB];
	s0 =	simm.s32 @p2 $0x1  }
0x17: {  	s4 =	simm.s32 $0x1BF5;
	[smem:$0x3FAD] =	sst s0  }
0x18: {  	s0 =	sld [smem:$0x3F90];
	_ =	swait.ge [sflag:s4], $0x0  }
0x19: {  	s7 =	sld [smem:$0x3F91]  }
0x1a: {  	s8 =	sadd.s32 $0xFFFFE003, lr  }
0x1b: {  	s9 =	sadd.s32 $0xFFFFFEF7, lr;
	s5 =	simm.s32 $0xFFFFFFFF;
	p2 =	slt.u32 s8, $0xFFFFF086  }
0x1c: {  	p1 =	slt.u32 s9, $0xF7A;
	s5 =	simm.s32 @!p2 $0x0  }
0x1d: {  	s5 =	simm.s32 @p1 $0x1;
	p0 =	seq.s32 s7, s2  }
0x1e: {  	s7 =	smul.u32 @!p0 $0xF7A, s2;
	p2 =	seq.s32 @!p0 s5, $0x0  }
0x1f: {  	s9 =	smul.u32 $0xF7A, s1;
	s8 =	simm.s32 @!p0 $0x1BF5;
	p2 =	por !p2, p0  }
0x20: {  	[sflag:s8] =	ssyncset.s32 @!p0 $0xFFFFF086;
	s6 =	sadd.s32 @!p0 s3, s7;
	s7 =	simm.s32 @!p0 $0x108  }
0x21: {  	s3 =	sadd.s32 s3, s9;
	s6 =	sadd.s32 @!p0 $0x88, s6;
	s7 =	simm.s32 @p2 $0x1082  }
0x22: {  	[simem:s7], [sflag:s8] =	dma.local @!p0 [hbm:s6], $0xF7A  }
0x23: {  	s9 =	sor.u32 $0xD0000000, s2;
	s6 =	simm.s32 $0x108;
	_ =	swait.ge @!p0 [sflag:s8], $0x0  }
0x24: {  	s3 =	sadd.s32 $0x88, s3;
	s6 =	simm.s32 @!p1 $0x1082;
	[sflag:s4] =	ssyncset.s32 $0xFFFFF086  }
0x25: {  	[simem:s6], [sflag:s4] =	dma.local [hbm:s3], $0xF7A  }
0x26: {  	[smem:$0x3F91] =	sst s1;
	(tag) =	ssettag s2;
	_ =	strace s9  }
0x27: {  	s1 =	sld [smem:$0x3FA1]  }
0x28: {  	s2 =	sld [smem:$0x3FA2]  }
0x29: {  	s4 =	sld [smem:$0x3FA4]  }
0x2a: {  	p0 =	seq.s32 s5, $0x0;
	s5 =	sld [smem:$0x3FA5]  }
0x2b: {  	s6 =	sld [smem:$0x3FA6]  }
0x2c: {  	s7 =	sld [smem:$0x3FA7]  }
0x2d: {  	s3 =	simm.s32 $0x108;
	s8 =	sld [smem:$0x3FA8]  }
0x2e: {  	s3 =	simm.s32 @!p0 $0x1082;
	s9 =	sld [smem:$0x3FA9]  }
0x2f: {  	lr =	sadd.s32 s0, s3;
	s0 =	sld [smem:$0x3FA0]  }
0x30: {  	s3 =	sld [smem:$0x3FA3]  }
0x31: {  	[smem:$0x3FAC] =	sst s10  }
0x32: {  	s10 =	sld [smem:$0x3FAA];
	_ =	sdelay $0x3  }
0x33: {  	p0 =	seq.s32 s10, $0x1;
	s10 =	sld [smem:$0x3FAC];
	_ =	sdelay $0x3  }
0x34: {  	[smem:$0x3FAC] =	sst s10  }
0x35: {  	s10 =	sld [smem:$0x3FAB];
	_ =	sdelay $0x3  }
0x36: {  	p1 =	seq.s32 s10, $0x1;
	s10 =	sld [smem:$0x3FAC];
	_ =	sdelay $0x3  }
0x37: {  	[smem:$0x3FAC] =	sst s10  }
0x38: {  	s10 =	sld [smem:$0x3FAD]  }
0x39: {  	_ = 	snop;
	(pc) =	sbr.ind lr, $3  }
0x3a: {  	_ = 	snop  }
0x3b: {  	_ = 	snop  }
0x3c: {  	p2 =	seq.s32 s10, $0x1;
	s10 =	sld [smem:$0x3FAC]  }
0x3d: {  	_ =	shalt  }
0x3e: {  	_ =	shalt  }
0x3f: {  	_ =	shalt  }
0x40: {  	_ =	shalt  }
0x41: {  	_ =	shalt  }
0x42: {  	_ =	shalt  }
0x43: {  	_ =	shalt  }
0x44: {  	_ =	shalt  }
0x45: {  	_ =	shalt  }
0x46: {  	_ =	shalt  }
0x47: {  	_ =	shalt  }
0x48: {  	_ =	shalt  }
0x49: {  	_ =	shalt  }
0x4a: {  	_ =	shalt  }
0x4b: {  	_ =	shalt  }
0x4c: {  	_ =	shalt  }
0x4d: {  	_ =	shalt  }
0x4e: {  	_ =	shalt  }
0x4f: {  	_ =	shalt  }
0x50: {  	_ =	shalt  }
0x51: {  	_ =	shalt  }
0x52: {  	_ =	shalt  }
0x53: {  	_ =	shalt  }
0x54: {  	_ =	shalt  }
0x55: {  	_ =	shalt  }
0x56: {  	_ =	shalt  }
0x57: {  	_ =	shalt  }
0x58: {  	_ =	shalt  }
0x59: {  	_ =	shalt  }
0x5a: {  	_ =	shalt  }
0x5b: {  	_ =	shalt  }
0x5c: {  	_ =	shalt  }
0x5d: {  	_ =	shalt  }
0x5e: {  	_ =	shalt  }
0x5f: {  	_ =	shalt  }
0x60: {  	_ =	shalt  }
0x61: {  	_ =	shalt  }
0x62: {  	_ =	shalt  }
0x63: {  	_ =	shalt  }
0x64: {  	_ =	shalt  }
0x65: {  	_ =	shalt  }
0x66: {  	_ =	shalt  }
0x67: {  	_ =	shalt  }
0x68: {  	_ =	shalt  }
0x69: {  	_ =	shalt  }
0x6a: {  	_ =	shalt  }
0x6b: {  	_ =	shalt  }
0x6c: {  	_ =	shalt  }
0x6d: {  	_ =	shalt  }
0x6e: {  	_ =	shalt  }
0x6f: {  	_ =	shalt  }
0x70: {  	_ =	shalt  }
0x71: {  	_ =	shalt  }
0x72: {  	_ =	shalt  }
0x73: {  	_ =	shalt  }
0x74: {  	_ =	shalt  }
0x75: {  	_ =	shalt  }
0x76: {  	_ =	shalt  }
0x77: {  	_ =	shalt  }
0x78: {  	_ =	shalt  }
0x79: {  	_ =	shalt  }
0x7a: {  	_ =	shalt  }
0x7b: {  	_ =	shalt  }
0x7c: {  	_ =	shalt  }
0x7d: {  	_ =	shalt  }
0x7e: {  	_ =	shalt  }
0x7f: {  	_ =	shalt  }
0x80: {  	_ =	shalt  }
0x81: {  	_ =	shalt  }
0x82: {  	_ =	shalt  }
0x83: {  	_ =	shalt  }
0x84: {  	_ =	shalt  }
0x85: {  	_ =	shalt  }
0x86: {  	_ =	shalt  }
0x87: {  	_ =	shalt  }
.Lfunc_end0:
.L_simem_size_0:
called_computation.1_lowered:
.L_overlay_start_0:
0x88: {  	s2 =	sld [smem:$0x3FD9]  }
0x89: {  	s3 =	sld [smem:$0x3FFE];
	_ =	sdelay $0x1  }
0x8a: {  	s1 =	srdreg.scid  }
0x8b: {  	s0 =	sand.u32 $0x1, s1  }
0x8c: {  	s17 =	sshll.u32 s0, $0xA;
	s2 =	sadd.s32 s3, s2  }
0x8d: {  	s2 =	sadd.s32 s2, s17  }
0x8e: {  	[smem:$0x3FB8] =	sst s2  }
0x8f: {  	_ = 	snop  }
0x90: {  	s2 =	sld [smem:$0x3FC9]  }
0x91: {  	s18 =	sld [smem:$0x3FC8]  }
0x92: {  	s4 =	sld [smem:$0x3FC6]  }
0x93: {  	s5 =	sld [smem:$0x3FC5];
	(tm) =	ssettm $0x1  }
0x94: {  	s6 =	sld [smem:$0x3FFB];
	_ =	sdelay $0x3  }
0x95: {  	_ =	strace s6  }
0x96: {  	s6 =	sld [smem:$0x3FFC];
	_ =	sdelay $0x3  }
0x97: {  	_ =	strace s6  }
0x98: {  	s6 =	sld [smem:$0x3FFD];
	_ =	sdelay $0x3  }
0x99: {  	_ =	strace s6  }
0x9a: {  	_ =	strace $0x8FFFFFFF  }
0x9b: {  	s19 =	sld [smem:$0x3FDB];
	_ =	sdelay $0x1  }
0x9c: {  	s7 =	simm.s32 $_scs_section_size  }
0x9d: {  	s8 =	simm.s32 $_size__tile_overlayer_lowered;
	s9 =	simm.s32 $_tile_overlayer_lowered  }
0x9e: {  	s22 =	simm.s32 $0x1BFF;
	s21 =	sshll.u32 s9, $0x1;
	s6 =	sadd.s32 s7, s19  }
0x9f: {  	s10 =	simm.s32 $0x0;
	s20 =	sshll.u32 s8, $0x1;
	s8 =	sadd.s32 s21, s6  }
0xa0: {  	[timem:s10], [sflag:s22] =	dma.local [hbm:s8], s20  }
0xa1: {  	_ =	swait.ge [sflag:s22], s20  }
0xa2: {  	s7 =	ssub.s32 $0x0, s20;
	[sflag:s22] =	ssyncset.done $0x0  }
0xa3: {  	[sflag:s22] =	ssyncadd.s32 s7;
	_ =	sdelay $0x1  }
0xa4: {  	s23 =	simm.s32 $0x1B8B  }
0xa5: {  	_ =	swait.ge [sflag:s23], $0x1  }
0xa6: {  	[sflag:s23] =	ssyncset.done $0x0  }
0xa7: {  	s25 =	simm.s32 $0x1B8E;
	s24 =	sld [smem:$0x3FFE];
	[sflag:s23] =	ssyncadd.s32 $0xFFFFFFFF  }
0xa8: {  	s26 =	simm.s32 $execute0_lowered;
	[smem:$0x3FD2] =	sst s25  }
0xa9: {  	s8 =	sshll.u32 s26, $0x1;
	_ =	strace $0x80000049;
	[dreg:$0x1] =	wrdreg $0xFFFFFFFF  }
0xaa: {  	s28 =	simm.s32 $_size_execute0_lowered;
	s6 =	sadd.s32 s6, s8;
	[dreg:$0x0] =	wrdreg $0x0  }
0xab: {  	s8 =	sshll.u32 s28, $0x1;
	[dreg:$0x2] =	wrdreg s6  }
0xac: {  	[dreg:$0x3] =	wrdreg s8  }
0xad: {  	[dreg:$0x4] =	wrdreg $0xC0  }
0xae: {  	_ =	task [dreg:s10], $0x5FFFF  }
0xaf: {  	[dreg:$0x1] =	wrdreg $0xFFFFFFFF  }
0xb0: {  	[dreg:$0x0] =	wrdreg $0x60  }
0xb1: {  	[dreg:$0x2] =	wrdreg s2  }
0xb2: {  	[dreg:$0x3] =	wrdreg s18  }
0xb3: {  	[dreg:$0x4] =	wrdreg s4  }
0xb4: {  	[dreg:$0x5] =	wrdreg s5  }
0xb5: {  	[dreg:$0x6] =	wrdreg s24  }
0xb6: {  	[dreg:$0x7] =	wrdreg $0x9  }
0xb7: {  	_ =	task.clear_ibuf [dreg:s10], $0x8FFFF;
	_ =	strace $0x90000049  }
0xb8: {  	s29 =	simm.s32 $0x9;
	_ =	strace $0x8000004B  }
0xb9: {  	_ =	swait.ge [sflag:s29], $0x1  }
0xba: {  	[sflag:s29] =	ssyncadd.s32 $0xFFFFFFFF  }
0xbb: {  	_ =	strace $0x9000004B  }
0xbc: {  	_ =	sfence  }
0xbd: {  	s30 =	sld [smem:$0x0];
	_ =	sdelay $0x2  }
0xbe: {  	s31 =	sshll.u32 s1, $0xD;
	s1 =	sshrl.u32 s1, $0x2  }
0xbf: {  	s3 =	sand.u32 $0x4000, s31;
	s1 =	sadd.s32 s1, s30  }
0xc0: {  	s0 =	sor.u32 s3, s0;
	s1 =	sshll.u32 s1, $0x11  }
0xc1: {  	s0 =	sor.u32 s1, s0  }
0xc2: {  	s0 =	sadd.s32 $0x8F2B, s0  }
0xc3: {  	[sflag:s0] =	ssyncadd.remote.s32 $0x1  }
0xc4: {  	_ =	sfence.sel $0xFFFF  }
0xc5: {  	[dreg:$0x0] =	wrdreg $0xFFFFFFFF;
	(pc) =	sbr.abs _section_cstart, $3  }
0xc6: {  	[dreg:$0x1] =	wrdreg $0xFFFFFFFF  }
0xc7: {  	_ =	task.clear_ibuf [dreg:s10], $0x2FFFF;
	_ =	strace $0x9FFFFFFF  }
0xc8: {  	(tm) =	ssettm $0x7FFFFFFF  }
0xc9: {  	_ =	shalt  }
tec
execute0_lowered:
.L_overlay_start_1:
0x0: {  	(tag) =	ssettag $0x1  }
0x1: {  	s0 =	rddreg [dreg:$0x0]  }
0x2: {  	s2 =	rddreg [dreg:$0x1]  }
0x3: {  	s7 =	rddreg [dreg:$0x2]  }
0x4: {  	s8 =	rddreg [dreg:$0x3];
	s5 =	srdreg.scid  }
0x5: {  	s9 =	rddreg [dreg:$0x4];
	s6 =	stileid.u32;
	s10 =	sand.u32 $0x1, s5  }
0x6: {  	s1 =	simm.s32 $0x0;
	s11 =	sshll.u32 s6, $0x8;
	s12 =	sshll.u32 s10, $0x7  }
0x7: {  	s16 =	simm.s32 $0x5;
	s29 =	simm.s32 $0x0;
	s11 =	sor.u32 s12, s11  }
0x8: {  	[smem:$0x7FF] =	sst s1;
	s12 =	sshll.u32 s11, $0x4;
	s11 =	sshrl.u32 s11, $0x3  }
0x9: {  	s3 =	sadd.s32 $0x1E00, s9;
	_ =	strace $0x8000004A;
	s0 =	sadd.s32 s0, s11  }
0xa: {  	s10 =	ssub.s32 $0x2, s10;
	s22 =	sadd.s32 s2, s11;
	[dreg:$0x6] =	wrdreg s0  }
0xb: {  	s13 =	sshrl.u32 s10, $0x1;
	s23 =	sadd.s32 s7, s11;
	[dreg:$0x7] =	wrdreg s22  }
0xc: {  	s15 =	ssub.s32 s10, s13;
	s25 =	sadd.s32 s8, s11;
	[dreg:$0x8] =	wrdreg s23  }
0xd: {  	s14 =	sadd.s32 s12, s9;
	s31 =	smax.u32 s15, $0x1;
	[dreg:$0xa] =	wrdreg s25  }
0xe: {  	s4 =	sadd.s32 $0x30F600, s9;
	s24 =	sadd.s32 $0x317600, s14;
	[dreg:$0xe] =	wrdreg s31  }
0xf: {  	s5 =	sadd.s32 $0x188A00, s9;
	s26 =	sadd.s32 $0x327600, s14;
	[dreg:$0x9] =	wrdreg s24  }
0x10: {  	s6 =	sadd.s32 $0x313600, s9;
	s28 =	sadd.s32 $0x337600, s14;
	[dreg:$0xb] =	wrdreg s26  }
0x11: {  	s30 =	sadd.s32 $0x347600, s14;
	s22 =	simm.s32 $0x2;
	[dreg:$0xc] =	wrdreg s28  }
0x12: {  	[dreg:$0xd] =	wrdreg s30;
	s24 =	simm.s32 $0x3;
	s26 =	simm.s32 $0x4  }
.LBB2_1:
0x13: {  	s0 =	rddreg [dreg:$0x6]  }
0x14: {  	[tilespmem:s1], [sflag:$0x5] =	stream.linear.gather [hbm4b:s0+s1], $0x80, $0x38;
	[tilespmem:$0x10200] =	vst v63  }
0x15: {  	_ =	swait.ge [sflag:s16], $0x80  }
0x16: {  	[sflag:s16] =	ssyncset.done $0x0  }
0x17: {  	s2 =	simm.s32 $0x80;
	s21 =	rddreg [dreg:$0x7];
	[sflag:s16] =	ssyncadd.s32 $0xFFFFFF80  }
0x18: {  	[tilespmem:s2], [sflag:$0x5] =	stream.linear.gather [hbm4b:s21+s1], $0x80, $0x38;
	[tilespmem:$0x10200] =	vst v63  }
0x19: {  	_ =	swait.ge [sflag:s16], $0x80  }
0x1a: {  	[sflag:s16] =	ssyncset.done $0x0  }
0x1b: {  	s25 =	simm.s32 $0x100;
	s23 =	rddreg [dreg:$0x8];
	[sflag:s16] =	ssyncadd.s32 $0xFFFFFF80  }
0x1c: {  	[tilespmem:s25], [sflag:$0x5] =	stream.linear.gather [hbm4b:s23+s1], $0x80, $0x38;
	[tilespmem:$0x10200] =	vst v63  }
0x1d: {  	_ =	swait.ge [sflag:s16], $0x80  }
0x1e: {  	[sflag:s16] =	ssyncset.done $0x0  }
0x1f: {  	s30 =	simm.s32 $0x180;
	s28 =	rddreg [dreg:$0xa];
	[sflag:s16] =	ssyncadd.s32 $0xFFFFFF80  }
0x20: {  	[tilespmem:s30], [sflag:$0x5] =	stream.linear.gather [hbm4b:s28+s1], $0x80, $0x38;
	[tilespmem:$0x10200] =	vst v63  }
0x21: {  	_ =	swait.ge [sflag:s16], $0x80  }
0x22: {  	[sflag:s16] =	ssyncset.done $0x0  }
0x23: {  	[sflag:s16] =	ssyncadd.s32 $0xFFFFFF80  }
0x24: {  	v0 =	vld [tilespmem:s1+$0x0];
	_ =	sdelay $0x4  }
0x25: {  	v0 =	vshll.u32 v0, $0x4  }
0x26: {  	(v2sf) =	vpush v0, $0x0  }
0x27: {  	(v2sf) =	vpush v0, $0x1  }
0x28: {  	(v2sf) =	vpush v0, $0x2;
	_ =	sdelay $0x1  }
0x29: {  	(v2sf) =	vpush v0, $0x4;
	_ =	sdelay $0x1  }
0x2a: {  	(v2sf) =	vpush v0, $0x3  }
0x2b: {  	(v2sf) =	vpush v0, $0x5  }
0x2c: {  	s31 =	simm.s32 $0x0;
	s0 =	simm.s32 $0x2000;
	s2 =	simm.s32 $0x0;
	(v2sf) =	vpush v0, $0x6  }
.LBB2_2:
0x2d: {  	p0 =	sne.s32 s0, $0xE000  }
0x2e: {  	s9 =	sadd.s32 $0x280, s31;
	s21 =	sadd.s32 $0x780, s31;
	s17 =	smov.u32 s0  }
0x2f: {  	s0 =	sadd.s32 $0x2000, s0;
	s28 =	sadd.s32 $0x580, s31;
	s18 =	sadd.s32 $0x800, s31;
	(v2sf) =	vpush v0, $0x7  }
0x30: {  	s8 =	sadd.s32 $0x480, s31;
	s23 =	sadd.s32 $0x600, s31;
	s19 =	sadd.s32 $0x880, s31  }
0x31: {  	s10 =	sadd.s32 $0x200, s31;
	s11 =	sadd.s32 $0x400, s31;
	(v2sf) =	vpush v0, $0x8  }
0x32: {  	s30 =	simm.s32 $0x0;
	s12 =	sadd.s32 $0x500, s31;
	s2 =	sadd.s32 $0x10, s2  }
0x33: {  	s13 =	sadd.s32 $0x300, s31;
	s25 =	sadd.s32 $0x700, s31;
	s7 =	spop (v2sf);
	(v2sf) =	vpush v0, $0x9  }
0x34: {  	s14 =	sand.u32 $0x1FFFFFF0, s7;
	s7 =	sadd.s32 $0x680, s31;
	s15 =	spop (v2sf)  }
0x35: {  	s14 =	sadd.s32 s3, s14;
	s15 =	sand.u32 $0x1FFFFFF0, s15;
	s20 =	spop (v2sf);
	(v2sf) =	vpush v0, $0xA  }
0x36: {  	[tilespmem:s10], [sflag:$0x1] =	stream.linear.gather [hbm4b:s14+s30], $0x80, $0x38;
	[tilespmem:$0x10200] =	vst v63  }
0x37: {  	s10 =	sadd.s32 s3, s15;
	s14 =	sadd.s32 $0x380, s31;
	s15 =	spop (v2sf);
	(v2sf) =	vpush v0, $0xB  }
0x38: {  	[tilespmem:s9], [sflag:$0x1] =	stream.linear.gather [hbm4b:s10+s30], $0x80, $0x38;
	[tilespmem:$0x10200] =	vst v63  }
0x39: {  	s9 =	sand.u32 $0x1FFFFFF0, s20;
	s10 =	sand.u32 $0x1FFFFFF0, s15;
	s15 =	spop (v2sf);
	(v2sf) =	vpush v0, $0xC  }
0x3a: {  	s9 =	sadd.s32 s3, s9;
	s15 =	sand.u32 $0x1FFFFFF0, s15;
	s20 =	spop (v2sf)  }
0x3b: {  	[tilespmem:s13], [sflag:$0x1] =	stream.linear.gather [hbm4b:s9+s30], $0x80, $0x38;
	(v2sf) =	vpush v0, $0xD;
	[tilespmem:$0x10200] =	vst v63  }
0x3c: {  	s9 =	sadd.s32 s3, s15;
	s13 =	sand.u32 $0x1FFFFFF0, s20;
	s15 =	spop (v2sf)  }
0x3d: {  	[tilespmem:s14], [sflag:$0x1] =	stream.linear.gather [hbm4b:s9+s30], $0x80, $0x38;
	(v2sf) =	vpush v0, $0xE;
	[tilespmem:$0x10200] =	vst v63  }
0x3e: {  	s9 =	sadd.s32 s3, s10;
	s10 =	sand.u32 $0x1FFFFFF0, s15;
	s14 =	spop (v2sf)  }
0x3f: {  	[tilespmem:s11], [sflag:$0x1] =	stream.linear.gather [hbm4b:s9+s30], $0x80, $0x38;
	(v2sf) =	vpush v0, $0xF;
	[tilespmem:$0x10200] =	vst v63  }
0x40: {  	s9 =	sadd.s32 s3, s13;
	s11 =	sand.u32 $0x1FFFFFF0, s14;
	s13 =	spop (v2sf)  }
0x41: {  	[tilespmem:s8], [sflag:$0x1] =	stream.linear.gather [hbm4b:s9+s30], $0x80, $0x38;
	[tilespmem:$0x10200] =	vst v63  }
0x42: {  	s8 =	sadd.s32 s3, s10;
	s9 =	sand.u32 $0x1FFFFFF0, s13;
	s10 =	spop (v2sf)  }
0x43: {  	[tilespmem:s12], [sflag:$0x1] =	stream.linear.gather [hbm4b:s8+s30], $0x80, $0x38;
	[tilespmem:$0x10200] =	vst v63  }
0x44: {  	s8 =	sadd.s32 s3, s11;
	s10 =	sand.u32 $0x1FFFFFF0, s10;
	s11 =	spop (v2sf)  }
0x45: {  	[tilespmem:s28], [sflag:$0x1] =	stream.linear.gather [hbm4b:s8+s30], $0x80, $0x38;
	[tilespmem:$0x10200] =	vst v63  }
0x46: {  	s8 =	sadd.s32 s3, s9;
	s9 =	sand.u32 $0x1FFFFFF0, s11;
	s11 =	spop (v2sf)  }
0x47: {  	[tilespmem:s23], [sflag:$0x1] =	stream.linear.gather [hbm4b:s8+s30], $0x80, $0x38;
	[tilespmem:$0x10200] =	vst v63  }
0x48: {  	s8 =	sadd.s32 s3, s10;
	s10 =	sand.u32 $0x1FFFFFF0, s11;
	s11 =	spop (v2sf)  }
0x49: {  	[tilespmem:s7], [sflag:$0x1] =	stream.linear.gather [hbm4b:s8+s30], $0x80, $0x38;
	[tilespmem:$0x10200] =	vst v63  }
0x4a: {  	s7 =	sadd.s32 s3, s9;
	s8 =	sand.u32 $0x1FFFFFF0, s11;
	s9 =	spop (v2sf)  }
0x4b: {  	[tilespmem:s25], [sflag:$0x1] =	stream.linear.gather [hbm4b:s7+s30], $0x80, $0x38;
	[tilespmem:$0x10200] =	vst v63  }
0x4c: {  	s7 =	sadd.s32 s3, s10;
	s9 =	sand.u32 $0x1FFFFFF0, s9;
	s10 =	spop (v2sf)  }
0x4d: {  	[tilespmem:s21], [sflag:$0x1] =	stream.linear.gather [hbm4b:s7+s30], $0x80, $0x38;
	[tilespmem:$0x10200] =	vst v63  }
0x4e: {  	s7 =	sadd.s32 s3, s8;
	s8 =	sand.u32 $0x1FFFFFF0, s10;
	s10 =	spop (v2sf)  }
0x4f: {  	[tilespmem:s18], [sflag:$0x1] =	stream.linear.gather [hbm4b:s7+s30], $0x80, $0x38;
	[tilespmem:$0x10200] =	vst v63  }
0x50: {  	s7 =	sadd.s32 s3, s9;
	s9 =	sand.u32 $0x1FFFFFF0, s10  }
0x51: {  	[tilespmem:s19], [sflag:$0x1] =	stream.linear.gather [hbm4b:s7+s30], $0x80, $0x38;
	[tilespmem:$0x10200] =	vst v63  }
0x52: {  	s8 =	sadd.s32 s3, s8;
	s7 =	sadd.s32 $0x900, s31  }
0x53: {  	[tilespmem:s7], [sflag:$0x1] =	stream.linear.gather [hbm4b:s8+s30], $0x80, $0x38;
	[tilespmem:$0x10200] =	vst v63  }
0x54: {  	s7 =	sadd.s32 $0x980, s31;
	s8 =	sadd.s32 s3, s9  }
0x55: {  	[tilespmem:s7], [sflag:$0x1] =	stream.linear.gather [hbm4b:s8+s30], $0x80, $0x38;
	[tilespmem:$0x10200] =	vst v63  }
0x56: {  	v0 =	vld [tilespmem:s2+$0x0];
	_ =	sdelay $0x4  }
0x57: {  	v0 =	vshll.u32 v0, $0x4  }
0x58: {  	(v2sf) =	vpush v0, $0x0  }
0x59: {  	(v2sf) =	vpush v0, $0x1  }
0x5a: {  	(v2sf) =	vpush v0, $0x2;
	_ =	sdelay $0x1  }
0x5b: {  	(v2sf) =	vpush v0, $0x4  }
.Ltmp0:
0x5c: {  	(pc) =	sbr.rel @p0 .LBB2_2-.Ltmp0, $3  }
0x5d: {  	(v2sf) =	vpush v0, $0x3  }
0x5e: {  	(v2sf) =	vpush v0, $0x5;
	_ =	sdelay $0x1  }
0x5f: {  	s31 =	sshra.s32 s17, $0x2;
	(v2sf) =	vpush v0, $0x6  }
0x60: {  	_ =	sdelay $0x1  }
0x61: {  	s7 =	sadd.s32 $0x280, s31;
	s17 =	sadd.s32 $0x780, s31  }
0x62: {  	s8 =	sadd.s32 $0x580, s31;
	s0 =	sadd.s32 $0x800, s31;
	(v2sf) =	vpush v0, $0x7;
	s9 =	sadd.s32 $0x480, s31  }
0x63: {  	s10 =	sadd.s32 $0x600, s31;
	s2 =	sadd.s32 $0x880, s31;
	s11 =	sadd.s32 $0x200, s31  }
0x64: {  	s12 =	sadd.s32 $0x400, s31;
	s13 =	sadd.s32 $0x500, s31;
	(v2sf) =	vpush v0, $0x8;
	s14 =	spop (v2sf)  }
0x65: {  	s15 =	sadd.s32 $0x300, s31;
	s14 =	sand.u32 $0x1FFFFFF0, s14;
	s18 =	spop (v2sf)  }
0x66: {  	(v2sf) =	vpush v0, $0x9;
	s14 =	sadd.s32 s3, s14;
	s18 =	sand.u32 $0x1FFFFFF0, s18;
	s19 =	spop (v2sf)  }
0x67: {  	[tilespmem:s11], [sflag:$0x1] =	stream.linear.gather [hbm4b:s14+s30], $0x80, $0x38;
	[tilespmem:$0x10200] =	vst v63  }
0x68: {  	(v2sf) =	vpush v0, $0xA;
	s20 =	sadd.s32 s3, s18;
	s23 =	sand.u32 $0x1FFFFFF0, s19;
	s21 =	spop (v2sf)  }
0x69: {  	[tilespmem:s7], [sflag:$0x1] =	stream.linear.gather [hbm4b:s20+s30], $0x80, $0x38;
	[tilespmem:$0x10200] =	vst v63  }
0x6a: {  	s11 =	sadd.s32 $0x700, s31;
	(v2sf) =	vpush v0, $0xB;
	s14 =	sadd.s32 s3, s23;
	s25 =	spop (v2sf)  }
0x6b: {  	s7 =	sadd.s32 $0x680, s31;
	s20 =	sadd.s32 $0x380, s31;
	s19 =	sand.u32 $0x1FFFFFF0, s25  }
0x6c: {  	(v2sf) =	vpush v0, $0xC;
	[tilespmem:s15], [sflag:$0x1] =	stream.linear.gather [hbm4b:s14+s30], $0x80, $0x38;
	[tilespmem:$0x10200] =	vst v63  }
0x6d: {  	s28 =	sand.u32 $0x1FFFFFF0, s21;
	s21 =	spop (v2sf);
	s23 =	sadd.s32 s3, s19  }
0x6e: {  	(v2sf) =	vpush v0, $0xD;
	[tilespmem:s20], [sflag:$0x1] =	stream.linear.gather [hbm4b:s23+s30], $0x80, $0x38;
	[tilespmem:$0x10200] =	vst v63  }
0x6f: {  	s14 =	sadd.s32 s3, s28;
	s15 =	sand.u32 $0x1FFFFFF0, s21;
	s25 =	spop (v2sf)  }
0x70: {  	(v2sf) =	vpush v0, $0xE;
	[tilespmem:s12], [sflag:$0x1] =	stream.linear.gather [hbm4b:s14+s30], $0x80, $0x38;
	[tilespmem:$0x10200] =	vst v63  }
0x71: {  	s15 =	sadd.s32 s3, s15;
	s28 =	sand.u32 $0x1FFFFFF0, s25;
	s18 =	spop (v2sf)  }
0x72: {  	(v2sf) =	vpush v0, $0xF;
	[tilespmem:s9], [sflag:$0x1] =	stream.linear.gather [hbm4b:s15+s30], $0x80, $0x38;
	[tilespmem:$0x10200] =	vst v63  }
0x73: {  	s19 =	sand.u32 $0x1FFFFFF0, s18;
	s20 =	spop (v2sf);
	s12 =	sadd.s32 s3, s28  }
0x74: {  	[tilespmem:s13], [sflag:$0x1] =	stream.linear.gather [hbm4b:s12+s30], $0x80, $0x38;
	[tilespmem:$0x10200] =	vst v63  }
0x75: {  	s21 =	sand.u32 $0x1FFFFFF0, s20;
	s9 =	sadd.s32 s3, s19;
	s23 =	spop (v2sf)  }
0x76: {  	[tilespmem:s8], [sflag:$0x1] =	stream.linear.gather [hbm4b:s9+s30], $0x80, $0x38;
	[tilespmem:$0x10200] =	vst v63  }
0x77: {  	s12 =	sadd.s32 s3, s21;
	s25 =	sand.u32 $0x1FFFFFF0, s23;
	s28 =	spop (v2sf)  }
0x78: {  	[tilespmem:s10], [sflag:$0x1] =	stream.linear.gather [hbm4b:s12+s30], $0x80, $0x38;
	[tilespmem:$0x10200] =	vst v63  }
0x79: {  	s9 =	sand.u32 $0x1FFFFFF0, s28;
	s8 =	sadd.s32 s3, s25;
	s12 =	spop (v2sf)  }
0x7a: {  	[tilespmem:s7], [sflag:$0x1] =	stream.linear.gather [hbm4b:s8+s30], $0x80, $0x38;
	[tilespmem:$0x10200] =	vst v63  }
0x7b: {  	s9 =	sadd.s32 s3, s9;
	s13 =	sand.u32 $0x1FFFFFF0, s12;
	s14 =	spop (v2sf)  }
0x7c: {  	[tilespmem:s11], [sflag:$0x1] =	stream.linear.gather [hbm4b:s9+s30], $0x80, $0x38;
	[tilespmem:$0x10200] =	vst v63  }
0x7d: {  	s7 =	sadd.s32 s3, s13;
	s8 =	sand.u32 $0x1FFFFFF0, s14;
	s15 =	spop (v2sf)  }
0x7e: {  	[tilespmem:s17], [sflag:$0x1] =	stream.linear.gather [hbm4b:s7+s30], $0x80, $0x38;
	[tilespmem:$0x10200] =	vst v63  }
0x7f: {  	s18 =	sand.u32 $0x1FFFFFF0, s15;
	s8 =	sadd.s32 s3, s8;
	s19 =	spop (v2sf)  }
0x80: {  	[tilespmem:s0], [sflag:$0x1] =	stream.linear.gather [hbm4b:s8+s30], $0x80, $0x38;
	[tilespmem:$0x10200] =	vst v63  }
0x81: {  	s20 =	sand.u32 $0x1FFFFFF0, s19;
	s21 =	spop (v2sf);
	s7 =	sadd.s32 s3, s18  }
0x82: {  	[tilespmem:s2], [sflag:$0x1] =	stream.linear.gather [hbm4b:s7+s30], $0x80, $0x38;
	[tilespmem:$0x10200] =	vst v63  }
0x83: {  	s25 =	sadd.s32 $0x900, s31;
	s23 =	sand.u32 $0x1FFFFFF0, s21;
	s0 =	sadd.s32 s3, s20  }
0x84: {  	[tilespmem:s25], [sflag:$0x1] =	stream.linear.gather [hbm4b:s0+s30], $0x80, $0x38;
	[tilespmem:$0x10200] =	vst v63  }
0x85: {  	s28 =	sadd.s32 $0x980, s31;
	s2 =	sadd.s32 s3, s23;
	s0 =	simm.s32 $0x80  }
0x86: {  	[tilespmem:s28], [sflag:$0x1] =	stream.linear.gather [hbm4b:s2+s30], $0x80, $0x38;
	[tilespmem:$0x10200] =	vst v63  }
0x87: {  	v0 =	vld [tilespmem:s0+$0x0];
	_ =	sdelay $0x4  }
0x88: {  	v0 =	vshll.u32 v0, $0x4  }
0x89: {  	(v2sf) =	vpush v0, $0x0  }
0x8a: {  	(v2sf) =	vpush v0, $0x1  }
0x8b: {  	(v2sf) =	vpush v0, $0x2;
	_ =	sdelay $0x1  }
0x8c: {  	(v2sf) =	vpush v0, $0x4;
	_ =	sdelay $0x1  }
0x8d: {  	(v2sf) =	vpush v0, $0x3  }
0x8e: {  	(v2sf) =	vpush v0, $0x5  }
0x8f: {  	s31 =	simm.s32 $0x0;
	s2 =	simm.s32 $0x2000;
	(v2sf) =	vpush v0, $0x6  }
.LBB2_4:
0x90: {  	p0 =	sne.s32 s2, $0xE000  }
0x91: {  	s9 =	sadd.s32 $0x4280, s31;
	s21 =	sadd.s32 $0x4780, s31;
	s17 =	smov.u32 s2  }
0x92: {  	s2 =	sadd.s32 $0x2000, s2;
	s28 =	sadd.s32 $0x4580, s31;
	s18 =	sadd.s32 $0x4800, s31;
	(v2sf) =	vpush v0, $0x7  }
0x93: {  	s8 =	sadd.s32 $0x4480, s31;
	s25 =	sadd.s32 $0x4600, s31;
	s19 =	sadd.s32 $0x4880, s31  }
0x94: {  	s10 =	sadd.s32 $0x4200, s31;
	s11 =	sadd.s32 $0x4400, s31;
	(v2sf) =	vpush v0, $0x8  }
0x95: {  	s12 =	sadd.s32 $0x4500, s31;
	s0 =	sadd.s32 $0x10, s0  }
0x96: {  	s13 =	sadd.s32 $0x4300, s31;
	s23 =	sadd.s32 $0x4700, s31;
	s7 =	spop (v2sf);
	(v2sf) =	vpush v0, $0x9  }
0x97: {  	s14 =	sand.u32 $0x1FFFFFF0, s7;
	s7 =	sadd.s32 $0x4680, s31;
	s15 =	spop (v2sf)  }
0x98: {  	s14 =	sadd.s32 s4, s14;
	s15 =	sand.u32 $0x1FFFFFF0, s15;
	s20 =	spop (v2sf);
	(v2sf) =	vpush v0, $0xA  }
0x99: {  	[tilespmem:s10], [sflag:$0x2] =	stream.linear.gather [hbm4b:s14+s30], $0x80, $0x38;
	[tilespmem:$0x10200] =	vst v63  }
0x9a: {  	s10 =	sadd.s32 s4, s15;
	s14 =	sadd.s32 $0x4380, s31;
	s15 =	spop (v2sf);
	(v2sf) =	vpush v0, $0xB  }
0x9b: {  	[tilespmem:s9], [sflag:$0x2] =	stream.linear.gather [hbm4b:s10+s30], $0x80, $0x38;
	[tilespmem:$0x10200] =	vst v63  }
0x9c: {  	s9 =	sand.u32 $0x1FFFFFF0, s20;
	s10 =	sand.u32 $0x1FFFFFF0, s15;
	s15 =	spop (v2sf);
	(v2sf) =	vpush v0, $0xC  }
0x9d: {  	s9 =	sadd.s32 s4, s9;
	s15 =	sand.u32 $0x1FFFFFF0, s15;
	s20 =	spop (v2sf)  }
0x9e: {  	[tilespmem:s13], [sflag:$0x2] =	stream.linear.gather [hbm4b:s9+s30], $0x80, $0x38;
	(v2sf) =	vpush v0, $0xD;
	[tilespmem:$0x10200] =	vst v63  }
0x9f: {  	s9 =	sadd.s32 s4, s15;
	s13 =	sand.u32 $0x1FFFFFF0, s20;
	s15 =	spop (v2sf)  }
0xa0: {  	[tilespmem:s14], [sflag:$0x2] =	stream.linear.gather [hbm4b:s9+s30], $0x80, $0x38;
	(v2sf) =	vpush v0, $0xE;
	[tilespmem:$0x10200] =	vst v63  }
0xa1: {  	s9 =	sadd.s32 s4, s10;
	s10 =	sand.u32 $0x1FFFFFF0, s15;
	s14 =	spop (v2sf)  }
0xa2: {  	[tilespmem:s11], [sflag:$0x2] =	stream.linear.gather [hbm4b:s9+s30], $0x80, $0x38;
	(v2sf) =	vpush v0, $0xF;
	[tilespmem:$0x10200] =	vst v63  }
0xa3: {  	s9 =	sadd.s32 s4, s13;
	s11 =	sand.u32 $0x1FFFFFF0, s14;
	s13 =	spop (v2sf)  }
0xa4: {  	[tilespmem:s8], [sflag:$0x2] =	stream.linear.gather [hbm4b:s9+s30], $0x80, $0x38;
	[tilespmem:$0x10200] =	vst v63  }
0xa5: {  	s8 =	sadd.s32 s4, s10;
	s9 =	sand.u32 $0x1FFFFFF0, s13;
	s10 =	spop (v2sf)  }
0xa6: {  	[tilespmem:s12], [sflag:$0x2] =	stream.linear.gather [hbm4b:s8+s30], $0x80, $0x38;
	[tilespmem:$0x10200] =	vst v63  }
0xa7: {  	s8 =	sadd.s32 s4, s11;
	s10 =	sand.u32 $0x1FFFFFF0, s10;
	s11 =	spop (v2sf)  }
0xa8: {  	[tilespmem:s28], [sflag:$0x2] =	stream.linear.gather [hbm4b:s8+s30], $0x80, $0x38;
	[tilespmem:$0x10200] =	vst v63  }
0xa9: {  	s8 =	sadd.s32 s4, s9;
	s9 =	sand.u32 $0x1FFFFFF0, s11;
	s11 =	spop (v2sf)  }
0xaa: {  	[tilespmem:s25], [sflag:$0x2] =	stream.linear.gather [hbm4b:s8+s30], $0x80, $0x38;
	[tilespmem:$0x10200] =	vst v63  }
0xab: {  	s8 =	sadd.s32 s4, s10;
	s10 =	sand.u32 $0x1FFFFFF0, s11;
	s11 =	spop (v2sf)  }
0xac: {  	[tilespmem:s7], [sflag:$0x2] =	stream.linear.gather [hbm4b:s8+s30], $0x80, $0x38;
	[tilespmem:$0x10200] =	vst v63  }
0xad: {  	s7 =	sadd.s32 s4, s9;
	s8 =	sand.u32 $0x1FFFFFF0, s11;
	s9 =	spop (v2sf)  }
0xae: {  	[tilespmem:s23], [sflag:$0x2] =	stream.linear.gather [hbm4b:s7+s30], $0x80, $0x38;
	[tilespmem:$0x10200] =	vst v63  }
0xaf: {  	s7 =	sadd.s32 s4, s10;
	s9 =	sand.u32 $0x1FFFFFF0, s9;
	s10 =	spop (v2sf)  }
0xb0: {  	[tilespmem:s21], [sflag:$0x2] =	stream.linear.gather [hbm4b:s7+s30], $0x80, $0x38;
	[tilespmem:$0x10200] =	vst v63  }
0xb1: {  	s7 =	sadd.s32 s4, s8;
	s8 =	sand.u32 $0x1FFFFFF0, s10;
	s10 =	spop (v2sf)  }
0xb2: {  	[tilespmem:s18], [sflag:$0x2] =	stream.linear.gather [hbm4b:s7+s30], $0x80, $0x38;
	[tilespmem:$0x10200] =	vst v63  }
0xb3: {  	s7 =	sadd.s32 s4, s9;
	s9 =	sand.u32 $0x1FFFFFF0, s10  }
0xb4: {  	[tilespmem:s19], [sflag:$0x2] =	stream.linear.gather [hbm4b:s7+s30], $0x80, $0x38;
	[tilespmem:$0x10200] =	vst v63  }
0xb5: {  	s8 =	sadd.s32 s4, s8;
	s7 =	sadd.s32 $0x4900, s31  }
0xb6: {  	[tilespmem:s7], [sflag:$0x2] =	stream.linear.gather [hbm4b:s8+s30], $0x80, $0x38;
	[tilespmem:$0x10200] =	vst v63  }
0xb7: {  	s7 =	sadd.s32 $0x4980, s31;
	s8 =	sadd.s32 s4, s9  }
0xb8: {  	[tilespmem:s7], [sflag:$0x2] =	stream.linear.gather [hbm4b:s8+s30], $0x80, $0x38;
	[tilespmem:$0x10200] =	vst v63  }
0xb9: {  	v0 =	vld [tilespmem:s0+$0x0];
	_ =	sdelay $0x4  }
0xba: {  	v0 =	vshll.u32 v0, $0x4  }
0xbb: {  	(v2sf) =	vpush v0, $0x0  }
0xbc: {  	(v2sf) =	vpush v0, $0x1  }
0xbd: {  	(v2sf) =	vpush v0, $0x2;
	_ =	sdelay $0x1  }
0xbe: {  	(v2sf) =	vpush v0, $0x4  }
.Ltmp1:
0xbf: {  	(pc) =	sbr.rel @p0 .LBB2_4-.Ltmp1, $3  }
0xc0: {  	(v2sf) =	vpush v0, $0x3  }
0xc1: {  	(v2sf) =	vpush v0, $0x5;
	_ =	sdelay $0x1  }
0xc2: {  	s31 =	sshra.s32 s17, $0x2;
	(v2sf) =	vpush v0, $0x6  }
0xc3: {  	_ =	sdelay $0x1  }
0xc4: {  	s7 =	sadd.s32 $0x4280, s31;
	s17 =	sadd.s32 $0x4780, s31  }
0xc5: {  	s8 =	sadd.s32 $0x4580, s31;
	s0 =	sadd.s32 $0x4800, s31;
	(v2sf) =	vpush v0, $0x7;
	s9 =	sadd.s32 $0x4480, s31  }
0xc6: {  	s10 =	sadd.s32 $0x4600, s31;
	s2 =	sadd.s32 $0x4880, s31;
	s11 =	sadd.s32 $0x4200, s31  }
0xc7: {  	s12 =	sadd.s32 $0x4400, s31;
	s13 =	sadd.s32 $0x4500, s31;
	(v2sf) =	vpush v0, $0x8;
	s14 =	spop (v2sf)  }
0xc8: {  	s15 =	sadd.s32 $0x4300, s31;
	s14 =	sand.u32 $0x1FFFFFF0, s14;
	s18 =	spop (v2sf)  }
0xc9: {  	(v2sf) =	vpush v0, $0x9;
	s14 =	sadd.s32 s4, s14;
	s18 =	sand.u32 $0x1FFFFFF0, s18;
	s19 =	spop (v2sf)  }
0xca: {  	[tilespmem:s11], [sflag:$0x2] =	stream.linear.gather [hbm4b:s14+s30], $0x80, $0x38;
	[tilespmem:$0x10200] =	vst v63  }
0xcb: {  	(v2sf) =	vpush v0, $0xA;
	s20 =	sadd.s32 s4, s18;
	s23 =	sand.u32 $0x1FFFFFF0, s19;
	s21 =	spop (v2sf)  }
0xcc: {  	[tilespmem:s7], [sflag:$0x2] =	stream.linear.gather [hbm4b:s20+s30], $0x80, $0x38;
	[tilespmem:$0x10200] =	vst v63  }
0xcd: {  	s11 =	sadd.s32 $0x4700, s31;
	(v2sf) =	vpush v0, $0xB;
	s14 =	sadd.s32 s4, s23;
	s25 =	spop (v2sf)  }
0xce: {  	s7 =	sadd.s32 $0x4680, s31;
	s20 =	sadd.s32 $0x4380, s31;
	s19 =	sand.u32 $0x1FFFFFF0, s25  }
0xcf: {  	(v2sf) =	vpush v0, $0xC;
	[tilespmem:s15], [sflag:$0x2] =	stream.linear.gather [hbm4b:s14+s30], $0x80, $0x38;
	[tilespmem:$0x10200] =	vst v63  }
0xd0: {  	s28 =	sand.u32 $0x1FFFFFF0, s21;
	s21 =	spop (v2sf);
	s23 =	sadd.s32 s4, s19  }
0xd1: {  	(v2sf) =	vpush v0, $0xD;
	[tilespmem:s20], [sflag:$0x2] =	stream.linear.gather [hbm4b:s23+s30], $0x80, $0x38;
	[tilespmem:$0x10200] =	vst v63  }
0xd2: {  	s14 =	sadd.s32 s4, s28;
	s15 =	sand.u32 $0x1FFFFFF0, s21;
	s25 =	spop (v2sf)  }
0xd3: {  	(v2sf) =	vpush v0, $0xE;
	[tilespmem:s12], [sflag:$0x2] =	stream.linear.gather [hbm4b:s14+s30], $0x80, $0x38;
	[tilespmem:$0x10200] =	vst v63  }
0xd4: {  	s15 =	sadd.s32 s4, s15;
	s28 =	sand.u32 $0x1FFFFFF0, s25;
	s18 =	spop (v2sf)  }
0xd5: {  	(v2sf) =	vpush v0, $0xF;
	[tilespmem:s9], [sflag:$0x2] =	stream.linear.gather [hbm4b:s15+s30], $0x80, $0x38;
	[tilespmem:$0x10200] =	vst v63  }
0xd6: {  	s19 =	sand.u32 $0x1FFFFFF0, s18;
	s20 =	spop (v2sf);
	s12 =	sadd.s32 s4, s28  }
0xd7: {  	[tilespmem:s13], [sflag:$0x2] =	stream.linear.gather [hbm4b:s12+s30], $0x80, $0x38;
	[tilespmem:$0x10200] =	vst v63  }
0xd8: {  	s21 =	sand.u32 $0x1FFFFFF0, s20;
	s9 =	sadd.s32 s4, s19;
	s23 =	spop (v2sf)  }
0xd9: {  	[tilespmem:s8], [sflag:$0x2] =	stream.linear.gather [hbm4b:s9+s30], $0x80, $0x38;
	[tilespmem:$0x10200] =	vst v63  }
0xda: {  	s12 =	sadd.s32 s4, s21;
	s25 =	sand.u32 $0x1FFFFFF0, s23;
	s28 =	spop (v2sf)  }
0xdb: {  	[tilespmem:s10], [sflag:$0x2] =	stream.linear.gather [hbm4b:s12+s30], $0x80, $0x38;
	[tilespmem:$0x10200] =	vst v63  }
0xdc: {  	s9 =	sand.u32 $0x1FFFFFF0, s28;
	s8 =	sadd.s32 s4, s25;
	s12 =	spop (v2sf)  }
0xdd: {  	[tilespmem:s7], [sflag:$0x2] =	stream.linear.gather [hbm4b:s8+s30], $0x80, $0x38;
	[tilespmem:$0x10200] =	vst v63  }
0xde: {  	s9 =	sadd.s32 s4, s9;
	s13 =	sand.u32 $0x1FFFFFF0, s12;
	s14 =	spop (v2sf)  }
0xdf: {  	[tilespmem:s11], [sflag:$0x2] =	stream.linear.gather [hbm4b:s9+s30], $0x80, $0x38;
	[tilespmem:$0x10200] =	vst v63  }
0xe0: {  	s7 =	sadd.s32 s4, s13;
	s8 =	sand.u32 $0x1FFFFFF0, s14;
	s15 =	spop (v2sf)  }
0xe1: {  	[tilespmem:s17], [sflag:$0x2] =	stream.linear.gather [hbm4b:s7+s30], $0x80, $0x38;
	[tilespmem:$0x10200] =	vst v63  }
0xe2: {  	s18 =	sand.u32 $0x1FFFFFF0, s15;
	s8 =	sadd.s32 s4, s8;
	s19 =	spop (v2sf)  }
0xe3: {  	[tilespmem:s0], [sflag:$0x2] =	stream.linear.gather [hbm4b:s8+s30], $0x80, $0x38;
	[tilespmem:$0x10200] =	vst v63  }
0xe4: {  	s20 =	sand.u32 $0x1FFFFFF0, s19;
	s21 =	spop (v2sf);
	s7 =	sadd.s32 s4, s18  }
0xe5: {  	[tilespmem:s2], [sflag:$0x2] =	stream.linear.gather [hbm4b:s7+s30], $0x80, $0x38;
	[tilespmem:$0x10200] =	vst v63  }
0xe6: {  	s25 =	sadd.s32 $0x4900, s31;
	s23 =	sand.u32 $0x1FFFFFF0, s21;
	s0 =	sadd.s32 s4, s20  }
0xe7: {  	[tilespmem:s25], [sflag:$0x2] =	stream.linear.gather [hbm4b:s0+s30], $0x80, $0x38;
	[tilespmem:$0x10200] =	vst v63  }
0xe8: {  	s28 =	sadd.s32 $0x4980, s31;
	s2 =	sadd.s32 s4, s23;
	s0 =	simm.s32 $0x100  }
0xe9: {  	[tilespmem:s28], [sflag:$0x2] =	stream.linear.gather [hbm4b:s2+s30], $0x80, $0x38;
	[tilespmem:$0x10200] =	vst v63  }
0xea: {  	v0 =	vld [tilespmem:s0+$0x0];
	_ =	sdelay $0x4  }
0xeb: {  	v0 =	vshll.u32 v0, $0x4  }
0xec: {  	(v2sf) =	vpush v0, $0x0  }
0xed: {  	(v2sf) =	vpush v0, $0x1  }
0xee: {  	(v2sf) =	vpush v0, $0x2;
	_ =	sdelay $0x1  }
0xef: {  	(v2sf) =	vpush v0, $0x4;
	_ =	sdelay $0x1  }
0xf0: {  	(v2sf) =	vpush v0, $0x3  }
0xf1: {  	(v2sf) =	vpush v0, $0x5  }
0xf2: {  	s31 =	simm.s32 $0x0;
	s2 =	simm.s32 $0x2000;
	(v2sf) =	vpush v0, $0x6  }
.LBB2_6:
0xf3: {  	p0 =	sne.s32 s2, $0xE000  }
0xf4: {  	s9 =	sadd.s32 $0x8280, s31;
	s21 =	sadd.s32 $0x8780, s31;
	s17 =	smov.u32 s2  }
0xf5: {  	s2 =	sadd.s32 $0x2000, s2;
	s28 =	sadd.s32 $0x8580, s31;
	s18 =	sadd.s32 $0x8800, s31;
	(v2sf) =	vpush v0, $0x7  }
0xf6: {  	s8 =	sadd.s32 $0x8480, s31;
	s23 =	sadd.s32 $0x8600, s31;
	s19 =	sadd.s32 $0x8880, s31  }
0xf7: {  	s10 =	sadd.s32 $0x8200, s31;
	s11 =	sadd.s32 $0x8400, s31;
	(v2sf) =	vpush v0, $0x8  }
0xf8: {  	s30 =	simm.s32 $0x0;
	s12 =	sadd.s32 $0x8500, s31;
	s0 =	sadd.s32 $0x10, s0  }
0xf9: {  	s13 =	sadd.s32 $0x8300, s31;
	s25 =	sadd.s32 $0x8700, s31;
	s7 =	spop (v2sf);
	(v2sf) =	vpush v0, $0x9  }
0xfa: {  	s14 =	sand.u32 $0x1FFFFFF0, s7;
	s7 =	sadd.s32 $0x8680, s31;
	s15 =	spop (v2sf)  }
0xfb: {  	s14 =	sadd.s32 s5, s14;
	s15 =	sand.u32 $0x1FFFFFF0, s15;
	s20 =	spop (v2sf);
	(v2sf) =	vpush v0, $0xA  }
0xfc: {  	[tilespmem:s10], [sflag:$0x3] =	stream.linear.gather [hbm4b:s14+s30], $0x80, $0x38;
	[tilespmem:$0x10200] =	vst v63  }
0xfd: {  	s10 =	sadd.s32 s5, s15;
	s14 =	sadd.s32 $0x8380, s31;
	s15 =	spop (v2sf);
	(v2sf) =	vpush v0, $0xB  }
0xfe: {  	[tilespmem:s9], [sflag:$0x3] =	stream.linear.gather [hbm4b:s10+s30], $0x80, $0x38;
	[tilespmem:$0x10200] =	vst v63  }
0xff: {  	s9 =	sand.u32 $0x1FFFFFF0, s20;
	s10 =	sand.u32 $0x1FFFFFF0, s15;
	s15 =	spop (v2sf);
	(v2sf) =	vpush v0, $0xC  }
0x100: {  	s9 =	sadd.s32 s5, s9;
	s15 =	sand.u32 $0x1FFFFFF0, s15;
	s20 =	spop (v2sf)  }
0x101: {  	[tilespmem:s13], [sflag:$0x3] =	stream.linear.gather [hbm4b:s9+s30], $0x80, $0x38;
	(v2sf) =	vpush v0, $0xD;
	[tilespmem:$0x10200] =	vst v63  }
0x102: {  	s9 =	sadd.s32 s5, s15;
	s13 =	sand.u32 $0x1FFFFFF0, s20;
	s15 =	spop (v2sf)  }
0x103: {  	[tilespmem:s14], [sflag:$0x3] =	stream.linear.gather [hbm4b:s9+s30], $0x80, $0x38;
	(v2sf) =	vpush v0, $0xE;
	[tilespmem:$0x10200] =	vst v63  }
0x104: {  	s9 =	sadd.s32 s5, s10;
	s10 =	sand.u32 $0x1FFFFFF0, s15;
	s14 =	spop (v2sf)  }
0x105: {  	[tilespmem:s11], [sflag:$0x3] =	stream.linear.gather [hbm4b:s9+s30], $0x80, $0x38;
	(v2sf) =	vpush v0, $0xF;
	[tilespmem:$0x10200] =	vst v63  }
0x106: {  	s9 =	sadd.s32 s5, s13;
	s11 =	sand.u32 $0x1FFFFFF0, s14;
	s13 =	spop (v2sf)  }
0x107: {  	[tilespmem:s8], [sflag:$0x3] =	stream.linear.gather [hbm4b:s9+s30], $0x80, $0x38;
	[tilespmem:$0x10200] =	vst v63  }
0x108: {  	s8 =	sadd.s32 s5, s10;
	s9 =	sand.u32 $0x1FFFFFF0, s13;
	s10 =	spop (v2sf)  }
0x109: {  	[tilespmem:s12], [sflag:$0x3] =	stream.linear.gather [hbm4b:s8+s30], $0x80, $0x38;
	[tilespmem:$0x10200] =	vst v63  }
0x10a: {  	s8 =	sadd.s32 s5, s11;
	s10 =	sand.u32 $0x1FFFFFF0, s10;
	s11 =	spop (v2sf)  }
0x10b: {  	[tilespmem:s28], [sflag:$0x3] =	stream.linear.gather [hbm4b:s8+s30], $0x80, $0x38;
	[tilespmem:$0x10200] =	vst v63  }
0x10c: {  	s8 =	sadd.s32 s5, s9;
	s9 =	sand.u32 $0x1FFFFFF0, s11;
	s11 =	spop (v2sf)  }
0x10d: {  	[tilespmem:s23], [sflag:$0x3] =	stream.linear.gather [hbm4b:s8+s30], $0x80, $0x38;
	[tilespmem:$0x10200] =	vst v63  }
0x10e: {  	s8 =	sadd.s32 s5, s10;
	s10 =	sand.u32 $0x1FFFFFF0, s11;
	s11 =	spop (v2sf)  }
0x10f: {  	[tilespmem:s7], [sflag:$0x3] =	stream.linear.gather [hbm4b:s8+s30], $0x80, $0x38;
	[tilespmem:$0x10200] =	vst v63  }
0x110: {  	s7 =	sadd.s32 s5, s9;
	s8 =	sand.u32 $0x1FFFFFF0, s11;
	s9 =	spop (v2sf)  }
0x111: {  	[tilespmem:s25], [sflag:$0x3] =	stream.linear.gather [hbm4b:s7+s30], $0x80, $0x38;
	[tilespmem:$0x10200] =	vst v63  }
0x112: {  	s7 =	sadd.s32 s5, s10;
	s9 =	sand.u32 $0x1FFFFFF0, s9;
	s10 =	spop (v2sf)  }
0x113: {  	[tilespmem:s21], [sflag:$0x3] =	stream.linear.gather [hbm4b:s7+s30], $0x80, $0x38;
	[tilespmem:$0x10200] =	vst v63  }
0x114: {  	s7 =	sadd.s32 s5, s8;
	s8 =	sand.u32 $0x1FFFFFF0, s10;
	s10 =	spop (v2sf)  }
0x115: {  	[tilespmem:s18], [sflag:$0x3] =	stream.linear.gather [hbm4b:s7+s30], $0x80, $0x38;
	[tilespmem:$0x10200] =	vst v63  }
0x116: {  	s7 =	sadd.s32 s5, s9;
	s9 =	sand.u32 $0x1FFFFFF0, s10  }
0x117: {  	[tilespmem:s19], [sflag:$0x3] =	stream.linear.gather [hbm4b:s7+s30], $0x80, $0x38;
	[tilespmem:$0x10200] =	vst v63  }
0x118: {  	s8 =	sadd.s32 s5, s8;
	s7 =	sadd.s32 $0x8900, s31  }
0x119: {  	[tilespmem:s7], [sflag:$0x3] =	stream.linear.gather [hbm4b:s8+s30], $0x80, $0x38;
	[tilespmem:$0x10200] =	vst v63  }
0x11a: {  	s7 =	sadd.s32 $0x8980, s31;
	s8 =	sadd.s32 s5, s9  }
0x11b: {  	[tilespmem:s7], [sflag:$0x3] =	stream.linear.gather [hbm4b:s8+s30], $0x80, $0x38;
	[tilespmem:$0x10200] =	vst v63  }
0x11c: {  	v0 =	vld [tilespmem:s0+$0x0];
	_ =	sdelay $0x4  }
0x11d: {  	v0 =	vshll.u32 v0, $0x4  }
0x11e: {  	(v2sf) =	vpush v0, $0x0  }
0x11f: {  	(v2sf) =	vpush v0, $0x1  }
0x120: {  	(v2sf) =	vpush v0, $0x2;
	_ =	sdelay $0x1  }
0x121: {  	(v2sf) =	vpush v0, $0x4  }
.Ltmp2:
0x122: {  	(pc) =	sbr.rel @p0 .LBB2_6-.Ltmp2, $3  }
0x123: {  	(v2sf) =	vpush v0, $0x3  }
0x124: {  	(v2sf) =	vpush v0, $0x5;
	_ =	sdelay $0x1  }
0x125: {  	s31 =	sshra.s32 s17, $0x2;
	(v2sf) =	vpush v0, $0x6  }
0x126: {  	_ =	sdelay $0x1  }
0x127: {  	s7 =	sadd.s32 $0x8280, s31;
	s17 =	sadd.s32 $0x8780, s31  }
0x128: {  	s8 =	sadd.s32 $0x8580, s31;
	s0 =	sadd.s32 $0x8800, s31;
	(v2sf) =	vpush v0, $0x7;
	s9 =	sadd.s32 $0x8480, s31  }
0x129: {  	s10 =	sadd.s32 $0x8600, s31;
	s2 =	sadd.s32 $0x8880, s31;
	s11 =	sadd.s32 $0x8200, s31  }
0x12a: {  	s12 =	sadd.s32 $0x8400, s31;
	s13 =	sadd.s32 $0x8500, s31;
	(v2sf) =	vpush v0, $0x8;
	s14 =	spop (v2sf)  }
0x12b: {  	s15 =	sadd.s32 $0x8300, s31;
	s14 =	sand.u32 $0x1FFFFFF0, s14;
	s18 =	spop (v2sf)  }
0x12c: {  	(v2sf) =	vpush v0, $0x9;
	s14 =	sadd.s32 s5, s14;
	s18 =	sand.u32 $0x1FFFFFF0, s18;
	s19 =	spop (v2sf)  }
0x12d: {  	[tilespmem:s11], [sflag:$0x3] =	stream.linear.gather [hbm4b:s14+s30], $0x80, $0x38;
	[tilespmem:$0x10200] =	vst v63  }
0x12e: {  	(v2sf) =	vpush v0, $0xA;
	s20 =	sadd.s32 s5, s18;
	s23 =	sand.u32 $0x1FFFFFF0, s19;
	s21 =	spop (v2sf)  }
0x12f: {  	[tilespmem:s7], [sflag:$0x3] =	stream.linear.gather [hbm4b:s20+s30], $0x80, $0x38;
	[tilespmem:$0x10200] =	vst v63  }
0x130: {  	s11 =	sadd.s32 $0x8700, s31;
	(v2sf) =	vpush v0, $0xB;
	s14 =	sadd.s32 s5, s23;
	s25 =	spop (v2sf)  }
0x131: {  	s7 =	sadd.s32 $0x8680, s31;
	s20 =	sadd.s32 $0x8380, s31;
	s19 =	sand.u32 $0x1FFFFFF0, s25  }
0x132: {  	(v2sf) =	vpush v0, $0xC;
	[tilespmem:s15], [sflag:$0x3] =	stream.linear.gather [hbm4b:s14+s30], $0x80, $0x38;
	[tilespmem:$0x10200] =	vst v63  }
0x133: {  	s28 =	sand.u32 $0x1FFFFFF0, s21;
	s21 =	spop (v2sf);
	s23 =	sadd.s32 s5, s19  }
0x134: {  	(v2sf) =	vpush v0, $0xD;
	[tilespmem:s20], [sflag:$0x3] =	stream.linear.gather [hbm4b:s23+s30], $0x80, $0x38;
	[tilespmem:$0x10200] =	vst v63  }
0x135: {  	s14 =	sadd.s32 s5, s28;
	s15 =	sand.u32 $0x1FFFFFF0, s21;
	s25 =	spop (v2sf)  }
0x136: {  	(v2sf) =	vpush v0, $0xE;
	[tilespmem:s12], [sflag:$0x3] =	stream.linear.gather [hbm4b:s14+s30], $0x80, $0x38;
	[tilespmem:$0x10200] =	vst v63  }
0x137: {  	s15 =	sadd.s32 s5, s15;
	s28 =	sand.u32 $0x1FFFFFF0, s25;
	s18 =	spop (v2sf)  }
0x138: {  	(v2sf) =	vpush v0, $0xF;
	[tilespmem:s9], [sflag:$0x3] =	stream.linear.gather [hbm4b:s15+s30], $0x80, $0x38;
	[tilespmem:$0x10200] =	vst v63  }
0x139: {  	s19 =	sand.u32 $0x1FFFFFF0, s18;
	s20 =	spop (v2sf);
	s12 =	sadd.s32 s5, s28  }
0x13a: {  	[tilespmem:s13], [sflag:$0x3] =	stream.linear.gather [hbm4b:s12+s30], $0x80, $0x38;
	[tilespmem:$0x10200] =	vst v63  }
0x13b: {  	s21 =	sand.u32 $0x1FFFFFF0, s20;
	s9 =	sadd.s32 s5, s19;
	s23 =	spop (v2sf)  }
0x13c: {  	[tilespmem:s8], [sflag:$0x3] =	stream.linear.gather [hbm4b:s9+s30], $0x80, $0x38;
	[tilespmem:$0x10200] =	vst v63  }
0x13d: {  	s12 =	sadd.s32 s5, s21;
	s25 =	sand.u32 $0x1FFFFFF0, s23;
	s28 =	spop (v2sf)  }
0x13e: {  	[tilespmem:s10], [sflag:$0x3] =	stream.linear.gather [hbm4b:s12+s30], $0x80, $0x38;
	[tilespmem:$0x10200] =	vst v63  }
0x13f: {  	s9 =	sand.u32 $0x1FFFFFF0, s28;
	s8 =	sadd.s32 s5, s25;
	s13 =	spop (v2sf)  }
0x140: {  	[tilespmem:s7], [sflag:$0x3] =	stream.linear.gather [hbm4b:s8+s30], $0x80, $0x38;
	[tilespmem:$0x10200] =	vst v63  }
0x141: {  	s9 =	sadd.s32 s5, s9;
	s14 =	sand.u32 $0x1FFFFFF0, s13;
	s15 =	spop (v2sf)  }
0x142: {  	[tilespmem:s11], [sflag:$0x3] =	stream.linear.gather [hbm4b:s9+s30], $0x80, $0x38;
	[tilespmem:$0x10200] =	vst v63  }
0x143: {  	s7 =	sadd.s32 s5, s14;
	s8 =	sand.u32 $0x1FFFFFF0, s15;
	s18 =	spop (v2sf)  }
0x144: {  	[tilespmem:s17], [sflag:$0x3] =	stream.linear.gather [hbm4b:s7+s30], $0x80, $0x38;
	[tilespmem:$0x10200] =	vst v63  }
0x145: {  	s19 =	sand.u32 $0x1FFFFFF0, s18;
	s8 =	sadd.s32 s5, s8;
	s20 =	spop (v2sf)  }
0x146: {  	[tilespmem:s0], [sflag:$0x3] =	stream.linear.gather [hbm4b:s8+s30], $0x80, $0x38;
	[tilespmem:$0x10200] =	vst v63  }
0x147: {  	s21 =	sand.u32 $0x1FFFFFF0, s20;
	s23 =	spop (v2sf);
	s7 =	sadd.s32 s5, s19  }
0x148: {  	[tilespmem:s2], [sflag:$0x3] =	stream.linear.gather [hbm4b:s7+s30], $0x80, $0x38;
	[tilespmem:$0x10200] =	vst v63  }
0x149: {  	s28 =	sadd.s32 $0x8900, s31;
	s25 =	sand.u32 $0x1FFFFFF0, s23;
	s0 =	sadd.s32 s5, s21  }
0x14a: {  	[tilespmem:s28], [sflag:$0x3] =	stream.linear.gather [hbm4b:s0+s30], $0x80, $0x38;
	[tilespmem:$0x10200] =	vst v63  }
0x14b: {  	s31 =	sadd.s32 $0x8980, s31;
	s2 =	sadd.s32 s5, s25;
	s0 =	simm.s32 $0x180  }
0x14c: {  	[tilespmem:s31], [sflag:$0x3] =	stream.linear.gather [hbm4b:s2+s30], $0x80, $0x38;
	[tilespmem:$0x10200] =	vst v63  }
0x14d: {  	v0 =	vld [tilespmem:s0+$0x0];
	_ =	sdelay $0x4  }
0x14e: {  	v0 =	vshll.u32 v0, $0x4  }
0x14f: {  	(v2sf) =	vpush v0, $0x0  }
0x150: {  	(v2sf) =	vpush v0, $0x1  }
0x151: {  	(v2sf) =	vpush v0, $0x2;
	_ =	sdelay $0x1  }
0x152: {  	(v2sf) =	vpush v0, $0x4;
	_ =	sdelay $0x1  }
0x153: {  	(v2sf) =	vpush v0, $0x3  }
0x154: {  	(v2sf) =	vpush v0, $0x5  }
0x155: {  	s2 =	simm.s32 $0x2000;
	s30 =	simm.s32 $0x0;
	(v2sf) =	vpush v0, $0x6  }
.LBB2_8:
0x156: {  	p0 =	sne.s32 s2, $0xE000  }
0x157: {  	s9 =	sadd.s32 $0xC280, s30;
	s21 =	sadd.s32 $0xC780, s30;
	s17 =	smov.u32 s2  }
0x158: {  	s2 =	sadd.s32 $0x2000, s2;
	s28 =	sadd.s32 $0xC580, s30;
	s18 =	sadd.s32 $0xC800, s30;
	(v2sf) =	vpush v0, $0x7  }
0x159: {  	s8 =	sadd.s32 $0xC480, s30;
	s25 =	sadd.s32 $0xC600, s30;
	s19 =	sadd.s32 $0xC880, s30  }
0x15a: {  	s10 =	sadd.s32 $0xC200, s30;
	s11 =	sadd.s32 $0xC400, s30;
	(v2sf) =	vpush v0, $0x8  }
0x15b: {  	s12 =	sadd.s32 $0xC500, s30;
	s0 =	sadd.s32 $0x10, s0  }
0x15c: {  	s13 =	sadd.s32 $0xC300, s30;
	s23 =	sadd.s32 $0xC700, s30;
	s7 =	spop (v2sf);
	(v2sf) =	vpush v0, $0x9  }
0x15d: {  	s14 =	sand.u32 $0x1FFFFFF0, s7;
	s7 =	sadd.s32 $0xC680, s30;
	s15 =	spop (v2sf)  }
0x15e: {  	s14 =	sadd.s32 s6, s14;
	s15 =	sand.u32 $0x1FFFFFF0, s15;
	s20 =	spop (v2sf);
	(v2sf) =	vpush v0, $0xA  }
0x15f: {  	[tilespmem:s10], [sflag:$0x4] =	stream.linear.gather [hbm4b:s14+s1], $0x80, $0x38;
	[tilespmem:$0x10200] =	vst v63  }
0x160: {  	s10 =	sadd.s32 s6, s15;
	s14 =	sadd.s32 $0xC380, s30;
	s15 =	spop (v2sf);
	(v2sf) =	vpush v0, $0xB  }
0x161: {  	[tilespmem:s9], [sflag:$0x4] =	stream.linear.gather [hbm4b:s10+s1], $0x80, $0x38;
	[tilespmem:$0x10200] =	vst v63  }
0x162: {  	s9 =	sand.u32 $0x1FFFFFF0, s20;
	s10 =	sand.u32 $0x1FFFFFF0, s15;
	s15 =	spop (v2sf);
	(v2sf) =	vpush v0, $0xC  }
0x163: {  	s9 =	sadd.s32 s6, s9;
	s15 =	sand.u32 $0x1FFFFFF0, s15;
	s20 =	spop (v2sf)  }
0x164: {  	[tilespmem:s13], [sflag:$0x4] =	stream.linear.gather [hbm4b:s9+s1], $0x80, $0x38;
	(v2sf) =	vpush v0, $0xD;
	[tilespmem:$0x10200] =	vst v63  }
0x165: {  	s9 =	sadd.s32 s6, s15;
	s13 =	sand.u32 $0x1FFFFFF0, s20;
	s15 =	spop (v2sf)  }
0x166: {  	[tilespmem:s14], [sflag:$0x4] =	stream.linear.gather [hbm4b:s9+s1], $0x80, $0x38;
	(v2sf) =	vpush v0, $0xE;
	[tilespmem:$0x10200] =	vst v63  }
0x167: {  	s9 =	sadd.s32 s6, s10;
	s10 =	sand.u32 $0x1FFFFFF0, s15;
	s14 =	spop (v2sf)  }
0x168: {  	[tilespmem:s11], [sflag:$0x4] =	stream.linear.gather [hbm4b:s9+s1], $0x80, $0x38;
	(v2sf) =	vpush v0, $0xF;
	[tilespmem:$0x10200] =	vst v63  }
0x169: {  	s9 =	sadd.s32 s6, s13;
	s11 =	sand.u32 $0x1FFFFFF0, s14;
	s13 =	spop (v2sf)  }
0x16a: {  	[tilespmem:s8], [sflag:$0x4] =	stream.linear.gather [hbm4b:s9+s1], $0x80, $0x38;
	[tilespmem:$0x10200] =	vst v63  }
0x16b: {  	s8 =	sadd.s32 s6, s10;
	s9 =	sand.u32 $0x1FFFFFF0, s13;
	s10 =	spop (v2sf)  }
0x16c: {  	[tilespmem:s12], [sflag:$0x4] =	stream.linear.gather [hbm4b:s8+s1], $0x80, $0x38;
	[tilespmem:$0x10200] =	vst v63  }
0x16d: {  	s8 =	sadd.s32 s6, s11;
	s10 =	sand.u32 $0x1FFFFFF0, s10;
	s11 =	spop (v2sf)  }
0x16e: {  	[tilespmem:s28], [sflag:$0x4] =	stream.linear.gather [hbm4b:s8+s1], $0x80, $0x38;
	[tilespmem:$0x10200] =	vst v63  }
0x16f: {  	s8 =	sadd.s32 s6, s9;
	s9 =	sand.u32 $0x1FFFFFF0, s11;
	s11 =	spop (v2sf)  }
0x170: {  	[tilespmem:s25], [sflag:$0x4] =	stream.linear.gather [hbm4b:s8+s1], $0x80, $0x38;
	[tilespmem:$0x10200] =	vst v63  }
0x171: {  	s8 =	sadd.s32 s6, s10;
	s10 =	sand.u32 $0x1FFFFFF0, s11;
	s11 =	spop (v2sf)  }
0x172: {  	[tilespmem:s7], [sflag:$0x4] =	stream.linear.gather [hbm4b:s8+s1], $0x80, $0x38;
	[tilespmem:$0x10200] =	vst v63  }
0x173: {  	s7 =	sadd.s32 s6, s9;
	s8 =	sand.u32 $0x1FFFFFF0, s11;
	s9 =	spop (v2sf)  }
0x174: {  	[tilespmem:s23], [sflag:$0x4] =	stream.linear.gather [hbm4b:s7+s1], $0x80, $0x38;
	[tilespmem:$0x10200] =	vst v63  }
0x175: {  	s7 =	sadd.s32 s6, s10;
	s9 =	sand.u32 $0x1FFFFFF0, s9;
	s10 =	spop (v2sf)  }
0x176: {  	[tilespmem:s21], [sflag:$0x4] =	stream.linear.gather [hbm4b:s7+s1], $0x80, $0x38;
	[tilespmem:$0x10200] =	vst v63  }
0x177: {  	s7 =	sadd.s32 s6, s8;
	s8 =	sand.u32 $0x1FFFFFF0, s10;
	s10 =	spop (v2sf)  }
0x178: {  	[tilespmem:s18], [sflag:$0x4] =	stream.linear.gather [hbm4b:s7+s1], $0x80, $0x38;
	[tilespmem:$0x10200] =	vst v63  }
0x179: {  	s7 =	sadd.s32 s6, s9;
	s9 =	sand.u32 $0x1FFFFFF0, s10  }
0x17a: {  	[tilespmem:s19], [sflag:$0x4] =	stream.linear.gather [hbm4b:s7+s1], $0x80, $0x38;
	[tilespmem:$0x10200] =	vst v63  }
0x17b: {  	s8 =	sadd.s32 s6, s8;
	s7 =	sadd.s32 $0xC900, s30  }
0x17c: {  	[tilespmem:s7], [sflag:$0x4] =	stream.linear.gather [hbm4b:s8+s1], $0x80, $0x38;
	[tilespmem:$0x10200] =	vst v63  }
0x17d: {  	s7 =	sadd.s32 $0xC980, s30;
	s8 =	sadd.s32 s6, s9  }
0x17e: {  	[tilespmem:s7], [sflag:$0x4] =	stream.linear.gather [hbm4b:s8+s1], $0x80, $0x38;
	[tilespmem:$0x10200] =	vst v63  }
0x17f: {  	v0 =	vld [tilespmem:s0+$0x0];
	_ =	sdelay $0x4  }
0x180: {  	v0 =	vshll.u32 v0, $0x4  }
0x181: {  	(v2sf) =	vpush v0, $0x0  }
0x182: {  	(v2sf) =	vpush v0, $0x1  }
0x183: {  	(v2sf) =	vpush v0, $0x2;
	_ =	sdelay $0x1  }
0x184: {  	(v2sf) =	vpush v0, $0x4  }
.Ltmp3:
0x185: {  	(pc) =	sbr.rel @p0 .LBB2_8-.Ltmp3, $3  }
0x186: {  	(v2sf) =	vpush v0, $0x3  }
0x187: {  	(v2sf) =	vpush v0, $0x5;
	_ =	sdelay $0x1  }
0x188: {  	s30 =	sshra.s32 s17, $0x2;
	(v2sf) =	vpush v0, $0x6  }
0x189: {  	_ =	sdelay $0x5  }
0x18a: {  	s0 =	spop (v2sf)  }
0x18b: {  	s2 =	spop (v2sf)  }
0x18c: {  	s31 =	spop (v2sf)  }
0x18d: {  	s8 =	spop (v2sf);
	(v2sf) =	vpush v0, $0x7  }
0x18e: {  	s0 =	sand.u32 $0x1FFFFFF0, s0  }
0x18f: {  	s7 =	sadd.s32 $0xC200, s30;
	s0 =	sadd.s32 s6, s0  }
0x190: {  	[tilespmem:s7], [sflag:$0x4] =	stream.linear.gather [hbm4b:s0+s1], $0x80, $0x38;
	[tilespmem:$0x10200] =	vst v63  }
0x191: {  	s2 =	sand.u32 $0x1FFFFFF0, s2;
	s9 =	spop (v2sf);
	(v2sf) =	vpush v0, $0x8  }
0x192: {  	s28 =	sadd.s32 $0xC280, s30;
	s2 =	sadd.s32 s6, s2  }
0x193: {  	[tilespmem:s28], [sflag:$0x4] =	stream.linear.gather [hbm4b:s2+s1], $0x80, $0x38;
	[tilespmem:$0x10200] =	vst v63  }
0x194: {  	s2 =	sand.u32 $0x1FFFFFF0, s31;
	s13 =	spop (v2sf);
	(v2sf) =	vpush v0, $0x9  }
0x195: {  	s7 =	sadd.s32 $0xC300, s30;
	s0 =	sadd.s32 s6, s2  }
0x196: {  	[tilespmem:s7], [sflag:$0x4] =	stream.linear.gather [hbm4b:s0+s1], $0x80, $0x38;
	[tilespmem:$0x10200] =	vst v63  }
0x197: {  	s0 =	sand.u32 $0x1FFFFFF0, s9;
	s15 =	spop (v2sf);
	(v2sf) =	vpush v0, $0xA  }
0x198: {  	s10 =	sadd.s32 $0xC380, s30;
	s11 =	sand.u32 $0x1FFFFFF0, s8;
	s0 =	sadd.s32 s6, s0  }
0x199: {  	[tilespmem:s10], [sflag:$0x4] =	stream.linear.gather [hbm4b:s0+s1], $0x80, $0x38;
	[tilespmem:$0x10200] =	vst v63  }
0x19a: {  	s12 =	sadd.s32 $0xC400, s30;
	s0 =	sadd.s32 s6, s11  }
0x19b: {  	[tilespmem:s12], [sflag:$0x4] =	stream.linear.gather [hbm4b:s0+s1], $0x80, $0x38;
	[tilespmem:$0x10200] =	vst v63  }
0x19c: {  	s0 =	sand.u32 $0x1FFFFFF0, s13;
	s18 =	spop (v2sf);
	(v2sf) =	vpush v0, $0xB  }
0x19d: {  	s14 =	sadd.s32 $0xC480, s30;
	s0 =	sadd.s32 s6, s0  }
0x19e: {  	[tilespmem:s14], [sflag:$0x4] =	stream.linear.gather [hbm4b:s0+s1], $0x80, $0x38;
	[tilespmem:$0x10200] =	vst v63  }
0x19f: {  	s0 =	sand.u32 $0x1FFFFFF0, s15  }
0x1a0: {  	s17 =	sadd.s32 $0xC500, s30;
	s0 =	sadd.s32 s6, s0;
	s20 =	spop (v2sf);
	(v2sf) =	vpush v0, $0xC  }
0x1a1: {  	[tilespmem:s17], [sflag:$0x4] =	stream.linear.gather [hbm4b:s0+s1], $0x80, $0x38;
	[tilespmem:$0x10200] =	vst v63  }
0x1a2: {  	s0 =	sand.u32 $0x1FFFFFF0, s18  }
0x1a3: {  	s19 =	sadd.s32 $0xC580, s30;
	s0 =	sadd.s32 s6, s0;
	s23 =	spop (v2sf);
	(v2sf) =	vpush v0, $0xD  }
0x1a4: {  	[tilespmem:s19], [sflag:$0x4] =	stream.linear.gather [hbm4b:s0+s1], $0x80, $0x38;
	[tilespmem:$0x10200] =	vst v63  }
0x1a5: {  	s0 =	sand.u32 $0x1FFFFFF0, s20  }
0x1a6: {  	s21 =	sadd.s32 $0xC600, s30;
	s0 =	sadd.s32 s6, s0;
	s28 =	spop (v2sf);
	(v2sf) =	vpush v0, $0xE  }
0x1a7: {  	[tilespmem:s21], [sflag:$0x4] =	stream.linear.gather [hbm4b:s0+s1], $0x80, $0x38;
	[tilespmem:$0x10200] =	vst v63  }
0x1a8: {  	s0 =	sand.u32 $0x1FFFFFF0, s23  }
0x1a9: {  	s25 =	sadd.s32 $0xC680, s30;
	s0 =	sadd.s32 s6, s0  }
0x1aa: {  	[tilespmem:s25], [sflag:$0x4] =	stream.linear.gather [hbm4b:s0+s1], $0x80, $0x38;
	[tilespmem:$0x10200] =	vst v63  }
0x1ab: {  	s0 =	sand.u32 $0x1FFFFFF0, s28;
	s2 =	spop (v2sf);
	(v2sf) =	vpush v0, $0xF  }
0x1ac: {  	s31 =	sadd.s32 $0xC700, s30;
	s0 =	sadd.s32 s6, s0  }
0x1ad: {  	[tilespmem:s31], [sflag:$0x4] =	stream.linear.gather [hbm4b:s0+s1], $0x80, $0x38;
	[tilespmem:$0x10200] =	vst v63  }
0x1ae: {  	s0 =	sand.u32 $0x1FFFFFF0, s2  }
0x1af: {  	s7 =	sadd.s32 $0xC780, s30;
	s0 =	sadd.s32 s6, s0;
	s8 =	spop (v2sf)  }
0x1b0: {  	[tilespmem:s7], [sflag:$0x4] =	stream.linear.gather [hbm4b:s0+s1], $0x80, $0x38;
	[tilespmem:$0x10200] =	vst v63  }
0x1b1: {  	s0 =	sand.u32 $0x1FFFFFF0, s8  }
0x1b2: {  	s9 =	sadd.s32 $0xC800, s30;
	s10 =	spop (v2sf);
	s0 =	sadd.s32 s6, s0  }
0x1b3: {  	[tilespmem:s9], [sflag:$0x4] =	stream.linear.gather [hbm4b:s0+s1], $0x80, $0x38;
	[tilespmem:$0x10200] =	vst v63  }
0x1b4: {  	s0 =	sand.u32 $0x1FFFFFF0, s10  }
0x1b5: {  	s11 =	sadd.s32 $0xC880, s30;
	s12 =	spop (v2sf);
	s0 =	sadd.s32 s6, s0  }
0x1b6: {  	[tilespmem:s11], [sflag:$0x4] =	stream.linear.gather [hbm4b:s0+s1], $0x80, $0x38;
	[tilespmem:$0x10200] =	vst v63  }
0x1b7: {  	s0 =	sand.u32 $0x1FFFFFF0, s12  }
0x1b8: {  	s13 =	sadd.s32 $0xC900, s30;
	s0 =	sadd.s32 s6, s0  }
0x1b9: {  	[tilespmem:s13], [sflag:$0x4] =	stream.linear.gather [hbm4b:s0+s1], $0x80, $0x38;
	[tilespmem:$0x10200] =	vst v63  }
0x1ba: {  	s14 =	spop (v2sf)  }
0x1bb: {  	s0 =	sand.u32 $0x1FFFFFF0, s14  }
0x1bc: {  	s15 =	sadd.s32 $0xC980, s30;
	s17 =	simm.s32 $0x1;
	s0 =	sadd.s32 s6, s0  }
0x1bd: {  	[tilespmem:s15], [sflag:$0x4] =	stream.linear.gather [hbm4b:s0+s1], $0x80, $0x38;
	[tilespmem:$0x10200] =	vst v63  }
0x1be: {  	_ =	swait.ge [sflag:s17], $0x4000  }
0x1bf: {  	[sflag:s17] =	ssyncset.done $0x0  }
0x1c0: {  	s19 =	simm.s32 $0x200;
	s18 =	rddreg [dreg:$0x9];
	[sflag:s17] =	ssyncadd.s32 $0xFFFFC000  }
0x1c1: {  	[hbm4b:s18+s1] =	stream.linear.scatter [tilespmem:s19], [sflag:$0x5], $0x4000, $0x38;
	[tilespmem:$0x10200] =	vst v63  }
0x1c2: {  	_ =	swait.ge [sflag:s16], $0x4000  }
0x1c3: {  	[sflag:s16] =	ssyncset.done $0x0  }
0x1c4: {  	[sflag:s16] =	ssyncadd.s32 $0xFFFFC000  }
0x1c5: {  	_ =	swait.ge [sflag:s22], $0x4000  }
0x1c6: {  	[sflag:s22] =	ssyncset.done $0x0  }
0x1c7: {  	s21 =	simm.s32 $0x4200;
	s20 =	rddreg [dreg:$0xb];
	[sflag:s22] =	ssyncadd.s32 $0xFFFFC000  }
0x1c8: {  	[hbm4b:s20+s1] =	stream.linear.scatter [tilespmem:s21], [sflag:$0x5], $0x4000, $0x38;
	[tilespmem:$0x10200] =	vst v63  }
0x1c9: {  	_ =	swait.ge [sflag:s16], $0x4000  }
0x1ca: {  	[sflag:s16] =	ssyncset.done $0x0  }
0x1cb: {  	[sflag:s16] =	ssyncadd.s32 $0xFFFFC000  }
0x1cc: {  	_ =	swait.ge [sflag:s24], $0x4000  }
0x1cd: {  	[sflag:s24] =	ssyncset.done $0x0  }
0x1ce: {  	s25 =	simm.s32 $0x8200;
	s23 =	rddreg [dreg:$0xc];
	[sflag:s24] =	ssyncadd.s32 $0xFFFFC000  }
0x1cf: {  	[hbm4b:s23+s1] =	stream.linear.scatter [tilespmem:s25], [sflag:$0x5], $0x4000, $0x38;
	[tilespmem:$0x10200] =	vst v63  }
0x1d0: {  	_ =	swait.ge [sflag:s16], $0x4000  }
0x1d1: {  	[sflag:s16] =	ssyncset.done $0x0  }
0x1d2: {  	[sflag:s16] =	ssyncadd.s32 $0xFFFFC000  }
0x1d3: {  	_ =	swait.ge [sflag:s26], $0x4000  }
0x1d4: {  	[sflag:s26] =	ssyncset.done $0x0  }
0x1d5: {  	s30 =	simm.s32 $0xC200;
	s28 =	rddreg [dreg:$0xd];
	[sflag:s26] =	ssyncadd.s32 $0xFFFFC000  }
0x1d6: {  	[hbm4b:s28+s1] =	stream.linear.scatter [tilespmem:s30], [sflag:$0x5], $0x4000, $0x38;
	[tilespmem:$0x10200] =	vst v63  }
0x1d7: {  	_ =	swait.ge [sflag:s16], $0x4000  }
0x1d8: {  	s29 =	sadd.s32 $0x1, s29;
	s31 =	rddreg [dreg:$0xe]  }
0x1d9: {  	p0 =	sne.s32 s29, s31  }
.Ltmp4:
0x1da: {  	_ = 	snop;
	(pc) =	sbr.rel @p0 .LBB2_1-.Ltmp4, $3  }
0x1db: {  	_ =	sdelay $0x1  }
0x1dc: {  	[sflag:s16] =	ssyncset.done $0x0  }
0x1dd: {  	[sflag:s16] =	ssyncadd.s32 $0xFFFFC000  }
0x1de: {  	_ =	sfence.sel $0x180000  }
0x1df: {  	[bflag:$0x0] =	sbarrier.arrive $0xFFFF  }
0x1e0: {  	_ =	strace $0x9000004A  }
0x1e1: {  	s0 =	stileid.u32;
	[bflag:$0x2] =	sbarrier.arrive $0xFFFF  }
0x1e2: {  	p0 =	sne.s32 s0, $0x0;
	s0 =	rddreg [dreg:$0x5]  }
0x1e3: {  	s0 =	sadd.s32 @!p0 $0x100000, s0  }
0x1e4: {  	[sflag:s0] =	ssyncadd.tile.s32 @!p0 $0x1;
	_ =	shalt  }
.Lfunc_end2:
_tile_overlayer_lowered:
.L_overlay_start_2:
0x1e5: {  	(tag) =	ssettag $0x2  }
0x1e6: {  	s0 =	rddreg [dreg:$0x0];
	s2 =	stileid.u32  }
0x1e7: {  	s1 =	rddreg [dreg:$0x1];
	p0 =	sne.s32 s2, $0x0  }
0x1e8: {  	s3 =	rddreg [dreg:$0x2];
	[bflag:$0x3] =	sbarrier.arrive $0xFFFF;
	s2 =	simm.s32 @!p0 $0x1C05  }
0x1e9: {  	[timem:s3], [sflag:s2] =	dma.local @!p0 [hbm:s0], s1  }
0x1ea: {  	s0 =	simm.s32 @!p0 $0x5  }
0x1eb: {  	_ =	swait.ge @!p0 [sflag:s0], s1  }
0x1ec: {  	s1 =	ssub.s32 @!p0 $0x0, s1;
	[sflag:s0] =	ssyncset.done @!p0 $0x0  }
0x1ed: {  	[sflag:s0] =	ssyncadd.s32 @!p0 s1  }
0x1ee: {  	[bflag:$0x3] =	sbarrier.arrive $0xFFFF  }
0x1ef: {  	_ =	shalt  }

</sc_bundles>
